<compile_context>
chip_gen: v7x
topology: tpu7x:2x2x1
jax: 0.10.2.dev20260603
libtpu: 0.0.44.dev20260713+nightly
codegen_flags: <defaults>
</compile_context>

<pallas_src>
import dataclasses
import functools

import jax
import jax.numpy as jnp
from jax import lax
from jax.experimental import pallas as pl
from jax.experimental.pallas import tpu as pltpu
from jax.experimental.pallas import tpu_sc as plsc

N = 10000
E = 320000
D = 128
H = 4
C = 32
HC = H * C

_INV_SQRT_C = 1.0 / (32.0 ** 0.5)

NUM_WORKERS = 32
EDGES_PER_WORKER = E // NUM_WORKERS
CHUNK = 40
NUM_CHUNKS = EDGES_PER_WORKER // CHUNK
N_PAD = 10240
ROWS_PER_TILE = N_PAD // 16



def _proj_body(x_ref, w_ref, b_ref, q_ref, kv_ref, s_ref):
    y = jnp.dot(x_ref[...], w_ref[...], preferred_element_type=jnp.float32)
    y = y + b_ref[...]
    q_ref[...] = y[:, :D] * _INV_SQRT_C
    kv_ref[...] = y[:, D:3 * D]
    s_ref[...] = y[:, 3 * D:]


def _proj(x, W, b):
    blk = 2000
    return pl.pallas_call(
        _proj_body,
        grid=(N // blk,),
        in_specs=[pl.BlockSpec((blk, D), lambda i: (i, 0)),
                  pl.BlockSpec((D, 4 * D), lambda i: (0, 0)),
                  pl.BlockSpec((1, 4 * D), lambda i: (0, 0))],
        out_specs=[pl.BlockSpec((blk, D), lambda i: (i, 0)),
                   pl.BlockSpec((blk, 2 * D), lambda i: (i, 0)),
                   pl.BlockSpec((blk, D), lambda i: (i, 0))],
        out_shape=[jax.ShapeDtypeStruct((N, D), jnp.float32),
                   jax.ShapeDtypeStruct((N, 2 * D), jnp.float32),
                   jax.ShapeDtypeStruct((N, D), jnp.float32)],
    )(x, W, b)



def _eproj_body(a_ref, w_ref, b_ref, o_ref):
    o_ref[...] = jnp.dot(a_ref[...], w_ref[...],
                         preferred_element_type=jnp.float32) + b_ref[...]


def _eproj(edge_attr, We, be):
    blk = 2000
    return pl.pallas_call(
        _eproj_body,
        grid=(E // blk,),
        in_specs=[pl.BlockSpec((blk, D), lambda i: (i, 0)),
                  pl.BlockSpec((D, D), lambda i: (0, 0)),
                  pl.BlockSpec((1, D), lambda i: (0, 0))],
        out_specs=pl.BlockSpec((blk, D), lambda i: (i, 0)),
        out_shape=jax.ShapeDtypeStruct((E, D), jnp.float32),
    )(edge_attr, We, be)



DEN_ROWS = N_PAD // 8
DEN_ROWS_PER_TILE = DEN_ROWS // 16


def _edge_body(q_hbm, kv_hbm, e_hbm, src_hbm, dst_hbm, acc_hbm, den_hbm,
               srcv, dstv, didxv, kvv, qv, ev, wv, dnv, acc_sh, den_sh):
    cid = lax.axis_index("c")
    sid = lax.axis_index("s")
    wid = cid * 16 + sid

    zeros16 = jnp.zeros((16,), jnp.float32)

    @pl.loop(0, CHUNK)
    def _(r):
        for g in range(8):
            wv[r, pl.ds(g * 16, 16)] = zeros16

    for t in range(ROWS_PER_TILE // CHUNK):
        rows = pl.ds(sid * ROWS_PER_TILE + t * CHUNK, CHUNK)
        pltpu.sync_copy(wv, acc_sh.at[rows])
    for t in range(DEN_ROWS_PER_TILE // CHUNK):
        rows = pl.ds(sid * DEN_ROWS_PER_TILE + t * CHUNK, CHUNK)
        pltpu.sync_copy(wv, den_sh.at[rows])
    plsc.subcore_barrier()

    base0 = wid * EDGES_PER_WORKER

    @pl.loop(0, NUM_CHUNKS)
    def _(j):
        base = base0 + j * CHUNK
        pltpu.sync_copy(src_hbm.at[pl.ds(base, CHUNK)], srcv)
        pltpu.sync_copy(dst_hbm.at[pl.ds(base, CHUNK)], dstv.at[pl.ds(0, CHUNK)])
        pltpu.sync_copy(kv_hbm.at[srcv], kvv)
        pltpu.sync_copy(q_hbm.at[dstv.at[pl.ds(0, CHUNK)]], qv)
        pltpu.sync_copy(e_hbm.at[pl.ds(base, CHUNK)], ev)

        for off in (0, 16, CHUNK - 16):
            d16 = dstv[pl.ds(off, 16)]
            didxv[pl.ds(off, 16)] = lax.shift_right_logical(d16, 3)

        lane = lax.iota(jnp.int32, 16)

        @pl.loop(0, CHUNK)
        def _(b):
            t = [qv[b, pl.ds(16 * i, 16)]
                 * (kvv[b, pl.ds(16 * i, 16)] + ev[b, pl.ds(16 * i, 16)])
                 for i in range(8)]
            p = []
            for h in range(H):
                alpha = jnp.sum(t[2 * h] + t[2 * h + 1])
                p.append(jnp.exp(jnp.full((16,), alpha, jnp.float32)))
            for i in range(8):
                wv[b, pl.ds(16 * i, 16)] = p[i // 2] * (
                    kvv[b, pl.ds(D + 16 * i, 16)] + ev[b, pl.ds(16 * i, 16)])
            dvec = (jnp.where(lane == 0, p[0], zeros16)
                    + jnp.where(lane == 1, p[1], zeros16)
                    + jnp.where(lane == 2, p[2], zeros16)
                    + jnp.where(lane == 3, p[3], zeros16))
            for g in range(8):
                dnv[b, pl.ds(16 * g, 16)] = zeros16
            dst_b = dstv[pl.ds(b, 16)][0]
            g16 = (dst_b & 7) * 16
            dnv[b, pl.ds(g16, 16)] = dvec

        pltpu.sync_copy(wv, acc_sh.at[dstv.at[pl.ds(0, CHUNK)]], add=True)
        pltpu.sync_copy(dnv, den_sh.at[didxv], add=True)

    plsc.subcore_barrier()

    rows = pl.ds(sid * ROWS_PER_TILE, ROWS_PER_TILE)
    pltpu.sync_copy(acc_sh.at[rows], acc_hbm.at[cid, rows])
    drows = pl.ds(sid * DEN_ROWS_PER_TILE, DEN_ROWS_PER_TILE)
    pltpu.sync_copy(den_sh.at[drows], den_hbm.at[cid, drows])


def _edge_pass(q, kv, e, src, dst):
    mesh = plsc.VectorSubcoreMesh(core_axis_name="c", subcore_axis_name="s")
    cp = pltpu.CompilerParams()
    if "needs_layout_passes" in pltpu.CompilerParams.__dataclass_fields__:
        cp = dataclasses.replace(cp, needs_layout_passes=False)
    fn = pl.kernel(
        _edge_body,
        compiler_params=cp,
        out_type=(jax.ShapeDtypeStruct((2, N_PAD, HC), jnp.float32),
                  jax.ShapeDtypeStruct((2, DEN_ROWS, HC), jnp.float32)),
        mesh=mesh,
        scratch_types=[
            pltpu.VMEM((CHUNK,), jnp.int32),
            pltpu.VMEM((CHUNK + 16,), jnp.int32),
            pltpu.VMEM((CHUNK,), jnp.int32),
            pltpu.VMEM((CHUNK, 2 * D), jnp.float32),
            pltpu.VMEM((CHUNK, D), jnp.float32),
            pltpu.VMEM((CHUNK, D), jnp.float32),
            pltpu.VMEM((CHUNK, HC), jnp.float32),
            pltpu.VMEM((CHUNK, HC), jnp.float32),
            pltpu.VMEM_SHARED((N_PAD, HC), jnp.float32),
            pltpu.VMEM_SHARED((DEN_ROWS, HC), jnp.float32),
        ],
    )
    acc, den_packed = fn(q, kv, e, src, dst)
    return acc, den_packed.reshape(2, N_PAD, 16)



def _final_body(acc_ref, den_ref, skip_ref, o_ref):
    a = acc_ref[0] + acc_ref[1]
    d = den_ref[0] + den_ref[1]
    row = lax.broadcasted_iota(jnp.int32, (16, HC), 0)
    col = lax.broadcasted_iota(jnp.int32, (16, HC), 1)
    sel = jnp.where(row == col // C, 1.0, 0.0).astype(jnp.float32)
    denb = jnp.dot(d, sel, preferred_element_type=jnp.float32)
    o_ref[...] = a / (denb + 1e-16) + skip_ref[...]


def _finalize(acc, den, skip):
    blk = 400
    return pl.pallas_call(
        _final_body,
        grid=(N // blk,),
        in_specs=[pl.BlockSpec((2, blk, HC), lambda i: (0, i, 0)),
                  pl.BlockSpec((2, blk, 16), lambda i: (0, i, 0)),
                  pl.BlockSpec((blk, D), lambda i: (i, 0))],
        out_specs=pl.BlockSpec((blk, D), lambda i: (i, 0)),
        out_shape=jax.ShapeDtypeStruct((N, D), jnp.float32),
    )(acc, den, skip)



def _bn_body(x_ref, g_ref, b_ref, o_ref):
    h = x_ref[...]
    m = jnp.mean(h, axis=0, keepdims=True)
    v = jnp.mean((h - m) ** 2, axis=0, keepdims=True)
    h = (h - m) / jnp.sqrt(v + 1e-5) * g_ref[...] + b_ref[...]
    o_ref[...] = jnp.maximum(h, 0.0)


def _bn_relu(x, gamma, beta):
    return pl.pallas_call(
        _bn_body,
        grid=(1,),
        in_specs=[pl.BlockSpec((N, D), lambda i: (0, 0)),
                  pl.BlockSpec((1, D), lambda i: (0, 0)),
                  pl.BlockSpec((1, D), lambda i: (0, 0))],
        out_specs=pl.BlockSpec((N, D), lambda i: (0, 0)),
        out_shape=jax.ShapeDtypeStruct((N, D), jnp.float32),
    )(x, gamma, beta)



def kernel(x, adj_t, edge_attr, params):
    src = adj_t[0].astype(jnp.int32)
    dst = adj_t[1].astype(jnp.int32)

    h = x
    for l in range(3):
        p = params['conv'][l]
        W = jnp.concatenate([p['Wq'], p['Wk'], p['Wv'], p['Ws']], axis=1)
        b = jnp.concatenate([p['bq'], p['bk'], p['bv'], p['bs']])[None, :]
        q, kv, skip = _proj(h, W, b)
        e = _eproj(edge_attr, p['We'], p['be'][None, :])
        acc, den = _edge_pass(q, kv, e, src, dst)
        h = _finalize(acc, den, skip)
        if l < 2:
            bn = params['bn'][l]
            h = _bn_relu(h, bn['gamma'][None, :], bn['beta'][None, :])
    return (h, edge_attr)

# --- scband reference (transcript-rebuilt; emitter-appended) ---
"""Pipeline reference for scband-qag-38388417692074 (READ-ONLY COPY).

The authoritative reference and input builder live on the scoring server;
editing this copy changes nothing except your own understanding.
"""

import jax, jax.numpy as jnp
import numpy as np

N = 10000
E = 320000
D = 128
H = 4
C = 32  # hidden_channels // num_heads
NUM_LAYERS = 3


def _lin(x, W, b):
    return x @ W + b


def _tconv(x, src, dst, edge_attr, p):
    n = x.shape[0]
    q = _lin(x, p['Wq'], p['bq']).reshape(n, H, C)
    k = _lin(x, p['Wk'], p['bk']).reshape(n, H, C)
    v = _lin(x, p['Wv'], p['bv']).reshape(n, H, C)
    e = _lin(edge_attr, p['We'], p['be']).reshape(-1, H, C)
    kj = k[src] + e          # gather by src + edge feature
    vj = v[src] + e
    qi = q[dst]              # gather by dst
    alpha = (qi * kj).sum(-1) / jnp.sqrt(float(C))   # [E, H]
    m = jax.ops.segment_max(alpha, dst, num_segments=n)
    m = jnp.where(jnp.isfinite(m), m, 0.0)
    a = jnp.exp(alpha - m[dst])
    den = jax.ops.segment_sum(a, dst, num_segments=n)
    a = a / (den[dst] + 1e-16)
    out = jax.ops.segment_sum(a[..., None] * vj, dst, num_segments=n)
    out = out.reshape(n, H * C)
    out = out + _lin(x, p['Ws'], p['bs'])  # root skip (lin_skip)
    return out


def _bn(x, gamma, beta):
    mean = x.mean(axis=0)
    var = x.var(axis=0)
    return (x - mean) / jnp.sqrt(var + 1e-5) * gamma + beta


def _forward(x, src, dst, edge_attr, params):
    for l in range(NUM_LAYERS):
        h = _tconv(x, src, dst, edge_attr, params['conv'][l])
        if l < NUM_LAYERS - 1:
            h = _bn(h, params['bn'][l]['gamma'], params['bn'][l]['beta'])
            h = jax.nn.relu(h)
            # dropout p=0.0 -> identity
        x = h
    return x


def setup_inputs(seed: int = 0) -> dict:
    key = jax.random.key(seed)
    ks = jax.random.split(key, 64)
    x = jax.random.normal(ks[0], (N, D), dtype=jnp.float32)
    edge_index = jax.random.randint(ks[1], (2, E), 0, N, dtype=jnp.int64) if jax.config.read('jax_enable_x64') else jax.random.randint(ks[1], (2, E), 0, N, dtype=jnp.int32)
    edge_attr = jax.random.normal(ks[2], (E, D), dtype=jnp.float32)
    convs = []
    i = 3
    for l in range(NUM_LAYERS):
        p = {}
        for name in ['Wq', 'Wk', 'Wv', 'We', 'Ws']:
            p[name] = jax.random.normal(ks[i], (D, H * C), dtype=jnp.float32) * 0.05
            i += 1
            p['b' + name[1].lower()] = jnp.zeros((H * C,), dtype=jnp.float32)
        convs.append(p)
    bns = [{'gamma': jnp.ones((D,), dtype=jnp.float32), 'beta': jnp.zeros((D,), dtype=jnp.float32)} for _ in range(NUM_LAYERS - 1)]
    params = {'conv': convs, 'bn': bns}
    return {'x': x, 'adj_t': edge_index, 'edge_attr': edge_attr, 'params': params}


def reference(x, adj_t, edge_attr, params):
    src = adj_t[0]
    dst = adj_t[1]
    out = _forward(x, src, dst, edge_attr, params)
    return (out, edge_attr)

if __name__ == "__main__":
    import jax
    _d = setup_inputs()
    print(jax.jit(kernel)(*tuple(_d.values())))

</pallas_src>

<mosaic_0001>
#map = affine_map<(d0, d1) -> (0, 0)>
#map1 = affine_map<(d0, d1) -> (0)>
#map2 = affine_map<(d0, d1) -> (0, 0, 0)>
module attributes {stable_mosaic.version = 14 : i64} {
  func.func @_edge_body(%arg0: i32, %arg1: i32, %arg2: memref<10000x128xf32, #tpu.memory_space<hbm>>, %arg3: memref<10000x256xf32, #tpu.memory_space<hbm>>, %arg4: memref<320000x128xf32, #tpu.memory_space<hbm>>, %arg5: memref<320000xi32, #tpu.memory_space<hbm>>, %arg6: memref<320000xi32, #tpu.memory_space<hbm>>, %arg7: memref<2x10240x128xf32, #tpu.memory_space<hbm>>, %arg8: memref<2x1280x128xf32, #tpu.memory_space<hbm>>, %arg9: memref<40xi32, #tpu.memory_space<vmem>>, %arg10: memref<56xi32, #tpu.memory_space<vmem>>, %arg11: memref<40xi32, #tpu.memory_space<vmem>>, %arg12: memref<40x256xf32, #tpu.memory_space<vmem>>, %arg13: memref<40x128xf32, #tpu.memory_space<vmem>>, %arg14: memref<40x128xf32, #tpu.memory_space<vmem>>, %arg15: memref<40x128xf32, #tpu.memory_space<vmem>>, %arg16: memref<40x128xf32, #tpu.memory_space<vmem>>, %arg17: memref<10240x128xf32, #tpu.memory_space<vmem_shared>>, %arg18: memref<1280x128xf32, #tpu.memory_space<vmem_shared>>) attributes {dimension_semantics = [#tpu.dimension_semantics<core_parallel>, #tpu.dimension_semantics<subcore_parallel>], iteration_bounds = array<i64: 2, 16>, scalar_prefetch = 0 : i64, scratch_operands = 10 : i64, tpu.core_type = #tpu.core_type<sc_vector_subcore>, window_params = [{transform_indices = #map}, {transform_indices = #map}, {transform_indices = #map}, {transform_indices = #map1}, {transform_indices = #map1}, {transform_indices = #map2}, {transform_indices = #map2}]} {
    %mul3A = arith.constant 16 : i32
    %mul3A_0 = arith.muli %arg0, %mul3A : i32
    %add3A = arith.addi %mul3A_0, %arg1 : i32
    %broadcast_in_dim3A = arith.constant 0.000000e+00 : f32
    %broadcast_in_dim3A_1 = vector.broadcast %broadcast_in_dim3A : f32 to vector<16xf32>
    %scan3A = arith.constant 0 : i32
    %scan3A_2 = arith.constant 40 : i32
    %scan3A_3 = arith.addi %scan3A, %scan3A_2 : i32
    %scan3A_4 = arith.constant 1 : i32
    scf.for %scan3A_90 = %scan3A to %scan3A_3 step %scan3A_4  : i32 {
      %mul3A_91 = arith.constant 1 : i32
      %mul3A_92 = arith.muli %scan3A_90, %mul3A_91 : i32
      %add3A_93 = arith.constant 0 : i32
      %add3A_94 = arith.addi %add3A_93, %mul3A_92 : i32
      %swap3A = arith.index_cast %add3A_94 : i32 to index
      %swap3A_95 = arith.constant 0 : index
      %swap3A_96 = tpu.vector_load %arg15[%swap3A, %swap3A_95] {strides = array<i32>} : memref<40x128xf32, #tpu.memory_space<vmem>>, vector<16xf32>,
      tpu.vector_store %arg15[%swap3A, %swap3A_95], %broadcast_in_dim3A_1 {strides = array<i32>} : memref<40x128xf32, #tpu.memory_space<vmem>>, vector<16xf32>,
      %swap3A_97 = arith.index_cast %add3A_94 : i32 to index
      %swap3A_98 = arith.constant 16 : index
      %swap3A_99 = tpu.vector_load %arg15[%swap3A_97, %swap3A_98] {strides = array<i32>} : memref<40x128xf32, #tpu.memory_space<vmem>>, vector<16xf32>,
      tpu.vector_store %arg15[%swap3A_97, %swap3A_98], %broadcast_in_dim3A_1 {strides = array<i32>} : memref<40x128xf32, #tpu.memory_space<vmem>>, vector<16xf32>,
      %swap3A_100 = arith.index_cast %add3A_94 : i32 to index
      %swap3A_101 = arith.constant 32 : index
      %swap3A_102 = tpu.vector_load %arg15[%swap3A_100, %swap3A_101] {strides = array<i32>} : memref<40x128xf32, #tpu.memory_space<vmem>>, vector<16xf32>,
      tpu.vector_store %arg15[%swap3A_100, %swap3A_101], %broadcast_in_dim3A_1 {strides = array<i32>} : memref<40x128xf32, #tpu.memory_space<vmem>>, vector<16xf32>,
      %swap3A_103 = arith.index_cast %add3A_94 : i32 to index
      %swap3A_104 = arith.constant 48 : index
      %swap3A_105 = tpu.vector_load %arg15[%swap3A_103, %swap3A_104] {strides = array<i32>} : memref<40x128xf32, #tpu.memory_space<vmem>>, vector<16xf32>,
      tpu.vector_store %arg15[%swap3A_103, %swap3A_104], %broadcast_in_dim3A_1 {strides = array<i32>} : memref<40x128xf32, #tpu.memory_space<vmem>>, vector<16xf32>,
      %swap3A_106 = arith.index_cast %add3A_94 : i32 to index
      %swap3A_107 = arith.constant 64 : index
      %swap3A_108 = tpu.vector_load %arg15[%swap3A_106, %swap3A_107] {strides = array<i32>} : memref<40x128xf32, #tpu.memory_space<vmem>>, vector<16xf32>,
      tpu.vector_store %arg15[%swap3A_106, %swap3A_107], %broadcast_in_dim3A_1 {strides = array<i32>} : memref<40x128xf32, #tpu.memory_space<vmem>>, vector<16xf32>,
      %swap3A_109 = arith.index_cast %add3A_94 : i32 to index
      %swap3A_110 = arith.constant 80 : index
      %swap3A_111 = tpu.vector_load %arg15[%swap3A_109, %swap3A_110] {strides = array<i32>} : memref<40x128xf32, #tpu.memory_space<vmem>>, vector<16xf32>,
      tpu.vector_store %arg15[%swap3A_109, %swap3A_110], %broadcast_in_dim3A_1 {strides = array<i32>} : memref<40x128xf32, #tpu.memory_space<vmem>>, vector<16xf32>,
      %swap3A_112 = arith.index_cast %add3A_94 : i32 to index
      %swap3A_113 = arith.constant 96 : index
      %swap3A_114 = tpu.vector_load %arg15[%swap3A_112, %swap3A_113] {strides = array<i32>} : memref<40x128xf32, #tpu.memory_space<vmem>>, vector<16xf32>,
      tpu.vector_store %arg15[%swap3A_112, %swap3A_113], %broadcast_in_dim3A_1 {strides = array<i32>} : memref<40x128xf32, #tpu.memory_space<vmem>>, vector<16xf32>,
      %swap3A_115 = arith.index_cast %add3A_94 : i32 to index
      %swap3A_116 = arith.constant 112 : index
      %swap3A_117 = tpu.vector_load %arg15[%swap3A_115, %swap3A_116] {strides = array<i32>} : memref<40x128xf32, #tpu.memory_space<vmem>>, vector<16xf32>,
      tpu.vector_store %arg15[%swap3A_115, %swap3A_116], %broadcast_in_dim3A_1 {strides = array<i32>} : memref<40x128xf32, #tpu.memory_space<vmem>>, vector<16xf32>,
    }
    %scan3A_5 = arith.constant 40 : i32
    %mul3A_6 = arith.constant 640 : i32
    %mul3A_7 = arith.muli %arg1, %mul3A_6 : i32
    %add3A_8 = arith.constant 0 : i32
    %add3A_9 = arith.addi %mul3A_7, %add3A_8 : i32
    "tpu.region"() ({
      %run_scoped3A = tpu.sem_alloc : memref<!tpu.dma_semaphore, #tpu.memory_space<semaphore_mem>>
      %dma_start3A = arith.constant 0 : i32
      %dma_start3A_90 = tpu.memref_slice %arg17[%add3A_9, %dma_start3A] : memref<10240x128xf32, #tpu.memory_space<vmem_shared>> -> memref<40x128xf32, #tpu.memory_space<vmem_shared>>
      %dma_start3A_91 = arith.constant 0 : i32
      %dma_start3A_92 = tpu.memref_slice %arg17[%add3A_9, %dma_start3A_91] : memref<10240x128xf32, #tpu.memory_space<vmem_shared>> -> memref<40x128xf32, #tpu.memory_space<vmem_shared>>
      tpu.enqueue_dma source(%arg15 : memref<40x128xf32, #tpu.memory_space<vmem>>) target(%dma_start3A_92 : memref<40x128xf32, #tpu.memory_space<vmem_shared>>) target_semaphore(%run_scoped3A : memref<!tpu.dma_semaphore, #tpu.memory_space<semaphore_mem>>)
      %dma_wait3A = arith.constant 0 : i32
      %dma_wait3A_93 = tpu.memref_slice %arg17[%add3A_9, %dma_wait3A] : memref<10240x128xf32, #tpu.memory_space<vmem_shared>> -> memref<40x128xf32, #tpu.memory_space<vmem_shared>>
      %dma_wait3A_94 = arith.constant 0 : i32
      %dma_wait3A_95 = tpu.memref_slice %arg17[%add3A_9, %dma_wait3A_94] : memref<10240x128xf32, #tpu.memory_space<vmem_shared>> -> memref<40x128xf32, #tpu.memory_space<vmem_shared>>
      tpu.wait_dma2 semaphore(%run_scoped3A : memref<!tpu.dma_semaphore, #tpu.memory_space<semaphore_mem>>) src(%arg15 : memref<40x128xf32, #tpu.memory_space<vmem>>) dst(%dma_wait3A_95 : memref<40x128xf32, #tpu.memory_space<vmem_shared>>)
      tpu.yield
    }) : () -> ()
    %mul3A_10 = arith.constant 640 : i32
    %mul3A_11 = arith.muli %arg1, %mul3A_10 : i32
    %add3A_12 = arith.constant 40 : i32
    %add3A_13 = arith.addi %mul3A_11, %add3A_12 : i32
    "tpu.region"() ({
      %run_scoped3A = tpu.sem_alloc : memref<!tpu.dma_semaphore, #tpu.memory_space<semaphore_mem>>
      %dma_start3A = arith.constant 0 : i32
      %dma_start3A_90 = tpu.memref_slice %arg17[%add3A_13, %dma_start3A] : memref<10240x128xf32, #tpu.memory_space<vmem_shared>> -> memref<40x128xf32, #tpu.memory_space<vmem_shared>>
      %dma_start3A_91 = arith.constant 0 : i32
      %dma_start3A_92 = tpu.memref_slice %arg17[%add3A_13, %dma_start3A_91] : memref<10240x128xf32, #tpu.memory_space<vmem_shared>> -> memref<40x128xf32, #tpu.memory_space<vmem_shared>>
      tpu.enqueue_dma source(%arg15 : memref<40x128xf32, #tpu.memory_space<vmem>>) target(%dma_start3A_92 : memref<40x128xf32, #tpu.memory_space<vmem_shared>>) target_semaphore(%run_scoped3A : memref<!tpu.dma_semaphore, #tpu.memory_space<semaphore_mem>>)
      %dma_wait3A = arith.constant 0 : i32
      %dma_wait3A_93 = tpu.memref_slice %arg17[%add3A_13, %dma_wait3A] : memref<10240x128xf32, #tpu.memory_space<vmem_shared>> -> memref<40x128xf32, #tpu.memory_space<vmem_shared>>
      %dma_wait3A_94 = arith.constant 0 : i32
      %dma_wait3A_95 = tpu.memref_slice %arg17[%add3A_13, %dma_wait3A_94] : memref<10240x128xf32, #tpu.memory_space<vmem_shared>> -> memref<40x128xf32, #tpu.memory_space<vmem_shared>>
      tpu.wait_dma2 semaphore(%run_scoped3A : memref<!tpu.dma_semaphore, #tpu.memory_space<semaphore_mem>>) src(%arg15 : memref<40x128xf32, #tpu.memory_space<vmem>>) dst(%dma_wait3A_95 : memref<40x128xf32, #tpu.memory_space<vmem_shared>>)
      tpu.yield
    }) : () -> ()
    %mul3A_14 = arith.constant 640 : i32
    %mul3A_15 = arith.muli %arg1, %mul3A_14 : i32
    %add3A_16 = arith.constant 80 : i32
    %add3A_17 = arith.addi %mul3A_15, %add3A_16 : i32
    "tpu.region"() ({
      %run_scoped3A = tpu.sem_alloc : memref<!tpu.dma_semaphore, #tpu.memory_space<semaphore_mem>>
      %dma_start3A = arith.constant 0 : i32
      %dma_start3A_90 = tpu.memref_slice %arg17[%add3A_17, %dma_start3A] : memref<10240x128xf32, #tpu.memory_space<vmem_shared>> -> memref<40x128xf32, #tpu.memory_space<vmem_shared>>
      %dma_start3A_91 = arith.constant 0 : i32
      %dma_start3A_92 = tpu.memref_slice %arg17[%add3A_17, %dma_start3A_91] : memref<10240x128xf32, #tpu.memory_space<vmem_shared>> -> memref<40x128xf32, #tpu.memory_space<vmem_shared>>
      tpu.enqueue_dma source(%arg15 : memref<40x128xf32, #tpu.memory_space<vmem>>) target(%dma_start3A_92 : memref<40x128xf32, #tpu.memory_space<vmem_shared>>) target_semaphore(%run_scoped3A : memref<!tpu.dma_semaphore, #tpu.memory_space<semaphore_mem>>)
      %dma_wait3A = arith.constant 0 : i32
      %dma_wait3A_93 = tpu.memref_slice %arg17[%add3A_17, %dma_wait3A] : memref<10240x128xf32, #tpu.memory_space<vmem_shared>> -> memref<40x128xf32, #tpu.memory_space<vmem_shared>>
      %dma_wait3A_94 = arith.constant 0 : i32
      %dma_wait3A_95 = tpu.memref_slice %arg17[%add3A_17, %dma_wait3A_94] : memref<10240x128xf32, #tpu.memory_space<vmem_shared>> -> memref<40x128xf32, #tpu.memory_space<vmem_shared>>
      tpu.wait_dma2 semaphore(%run_scoped3A : memref<!tpu.dma_semaphore, #tpu.memory_space<semaphore_mem>>) src(%arg15 : memref<40x128xf32, #tpu.memory_space<vmem>>) dst(%dma_wait3A_95 : memref<40x128xf32, #tpu.memory_space<vmem_shared>>)
      tpu.yield
    }) : () -> ()
    %mul3A_18 = arith.constant 640 : i32
    %mul3A_19 = arith.muli %arg1, %mul3A_18 : i32
    %add3A_20 = arith.constant 120 : i32
    %add3A_21 = arith.addi %mul3A_19, %add3A_20 : i32
    "tpu.region"() ({
      %run_scoped3A = tpu.sem_alloc : memref<!tpu.dma_semaphore, #tpu.memory_space<semaphore_mem>>
      %dma_start3A = arith.constant 0 : i32
      %dma_start3A_90 = tpu.memref_slice %arg17[%add3A_21, %dma_start3A] : memref<10240x128xf32, #tpu.memory_space<vmem_shared>> -> memref<40x128xf32, #tpu.memory_space<vmem_shared>>
      %dma_start3A_91 = arith.constant 0 : i32
      %dma_start3A_92 = tpu.memref_slice %arg17[%add3A_21, %dma_start3A_91] : memref<10240x128xf32, #tpu.memory_space<vmem_shared>> -> memref<40x128xf32, #tpu.memory_space<vmem_shared>>
      tpu.enqueue_dma source(%arg15 : memref<40x128xf32, #tpu.memory_space<vmem>>) target(%dma_start3A_92 : memref<40x128xf32, #tpu.memory_space<vmem_shared>>) target_semaphore(%run_scoped3A : memref<!tpu.dma_semaphore, #tpu.memory_space<semaphore_mem>>)
      %dma_wait3A = arith.constant 0 : i32
      %dma_wait3A_93 = tpu.memref_slice %arg17[%add3A_21, %dma_wait3A] : memref<10240x128xf32, #tpu.memory_space<vmem_shared>> -> memref<40x128xf32, #tpu.memory_space<vmem_shared>>
      %dma_wait3A_94 = arith.constant 0 : i32
      %dma_wait3A_95 = tpu.memref_slice %arg17[%add3A_21, %dma_wait3A_94] : memref<10240x128xf32, #tpu.memory_space<vmem_shared>> -> memref<40x128xf32, #tpu.memory_space<vmem_shared>>
      tpu.wait_dma2 semaphore(%run_scoped3A : memref<!tpu.dma_semaphore, #tpu.memory_space<semaphore_mem>>) src(%arg15 : memref<40x128xf32, #tpu.memory_space<vmem>>) dst(%dma_wait3A_95 : memref<40x128xf32, #tpu.memory_space<vmem_shared>>)
      tpu.yield
    }) : () -> ()
    %mul3A_22 = arith.constant 640 : i32
    %mul3A_23 = arith.muli %arg1, %mul3A_22 : i32
    %add3A_24 = arith.constant 160 : i32
    %add3A_25 = arith.addi %mul3A_23, %add3A_24 : i32
    "tpu.region"() ({
      %run_scoped3A = tpu.sem_alloc : memref<!tpu.dma_semaphore, #tpu.memory_space<semaphore_mem>>
      %dma_start3A = arith.constant 0 : i32
      %dma_start3A_90 = tpu.memref_slice %arg17[%add3A_25, %dma_start3A] : memref<10240x128xf32, #tpu.memory_space<vmem_shared>> -> memref<40x128xf32, #tpu.memory_space<vmem_shared>>
      %dma_start3A_91 = arith.constant 0 : i32
      %dma_start3A_92 = tpu.memref_slice %arg17[%add3A_25, %dma_start3A_91] : memref<10240x128xf32, #tpu.memory_space<vmem_shared>> -> memref<40x128xf32, #tpu.memory_space<vmem_shared>>
      tpu.enqueue_dma source(%arg15 : memref<40x128xf32, #tpu.memory_space<vmem>>) target(%dma_start3A_92 : memref<40x128xf32, #tpu.memory_space<vmem_shared>>) target_semaphore(%run_scoped3A : memref<!tpu.dma_semaphore, #tpu.memory_space<semaphore_mem>>)
      %dma_wait3A = arith.constant 0 : i32
      %dma_wait3A_93 = tpu.memref_slice %arg17[%add3A_25, %dma_wait3A] : memref<10240x128xf32, #tpu.memory_space<vmem_shared>> -> memref<40x128xf32, #tpu.memory_space<vmem_shared>>
      %dma_wait3A_94 = arith.constant 0 : i32
      %dma_wait3A_95 = tpu.memref_slice %arg17[%add3A_25, %dma_wait3A_94] : memref<10240x128xf32, #tpu.memory_space<vmem_shared>> -> memref<40x128xf32, #tpu.memory_space<vmem_shared>>
      tpu.wait_dma2 semaphore(%run_scoped3A : memref<!tpu.dma_semaphore, #tpu.memory_space<semaphore_mem>>) src(%arg15 : memref<40x128xf32, #tpu.memory_space<vmem>>) dst(%dma_wait3A_95 : memref<40x128xf32, #tpu.memory_space<vmem_shared>>)
      tpu.yield
    }) : () -> ()
    %mul3A_26 = arith.constant 640 : i32
    %mul3A_27 = arith.muli %arg1, %mul3A_26 : i32
    %add3A_28 = arith.constant 200 : i32
    %add3A_29 = arith.addi %mul3A_27, %add3A_28 : i32
    "tpu.region"() ({
      %run_scoped3A = tpu.sem_alloc : memref<!tpu.dma_semaphore, #tpu.memory_space<semaphore_mem>>
      %dma_start3A = arith.constant 0 : i32
      %dma_start3A_90 = tpu.memref_slice %arg17[%add3A_29, %dma_start3A] : memref<10240x128xf32, #tpu.memory_space<vmem_shared>> -> memref<40x128xf32, #tpu.memory_space<vmem_shared>>
      %dma_start3A_91 = arith.constant 0 : i32
      %dma_start3A_92 = tpu.memref_slice %arg17[%add3A_29, %dma_start3A_91] : memref<10240x128xf32, #tpu.memory_space<vmem_shared>> -> memref<40x128xf32, #tpu.memory_space<vmem_shared>>
      tpu.enqueue_dma source(%arg15 : memref<40x128xf32, #tpu.memory_space<vmem>>) target(%dma_start3A_92 : memref<40x128xf32, #tpu.memory_space<vmem_shared>>) target_semaphore(%run_scoped3A : memref<!tpu.dma_semaphore, #tpu.memory_space<semaphore_mem>>)
      %dma_wait3A = arith.constant 0 : i32
      %dma_wait3A_93 = tpu.memref_slice %arg17[%add3A_29, %dma_wait3A] : memref<10240x128xf32, #tpu.memory_space<vmem_shared>> -> memref<40x128xf32, #tpu.memory_space<vmem_shared>>
      %dma_wait3A_94 = arith.constant 0 : i32
      %dma_wait3A_95 = tpu.memref_slice %arg17[%add3A_29, %dma_wait3A_94] : memref<10240x128xf32, #tpu.memory_space<vmem_shared>> -> memref<40x128xf32, #tpu.memory_space<vmem_shared>>
      tpu.wait_dma2 semaphore(%run_scoped3A : memref<!tpu.dma_semaphore, #tpu.memory_space<semaphore_mem>>) src(%arg15 : memref<40x128xf32, #tpu.memory_space<vmem>>) dst(%dma_wait3A_95 : memref<40x128xf32, #tpu.memory_space<vmem_shared>>)
      tpu.yield
    }) : () -> ()
    %mul3A_30 = arith.constant 640 : i32
    %mul3A_31 = arith.muli %arg1, %mul3A_30 : i32
    %add3A_32 = arith.constant 240 : i32
    %add3A_33 = arith.addi %mul3A_31, %add3A_32 : i32
    "tpu.region"() ({
      %run_scoped3A = tpu.sem_alloc : memref<!tpu.dma_semaphore, #tpu.memory_space<semaphore_mem>>
      %dma_start3A = arith.constant 0 : i32
      %dma_start3A_90 = tpu.memref_slice %arg17[%add3A_33, %dma_start3A] : memref<10240x128xf32, #tpu.memory_space<vmem_shared>> -> memref<40x128xf32, #tpu.memory_space<vmem_shared>>
      %dma_start3A_91 = arith.constant 0 : i32
      %dma_start3A_92 = tpu.memref_slice %arg17[%add3A_33, %dma_start3A_91] : memref<10240x128xf32, #tpu.memory_space<vmem_shared>> -> memref<40x128xf32, #tpu.memory_space<vmem_shared>>
      tpu.enqueue_dma source(%arg15 : memref<40x128xf32, #tpu.memory_space<vmem>>) target(%dma_start3A_92 : memref<40x128xf32, #tpu.memory_space<vmem_shared>>) target_semaphore(%run_scoped3A : memref<!tpu.dma_semaphore, #tpu.memory_space<semaphore_mem>>)
      %dma_wait3A = arith.constant 0 : i32
      %dma_wait3A_93 = tpu.memref_slice %arg17[%add3A_33, %dma_wait3A] : memref<10240x128xf32, #tpu.memory_space<vmem_shared>> -> memref<40x128xf32, #tpu.memory_space<vmem_shared>>
      %dma_wait3A_94 = arith.constant 0 : i32
      %dma_wait3A_95 = tpu.memref_slice %arg17[%add3A_33, %dma_wait3A_94] : memref<10240x128xf32, #tpu.memory_space<vmem_shared>> -> memref<40x128xf32, #tpu.memory_space<vmem_shared>>
      tpu.wait_dma2 semaphore(%run_scoped3A : memref<!tpu.dma_semaphore, #tpu.memory_space<semaphore_mem>>) src(%arg15 : memref<40x128xf32, #tpu.memory_space<vmem>>) dst(%dma_wait3A_95 : memref<40x128xf32, #tpu.memory_space<vmem_shared>>)
      tpu.yield
    }) : () -> ()
    %mul3A_34 = arith.constant 640 : i32
    %mul3A_35 = arith.muli %arg1, %mul3A_34 : i32
    %add3A_36 = arith.constant 280 : i32
    %add3A_37 = arith.addi %mul3A_35, %add3A_36 : i32
    "tpu.region"() ({
      %run_scoped3A = tpu.sem_alloc : memref<!tpu.dma_semaphore, #tpu.memory_space<semaphore_mem>>
      %dma_start3A = arith.constant 0 : i32
      %dma_start3A_90 = tpu.memref_slice %arg17[%add3A_37, %dma_start3A] : memref<10240x128xf32, #tpu.memory_space<vmem_shared>> -> memref<40x128xf32, #tpu.memory_space<vmem_shared>>
      %dma_start3A_91 = arith.constant 0 : i32
      %dma_start3A_92 = tpu.memref_slice %arg17[%add3A_37, %dma_start3A_91] : memref<10240x128xf32, #tpu.memory_space<vmem_shared>> -> memref<40x128xf32, #tpu.memory_space<vmem_shared>>
      tpu.enqueue_dma source(%arg15 : memref<40x128xf32, #tpu.memory_space<vmem>>) target(%dma_start3A_92 : memref<40x128xf32, #tpu.memory_space<vmem_shared>>) target_semaphore(%run_scoped3A : memref<!tpu.dma_semaphore, #tpu.memory_space<semaphore_mem>>)
      %dma_wait3A = arith.constant 0 : i32
      %dma_wait3A_93 = tpu.memref_slice %arg17[%add3A_37, %dma_wait3A] : memref<10240x128xf32, #tpu.memory_space<vmem_shared>> -> memref<40x128xf32, #tpu.memory_space<vmem_shared>>
      %dma_wait3A_94 = arith.constant 0 : i32
      %dma_wait3A_95 = tpu.memref_slice %arg17[%add3A_37, %dma_wait3A_94] : memref<10240x128xf32, #tpu.memory_space<vmem_shared>> -> memref<40x128xf32, #tpu.memory_space<vmem_shared>>
      tpu.wait_dma2 semaphore(%run_scoped3A : memref<!tpu.dma_semaphore, #tpu.memory_space<semaphore_mem>>) src(%arg15 : memref<40x128xf32, #tpu.memory_space<vmem>>) dst(%dma_wait3A_95 : memref<40x128xf32, #tpu.memory_space<vmem_shared>>)
      tpu.yield
    }) : () -> ()
    %mul3A_38 = arith.constant 640 : i32
    %mul3A_39 = arith.muli %arg1, %mul3A_38 : i32
    %add3A_40 = arith.constant 320 : i32
    %add3A_41 = arith.addi %mul3A_39, %add3A_40 : i32
    "tpu.region"() ({
      %run_scoped3A = tpu.sem_alloc : memref<!tpu.dma_semaphore, #tpu.memory_space<semaphore_mem>>
      %dma_start3A = arith.constant 0 : i32
      %dma_start3A_90 = tpu.memref_slice %arg17[%add3A_41, %dma_start3A] : memref<10240x128xf32, #tpu.memory_space<vmem_shared>> -> memref<40x128xf32, #tpu.memory_space<vmem_shared>>
      %dma_start3A_91 = arith.constant 0 : i32
      %dma_start3A_92 = tpu.memref_slice %arg17[%add3A_41, %dma_start3A_91] : memref<10240x128xf32, #tpu.memory_space<vmem_shared>> -> memref<40x128xf32, #tpu.memory_space<vmem_shared>>
      tpu.enqueue_dma source(%arg15 : memref<40x128xf32, #tpu.memory_space<vmem>>) target(%dma_start3A_92 : memref<40x128xf32, #tpu.memory_space<vmem_shared>>) target_semaphore(%run_scoped3A : memref<!tpu.dma_semaphore, #tpu.memory_space<semaphore_mem>>)
      %dma_wait3A = arith.constant 0 : i32
      %dma_wait3A_93 = tpu.memref_slice %arg17[%add3A_41, %dma_wait3A] : memref<10240x128xf32, #tpu.memory_space<vmem_shared>> -> memref<40x128xf32, #tpu.memory_space<vmem_shared>>
      %dma_wait3A_94 = arith.constant 0 : i32
      %dma_wait3A_95 = tpu.memref_slice %arg17[%add3A_41, %dma_wait3A_94] : memref<10240x128xf32, #tpu.memory_space<vmem_shared>> -> memref<40x128xf32, #tpu.memory_space<vmem_shared>>
      tpu.wait_dma2 semaphore(%run_scoped3A : memref<!tpu.dma_semaphore, #tpu.memory_space<semaphore_mem>>) src(%arg15 : memref<40x128xf32, #tpu.memory_space<vmem>>) dst(%dma_wait3A_95 : memref<40x128xf32, #tpu.memory_space<vmem_shared>>)
      tpu.yield
    }) : () -> ()
    %mul3A_42 = arith.constant 640 : i32
    %mul3A_43 = arith.muli %arg1, %mul3A_42 : i32
    %add3A_44 = arith.constant 360 : i32
    %add3A_45 = arith.addi %mul3A_43, %add3A_44 : i32
    "tpu.region"() ({
      %run_scoped3A = tpu.sem_alloc : memref<!tpu.dma_semaphore, #tpu.memory_space<semaphore_mem>>
      %dma_start3A = arith.constant 0 : i32
      %dma_start3A_90 = tpu.memref_slice %arg17[%add3A_45, %dma_start3A] : memref<10240x128xf32, #tpu.memory_space<vmem_shared>> -> memref<40x128xf32, #tpu.memory_space<vmem_shared>>
      %dma_start3A_91 = arith.constant 0 : i32
      %dma_start3A_92 = tpu.memref_slice %arg17[%add3A_45, %dma_start3A_91] : memref<10240x128xf32, #tpu.memory_space<vmem_shared>> -> memref<40x128xf32, #tpu.memory_space<vmem_shared>>
      tpu.enqueue_dma source(%arg15 : memref<40x128xf32, #tpu.memory_space<vmem>>) target(%dma_start3A_92 : memref<40x128xf32, #tpu.memory_space<vmem_shared>>) target_semaphore(%run_scoped3A : memref<!tpu.dma_semaphore, #tpu.memory_space<semaphore_mem>>)
      %dma_wait3A = arith.constant 0 : i32
      %dma_wait3A_93 = tpu.memref_slice %arg17[%add3A_45, %dma_wait3A] : memref<10240x128xf32, #tpu.memory_space<vmem_shared>> -> memref<40x128xf32, #tpu.memory_space<vmem_shared>>
      %dma_wait3A_94 = arith.constant 0 : i32
      %dma_wait3A_95 = tpu.memref_slice %arg17[%add3A_45, %dma_wait3A_94] : memref<10240x128xf32, #tpu.memory_space<vmem_shared>> -> memref<40x128xf32, #tpu.memory_space<vmem_shared>>
      tpu.wait_dma2 semaphore(%run_scoped3A : memref<!tpu.dma_semaphore, #tpu.memory_space<semaphore_mem>>) src(%arg15 : memref<40x128xf32, #tpu.memory_space<vmem>>) dst(%dma_wait3A_95 : memref<40x128xf32, #tpu.memory_space<vmem_shared>>)
      tpu.yield
    }) : () -> ()
    %mul3A_46 = arith.constant 640 : i32
    %mul3A_47 = arith.muli %arg1, %mul3A_46 : i32
    %add3A_48 = arith.constant 400 : i32
    %add3A_49 = arith.addi %mul3A_47, %add3A_48 : i32
    "tpu.region"() ({
      %run_scoped3A = tpu.sem_alloc : memref<!tpu.dma_semaphore, #tpu.memory_space<semaphore_mem>>
      %dma_start3A = arith.constant 0 : i32
      %dma_start3A_90 = tpu.memref_slice %arg17[%add3A_49, %dma_start3A] : memref<10240x128xf32, #tpu.memory_space<vmem_shared>> -> memref<40x128xf32, #tpu.memory_space<vmem_shared>>
      %dma_start3A_91 = arith.constant 0 : i32
      %dma_start3A_92 = tpu.memref_slice %arg17[%add3A_49, %dma_start3A_91] : memref<10240x128xf32, #tpu.memory_space<vmem_shared>> -> memref<40x128xf32, #tpu.memory_space<vmem_shared>>
      tpu.enqueue_dma source(%arg15 : memref<40x128xf32, #tpu.memory_space<vmem>>) target(%dma_start3A_92 : memref<40x128xf32, #tpu.memory_space<vmem_shared>>) target_semaphore(%run_scoped3A : memref<!tpu.dma_semaphore, #tpu.memory_space<semaphore_mem>>)
      %dma_wait3A = arith.constant 0 : i32
      %dma_wait3A_93 = tpu.memref_slice %arg17[%add3A_49, %dma_wait3A] : memref<10240x128xf32, #tpu.memory_space<vmem_shared>> -> memref<40x128xf32, #tpu.memory_space<vmem_shared>>
      %dma_wait3A_94 = arith.constant 0 : i32
      %dma_wait3A_95 = tpu.memref_slice %arg17[%add3A_49, %dma_wait3A_94] : memref<10240x128xf32, #tpu.memory_space<vmem_shared>> -> memref<40x128xf32, #tpu.memory_space<vmem_shared>>
      tpu.wait_dma2 semaphore(%run_scoped3A : memref<!tpu.dma_semaphore, #tpu.memory_space<semaphore_mem>>) src(%arg15 : memref<40x128xf32, #tpu.memory_space<vmem>>) dst(%dma_wait3A_95 : memref<40x128xf32, #tpu.memory_space<vmem_shared>>)
      tpu.yield
    }) : () -> ()
    %mul3A_50 = arith.constant 640 : i32
    %mul3A_51 = arith.muli %arg1, %mul3A_50 : i32
    %add3A_52 = arith.constant 440 : i32
    %add3A_53 = arith.addi %mul3A_51, %add3A_52 : i32
    "tpu.region"() ({
      %run_scoped3A = tpu.sem_alloc : memref<!tpu.dma_semaphore, #tpu.memory_space<semaphore_mem>>
      %dma_start3A = arith.constant 0 : i32
      %dma_start3A_90 = tpu.memref_slice %arg17[%add3A_53, %dma_start3A] : memref<10240x128xf32, #tpu.memory_space<vmem_shared>> -> memref<40x128xf32, #tpu.memory_space<vmem_shared>>
      %dma_start3A_91 = arith.constant 0 : i32
      %dma_start3A_92 = tpu.memref_slice %arg17[%add3A_53, %dma_start3A_91] : memref<10240x128xf32, #tpu.memory_space<vmem_shared>> -> memref<40x128xf32, #tpu.memory_space<vmem_shared>>
      tpu.enqueue_dma source(%arg15 : memref<40x128xf32, #tpu.memory_space<vmem>>) target(%dma_start3A_92 : memref<40x128xf32, #tpu.memory_space<vmem_shared>>) target_semaphore(%run_scoped3A : memref<!tpu.dma_semaphore, #tpu.memory_space<semaphore_mem>>)
      %dma_wait3A = arith.constant 0 : i32
      %dma_wait3A_93 = tpu.memref_slice %arg17[%add3A_53, %dma_wait3A] : memref<10240x128xf32, #tpu.memory_space<vmem_shared>> -> memref<40x128xf32, #tpu.memory_space<vmem_shared>>
      %dma_wait3A_94 = arith.constant 0 : i32
      %dma_wait3A_95 = tpu.memref_slice %arg17[%add3A_53, %dma_wait3A_94] : memref<10240x128xf32, #tpu.memory_space<vmem_shared>> -> memref<40x128xf32, #tpu.memory_space<vmem_shared>>
      tpu.wait_dma2 semaphore(%run_scoped3A : memref<!tpu.dma_semaphore, #tpu.memory_space<semaphore_mem>>) src(%arg15 : memref<40x128xf32, #tpu.memory_space<vmem>>) dst(%dma_wait3A_95 : memref<40x128xf32, #tpu.memory_space<vmem_shared>>)
      tpu.yield
    }) : () -> ()
    %mul3A_54 = arith.constant 640 : i32
    %mul3A_55 = arith.muli %arg1, %mul3A_54 : i32
    %add3A_56 = arith.constant 480 : i32
    %add3A_57 = arith.addi %mul3A_55, %add3A_56 : i32
    "tpu.region"() ({
      %run_scoped3A = tpu.sem_alloc : memref<!tpu.dma_semaphore, #tpu.memory_space<semaphore_mem>>
      %dma_start3A = arith.constant 0 : i32
      %dma_start3A_90 = tpu.memref_slice %arg17[%add3A_57, %dma_start3A] : memref<10240x128xf32, #tpu.memory_space<vmem_shared>> -> memref<40x128xf32, #tpu.memory_space<vmem_shared>>
      %dma_start3A_91 = arith.constant 0 : i32
      %dma_start3A_92 = tpu.memref_slice %arg17[%add3A_57, %dma_start3A_91] : memref<10240x128xf32, #tpu.memory_space<vmem_shared>> -> memref<40x128xf32, #tpu.memory_space<vmem_shared>>
      tpu.enqueue_dma source(%arg15 : memref<40x128xf32, #tpu.memory_space<vmem>>) target(%dma_start3A_92 : memref<40x128xf32, #tpu.memory_space<vmem_shared>>) target_semaphore(%run_scoped3A : memref<!tpu.dma_semaphore, #tpu.memory_space<semaphore_mem>>)
      %dma_wait3A = arith.constant 0 : i32
      %dma_wait3A_93 = tpu.memref_slice %arg17[%add3A_57, %dma_wait3A] : memref<10240x128xf32, #tpu.memory_space<vmem_shared>> -> memref<40x128xf32, #tpu.memory_space<vmem_shared>>
      %dma_wait3A_94 = arith.constant 0 : i32
      %dma_wait3A_95 = tpu.memref_slice %arg17[%add3A_57, %dma_wait3A_94] : memref<10240x128xf32, #tpu.memory_space<vmem_shared>> -> memref<40x128xf32, #tpu.memory_space<vmem_shared>>
      tpu.wait_dma2 semaphore(%run_scoped3A : memref<!tpu.dma_semaphore, #tpu.memory_space<semaphore_mem>>) src(%arg15 : memref<40x128xf32, #tpu.memory_space<vmem>>) dst(%dma_wait3A_95 : memref<40x128xf32, #tpu.memory_space<vmem_shared>>)
      tpu.yield
    }) : () -> ()
    %mul3A_58 = arith.constant 640 : i32
    %mul3A_59 = arith.muli %arg1, %mul3A_58 : i32
    %add3A_60 = arith.constant 520 : i32
    %add3A_61 = arith.addi %mul3A_59, %add3A_60 : i32
    "tpu.region"() ({
      %run_scoped3A = tpu.sem_alloc : memref<!tpu.dma_semaphore, #tpu.memory_space<semaphore_mem>>
      %dma_start3A = arith.constant 0 : i32
      %dma_start3A_90 = tpu.memref_slice %arg17[%add3A_61, %dma_start3A] : memref<10240x128xf32, #tpu.memory_space<vmem_shared>> -> memref<40x128xf32, #tpu.memory_space<vmem_shared>>
      %dma_start3A_91 = arith.constant 0 : i32
      %dma_start3A_92 = tpu.memref_slice %arg17[%add3A_61, %dma_start3A_91] : memref<10240x128xf32, #tpu.memory_space<vmem_shared>> -> memref<40x128xf32, #tpu.memory_space<vmem_shared>>
      tpu.enqueue_dma source(%arg15 : memref<40x128xf32, #tpu.memory_space<vmem>>) target(%dma_start3A_92 : memref<40x128xf32, #tpu.memory_space<vmem_shared>>) target_semaphore(%run_scoped3A : memref<!tpu.dma_semaphore, #tpu.memory_space<semaphore_mem>>)
      %dma_wait3A = arith.constant 0 : i32
      %dma_wait3A_93 = tpu.memref_slice %arg17[%add3A_61, %dma_wait3A] : memref<10240x128xf32, #tpu.memory_space<vmem_shared>> -> memref<40x128xf32, #tpu.memory_space<vmem_shared>>
      %dma_wait3A_94 = arith.constant 0 : i32
      %dma_wait3A_95 = tpu.memref_slice %arg17[%add3A_61, %dma_wait3A_94] : memref<10240x128xf32, #tpu.memory_space<vmem_shared>> -> memref<40x128xf32, #tpu.memory_space<vmem_shared>>
      tpu.wait_dma2 semaphore(%run_scoped3A : memref<!tpu.dma_semaphore, #tpu.memory_space<semaphore_mem>>) src(%arg15 : memref<40x128xf32, #tpu.memory_space<vmem>>) dst(%dma_wait3A_95 : memref<40x128xf32, #tpu.memory_space<vmem_shared>>)
      tpu.yield
    }) : () -> ()
    %mul3A_62 = arith.constant 640 : i32
    %mul3A_63 = arith.muli %arg1, %mul3A_62 : i32
    %add3A_64 = arith.constant 560 : i32
    %add3A_65 = arith.addi %mul3A_63, %add3A_64 : i32
    "tpu.region"() ({
      %run_scoped3A = tpu.sem_alloc : memref<!tpu.dma_semaphore, #tpu.memory_space<semaphore_mem>>
      %dma_start3A = arith.constant 0 : i32
      %dma_start3A_90 = tpu.memref_slice %arg17[%add3A_65, %dma_start3A] : memref<10240x128xf32, #tpu.memory_space<vmem_shared>> -> memref<40x128xf32, #tpu.memory_space<vmem_shared>>
      %dma_start3A_91 = arith.constant 0 : i32
      %dma_start3A_92 = tpu.memref_slice %arg17[%add3A_65, %dma_start3A_91] : memref<10240x128xf32, #tpu.memory_space<vmem_shared>> -> memref<40x128xf32, #tpu.memory_space<vmem_shared>>
      tpu.enqueue_dma source(%arg15 : memref<40x128xf32, #tpu.memory_space<vmem>>) target(%dma_start3A_92 : memref<40x128xf32, #tpu.memory_space<vmem_shared>>) target_semaphore(%run_scoped3A : memref<!tpu.dma_semaphore, #tpu.memory_space<semaphore_mem>>)
      %dma_wait3A = arith.constant 0 : i32
      %dma_wait3A_93 = tpu.memref_slice %arg17[%add3A_65, %dma_wait3A] : memref<10240x128xf32, #tpu.memory_space<vmem_shared>> -> memref<40x128xf32, #tpu.memory_space<vmem_shared>>
      %dma_wait3A_94 = arith.constant 0 : i32
      %dma_wait3A_95 = tpu.memref_slice %arg17[%add3A_65, %dma_wait3A_94] : memref<10240x128xf32, #tpu.memory_space<vmem_shared>> -> memref<40x128xf32, #tpu.memory_space<vmem_shared>>
      tpu.wait_dma2 semaphore(%run_scoped3A : memref<!tpu.dma_semaphore, #tpu.memory_space<semaphore_mem>>) src(%arg15 : memref<40x128xf32, #tpu.memory_space<vmem>>) dst(%dma_wait3A_95 : memref<40x128xf32, #tpu.memory_space<vmem_shared>>)
      tpu.yield
    }) : () -> ()
    %mul3A_66 = arith.constant 640 : i32
    %mul3A_67 = arith.muli %arg1, %mul3A_66 : i32
    %add3A_68 = arith.constant 600 : i32
    %add3A_69 = arith.addi %mul3A_67, %add3A_68 : i32
    "tpu.region"() ({
      %run_scoped3A = tpu.sem_alloc : memref<!tpu.dma_semaphore, #tpu.memory_space<semaphore_mem>>
      %dma_start3A = arith.constant 0 : i32
      %dma_start3A_90 = tpu.memref_slice %arg17[%add3A_69, %dma_start3A] : memref<10240x128xf32, #tpu.memory_space<vmem_shared>> -> memref<40x128xf32, #tpu.memory_space<vmem_shared>>
      %dma_start3A_91 = arith.constant 0 : i32
      %dma_start3A_92 = tpu.memref_slice %arg17[%add3A_69, %dma_start3A_91] : memref<10240x128xf32, #tpu.memory_space<vmem_shared>> -> memref<40x128xf32, #tpu.memory_space<vmem_shared>>
      tpu.enqueue_dma source(%arg15 : memref<40x128xf32, #tpu.memory_space<vmem>>) target(%dma_start3A_92 : memref<40x128xf32, #tpu.memory_space<vmem_shared>>) target_semaphore(%run_scoped3A : memref<!tpu.dma_semaphore, #tpu.memory_space<semaphore_mem>>)
      %dma_wait3A = arith.constant 0 : i32
      %dma_wait3A_93 = tpu.memref_slice %arg17[%add3A_69, %dma_wait3A] : memref<10240x128xf32, #tpu.memory_space<vmem_shared>> -> memref<40x128xf32, #tpu.memory_space<vmem_shared>>
      %dma_wait3A_94 = arith.constant 0 : i32
      %dma_wait3A_95 = tpu.memref_slice %arg17[%add3A_69, %dma_wait3A_94] : memref<10240x128xf32, #tpu.memory_space<vmem_shared>> -> memref<40x128xf32, #tpu.memory_space<vmem_shared>>
      tpu.wait_dma2 semaphore(%run_scoped3A : memref<!tpu.dma_semaphore, #tpu.memory_space<semaphore_mem>>) src(%arg15 : memref<40x128xf32, #tpu.memory_space<vmem>>) dst(%dma_wait3A_95 : memref<40x128xf32, #tpu.memory_space<vmem_shared>>)
      tpu.yield
    }) : () -> ()
    %mul3A_70 = arith.constant 80 : i32
    %mul3A_71 = arith.muli %arg1, %mul3A_70 : i32
    %add3A_72 = arith.constant 0 : i32
    %add3A_73 = arith.addi %mul3A_71, %add3A_72 : i32
    "tpu.region"() ({
      %run_scoped3A = tpu.sem_alloc : memref<!tpu.dma_semaphore, #tpu.memory_space<semaphore_mem>>
      %dma_start3A = arith.constant 0 : i32
      %dma_start3A_90 = tpu.memref_slice %arg18[%add3A_73, %dma_start3A] : memref<1280x128xf32, #tpu.memory_space<vmem_shared>> -> memref<40x128xf32, #tpu.memory_space<vmem_shared>>
      %dma_start3A_91 = arith.constant 0 : i32
      %dma_start3A_92 = tpu.memref_slice %arg18[%add3A_73, %dma_start3A_91] : memref<1280x128xf32, #tpu.memory_space<vmem_shared>> -> memref<40x128xf32, #tpu.memory_space<vmem_shared>>
      tpu.enqueue_dma source(%arg15 : memref<40x128xf32, #tpu.memory_space<vmem>>) target(%dma_start3A_92 : memref<40x128xf32, #tpu.memory_space<vmem_shared>>) target_semaphore(%run_scoped3A : memref<!tpu.dma_semaphore, #tpu.memory_space<semaphore_mem>>)
      %dma_wait3A = arith.constant 0 : i32
      %dma_wait3A_93 = tpu.memref_slice %arg18[%add3A_73, %dma_wait3A] : memref<1280x128xf32, #tpu.memory_space<vmem_shared>> -> memref<40x128xf32, #tpu.memory_space<vmem_shared>>
      %dma_wait3A_94 = arith.constant 0 : i32
      %dma_wait3A_95 = tpu.memref_slice %arg18[%add3A_73, %dma_wait3A_94] : memref<1280x128xf32, #tpu.memory_space<vmem_shared>> -> memref<40x128xf32, #tpu.memory_space<vmem_shared>>
      tpu.wait_dma2 semaphore(%run_scoped3A : memref<!tpu.dma_semaphore, #tpu.memory_space<semaphore_mem>>) src(%arg15 : memref<40x128xf32, #tpu.memory_space<vmem>>) dst(%dma_wait3A_95 : memref<40x128xf32, #tpu.memory_space<vmem_shared>>)
      tpu.yield
    }) : () -> ()
    %mul3A_74 = arith.constant 80 : i32
    %mul3A_75 = arith.muli %arg1, %mul3A_74 : i32
    %add3A_76 = arith.constant 40 : i32
    %add3A_77 = arith.addi %mul3A_75, %add3A_76 : i32
    "tpu.region"() ({
      %run_scoped3A = tpu.sem_alloc : memref<!tpu.dma_semaphore, #tpu.memory_space<semaphore_mem>>
      %dma_start3A = arith.constant 0 : i32
      %dma_start3A_90 = tpu.memref_slice %arg18[%add3A_77, %dma_start3A] : memref<1280x128xf32, #tpu.memory_space<vmem_shared>> -> memref<40x128xf32, #tpu.memory_space<vmem_shared>>
      %dma_start3A_91 = arith.constant 0 : i32
      %dma_start3A_92 = tpu.memref_slice %arg18[%add3A_77, %dma_start3A_91] : memref<1280x128xf32, #tpu.memory_space<vmem_shared>> -> memref<40x128xf32, #tpu.memory_space<vmem_shared>>
      tpu.enqueue_dma source(%arg15 : memref<40x128xf32, #tpu.memory_space<vmem>>) target(%dma_start3A_92 : memref<40x128xf32, #tpu.memory_space<vmem_shared>>) target_semaphore(%run_scoped3A : memref<!tpu.dma_semaphore, #tpu.memory_space<semaphore_mem>>)
      %dma_wait3A = arith.constant 0 : i32
      %dma_wait3A_93 = tpu.memref_slice %arg18[%add3A_77, %dma_wait3A] : memref<1280x128xf32, #tpu.memory_space<vmem_shared>> -> memref<40x128xf32, #tpu.memory_space<vmem_shared>>
      %dma_wait3A_94 = arith.constant 0 : i32
      %dma_wait3A_95 = tpu.memref_slice %arg18[%add3A_77, %dma_wait3A_94] : memref<1280x128xf32, #tpu.memory_space<vmem_shared>> -> memref<40x128xf32, #tpu.memory_space<vmem_shared>>
      tpu.wait_dma2 semaphore(%run_scoped3A : memref<!tpu.dma_semaphore, #tpu.memory_space<semaphore_mem>>) src(%arg15 : memref<40x128xf32, #tpu.memory_space<vmem>>) dst(%dma_wait3A_95 : memref<40x128xf32, #tpu.memory_space<vmem_shared>>)
      tpu.yield
    }) : () -> ()
    %barrier3A = arith.constant 0 : index
    tpu.barrier barrier_id(%barrier3A)
    %mul3A_78 = arith.constant 10000 : i32
    %mul3A_79 = arith.muli %add3A, %mul3A_78 : i32
    %scan3A_80 = arith.constant 0 : i32
    %scan3A_81 = arith.constant 250 : i32
    %scan3A_82 = arith.addi %scan3A_80, %scan3A_81 : i32
    %scan3A_83 = arith.constant 1 : i32
    scf.for %scan3A_90 = %scan3A_80 to %scan3A_82 step %scan3A_83  : i32 {
      %mul3A_91 = arith.constant 1 : i32
      %mul3A_92 = arith.muli %scan3A_90, %mul3A_91 : i32
      %add3A_93 = arith.constant 0 : i32
      %add3A_94 = arith.addi %add3A_93, %mul3A_92 : i32
      %mul3A_95 = arith.constant 40 : i32
      %mul3A_96 = arith.muli %add3A_94, %mul3A_95 : i32
      %add3A_97 = arith.addi %mul3A_79, %mul3A_96 : i32
      "tpu.region"() ({
        %run_scoped3A = tpu.sem_alloc : memref<!tpu.dma_semaphore, #tpu.memory_space<semaphore_mem>>
        %dma_start3A = tpu.memref_slice %arg5[%add3A_97] : memref<320000xi32, #tpu.memory_space<hbm>> -> memref<40xi32, #tpu.memory_space<hbm>>
        %dma_start3A_121 = tpu.memref_slice %arg5[%add3A_97] : memref<320000xi32, #tpu.memory_space<hbm>> -> memref<40xi32, #tpu.memory_space<hbm>>
        tpu.enqueue_dma source(%dma_start3A_121 : memref<40xi32, #tpu.memory_space<hbm>>) target(%arg9 : memref<40xi32, #tpu.memory_space<vmem>>) target_semaphore(%run_scoped3A : memref<!tpu.dma_semaphore, #tpu.memory_space<semaphore_mem>>)
        %dma_wait3A = tpu.memref_slice %arg5[%add3A_97] : memref<320000xi32, #tpu.memory_space<hbm>> -> memref<40xi32, #tpu.memory_space<hbm>>
        %dma_wait3A_122 = tpu.memref_slice %arg5[%add3A_97] : memref<320000xi32, #tpu.memory_space<hbm>> -> memref<40xi32, #tpu.memory_space<hbm>>
        tpu.wait_dma2 semaphore(%run_scoped3A : memref<!tpu.dma_semaphore, #tpu.memory_space<semaphore_mem>>) src(%dma_wait3A_122 : memref<40xi32, #tpu.memory_space<hbm>>) dst(%arg9 : memref<40xi32, #tpu.memory_space<vmem>>)
        tpu.yield
      }) : () -> ()
      "tpu.region"() ({
        %run_scoped3A = tpu.sem_alloc : memref<!tpu.dma_semaphore, #tpu.memory_space<semaphore_mem>>
        %dma_start3A = arith.constant 0 : i32
        %dma_start3A_121 = tpu.memref_slice %arg10[%dma_start3A] : memref<56xi32, #tpu.memory_space<vmem>> -> memref<40xi32, #tpu.memory_space<vmem>>
        %dma_start3A_122 = tpu.memref_slice %arg6[%add3A_97] : memref<320000xi32, #tpu.memory_space<hbm>> -> memref<40xi32, #tpu.memory_space<hbm>>
        %dma_start3A_123 = arith.constant 0 : i32
        %dma_start3A_124 = tpu.memref_slice %arg10[%dma_start3A_123] : memref<56xi32, #tpu.memory_space<vmem>> -> memref<40xi32, #tpu.memory_space<vmem>>
        %dma_start3A_125 = tpu.memref_slice %arg6[%add3A_97] : memref<320000xi32, #tpu.memory_space<hbm>> -> memref<40xi32, #tpu.memory_space<hbm>>
        tpu.enqueue_dma source(%dma_start3A_125 : memref<40xi32, #tpu.memory_space<hbm>>) target(%dma_start3A_124 : memref<40xi32, #tpu.memory_space<vmem>>) target_semaphore(%run_scoped3A : memref<!tpu.dma_semaphore, #tpu.memory_space<semaphore_mem>>)
        %dma_wait3A = arith.constant 0 : i32
        %dma_wait3A_126 = tpu.memref_slice %arg10[%dma_wait3A] : memref<56xi32, #tpu.memory_space<vmem>> -> memref<40xi32, #tpu.memory_space<vmem>>
        %dma_wait3A_127 = tpu.memref_slice %arg6[%add3A_97] : memref<320000xi32, #tpu.memory_space<hbm>> -> memref<40xi32, #tpu.memory_space<hbm>>
        %dma_wait3A_128 = arith.constant 0 : i32
        %dma_wait3A_129 = tpu.memref_slice %arg10[%dma_wait3A_128] : memref<56xi32, #tpu.memory_space<vmem>> -> memref<40xi32, #tpu.memory_space<vmem>>
        %dma_wait3A_130 = tpu.memref_slice %arg6[%add3A_97] : memref<320000xi32, #tpu.memory_space<hbm>> -> memref<40xi32, #tpu.memory_space<hbm>>
        tpu.wait_dma2 semaphore(%run_scoped3A : memref<!tpu.dma_semaphore, #tpu.memory_space<semaphore_mem>>) src(%dma_wait3A_130 : memref<40xi32, #tpu.memory_space<hbm>>) dst(%dma_wait3A_129 : memref<40xi32, #tpu.memory_space<vmem>>)
        tpu.yield
      }) : () -> ()
      "tpu.region"() ({
        %run_scoped3A = tpu.sem_alloc : memref<!tpu.dma_semaphore, #tpu.memory_space<semaphore_mem>>
        %dma_start3A = arith.constant 0 : i32
        %dma_start3A_121 = arith.constant 0 : i32
        %dma_start3A_122 = tpu.memref_slice %arg3[%dma_start3A, %dma_start3A_121] : memref<10000x256xf32, #tpu.memory_space<hbm>> -> memref<10000x256xf32, #tpu.memory_space<hbm>>
        tpu.enqueue_indirect_dma source(%dma_start3A_122 : memref<10000x256xf32, #tpu.memory_space<hbm>>) target(%arg12 : memref<40x256xf32, #tpu.memory_space<vmem>>) offsets(%arg9 : memref<40xi32, #tpu.memory_space<vmem>>) semaphore(%run_scoped3A : memref<!tpu.dma_semaphore, #tpu.memory_space<semaphore_mem>>)
        %dma_wait3A = arith.constant 0 : i32
        %dma_wait3A_123 = arith.constant 0 : i32
        %dma_wait3A_124 = tpu.memref_slice %arg3[%dma_wait3A, %dma_wait3A_123] : memref<10000x256xf32, #tpu.memory_space<hbm>> -> memref<10000x256xf32, #tpu.memory_space<hbm>>
        tpu.wait_indirect_dma semaphore(%run_scoped3A : memref<!tpu.dma_semaphore, #tpu.memory_space<semaphore_mem>>) src(%dma_wait3A_124 : memref<10000x256xf32, #tpu.memory_space<hbm>>) dst(%arg12 : memref<40x256xf32, #tpu.memory_space<vmem>>)
        tpu.yield
      }) : () -> ()
      "tpu.region"() ({
        %run_scoped3A = tpu.sem_alloc : memref<!tpu.dma_semaphore, #tpu.memory_space<semaphore_mem>>
        %dma_start3A = arith.constant 0 : i32
        %dma_start3A_121 = tpu.memref_slice %arg10[%dma_start3A] : memref<56xi32, #tpu.memory_space<vmem>> -> memref<40xi32, #tpu.memory_space<vmem>>
        %dma_start3A_122 = arith.constant 0 : i32
        %dma_start3A_123 = arith.constant 0 : i32
        %dma_start3A_124 = tpu.memref_slice %arg2[%dma_start3A_122, %dma_start3A_123] : memref<10000x128xf32, #tpu.memory_space<hbm>> -> memref<10000x128xf32, #tpu.memory_space<hbm>>
        tpu.enqueue_indirect_dma source(%dma_start3A_124 : memref<10000x128xf32, #tpu.memory_space<hbm>>) target(%arg13 : memref<40x128xf32, #tpu.memory_space<vmem>>) offsets(%dma_start3A_121 : memref<40xi32, #tpu.memory_space<vmem>>) semaphore(%run_scoped3A : memref<!tpu.dma_semaphore, #tpu.memory_space<semaphore_mem>>)
        %dma_wait3A = arith.constant 0 : i32
        %dma_wait3A_125 = tpu.memref_slice %arg10[%dma_wait3A] : memref<56xi32, #tpu.memory_space<vmem>> -> memref<40xi32, #tpu.memory_space<vmem>>
        %dma_wait3A_126 = arith.constant 0 : i32
        %dma_wait3A_127 = arith.constant 0 : i32
        %dma_wait3A_128 = tpu.memref_slice %arg2[%dma_wait3A_126, %dma_wait3A_127] : memref<10000x128xf32, #tpu.memory_space<hbm>> -> memref<10000x128xf32, #tpu.memory_space<hbm>>
        tpu.wait_indirect_dma semaphore(%run_scoped3A : memref<!tpu.dma_semaphore, #tpu.memory_space<semaphore_mem>>) src(%dma_wait3A_128 : memref<10000x128xf32, #tpu.memory_space<hbm>>) dst(%arg13 : memref<40x128xf32, #tpu.memory_space<vmem>>)
        tpu.yield
      }) : () -> ()
      "tpu.region"() ({
        %run_scoped3A = tpu.sem_alloc : memref<!tpu.dma_semaphore, #tpu.memory_space<semaphore_mem>>
        %dma_start3A = arith.constant 0 : i32
        %dma_start3A_121 = tpu.memref_slice %arg4[%add3A_97, %dma_start3A] : memref<320000x128xf32, #tpu.memory_space<hbm>> -> memref<40x128xf32, #tpu.memory_space<hbm>>
        %dma_start3A_122 = arith.constant 0 : i32
        %dma_start3A_123 = tpu.memref_slice %arg4[%add3A_97, %dma_start3A_122] : memref<320000x128xf32, #tpu.memory_space<hbm>> -> memref<40x128xf32, #tpu.memory_space<hbm>>
        tpu.enqueue_dma source(%dma_start3A_123 : memref<40x128xf32, #tpu.memory_space<hbm>>) target(%arg14 : memref<40x128xf32, #tpu.memory_space<vmem>>) target_semaphore(%run_scoped3A : memref<!tpu.dma_semaphore, #tpu.memory_space<semaphore_mem>>)
        %dma_wait3A = arith.constant 0 : i32
        %dma_wait3A_124 = tpu.memref_slice %arg4[%add3A_97, %dma_wait3A] : memref<320000x128xf32, #tpu.memory_space<hbm>> -> memref<40x128xf32, #tpu.memory_space<hbm>>
        %dma_wait3A_125 = arith.constant 0 : i32
        %dma_wait3A_126 = tpu.memref_slice %arg4[%add3A_97, %dma_wait3A_125] : memref<320000x128xf32, #tpu.memory_space<hbm>> -> memref<40x128xf32, #tpu.memory_space<hbm>>
        tpu.wait_dma2 semaphore(%run_scoped3A : memref<!tpu.dma_semaphore, #tpu.memory_space<semaphore_mem>>) src(%dma_wait3A_126 : memref<40x128xf32, #tpu.memory_space<hbm>>) dst(%arg14 : memref<40x128xf32, #tpu.memory_space<vmem>>)
        tpu.yield
      }) : () -> ()
      %get3A = arith.constant 0 : index
      %get3A_98 = tpu.vector_load %arg10[%get3A] {strides = array<i32>} : memref<56xi32, #tpu.memory_space<vmem>>, vector<16xi32>,
      %shift_right_logical3A = arith.constant 3 : i32
      %shift_right_logical3A_99 = vector.broadcast %shift_right_logical3A : i32 to vector<16xi32>
      %shift_right_logical3A_100 = arith.shrui %get3A_98, %shift_right_logical3A_99 : vector<16xi32>
      %swap3A = arith.constant 0 : index
      %swap3A_101 = tpu.vector_load %arg11[%swap3A] {strides = array<i32>} : memref<40xi32, #tpu.memory_space<vmem>>, vector<16xi32>,
      tpu.vector_store %arg11[%swap3A], %shift_right_logical3A_100 {strides = array<i32>} : memref<40xi32, #tpu.memory_space<vmem>>, vector<16xi32>,
      %get3A_102 = arith.constant 16 : index
      %get3A_103 = tpu.vector_load %arg10[%get3A_102] {strides = array<i32>} : memref<56xi32, #tpu.memory_space<vmem>>, vector<16xi32>,
      %shift_right_logical3A_104 = arith.constant 3 : i32
      %shift_right_logical3A_105 = vector.broadcast %shift_right_logical3A_104 : i32 to vector<16xi32>
      %shift_right_logical3A_106 = arith.shrui %get3A_103, %shift_right_logical3A_105 : vector<16xi32>
      %swap3A_107 = arith.constant 16 : index
      %swap3A_108 = tpu.vector_load %arg11[%swap3A_107] {strides = array<i32>} : memref<40xi32, #tpu.memory_space<vmem>>, vector<16xi32>,
      tpu.vector_store %arg11[%swap3A_107], %shift_right_logical3A_106 {strides = array<i32>} : memref<40xi32, #tpu.memory_space<vmem>>, vector<16xi32>,
      %get3A_109 = arith.constant 24 : index
      %get3A_110 = tpu.vector_load %arg10[%get3A_109] {strides = array<i32>} : memref<56xi32, #tpu.memory_space<vmem>>, vector<16xi32>,
      %shift_right_logical3A_111 = arith.constant 3 : i32
      %shift_right_logical3A_112 = vector.broadcast %shift_right_logical3A_111 : i32 to vector<16xi32>
      %shift_right_logical3A_113 = arith.shrui %get3A_110, %shift_right_logical3A_112 : vector<16xi32>
      %swap3A_114 = arith.constant 24 : index
      %swap3A_115 = tpu.vector_load %arg11[%swap3A_114] {strides = array<i32>} : memref<40xi32, #tpu.memory_space<vmem>>, vector<16xi32>,
      tpu.vector_store %arg11[%swap3A_114], %shift_right_logical3A_113 {strides = array<i32>} : memref<40xi32, #tpu.memory_space<vmem>>, vector<16xi32>,
      %iota3A = tpu.iota {dimensions = array<i32: 0>} : vector<16xi32>
      %scan3A_116 = arith.constant 0 : i32
      %scan3A_117 = arith.constant 40 : i32
      %scan3A_118 = arith.addi %scan3A_116, %scan3A_117 : i32
      %scan3A_119 = arith.constant 1 : i32
      scf.for %scan3A_121 = %scan3A_116 to %scan3A_118 step %scan3A_119  : i32 {
        %mul3A_122 = arith.constant 1 : i32
        %mul3A_123 = arith.muli %scan3A_121, %mul3A_122 : i32
        %add3A_124 = arith.constant 0 : i32
        %add3A_125 = arith.addi %add3A_124, %mul3A_123 : i32
        %get3A_126 = arith.index_cast %add3A_125 : i32 to index
        %get3A_127 = arith.constant 0 : index
        %get3A_128 = tpu.vector_load %arg13[%get3A_126, %get3A_127] {strides = array<i32>} : memref<40x128xf32, #tpu.memory_space<vmem>>, vector<16xf32>,
        %get3A_129 = arith.index_cast %add3A_125 : i32 to index
        %get3A_130 = arith.constant 0 : index
        %get3A_131 = tpu.vector_load %arg12[%get3A_129, %get3A_130] {strides = array<i32>} : memref<40x256xf32, #tpu.memory_space<vmem>>, vector<16xf32>,
        %get3A_132 = arith.index_cast %add3A_125 : i32 to index
        %get3A_133 = arith.constant 0 : index
        %get3A_134 = tpu.vector_load %arg14[%get3A_132, %get3A_133] {strides = array<i32>} : memref<40x128xf32, #tpu.memory_space<vmem>>, vector<16xf32>,
        %add3A_135 = arith.addf %get3A_131, %get3A_134 : vector<16xf32>
        %mul3A_136 = arith.mulf %get3A_128, %add3A_135 : vector<16xf32>
        %get3A_137 = arith.index_cast %add3A_125 : i32 to index
        %get3A_138 = arith.constant 16 : index
        %get3A_139 = tpu.vector_load %arg13[%get3A_137, %get3A_138] {strides = array<i32>} : memref<40x128xf32, #tpu.memory_space<vmem>>, vector<16xf32>,
        %get3A_140 = arith.index_cast %add3A_125 : i32 to index
        %get3A_141 = arith.constant 16 : index
        %get3A_142 = tpu.vector_load %arg12[%get3A_140, %get3A_141] {strides = array<i32>} : memref<40x256xf32, #tpu.memory_space<vmem>>, vector<16xf32>,
        %get3A_143 = arith.index_cast %add3A_125 : i32 to index
        %get3A_144 = arith.constant 16 : index
        %get3A_145 = tpu.vector_load %arg14[%get3A_143, %get3A_144] {strides = array<i32>} : memref<40x128xf32, #tpu.memory_space<vmem>>, vector<16xf32>,
        %add3A_146 = arith.addf %get3A_142, %get3A_145 : vector<16xf32>
        %mul3A_147 = arith.mulf %get3A_139, %add3A_146 : vector<16xf32>
        %get3A_148 = arith.index_cast %add3A_125 : i32 to index
        %get3A_149 = arith.constant 32 : index
        %get3A_150 = tpu.vector_load %arg13[%get3A_148, %get3A_149] {strides = array<i32>} : memref<40x128xf32, #tpu.memory_space<vmem>>, vector<16xf32>,
        %get3A_151 = arith.index_cast %add3A_125 : i32 to index
        %get3A_152 = arith.constant 32 : index
        %get3A_153 = tpu.vector_load %arg12[%get3A_151, %get3A_152] {strides = array<i32>} : memref<40x256xf32, #tpu.memory_space<vmem>>, vector<16xf32>,
        %get3A_154 = arith.index_cast %add3A_125 : i32 to index
        %get3A_155 = arith.constant 32 : index
        %get3A_156 = tpu.vector_load %arg14[%get3A_154, %get3A_155] {strides = array<i32>} : memref<40x128xf32, #tpu.memory_space<vmem>>, vector<16xf32>,
        %add3A_157 = arith.addf %get3A_153, %get3A_156 : vector<16xf32>
        %mul3A_158 = arith.mulf %get3A_150, %add3A_157 : vector<16xf32>
        %get3A_159 = arith.index_cast %add3A_125 : i32 to index
        %get3A_160 = arith.constant 48 : index
        %get3A_161 = tpu.vector_load %arg13[%get3A_159, %get3A_160] {strides = array<i32>} : memref<40x128xf32, #tpu.memory_space<vmem>>, vector<16xf32>,
        %get3A_162 = arith.index_cast %add3A_125 : i32 to index
        %get3A_163 = arith.constant 48 : index
        %get3A_164 = tpu.vector_load %arg12[%get3A_162, %get3A_163] {strides = array<i32>} : memref<40x256xf32, #tpu.memory_space<vmem>>, vector<16xf32>,
        %get3A_165 = arith.index_cast %add3A_125 : i32 to index
        %get3A_166 = arith.constant 48 : index
        %get3A_167 = tpu.vector_load %arg14[%get3A_165, %get3A_166] {strides = array<i32>} : memref<40x128xf32, #tpu.memory_space<vmem>>, vector<16xf32>,
        %add3A_168 = arith.addf %get3A_164, %get3A_167 : vector<16xf32>
        %mul3A_169 = arith.mulf %get3A_161, %add3A_168 : vector<16xf32>
        %get3A_170 = arith.index_cast %add3A_125 : i32 to index
        %get3A_171 = arith.constant 64 : index
        %get3A_172 = tpu.vector_load %arg13[%get3A_170, %get3A_171] {strides = array<i32>} : memref<40x128xf32, #tpu.memory_space<vmem>>, vector<16xf32>,
        %get3A_173 = arith.index_cast %add3A_125 : i32 to index
        %get3A_174 = arith.constant 64 : index
        %get3A_175 = tpu.vector_load %arg12[%get3A_173, %get3A_174] {strides = array<i32>} : memref<40x256xf32, #tpu.memory_space<vmem>>, vector<16xf32>,
        %get3A_176 = arith.index_cast %add3A_125 : i32 to index
        %get3A_177 = arith.constant 64 : index
        %get3A_178 = tpu.vector_load %arg14[%get3A_176, %get3A_177] {strides = array<i32>} : memref<40x128xf32, #tpu.memory_space<vmem>>, vector<16xf32>,
        %add3A_179 = arith.addf %get3A_175, %get3A_178 : vector<16xf32>
        %mul3A_180 = arith.mulf %get3A_172, %add3A_179 : vector<16xf32>
        %get3A_181 = arith.index_cast %add3A_125 : i32 to index
        %get3A_182 = arith.constant 80 : index
        %get3A_183 = tpu.vector_load %arg13[%get3A_181, %get3A_182] {strides = array<i32>} : memref<40x128xf32, #tpu.memory_space<vmem>>, vector<16xf32>,
        %get3A_184 = arith.index_cast %add3A_125 : i32 to index
        %get3A_185 = arith.constant 80 : index
        %get3A_186 = tpu.vector_load %arg12[%get3A_184, %get3A_185] {strides = array<i32>} : memref<40x256xf32, #tpu.memory_space<vmem>>, vector<16xf32>,
        %get3A_187 = arith.index_cast %add3A_125 : i32 to index
        %get3A_188 = arith.constant 80 : index
        %get3A_189 = tpu.vector_load %arg14[%get3A_187, %get3A_188] {strides = array<i32>} : memref<40x128xf32, #tpu.memory_space<vmem>>, vector<16xf32>,
        %add3A_190 = arith.addf %get3A_186, %get3A_189 : vector<16xf32>
        %mul3A_191 = arith.mulf %get3A_183, %add3A_190 : vector<16xf32>
        %get3A_192 = arith.index_cast %add3A_125 : i32 to index
        %get3A_193 = arith.constant 96 : index
        %get3A_194 = tpu.vector_load %arg13[%get3A_192, %get3A_193] {strides = array<i32>} : memref<40x128xf32, #tpu.memory_space<vmem>>, vector<16xf32>,
        %get3A_195 = arith.index_cast %add3A_125 : i32 to index
        %get3A_196 = arith.constant 96 : index
        %get3A_197 = tpu.vector_load %arg12[%get3A_195, %get3A_196] {strides = array<i32>} : memref<40x256xf32, #tpu.memory_space<vmem>>, vector<16xf32>,
        %get3A_198 = arith.index_cast %add3A_125 : i32 to index
        %get3A_199 = arith.constant 96 : index
        %get3A_200 = tpu.vector_load %arg14[%get3A_198, %get3A_199] {strides = array<i32>} : memref<40x128xf32, #tpu.memory_space<vmem>>, vector<16xf32>,
        %add3A_201 = arith.addf %get3A_197, %get3A_200 : vector<16xf32>
        %mul3A_202 = arith.mulf %get3A_194, %add3A_201 : vector<16xf32>
        %get3A_203 = arith.index_cast %add3A_125 : i32 to index
        %get3A_204 = arith.constant 112 : index
        %get3A_205 = tpu.vector_load %arg13[%get3A_203, %get3A_204] {strides = array<i32>} : memref<40x128xf32, #tpu.memory_space<vmem>>, vector<16xf32>,
        %get3A_206 = arith.index_cast %add3A_125 : i32 to index
        %get3A_207 = arith.constant 112 : index
        %get3A_208 = tpu.vector_load %arg12[%get3A_206, %get3A_207] {strides = array<i32>} : memref<40x256xf32, #tpu.memory_space<vmem>>, vector<16xf32>,
        %get3A_209 = arith.index_cast %add3A_125 : i32 to index
        %get3A_210 = arith.constant 112 : index
        %get3A_211 = tpu.vector_load %arg14[%get3A_209, %get3A_210] {strides = array<i32>} : memref<40x128xf32, #tpu.memory_space<vmem>>, vector<16xf32>,
        %add3A_212 = arith.addf %get3A_208, %get3A_211 : vector<16xf32>
        %mul3A_213 = arith.mulf %get3A_205, %add3A_212 : vector<16xf32>
        %add3A_214 = arith.addf %mul3A_136, %mul3A_147 : vector<16xf32>
        %reduce_sum3A = arith.constant true
        %reduce_sum3A_215 = vector.broadcast %reduce_sum3A : i1 to vector<16xi1>
        %reduce_sum3A_216 = tpu.scan <sum>, %add3A_214 masked %reduce_sum3A_215 : vector<16xf32>, vector<16xi1> -> vector<16xf32>
        %reduce_sum3A_217 = vector.extract %reduce_sum3A_216[15] : f32 from vector<16xf32>
        %broadcast_in_dim3A_218 = vector.broadcast %reduce_sum3A_217 : f32 to vector<16xf32>
        %exp3A = math.exp %broadcast_in_dim3A_218 : vector<16xf32>
        %add3A_219 = arith.addf %mul3A_158, %mul3A_169 : vector<16xf32>
        %reduce_sum3A_220 = arith.constant true
        %reduce_sum3A_221 = vector.broadcast %reduce_sum3A_220 : i1 to vector<16xi1>
        %reduce_sum3A_222 = tpu.scan <sum>, %add3A_219 masked %reduce_sum3A_221 : vector<16xf32>, vector<16xi1> -> vector<16xf32>
        %reduce_sum3A_223 = vector.extract %reduce_sum3A_222[15] : f32 from vector<16xf32>
        %broadcast_in_dim3A_224 = vector.broadcast %reduce_sum3A_223 : f32 to vector<16xf32>
        %exp3A_225 = math.exp %broadcast_in_dim3A_224 : vector<16xf32>
        %add3A_226 = arith.addf %mul3A_180, %mul3A_191 : vector<16xf32>
        %reduce_sum3A_227 = arith.constant true
        %reduce_sum3A_228 = vector.broadcast %reduce_sum3A_227 : i1 to vector<16xi1>
        %reduce_sum3A_229 = tpu.scan <sum>, %add3A_226 masked %reduce_sum3A_228 : vector<16xf32>, vector<16xi1> -> vector<16xf32>
        %reduce_sum3A_230 = vector.extract %reduce_sum3A_229[15] : f32 from vector<16xf32>
        %broadcast_in_dim3A_231 = vector.broadcast %reduce_sum3A_230 : f32 to vector<16xf32>
        %exp3A_232 = math.exp %broadcast_in_dim3A_231 : vector<16xf32>
        %add3A_233 = arith.addf %mul3A_202, %mul3A_213 : vector<16xf32>
        %reduce_sum3A_234 = arith.constant true
        %reduce_sum3A_235 = vector.broadcast %reduce_sum3A_234 : i1 to vector<16xi1>
        %reduce_sum3A_236 = tpu.scan <sum>, %add3A_233 masked %reduce_sum3A_235 : vector<16xf32>, vector<16xi1> -> vector<16xf32>
        %reduce_sum3A_237 = vector.extract %reduce_sum3A_236[15] : f32 from vector<16xf32>
        %broadcast_in_dim3A_238 = vector.broadcast %reduce_sum3A_237 : f32 to vector<16xf32>
        %exp3A_239 = math.exp %broadcast_in_dim3A_238 : vector<16xf32>
        %get3A_240 = arith.index_cast %add3A_125 : i32 to index
        %get3A_241 = arith.constant 128 : index
        %get3A_242 = tpu.vector_load %arg12[%get3A_240, %get3A_241] {strides = array<i32>} : memref<40x256xf32, #tpu.memory_space<vmem>>, vector<16xf32>,
        %get3A_243 = arith.index_cast %add3A_125 : i32 to index
        %get3A_244 = arith.constant 0 : index
        %get3A_245 = tpu.vector_load %arg14[%get3A_243, %get3A_244] {strides = array<i32>} : memref<40x128xf32, #tpu.memory_space<vmem>>, vector<16xf32>,
        %add3A_246 = arith.addf %get3A_242, %get3A_245 : vector<16xf32>
        %mul3A_247 = arith.mulf %exp3A, %add3A_246 : vector<16xf32>
        %swap3A_248 = arith.index_cast %add3A_125 : i32 to index
        %swap3A_249 = arith.constant 0 : index
        %swap3A_250 = tpu.vector_load %arg15[%swap3A_248, %swap3A_249] {strides = array<i32>} : memref<40x128xf32, #tpu.memory_space<vmem>>, vector<16xf32>,
        tpu.vector_store %arg15[%swap3A_248, %swap3A_249], %mul3A_247 {strides = array<i32>} : memref<40x128xf32, #tpu.memory_space<vmem>>, vector<16xf32>,
        %get3A_251 = arith.index_cast %add3A_125 : i32 to index
        %get3A_252 = arith.constant 144 : index
        %get3A_253 = tpu.vector_load %arg12[%get3A_251, %get3A_252] {strides = array<i32>} : memref<40x256xf32, #tpu.memory_space<vmem>>, vector<16xf32>,
        %get3A_254 = arith.index_cast %add3A_125 : i32 to index
        %get3A_255 = arith.constant 16 : index
        %get3A_256 = tpu.vector_load %arg14[%get3A_254, %get3A_255] {strides = array<i32>} : memref<40x128xf32, #tpu.memory_space<vmem>>, vector<16xf32>,
        %add3A_257 = arith.addf %get3A_253, %get3A_256 : vector<16xf32>
        %mul3A_258 = arith.mulf %exp3A, %add3A_257 : vector<16xf32>
        %swap3A_259 = arith.index_cast %add3A_125 : i32 to index
        %swap3A_260 = arith.constant 16 : index
        %swap3A_261 = tpu.vector_load %arg15[%swap3A_259, %swap3A_260] {strides = array<i32>} : memref<40x128xf32, #tpu.memory_space<vmem>>, vector<16xf32>,
        tpu.vector_store %arg15[%swap3A_259, %swap3A_260], %mul3A_258 {strides = array<i32>} : memref<40x128xf32, #tpu.memory_space<vmem>>, vector<16xf32>,
        %get3A_262 = arith.index_cast %add3A_125 : i32 to index
        %get3A_263 = arith.constant 160 : index
        %get3A_264 = tpu.vector_load %arg12[%get3A_262, %get3A_263] {strides = array<i32>} : memref<40x256xf32, #tpu.memory_space<vmem>>, vector<16xf32>,
        %get3A_265 = arith.index_cast %add3A_125 : i32 to index
        %get3A_266 = arith.constant 32 : index
        %get3A_267 = tpu.vector_load %arg14[%get3A_265, %get3A_266] {strides = array<i32>} : memref<40x128xf32, #tpu.memory_space<vmem>>, vector<16xf32>,
        %add3A_268 = arith.addf %get3A_264, %get3A_267 : vector<16xf32>
        %mul3A_269 = arith.mulf %exp3A_225, %add3A_268 : vector<16xf32>
        %swap3A_270 = arith.index_cast %add3A_125 : i32 to index
        %swap3A_271 = arith.constant 32 : index
        %swap3A_272 = tpu.vector_load %arg15[%swap3A_270, %swap3A_271] {strides = array<i32>} : memref<40x128xf32, #tpu.memory_space<vmem>>, vector<16xf32>,
        tpu.vector_store %arg15[%swap3A_270, %swap3A_271], %mul3A_269 {strides = array<i32>} : memref<40x128xf32, #tpu.memory_space<vmem>>, vector<16xf32>,
        %get3A_273 = arith.index_cast %add3A_125 : i32 to index
        %get3A_274 = arith.constant 176 : index
        %get3A_275 = tpu.vector_load %arg12[%get3A_273, %get3A_274] {strides = array<i32>} : memref<40x256xf32, #tpu.memory_space<vmem>>, vector<16xf32>,
        %get3A_276 = arith.index_cast %add3A_125 : i32 to index
        %get3A_277 = arith.constant 48 : index
        %get3A_278 = tpu.vector_load %arg14[%get3A_276, %get3A_277] {strides = array<i32>} : memref<40x128xf32, #tpu.memory_space<vmem>>, vector<16xf32>,
        %add3A_279 = arith.addf %get3A_275, %get3A_278 : vector<16xf32>
        %mul3A_280 = arith.mulf %exp3A_225, %add3A_279 : vector<16xf32>
        %swap3A_281 = arith.index_cast %add3A_125 : i32 to index
        %swap3A_282 = arith.constant 48 : index
        %swap3A_283 = tpu.vector_load %arg15[%swap3A_281, %swap3A_282] {strides = array<i32>} : memref<40x128xf32, #tpu.memory_space<vmem>>, vector<16xf32>,
        tpu.vector_store %arg15[%swap3A_281, %swap3A_282], %mul3A_280 {strides = array<i32>} : memref<40x128xf32, #tpu.memory_space<vmem>>, vector<16xf32>,
        %get3A_284 = arith.index_cast %add3A_125 : i32 to index
        %get3A_285 = arith.constant 192 : index
        %get3A_286 = tpu.vector_load %arg12[%get3A_284, %get3A_285] {strides = array<i32>} : memref<40x256xf32, #tpu.memory_space<vmem>>, vector<16xf32>,
        %get3A_287 = arith.index_cast %add3A_125 : i32 to index
        %get3A_288 = arith.constant 64 : index
        %get3A_289 = tpu.vector_load %arg14[%get3A_287, %get3A_288] {strides = array<i32>} : memref<40x128xf32, #tpu.memory_space<vmem>>, vector<16xf32>,
        %add3A_290 = arith.addf %get3A_286, %get3A_289 : vector<16xf32>
        %mul3A_291 = arith.mulf %exp3A_232, %add3A_290 : vector<16xf32>
        %swap3A_292 = arith.index_cast %add3A_125 : i32 to index
        %swap3A_293 = arith.constant 64 : index
        %swap3A_294 = tpu.vector_load %arg15[%swap3A_292, %swap3A_293] {strides = array<i32>} : memref<40x128xf32, #tpu.memory_space<vmem>>, vector<16xf32>,
        tpu.vector_store %arg15[%swap3A_292, %swap3A_293], %mul3A_291 {strides = array<i32>} : memref<40x128xf32, #tpu.memory_space<vmem>>, vector<16xf32>,
        %get3A_295 = arith.index_cast %add3A_125 : i32 to index
        %get3A_296 = arith.constant 208 : index
        %get3A_297 = tpu.vector_load %arg12[%get3A_295, %get3A_296] {strides = array<i32>} : memref<40x256xf32, #tpu.memory_space<vmem>>, vector<16xf32>,
        %get3A_298 = arith.index_cast %add3A_125 : i32 to index
        %get3A_299 = arith.constant 80 : index
        %get3A_300 = tpu.vector_load %arg14[%get3A_298, %get3A_299] {strides = array<i32>} : memref<40x128xf32, #tpu.memory_space<vmem>>, vector<16xf32>,
        %add3A_301 = arith.addf %get3A_297, %get3A_300 : vector<16xf32>
        %mul3A_302 = arith.mulf %exp3A_232, %add3A_301 : vector<16xf32>
        %swap3A_303 = arith.index_cast %add3A_125 : i32 to index
        %swap3A_304 = arith.constant 80 : index
        %swap3A_305 = tpu.vector_load %arg15[%swap3A_303, %swap3A_304] {strides = array<i32>} : memref<40x128xf32, #tpu.memory_space<vmem>>, vector<16xf32>,
        tpu.vector_store %arg15[%swap3A_303, %swap3A_304], %mul3A_302 {strides = array<i32>} : memref<40x128xf32, #tpu.memory_space<vmem>>, vector<16xf32>,
        %get3A_306 = arith.index_cast %add3A_125 : i32 to index
        %get3A_307 = arith.constant 224 : index
        %get3A_308 = tpu.vector_load %arg12[%get3A_306, %get3A_307] {strides = array<i32>} : memref<40x256xf32, #tpu.memory_space<vmem>>, vector<16xf32>,
        %get3A_309 = arith.index_cast %add3A_125 : i32 to index
        %get3A_310 = arith.constant 96 : index
        %get3A_311 = tpu.vector_load %arg14[%get3A_309, %get3A_310] {strides = array<i32>} : memref<40x128xf32, #tpu.memory_space<vmem>>, vector<16xf32>,
        %add3A_312 = arith.addf %get3A_308, %get3A_311 : vector<16xf32>
        %mul3A_313 = arith.mulf %exp3A_239, %add3A_312 : vector<16xf32>
        %swap3A_314 = arith.index_cast %add3A_125 : i32 to index
        %swap3A_315 = arith.constant 96 : index
        %swap3A_316 = tpu.vector_load %arg15[%swap3A_314, %swap3A_315] {strides = array<i32>} : memref<40x128xf32, #tpu.memory_space<vmem>>, vector<16xf32>,
        tpu.vector_store %arg15[%swap3A_314, %swap3A_315], %mul3A_313 {strides = array<i32>} : memref<40x128xf32, #tpu.memory_space<vmem>>, vector<16xf32>,
        %get3A_317 = arith.index_cast %add3A_125 : i32 to index
        %get3A_318 = arith.constant 240 : index
        %get3A_319 = tpu.vector_load %arg12[%get3A_317, %get3A_318] {strides = array<i32>} : memref<40x256xf32, #tpu.memory_space<vmem>>, vector<16xf32>,
        %get3A_320 = arith.index_cast %add3A_125 : i32 to index
        %get3A_321 = arith.constant 112 : index
        %get3A_322 = tpu.vector_load %arg14[%get3A_320, %get3A_321] {strides = array<i32>} : memref<40x128xf32, #tpu.memory_space<vmem>>, vector<16xf32>,
        %add3A_323 = arith.addf %get3A_319, %get3A_322 : vector<16xf32>
        %mul3A_324 = arith.mulf %exp3A_239, %add3A_323 : vector<16xf32>
        %swap3A_325 = arith.index_cast %add3A_125 : i32 to index
        %swap3A_326 = arith.constant 112 : index
        %swap3A_327 = tpu.vector_load %arg15[%swap3A_325, %swap3A_326] {strides = array<i32>} : memref<40x128xf32, #tpu.memory_space<vmem>>, vector<16xf32>,
        tpu.vector_store %arg15[%swap3A_325, %swap3A_326], %mul3A_324 {strides = array<i32>} : memref<40x128xf32, #tpu.memory_space<vmem>>, vector<16xf32>,
        %eq3A = arith.constant 0 : i32
        %eq3A_328 = vector.broadcast %eq3A : i32 to vector<16xi32>
        %eq3A_329 = arith.cmpi eq, %iota3A, %eq3A_328 : vector<16xi32>
        %select_n3A = arith.select %eq3A_329, %exp3A, %broadcast_in_dim3A_1 : vector<16xi1>, vector<16xf32>
        %eq3A_330 = arith.constant 1 : i32
        %eq3A_331 = vector.broadcast %eq3A_330 : i32 to vector<16xi32>
        %eq3A_332 = arith.cmpi eq, %iota3A, %eq3A_331 : vector<16xi32>
        %select_n3A_333 = arith.select %eq3A_332, %exp3A_225, %broadcast_in_dim3A_1 : vector<16xi1>, vector<16xf32>
        %add3A_334 = arith.addf %select_n3A, %select_n3A_333 : vector<16xf32>
        %eq3A_335 = arith.constant 2 : i32
        %eq3A_336 = vector.broadcast %eq3A_335 : i32 to vector<16xi32>
        %eq3A_337 = arith.cmpi eq, %iota3A, %eq3A_336 : vector<16xi32>
        %select_n3A_338 = arith.select %eq3A_337, %exp3A_232, %broadcast_in_dim3A_1 : vector<16xi1>, vector<16xf32>
        %add3A_339 = arith.addf %add3A_334, %select_n3A_338 : vector<16xf32>
        %eq3A_340 = arith.constant 3 : i32
        %eq3A_341 = vector.broadcast %eq3A_340 : i32 to vector<16xi32>
        %eq3A_342 = arith.cmpi eq, %iota3A, %eq3A_341 : vector<16xi32>
        %select_n3A_343 = arith.select %eq3A_342, %exp3A_239, %broadcast_in_dim3A_1 : vector<16xi1>, vector<16xf32>
        %add3A_344 = arith.addf %add3A_339, %select_n3A_343 : vector<16xf32>
        %swap3A_345 = arith.index_cast %add3A_125 : i32 to index
        %swap3A_346 = arith.constant 0 : index
        %swap3A_347 = tpu.vector_load %arg16[%swap3A_345, %swap3A_346] {strides = array<i32>} : memref<40x128xf32, #tpu.memory_space<vmem>>, vector<16xf32>,
        tpu.vector_store %arg16[%swap3A_345, %swap3A_346], %broadcast_in_dim3A_1 {strides = array<i32>} : memref<40x128xf32, #tpu.memory_space<vmem>>, vector<16xf32>,
        %swap3A_348 = arith.index_cast %add3A_125 : i32 to index
        %swap3A_349 = arith.constant 16 : index
        %swap3A_350 = tpu.vector_load %arg16[%swap3A_348, %swap3A_349] {strides = array<i32>} : memref<40x128xf32, #tpu.memory_space<vmem>>, vector<16xf32>,
        tpu.vector_store %arg16[%swap3A_348, %swap3A_349], %broadcast_in_dim3A_1 {strides = array<i32>} : memref<40x128xf32, #tpu.memory_space<vmem>>, vector<16xf32>,
        %swap3A_351 = arith.index_cast %add3A_125 : i32 to index
        %swap3A_352 = arith.constant 32 : index
        %swap3A_353 = tpu.vector_load %arg16[%swap3A_351, %swap3A_352] {strides = array<i32>} : memref<40x128xf32, #tpu.memory_space<vmem>>, vector<16xf32>,
        tpu.vector_store %arg16[%swap3A_351, %swap3A_352], %broadcast_in_dim3A_1 {strides = array<i32>} : memref<40x128xf32, #tpu.memory_space<vmem>>, vector<16xf32>,
        %swap3A_354 = arith.index_cast %add3A_125 : i32 to index
        %swap3A_355 = arith.constant 48 : index
        %swap3A_356 = tpu.vector_load %arg16[%swap3A_354, %swap3A_355] {strides = array<i32>} : memref<40x128xf32, #tpu.memory_space<vmem>>, vector<16xf32>,
        tpu.vector_store %arg16[%swap3A_354, %swap3A_355], %broadcast_in_dim3A_1 {strides = array<i32>} : memref<40x128xf32, #tpu.memory_space<vmem>>, vector<16xf32>,
        %swap3A_357 = arith.index_cast %add3A_125 : i32 to index
        %swap3A_358 = arith.constant 64 : index
        %swap3A_359 = tpu.vector_load %arg16[%swap3A_357, %swap3A_358] {strides = array<i32>} : memref<40x128xf32, #tpu.memory_space<vmem>>, vector<16xf32>,
        tpu.vector_store %arg16[%swap3A_357, %swap3A_358], %broadcast_in_dim3A_1 {strides = array<i32>} : memref<40x128xf32, #tpu.memory_space<vmem>>, vector<16xf32>,
        %swap3A_360 = arith.index_cast %add3A_125 : i32 to index
        %swap3A_361 = arith.constant 80 : index
        %swap3A_362 = tpu.vector_load %arg16[%swap3A_360, %swap3A_361] {strides = array<i32>} : memref<40x128xf32, #tpu.memory_space<vmem>>, vector<16xf32>,
        tpu.vector_store %arg16[%swap3A_360, %swap3A_361], %broadcast_in_dim3A_1 {strides = array<i32>} : memref<40x128xf32, #tpu.memory_space<vmem>>, vector<16xf32>,
        %swap3A_363 = arith.index_cast %add3A_125 : i32 to index
        %swap3A_364 = arith.constant 96 : index
        %swap3A_365 = tpu.vector_load %arg16[%swap3A_363, %swap3A_364] {strides = array<i32>} : memref<40x128xf32, #tpu.memory_space<vmem>>, vector<16xf32>,
        tpu.vector_store %arg16[%swap3A_363, %swap3A_364], %broadcast_in_dim3A_1 {strides = array<i32>} : memref<40x128xf32, #tpu.memory_space<vmem>>, vector<16xf32>,
        %swap3A_366 = arith.index_cast %add3A_125 : i32 to index
        %swap3A_367 = arith.constant 112 : index
        %swap3A_368 = tpu.vector_load %arg16[%swap3A_366, %swap3A_367] {strides = array<i32>} : memref<40x128xf32, #tpu.memory_space<vmem>>, vector<16xf32>,
        tpu.vector_store %arg16[%swap3A_366, %swap3A_367], %broadcast_in_dim3A_1 {strides = array<i32>} : memref<40x128xf32, #tpu.memory_space<vmem>>, vector<16xf32>,
        %get3A_369 = arith.index_cast %add3A_125 : i32 to index
        %get3A_370 = tpu.vector_load %arg10[%get3A_369] {strides = array<i32>} : memref<56xi32, #tpu.memory_space<vmem>>, vector<16xi32>,
        %slice3A = vector.extract_strided_slice %get3A_370 {offsets = [0], sizes = [1], strides = [1]} : vector<16xi32> to vector<1xi32>
        %squeeze3A = vector.extract %slice3A[0] : i32 from vector<1xi32>
        %and3A = arith.constant 7 : i32
        %and3A_371 = arith.andi %squeeze3A, %and3A : i32
        %mul3A_372 = arith.constant 16 : i32
        %mul3A_373 = arith.muli %and3A_371, %mul3A_372 : i32
        %swap3A_374 = arith.index_cast %add3A_125 : i32 to index
        %swap3A_375 = arith.index_cast %mul3A_373 : i32 to index
        %swap3A_376 = tpu.vector_load %arg16[%swap3A_374, %swap3A_375] {strides = array<i32>} : memref<40x128xf32, #tpu.memory_space<vmem>>, vector<16xf32>,
        tpu.vector_store %arg16[%swap3A_374, %swap3A_375], %add3A_344 {strides = array<i32>} : memref<40x128xf32, #tpu.memory_space<vmem>>, vector<16xf32>,
      }
      %scan3A_120 = arith.constant 40 : i32
      "tpu.region"() ({
        %run_scoped3A = tpu.sem_alloc : memref<!tpu.dma_semaphore, #tpu.memory_space<semaphore_mem>>
        %dma_start3A = arith.constant 0 : i32
        %dma_start3A_121 = tpu.memref_slice %arg10[%dma_start3A] : memref<56xi32, #tpu.memory_space<vmem>> -> memref<40xi32, #tpu.memory_space<vmem>>
        %dma_start3A_122 = arith.constant 0 : i32
        %dma_start3A_123 = arith.constant 0 : i32
        %dma_start3A_124 = tpu.memref_slice %arg17[%dma_start3A_122, %dma_start3A_123] : memref<10240x128xf32, #tpu.memory_space<vmem_shared>> -> memref<10240x128xf32, #tpu.memory_space<vmem_shared>>
        tpu.enqueue_indirect_dma source(%arg15 : memref<40x128xf32, #tpu.memory_space<vmem>>) target(%dma_start3A_124 : memref<10240x128xf32, #tpu.memory_space<vmem_shared>>) offsets(%dma_start3A_121 : memref<40xi32, #tpu.memory_space<vmem>>) semaphore(%run_scoped3A : memref<!tpu.dma_semaphore, #tpu.memory_space<semaphore_mem>>) {add = true}
        %dma_wait3A = arith.constant 0 : i32
        %dma_wait3A_125 = tpu.memref_slice %arg10[%dma_wait3A] : memref<56xi32, #tpu.memory_space<vmem>> -> memref<40xi32, #tpu.memory_space<vmem>>
        %dma_wait3A_126 = arith.constant 0 : i32
        %dma_wait3A_127 = arith.constant 0 : i32
        %dma_wait3A_128 = tpu.memref_slice %arg17[%dma_wait3A_126, %dma_wait3A_127] : memref<10240x128xf32, #tpu.memory_space<vmem_shared>> -> memref<10240x128xf32, #tpu.memory_space<vmem_shared>>
        tpu.wait_indirect_dma semaphore(%run_scoped3A : memref<!tpu.dma_semaphore, #tpu.memory_space<semaphore_mem>>) src(%arg15 : memref<40x128xf32, #tpu.memory_space<vmem>>) dst(%dma_wait3A_128 : memref<10240x128xf32, #tpu.memory_space<vmem_shared>>)
        tpu.yield
      }) : () -> ()
      "tpu.region"() ({
        %run_scoped3A = tpu.sem_alloc : memref<!tpu.dma_semaphore, #tpu.memory_space<semaphore_mem>>
        %dma_start3A = arith.constant 0 : i32
        %dma_start3A_121 = arith.constant 0 : i32
        %dma_start3A_122 = tpu.memref_slice %arg18[%dma_start3A, %dma_start3A_121] : memref<1280x128xf32, #tpu.memory_space<vmem_shared>> -> memref<1280x128xf32, #tpu.memory_space<vmem_shared>>
        tpu.enqueue_indirect_dma source(%arg16 : memref<40x128xf32, #tpu.memory_space<vmem>>) target(%dma_start3A_122 : memref<1280x128xf32, #tpu.memory_space<vmem_shared>>) offsets(%arg11 : memref<40xi32, #tpu.memory_space<vmem>>) semaphore(%run_scoped3A : memref<!tpu.dma_semaphore, #tpu.memory_space<semaphore_mem>>) {add = true}
        %dma_wait3A = arith.constant 0 : i32
        %dma_wait3A_123 = arith.constant 0 : i32
        %dma_wait3A_124 = tpu.memref_slice %arg18[%dma_wait3A, %dma_wait3A_123] : memref<1280x128xf32, #tpu.memory_space<vmem_shared>> -> memref<1280x128xf32, #tpu.memory_space<vmem_shared>>
        tpu.wait_indirect_dma semaphore(%run_scoped3A : memref<!tpu.dma_semaphore, #tpu.memory_space<semaphore_mem>>) src(%arg16 : memref<40x128xf32, #tpu.memory_space<vmem>>) dst(%dma_wait3A_124 : memref<1280x128xf32, #tpu.memory_space<vmem_shared>>)
        tpu.yield
      }) : () -> ()
    }
    %scan3A_84 = arith.constant 250 : i32
    %barrier3A_85 = arith.constant 0 : index
    tpu.barrier barrier_id(%barrier3A_85)
    %mul3A_86 = arith.constant 640 : i32
    %mul3A_87 = arith.muli %arg1, %mul3A_86 : i32
    "tpu.region"() ({
      %run_scoped3A = tpu.sem_alloc : memref<!tpu.dma_semaphore, #tpu.memory_space<semaphore_mem>>
      %dma_start3A = arith.constant 0 : i32
      %dma_start3A_90 = tpu.memref_slice %arg7[%arg0, %mul3A_87, %dma_start3A] : memref<2x10240x128xf32, #tpu.memory_space<hbm>> -> memref<1x640x128xf32, #tpu.memory_space<hbm>>
      %dma_start3A_91 = tpu.memref_squeeze %dma_start3A_90 : memref<1x640x128xf32, #tpu.memory_space<hbm>> -> memref<640x128xf32, #tpu.memory_space<hbm>>
      %dma_start3A_92 = arith.constant 0 : i32
      %dma_start3A_93 = tpu.memref_slice %arg17[%mul3A_87, %dma_start3A_92] : memref<10240x128xf32, #tpu.memory_space<vmem_shared>> -> memref<640x128xf32, #tpu.memory_space<vmem_shared>>
      tpu.enqueue_dma source(%dma_start3A_93 : memref<640x128xf32, #tpu.memory_space<vmem_shared>>) target(%dma_start3A_91 : memref<640x128xf32, #tpu.memory_space<hbm>>) target_semaphore(%run_scoped3A : memref<!tpu.dma_semaphore, #tpu.memory_space<semaphore_mem>>)
      %dma_wait3A = arith.constant 0 : i32
      %dma_wait3A_94 = tpu.memref_slice %arg7[%arg0, %mul3A_87, %dma_wait3A] : memref<2x10240x128xf32, #tpu.memory_space<hbm>> -> memref<1x640x128xf32, #tpu.memory_space<hbm>>
      %dma_wait3A_95 = tpu.memref_squeeze %dma_wait3A_94 : memref<1x640x128xf32, #tpu.memory_space<hbm>> -> memref<640x128xf32, #tpu.memory_space<hbm>>
      %dma_wait3A_96 = arith.constant 0 : i32
      %dma_wait3A_97 = tpu.memref_slice %arg17[%mul3A_87, %dma_wait3A_96] : memref<10240x128xf32, #tpu.memory_space<vmem_shared>> -> memref<640x128xf32, #tpu.memory_space<vmem_shared>>
      tpu.wait_dma2 semaphore(%run_scoped3A : memref<!tpu.dma_semaphore, #tpu.memory_space<semaphore_mem>>) src(%dma_wait3A_97 : memref<640x128xf32, #tpu.memory_space<vmem_shared>>) dst(%dma_wait3A_95 : memref<640x128xf32, #tpu.memory_space<hbm>>)
      tpu.yield
    }) : () -> ()
    %mul3A_88 = arith.constant 80 : i32
    %mul3A_89 = arith.muli %arg1, %mul3A_88 : i32
    "tpu.region"() ({
      %run_scoped3A = tpu.sem_alloc : memref<!tpu.dma_semaphore, #tpu.memory_space<semaphore_mem>>
      %dma_start3A = arith.constant 0 : i32
      %dma_start3A_90 = tpu.memref_slice %arg8[%arg0, %mul3A_89, %dma_start3A] : memref<2x1280x128xf32, #tpu.memory_space<hbm>> -> memref<1x80x128xf32, #tpu.memory_space<hbm>>
      %dma_start3A_91 = tpu.memref_squeeze %dma_start3A_90 : memref<1x80x128xf32, #tpu.memory_space<hbm>> -> memref<80x128xf32, #tpu.memory_space<hbm>>
      %dma_start3A_92 = arith.constant 0 : i32
      %dma_start3A_93 = tpu.memref_slice %arg18[%mul3A_89, %dma_start3A_92] : memref<1280x128xf32, #tpu.memory_space<vmem_shared>> -> memref<80x128xf32, #tpu.memory_space<vmem_shared>>
      tpu.enqueue_dma source(%dma_start3A_93 : memref<80x128xf32, #tpu.memory_space<vmem_shared>>) target(%dma_start3A_91 : memref<80x128xf32, #tpu.memory_space<hbm>>) target_semaphore(%run_scoped3A : memref<!tpu.dma_semaphore, #tpu.memory_space<semaphore_mem>>)
      %dma_wait3A = arith.constant 0 : i32
      %dma_wait3A_94 = tpu.memref_slice %arg8[%arg0, %mul3A_89, %dma_wait3A] : memref<2x1280x128xf32, #tpu.memory_space<hbm>> -> memref<1x80x128xf32, #tpu.memory_space<hbm>>
      %dma_wait3A_95 = tpu.memref_squeeze %dma_wait3A_94 : memref<1x80x128xf32, #tpu.memory_space<hbm>> -> memref<80x128xf32, #tpu.memory_space<hbm>>
      %dma_wait3A_96 = arith.constant 0 : i32
      %dma_wait3A_97 = tpu.memref_slice %arg18[%mul3A_89, %dma_wait3A_96] : memref<1280x128xf32, #tpu.memory_space<vmem_shared>> -> memref<80x128xf32, #tpu.memory_space<vmem_shared>>
      tpu.wait_dma2 semaphore(%run_scoped3A : memref<!tpu.dma_semaphore, #tpu.memory_space<semaphore_mem>>) src(%dma_wait3A_97 : memref<80x128xf32, #tpu.memory_space<vmem_shared>>) dst(%dma_wait3A_95 : memref<80x128xf32, #tpu.memory_space<hbm>>)
      tpu.yield
    }) : () -> ()
    return
  }
}

#map = affine_map<(d0, d1) -> (0, 0)>
#map1 = affine_map<(d0, d1) -> (0)>
#map2 = affine_map<(d0, d1) -> (0, 0, 0)>
module attributes {stable_mosaic.version = 14 : i64} {
  func.func @_edge_body(%arg0: i32, %arg1: i32, %arg2: memref<10000x128xf32, #tpu.memory_space<hbm>>, %arg3: memref<10000x256xf32, #tpu.memory_space<hbm>>, %arg4: memref<320000x128xf32, #tpu.memory_space<hbm>>, %arg5: memref<320000xi32, #tpu.memory_space<hbm>>, %arg6: memref<320000xi32, #tpu.memory_space<hbm>>, %arg7: memref<2x10240x128xf32, #tpu.memory_space<hbm>>, %arg8: memref<2x1280x128xf32, #tpu.memory_space<hbm>>, %arg9: memref<40xi32, #tpu.memory_space<vmem>>, %arg10: memref<56xi32, #tpu.memory_space<vmem>>, %arg11: memref<40xi32, #tpu.memory_space<vmem>>, %arg12: memref<40x256xf32, #tpu.memory_space<vmem>>, %arg13: memref<40x128xf32, #tpu.memory_space<vmem>>, %arg14: memref<40x128xf32, #tpu.memory_space<vmem>>, %arg15: memref<40x128xf32, #tpu.memory_space<vmem>>, %arg16: memref<40x128xf32, #tpu.memory_space<vmem>>, %arg17: memref<10240x128xf32, #tpu.memory_space<vmem_shared>>, %arg18: memref<1280x128xf32, #tpu.memory_space<vmem_shared>>) attributes {dimension_semantics = [#tpu.dimension_semantics<core_parallel>, #tpu.dimension_semantics<subcore_parallel>], iteration_bounds = array<i64: 2, 16>, scalar_prefetch = 0 : i64, scratch_operands = 10 : i64, tpu.core_type = #tpu.core_type<sc_vector_subcore>, window_params = [{transform_indices = #map}, {transform_indices = #map}, {transform_indices = #map}, {transform_indices = #map1}, {transform_indices = #map1}, {transform_indices = #map2}, {transform_indices = #map2}]} {
    %mul3A = arith.constant 16 : i32
    %mul3A_0 = arith.muli %arg0, %mul3A : i32
    %add3A = arith.addi %mul3A_0, %arg1 : i32
    %broadcast_in_dim3A = arith.constant 0.000000e+00 : f32
    %broadcast_in_dim3A_1 = vector.broadcast %broadcast_in_dim3A : f32 to vector<16xf32>
    %scan3A = arith.constant 0 : i32
    %scan3A_2 = arith.constant 40 : i32
    %scan3A_3 = arith.addi %scan3A, %scan3A_2 : i32
    %scan3A_4 = arith.constant 1 : i32
    scf.for %scan3A_90 = %scan3A to %scan3A_3 step %scan3A_4  : i32 {
      %mul3A_91 = arith.constant 1 : i32
      %mul3A_92 = arith.muli %scan3A_90, %mul3A_91 : i32
      %add3A_93 = arith.constant 0 : i32
      %add3A_94 = arith.addi %add3A_93, %mul3A_92 : i32
      %swap3A = arith.index_cast %add3A_94 : i32 to index
      %swap3A_95 = arith.constant 0 : index
      %swap3A_96 = tpu.vector_load %arg15[%swap3A, %swap3A_95] {strides = array<i32>} : memref<40x128xf32, #tpu.memory_space<vmem>>, vector<16xf32>,
      tpu.vector_store %arg15[%swap3A, %swap3A_95], %broadcast_in_dim3A_1 {strides = array<i32>} : memref<40x128xf32, #tpu.memory_space<vmem>>, vector<16xf32>,
      %swap3A_97 = arith.index_cast %add3A_94 : i32 to index
      %swap3A_98 = arith.constant 16 : index
      %swap3A_99 = tpu.vector_load %arg15[%swap3A_97, %swap3A_98] {strides = array<i32>} : memref<40x128xf32, #tpu.memory_space<vmem>>, vector<16xf32>,
      tpu.vector_store %arg15[%swap3A_97, %swap3A_98], %broadcast_in_dim3A_1 {strides = array<i32>} : memref<40x128xf32, #tpu.memory_space<vmem>>, vector<16xf32>,
      %swap3A_100 = arith.index_cast %add3A_94 : i32 to index
      %swap3A_101 = arith.constant 32 : index
      %swap3A_102 = tpu.vector_load %arg15[%swap3A_100, %swap3A_101] {strides = array<i32>} : memref<40x128xf32, #tpu.memory_space<vmem>>, vector<16xf32>,
      tpu.vector_store %arg15[%swap3A_100, %swap3A_101], %broadcast_in_dim3A_1 {strides = array<i32>} : memref<40x128xf32, #tpu.memory_space<vmem>>, vector<16xf32>,
      %swap3A_103 = arith.index_cast %add3A_94 : i32 to index
      %swap3A_104 = arith.constant 48 : index
      %swap3A_105 = tpu.vector_load %arg15[%swap3A_103, %swap3A_104] {strides = array<i32>} : memref<40x128xf32, #tpu.memory_space<vmem>>, vector<16xf32>,
      tpu.vector_store %arg15[%swap3A_103, %swap3A_104], %broadcast_in_dim3A_1 {strides = array<i32>} : memref<40x128xf32, #tpu.memory_space<vmem>>, vector<16xf32>,
      %swap3A_106 = arith.index_cast %add3A_94 : i32 to index
      %swap3A_107 = arith.constant 64 : index
      %swap3A_108 = tpu.vector_load %arg15[%swap3A_106, %swap3A_107] {strides = array<i32>} : memref<40x128xf32, #tpu.memory_space<vmem>>, vector<16xf32>,
      tpu.vector_store %arg15[%swap3A_106, %swap3A_107], %broadcast_in_dim3A_1 {strides = array<i32>} : memref<40x128xf32, #tpu.memory_space<vmem>>, vector<16xf32>,
      %swap3A_109 = arith.index_cast %add3A_94 : i32 to index
      %swap3A_110 = arith.constant 80 : index
      %swap3A_111 = tpu.vector_load %arg15[%swap3A_109, %swap3A_110] {strides = array<i32>} : memref<40x128xf32, #tpu.memory_space<vmem>>, vector<16xf32>,
      tpu.vector_store %arg15[%swap3A_109, %swap3A_110], %broadcast_in_dim3A_1 {strides = array<i32>} : memref<40x128xf32, #tpu.memory_space<vmem>>, vector<16xf32>,
      %swap3A_112 = arith.index_cast %add3A_94 : i32 to index
      %swap3A_113 = arith.constant 96 : index
      %swap3A_114 = tpu.vector_load %arg15[%swap3A_112, %swap3A_113] {strides = array<i32>} : memref<40x128xf32, #tpu.memory_space<vmem>>, vector<16xf32>,
      tpu.vector_store %arg15[%swap3A_112, %swap3A_113], %broadcast_in_dim3A_1 {strides = array<i32>} : memref<40x128xf32, #tpu.memory_space<vmem>>, vector<16xf32>,
      %swap3A_115 = arith.index_cast %add3A_94 : i32 to index
      %swap3A_116 = arith.constant 112 : index
      %swap3A_117 = tpu.vector_load %arg15[%swap3A_115, %swap3A_116] {strides = array<i32>} : memref<40x128xf32, #tpu.memory_space<vmem>>, vector<16xf32>,
      tpu.vector_store %arg15[%swap3A_115, %swap3A_116], %broadcast_in_dim3A_1 {strides = array<i32>} : memref<40x128xf32, #tpu.memory_space<vmem>>, vector<16xf32>,
    }
    %scan3A_5 = arith.constant 40 : i32
    %mul3A_6 = arith.constant 640 : i32
    %mul3A_7 = arith.muli %arg1, %mul3A_6 : i32
    %add3A_8 = arith.constant 0 : i32
    %add3A_9 = arith.addi %mul3A_7, %add3A_8 : i32
    "tpu.region"() ({
      %run_scoped3A = tpu.sem_alloc : memref<!tpu.dma_semaphore, #tpu.memory_space<semaphore_mem>>
      %dma_start3A = arith.constant 0 : i32
      %dma_start3A_90 = tpu.memref_slice %arg17[%add3A_9, %dma_start3A] : memref<10240x128xf32, #tpu.memory_space<vmem_shared>> -> memref<40x128xf32, #tpu.memory_space<vmem_shared>>
      %dma_start3A_91 = arith.constant 0 : i32
      %dma_start3A_92 = tpu.memref_slice %arg17[%add3A_9, %dma_start3A_91] : memref<10240x128xf32, #tpu.memory_space<vmem_shared>> -> memref<40x128xf32, #tpu.memory_space<vmem_shared>>
      tpu.enqueue_dma source(%arg15 : memref<40x128xf32, #tpu.memory_space<vmem>>) target(%dma_start3A_92 : memref<40x128xf32, #tpu.memory_space<vmem_shared>>) target_semaphore(%run_scoped3A : memref<!tpu.dma_semaphore, #tpu.memory_space<semaphore_mem>>)
      %dma_wait3A = arith.constant 0 : i32
      %dma_wait3A_93 = tpu.memref_slice %arg17[%add3A_9, %dma_wait3A] : memref<10240x128xf32, #tpu.memory_space<vmem_shared>> -> memref<40x128xf32, #tpu.memory_space<vmem_shared>>
      %dma_wait3A_94 = arith.constant 0 : i32
      %dma_wait3A_95 = tpu.memref_slice %arg17[%add3A_9, %dma_wait3A_94] : memref<10240x128xf32, #tpu.memory_space<vmem_shared>> -> memref<40x128xf32, #tpu.memory_space<vmem_shared>>
      tpu.wait_dma2 semaphore(%run_scoped3A : memref<!tpu.dma_semaphore, #tpu.memory_space<semaphore_mem>>) src(%arg15 : memref<40x128xf32, #tpu.memory_space<vmem>>) dst(%dma_wait3A_95 : memref<40x128xf32, #tpu.memory_space<vmem_shared>>)
      tpu.yield
    }) : () -> ()
    %mul3A_10 = arith.constant 640 : i32
    %mul3A_11 = arith.muli %arg1, %mul3A_10 : i32
    %add3A_12 = arith.constant 40 : i32
    %add3A_13 = arith.addi %mul3A_11, %add3A_12 : i32
    "tpu.region"() ({
      %run_scoped3A = tpu.sem_alloc : memref<!tpu.dma_semaphore, #tpu.memory_space<semaphore_mem>>
      %dma_start3A = arith.constant 0 : i32
      %dma_start3A_90 = tpu.memref_slice %arg17[%add3A_13, %dma_start3A] : memref<10240x128xf32, #tpu.memory_space<vmem_shared>> -> memref<40x128xf32, #tpu.memory_space<vmem_shared>>
      %dma_start3A_91 = arith.constant 0 : i32
      %dma_start3A_92 = tpu.memref_slice %arg17[%add3A_13, %dma_start3A_91] : memref<10240x128xf32, #tpu.memory_space<vmem_shared>> -> memref<40x128xf32, #tpu.memory_space<vmem_shared>>
      tpu.enqueue_dma source(%arg15 : memref<40x128xf32, #tpu.memory_space<vmem>>) target(%dma_start3A_92 : memref<40x128xf32, #tpu.memory_space<vmem_shared>>) target_semaphore(%run_scoped3A : memref<!tpu.dma_semaphore, #tpu.memory_space<semaphore_mem>>)
      %dma_wait3A = arith.constant 0 : i32
      %dma_wait3A_93 = tpu.memref_slice %arg17[%add3A_13, %dma_wait3A] : memref<10240x128xf32, #tpu.memory_space<vmem_shared>> -> memref<40x128xf32, #tpu.memory_space<vmem_shared>>
      %dma_wait3A_94 = arith.constant 0 : i32
      %dma_wait3A_95 = tpu.memref_slice %arg17[%add3A_13, %dma_wait3A_94] : memref<10240x128xf32, #tpu.memory_space<vmem_shared>> -> memref<40x128xf32, #tpu.memory_space<vmem_shared>>
      tpu.wait_dma2 semaphore(%run_scoped3A : memref<!tpu.dma_semaphore, #tpu.memory_space<semaphore_mem>>) src(%arg15 : memref<40x128xf32, #tpu.memory_space<vmem>>) dst(%dma_wait3A_95 : memref<40x128xf32, #tpu.memory_space<vmem_shared>>)
      tpu.yield
    }) : () -> ()
    %mul3A_14 = arith.constant 640 : i32
    %mul3A_15 = arith.muli %arg1, %mul3A_14 : i32
    %add3A_16 = arith.constant 80 : i32
    %add3A_17 = arith.addi %mul3A_15, %add3A_16 : i32
    "tpu.region"() ({
      %run_scoped3A = tpu.sem_alloc : memref<!tpu.dma_semaphore, #tpu.memory_space<semaphore_mem>>
      %dma_start3A = arith.constant 0 : i32
      %dma_start3A_90 = tpu.memref_slice %arg17[%add3A_17, %dma_start3A] : memref<10240x128xf32, #tpu.memory_space<vmem_shared>> -> memref<40x128xf32, #tpu.memory_space<vmem_shared>>
      %dma_start3A_91 = arith.constant 0 : i32
      %dma_start3A_92 = tpu.memref_slice %arg17[%add3A_17, %dma_start3A_91] : memref<10240x128xf32, #tpu.memory_space<vmem_shared>> -> memref<40x128xf32, #tpu.memory_space<vmem_shared>>
      tpu.enqueue_dma source(%arg15 : memref<40x128xf32, #tpu.memory_space<vmem>>) target(%dma_start3A_92 : memref<40x128xf32, #tpu.memory_space<vmem_shared>>) target_semaphore(%run_scoped3A : memref<!tpu.dma_semaphore, #tpu.memory_space<semaphore_mem>>)
      %dma_wait3A = arith.constant 0 : i32
      %dma_wait3A_93 = tpu.memref_slice %arg17[%add3A_17, %dma_wait3A] : memref<10240x128xf32, #tpu.memory_space<vmem_shared>> -> memref<40x128xf32, #tpu.memory_space<vmem_shared>>
      %dma_wait3A_94 = arith.constant 0 : i32
      %dma_wait3A_95 = tpu.memref_slice %arg17[%add3A_17, %dma_wait3A_94] : memref<10240x128xf32, #tpu.memory_space<vmem_shared>> -> memref<40x128xf32, #tpu.memory_space<vmem_shared>>
      tpu.wait_dma2 semaphore(%run_scoped3A : memref<!tpu.dma_semaphore, #tpu.memory_space<semaphore_mem>>) src(%arg15 : memref<40x128xf32, #tpu.memory_space<vmem>>) dst(%dma_wait3A_95 : memref<40x128xf32, #tpu.memory_space<vmem_shared>>)
      tpu.yield
    }) : () -> ()
    %mul3A_18 = arith.constant 640 : i32
    %mul3A_19 = arith.muli %arg1, %mul3A_18 : i32
    %add3A_20 = arith.constant 120 : i32
    %add3A_21 = arith.addi %mul3A_19, %add3A_20 : i32
    "tpu.region"() ({
      %run_scoped3A = tpu.sem_alloc : memref<!tpu.dma_semaphore, #tpu.memory_space<semaphore_mem>>
      %dma_start3A = arith.constant 0 : i32
      %dma_start3A_90 = tpu.memref_slice %arg17[%add3A_21, %dma_start3A] : memref<10240x128xf32, #tpu.memory_space<vmem_shared>> -> memref<40x128xf32, #tpu.memory_space<vmem_shared>>
      %dma_start3A_91 = arith.constant 0 : i32
      %dma_start3A_92 = tpu.memref_slice %arg17[%add3A_21, %dma_start3A_91] : memref<10240x128xf32, #tpu.memory_space<vmem_shared>> -> memref<40x128xf32, #tpu.memory_space<vmem_shared>>
      tpu.enqueue_dma source(%arg15 : memref<40x128xf32, #tpu.memory_space<vmem>>) target(%dma_start3A_92 : memref<40x128xf32, #tpu.memory_space<vmem_shared>>) target_semaphore(%run_scoped3A : memref<!tpu.dma_semaphore, #tpu.memory_space<semaphore_mem>>)
      %dma_wait3A = arith.constant 0 : i32
      %dma_wait3A_93 = tpu.memref_slice %arg17[%add3A_21, %dma_wait3A] : memref<10240x128xf32, #tpu.memory_space<vmem_shared>> -> memref<40x128xf32, #tpu.memory_space<vmem_shared>>
      %dma_wait3A_94 = arith.constant 0 : i32
      %dma_wait3A_95 = tpu.memref_slice %arg17[%add3A_21, %dma_wait3A_94] : memref<10240x128xf32, #tpu.memory_space<vmem_shared>> -> memref<40x128xf32, #tpu.memory_space<vmem_shared>>
      tpu.wait_dma2 semaphore(%run_scoped3A : memref<!tpu.dma_semaphore, #tpu.memory_space<semaphore_mem>>) src(%arg15 : memref<40x128xf32, #tpu.memory_space<vmem>>) dst(%dma_wait3A_95 : memref<40x128xf32, #tpu.memory_space<vmem_shared>>)
      tpu.yield
    }) : () -> ()
    %mul3A_22 = arith.constant 640 : i32
    %mul3A_23 = arith.muli %arg1, %mul3A_22 : i32
    %add3A_24 = arith.constant 160 : i32
    %add3A_25 = arith.addi %mul3A_23, %add3A_24 : i32
    "tpu.region"() ({
      %run_scoped3A = tpu.sem_alloc : memref<!tpu.dma_semaphore, #tpu.memory_space<semaphore_mem>>
      %dma_start3A = arith.constant 0 : i32
      %dma_start3A_90 = tpu.memref_slice %arg17[%add3A_25, %dma_start3A] : memref<10240x128xf32, #tpu.memory_space<vmem_shared>> -> memref<40x128xf32, #tpu.memory_space<vmem_shared>>
      %dma_start3A_91 = arith.constant 0 : i32
      %dma_start3A_92 = tpu.memref_slice %arg17[%add3A_25, %dma_start3A_91] : memref<10240x128xf32, #tpu.memory_space<vmem_shared>> -> memref<40x128xf32, #tpu.memory_space<vmem_shared>>
      tpu.enqueue_dma source(%arg15 : memref<40x128xf32, #tpu.memory_space<vmem>>) target(%dma_start3A_92 : memref<40x128xf32, #tpu.memory_space<vmem_shared>>) target_semaphore(%run_scoped3A : memref<!tpu.dma_semaphore, #tpu.memory_space<semaphore_mem>>)
      %dma_wait3A = arith.constant 0 : i32
      %dma_wait3A_93 = tpu.memref_slice %arg17[%add3A_25, %dma_wait3A] : memref<10240x128xf32, #tpu.memory_space<vmem_shared>> -> memref<40x128xf32, #tpu.memory_space<vmem_shared>>
      %dma_wait3A_94 = arith.constant 0 : i32
      %dma_wait3A_95 = tpu.memref_slice %arg17[%add3A_25, %dma_wait3A_94] : memref<10240x128xf32, #tpu.memory_space<vmem_shared>> -> memref<40x128xf32, #tpu.memory_space<vmem_shared>>
      tpu.wait_dma2 semaphore(%run_scoped3A : memref<!tpu.dma_semaphore, #tpu.memory_space<semaphore_mem>>) src(%arg15 : memref<40x128xf32, #tpu.memory_space<vmem>>) dst(%dma_wait3A_95 : memref<40x128xf32, #tpu.memory_space<vmem_shared>>)
      tpu.yield
    }) : () -> ()
    %mul3A_26 = arith.constant 640 : i32
    %mul3A_27 = arith.muli %arg1, %mul3A_26 : i32
    %add3A_28 = arith.constant 200 : i32
    %add3A_29 = arith.addi %mul3A_27, %add3A_28 : i32
    "tpu.region"() ({
      %run_scoped3A = tpu.sem_alloc : memref<!tpu.dma_semaphore, #tpu.memory_space<semaphore_mem>>
      %dma_start3A = arith.constant 0 : i32
      %dma_start3A_90 = tpu.memref_slice %arg17[%add3A_29, %dma_start3A] : memref<10240x128xf32, #tpu.memory_space<vmem_shared>> -> memref<40x128xf32, #tpu.memory_space<vmem_shared>>
      %dma_start3A_91 = arith.constant 0 : i32
      %dma_start3A_92 = tpu.memref_slice %arg17[%add3A_29, %dma_start3A_91] : memref<10240x128xf32, #tpu.memory_space<vmem_shared>> -> memref<40x128xf32, #tpu.memory_space<vmem_shared>>
      tpu.enqueue_dma source(%arg15 : memref<40x128xf32, #tpu.memory_space<vmem>>) target(%dma_start3A_92 : memref<40x128xf32, #tpu.memory_space<vmem_shared>>) target_semaphore(%run_scoped3A : memref<!tpu.dma_semaphore, #tpu.memory_space<semaphore_mem>>)
      %dma_wait3A = arith.constant 0 : i32
      %dma_wait3A_93 = tpu.memref_slice %arg17[%add3A_29, %dma_wait3A] : memref<10240x128xf32, #tpu.memory_space<vmem_shared>> -> memref<40x128xf32, #tpu.memory_space<vmem_shared>>
      %dma_wait3A_94 = arith.constant 0 : i32
      %dma_wait3A_95 = tpu.memref_slice %arg17[%add3A_29, %dma_wait3A_94] : memref<10240x128xf32, #tpu.memory_space<vmem_shared>> -> memref<40x128xf32, #tpu.memory_space<vmem_shared>>
      tpu.wait_dma2 semaphore(%run_scoped3A : memref<!tpu.dma_semaphore, #tpu.memory_space<semaphore_mem>>) src(%arg15 : memref<40x128xf32, #tpu.memory_space<vmem>>) dst(%dma_wait3A_95 : memref<40x128xf32, #tpu.memory_space<vmem_shared>>)
      tpu.yield
    }) : () -> ()
    %mul3A_30 = arith.constant 640 : i32
    %mul3A_31 = arith.muli %arg1, %mul3A_30 : i32
    %add3A_32 = arith.constant 240 : i32
    %add3A_33 = arith.addi %mul3A_31, %add3A_32 : i32
    "tpu.region"() ({
      %run_scoped3A = tpu.sem_alloc : memref<!tpu.dma_semaphore, #tpu.memory_space<semaphore_mem>>
      %dma_start3A = arith.constant 0 : i32
      %dma_start3A_90 = tpu.memref_slice %arg17[%add3A_33, %dma_start3A] : memref<10240x128xf32, #tpu.memory_space<vmem_shared>> -> memref<40x128xf32, #tpu.memory_space<vmem_shared>>
      %dma_start3A_91 = arith.constant 0 : i32
      %dma_start3A_92 = tpu.memref_slice %arg17[%add3A_33, %dma_start3A_91] : memref<10240x128xf32, #tpu.memory_space<vmem_shared>> -> memref<40x128xf32, #tpu.memory_space<vmem_shared>>
      tpu.enqueue_dma source(%arg15 : memref<40x128xf32, #tpu.memory_space<vmem>>) target(%dma_start3A_92 : memref<40x128xf32, #tpu.memory_space<vmem_shared>>) target_semaphore(%run_scoped3A : memref<!tpu.dma_semaphore, #tpu.memory_space<semaphore_mem>>)
      %dma_wait3A = arith.constant 0 : i32
      %dma_wait3A_93 = tpu.memref_slice %arg17[%add3A_33, %dma_wait3A] : memref<10240x128xf32, #tpu.memory_space<vmem_shared>> -> memref<40x128xf32, #tpu.memory_space<vmem_shared>>
      %dma_wait3A_94 = arith.constant 0 : i32
      %dma_wait3A_95 = tpu.memref_slice %arg17[%add3A_33, %dma_wait3A_94] : memref<10240x128xf32, #tpu.memory_space<vmem_shared>> -> memref<40x128xf32, #tpu.memory_space<vmem_shared>>
      tpu.wait_dma2 semaphore(%run_scoped3A : memref<!tpu.dma_semaphore, #tpu.memory_space<semaphore_mem>>) src(%arg15 : memref<40x128xf32, #tpu.memory_space<vmem>>) dst(%dma_wait3A_95 : memref<40x128xf32, #tpu.memory_space<vmem_shared>>)
      tpu.yield
    }) : () -> ()
    %mul3A_34 = arith.constant 640 : i32
    %mul3A_35 = arith.muli %arg1, %mul3A_34 : i32
    %add3A_36 = arith.constant 280 : i32
    %add3A_37 = arith.addi %mul3A_35, %add3A_36 : i32
    "tpu.region"() ({
      %run_scoped3A = tpu.sem_alloc : memref<!tpu.dma_semaphore, #tpu.memory_space<semaphore_mem>>
      %dma_start3A = arith.constant 0 : i32
      %dma_start3A_90 = tpu.memref_slice %arg17[%add3A_37, %dma_start3A] : memref<10240x128xf32, #tpu.memory_space<vmem_shared>> -> memref<40x128xf32, #tpu.memory_space<vmem_shared>>
      %dma_start3A_91 = arith.constant 0 : i32
      %dma_start3A_92 = tpu.memref_slice %arg17[%add3A_37, %dma_start3A_91] : memref<10240x128xf32, #tpu.memory_space<vmem_shared>> -> memref<40x128xf32, #tpu.memory_space<vmem_shared>>
      tpu.enqueue_dma source(%arg15 : memref<40x128xf32, #tpu.memory_space<vmem>>) target(%dma_start3A_92 : memref<40x128xf32, #tpu.memory_space<vmem_shared>>) target_semaphore(%run_scoped3A : memref<!tpu.dma_semaphore, #tpu.memory_space<semaphore_mem>>)
      %dma_wait3A = arith.constant 0 : i32
      %dma_wait3A_93 = tpu.memref_slice %arg17[%add3A_37, %dma_wait3A] : memref<10240x128xf32, #tpu.memory_space<vmem_shared>> -> memref<40x128xf32, #tpu.memory_space<vmem_shared>>
      %dma_wait3A_94 = arith.constant 0 : i32
      %dma_wait3A_95 = tpu.memref_slice %arg17[%add3A_37, %dma_wait3A_94] : memref<10240x128xf32, #tpu.memory_space<vmem_shared>> -> memref<40x128xf32, #tpu.memory_space<vmem_shared>>
      tpu.wait_dma2 semaphore(%run_scoped3A : memref<!tpu.dma_semaphore, #tpu.memory_space<semaphore_mem>>) src(%arg15 : memref<40x128xf32, #tpu.memory_space<vmem>>) dst(%dma_wait3A_95 : memref<40x128xf32, #tpu.memory_space<vmem_shared>>)
      tpu.yield
    }) : () -> ()
    %mul3A_38 = arith.constant 640 : i32
    %mul3A_39 = arith.muli %arg1, %mul3A_38 : i32
    %add3A_40 = arith.constant 320 : i32
    %add3A_41 = arith.addi %mul3A_39, %add3A_40 : i32
    "tpu.region"() ({
      %run_scoped3A = tpu.sem_alloc : memref<!tpu.dma_semaphore, #tpu.memory_space<semaphore_mem>>
      %dma_start3A = arith.constant 0 : i32
      %dma_start3A_90 = tpu.memref_slice %arg17[%add3A_41, %dma_start3A] : memref<10240x128xf32, #tpu.memory_space<vmem_shared>> -> memref<40x128xf32, #tpu.memory_space<vmem_shared>>
      %dma_start3A_91 = arith.constant 0 : i32
      %dma_start3A_92 = tpu.memref_slice %arg17[%add3A_41, %dma_start3A_91] : memref<10240x128xf32, #tpu.memory_space<vmem_shared>> -> memref<40x128xf32, #tpu.memory_space<vmem_shared>>
      tpu.enqueue_dma source(%arg15 : memref<40x128xf32, #tpu.memory_space<vmem>>) target(%dma_start3A_92 : memref<40x128xf32, #tpu.memory_space<vmem_shared>>) target_semaphore(%run_scoped3A : memref<!tpu.dma_semaphore, #tpu.memory_space<semaphore_mem>>)
      %dma_wait3A = arith.constant 0 : i32
      %dma_wait3A_93 = tpu.memref_slice %arg17[%add3A_41, %dma_wait3A] : memref<10240x128xf32, #tpu.memory_space<vmem_shared>> -> memref<40x128xf32, #tpu.memory_space<vmem_shared>>
      %dma_wait3A_94 = arith.constant 0 : i32
      %dma_wait3A_95 = tpu.memref_slice %arg17[%add3A_41, %dma_wait3A_94] : memref<10240x128xf32, #tpu.memory_space<vmem_shared>> -> memref<40x128xf32, #tpu.memory_space<vmem_shared>>
      tpu.wait_dma2 semaphore(%run_scoped3A : memref<!tpu.dma_semaphore, #tpu.memory_space<semaphore_mem>>) src(%arg15 : memref<40x128xf32, #tpu.memory_space<vmem>>) dst(%dma_wait3A_95 : memref<40x128xf32, #tpu.memory_space<vmem_shared>>)
      tpu.yield
    }) : () -> ()
    %mul3A_42 = arith.constant 640 : i32
    %mul3A_43 = arith.muli %arg1, %mul3A_42 : i32
    %add3A_44 = arith.constant 360 : i32
    %add3A_45 = arith.addi %mul3A_43, %add3A_44 : i32
    "tpu.region"() ({
      %run_scoped3A = tpu.sem_alloc : memref<!tpu.dma_semaphore, #tpu.memory_space<semaphore_mem>>
      %dma_start3A = arith.constant 0 : i32
      %dma_start3A_90 = tpu.memref_slice %arg17[%add3A_45, %dma_start3A] : memref<10240x128xf32, #tpu.memory_space<vmem_shared>> -> memref<40x128xf32, #tpu.memory_space<vmem_shared>>
      %dma_start3A_91 = arith.constant 0 : i32
      %dma_start3A_92 = tpu.memref_slice %arg17[%add3A_45, %dma_start3A_91] : memref<10240x128xf32, #tpu.memory_space<vmem_shared>> -> memref<40x128xf32, #tpu.memory_space<vmem_shared>>
      tpu.enqueue_dma source(%arg15 : memref<40x128xf32, #tpu.memory_space<vmem>>) target(%dma_start3A_92 : memref<40x128xf32, #tpu.memory_space<vmem_shared>>) target_semaphore(%run_scoped3A : memref<!tpu.dma_semaphore, #tpu.memory_space<semaphore_mem>>)
      %dma_wait3A = arith.constant 0 : i32
      %dma_wait3A_93 = tpu.memref_slice %arg17[%add3A_45, %dma_wait3A] : memref<10240x128xf32, #tpu.memory_space<vmem_shared>> -> memref<40x128xf32, #tpu.memory_space<vmem_shared>>
      %dma_wait3A_94 = arith.constant 0 : i32
      %dma_wait3A_95 = tpu.memref_slice %arg17[%add3A_45, %dma_wait3A_94] : memref<10240x128xf32, #tpu.memory_space<vmem_shared>> -> memref<40x128xf32, #tpu.memory_space<vmem_shared>>
      tpu.wait_dma2 semaphore(%run_scoped3A : memref<!tpu.dma_semaphore, #tpu.memory_space<semaphore_mem>>) src(%arg15 : memref<40x128xf32, #tpu.memory_space<vmem>>) dst(%dma_wait3A_95 : memref<40x128xf32, #tpu.memory_space<vmem_shared>>)
      tpu.yield
    }) : () -> ()
    %mul3A_46 = arith.constant 640 : i32
    %mul3A_47 = arith.muli %arg1, %mul3A_46 : i32
    %add3A_48 = arith.constant 400 : i32
    %add3A_49 = arith.addi %mul3A_47, %add3A_48 : i32
    "tpu.region"() ({
      %run_scoped3A = tpu.sem_alloc : memref<!tpu.dma_semaphore, #tpu.memory_space<semaphore_mem>>
      %dma_start3A = arith.constant 0 : i32
      %dma_start3A_90 = tpu.memref_slice %arg17[%add3A_49, %dma_start3A] : memref<10240x128xf32, #tpu.memory_space<vmem_shared>> -> memref<40x128xf32, #tpu.memory_space<vmem_shared>>
      %dma_start3A_91 = arith.constant 0 : i32
      %dma_start3A_92 = tpu.memref_slice %arg17[%add3A_49, %dma_start3A_91] : memref<10240x128xf32, #tpu.memory_space<vmem_shared>> -> memref<40x128xf32, #tpu.memory_space<vmem_shared>>
      tpu.enqueue_dma source(%arg15 : memref<40x128xf32, #tpu.memory_space<vmem>>) target(%dma_start3A_92 : memref<40x128xf32, #tpu.memory_space<vmem_shared>>) target_semaphore(%run_scoped3A : memref<!tpu.dma_semaphore, #tpu.memory_space<semaphore_mem>>)
      %dma_wait3A = arith.constant 0 : i32
      %dma_wait3A_93 = tpu.memref_slice %arg17[%add3A_49, %dma_wait3A] : memref<10240x128xf32, #tpu.memory_space<vmem_shared>> -> memref<40x128xf32, #tpu.memory_space<vmem_shared>>
      %dma_wait3A_94 = arith.constant 0 : i32
      %dma_wait3A_95 = tpu.memref_slice %arg17[%add3A_49, %dma_wait3A_94] : memref<10240x128xf32, #tpu.memory_space<vmem_shared>> -> memref<40x128xf32, #tpu.memory_space<vmem_shared>>
      tpu.wait_dma2 semaphore(%run_scoped3A : memref<!tpu.dma_semaphore, #tpu.memory_space<semaphore_mem>>) src(%arg15 : memref<40x128xf32, #tpu.memory_space<vmem>>) dst(%dma_wait3A_95 : memref<40x128xf32, #tpu.memory_space<vmem_shared>>)
      tpu.yield
    }) : () -> ()
    %mul3A_50 = arith.constant 640 : i32
    %mul3A_51 = arith.muli %arg1, %mul3A_50 : i32
    %add3A_52 = arith.constant 440 : i32
    %add3A_53 = arith.addi %mul3A_51, %add3A_52 : i32
    "tpu.region"() ({
      %run_scoped3A = tpu.sem_alloc : memref<!tpu.dma_semaphore, #tpu.memory_space<semaphore_mem>>
      %dma_start3A = arith.constant 0 : i32
      %dma_start3A_90 = tpu.memref_slice %arg17[%add3A_53, %dma_start3A] : memref<10240x128xf32, #tpu.memory_space<vmem_shared>> -> memref<40x128xf32, #tpu.memory_space<vmem_shared>>
      %dma_start3A_91 = arith.constant 0 : i32
      %dma_start3A_92 = tpu.memref_slice %arg17[%add3A_53, %dma_start3A_91] : memref<10240x128xf32, #tpu.memory_space<vmem_shared>> -> memref<40x128xf32, #tpu.memory_space<vmem_shared>>
      tpu.enqueue_dma source(%arg15 : memref<40x128xf32, #tpu.memory_space<vmem>>) target(%dma_start3A_92 : memref<40x128xf32, #tpu.memory_space<vmem_shared>>) target_semaphore(%run_scoped3A : memref<!tpu.dma_semaphore, #tpu.memory_space<semaphore_mem>>)
      %dma_wait3A = arith.constant 0 : i32
      %dma_wait3A_93 = tpu.memref_slice %arg17[%add3A_53, %dma_wait3A] : memref<10240x128xf32, #tpu.memory_space<vmem_shared>> -> memref<40x128xf32, #tpu.memory_space<vmem_shared>>
      %dma_wait3A_94 = arith.constant 0 : i32
      %dma_wait3A_95 = tpu.memref_slice %arg17[%add3A_53, %dma_wait3A_94] : memref<10240x128xf32, #tpu.memory_space<vmem_shared>> -> memref<40x128xf32, #tpu.memory_space<vmem_shared>>
      tpu.wait_dma2 semaphore(%run_scoped3A : memref<!tpu.dma_semaphore, #tpu.memory_space<semaphore_mem>>) src(%arg15 : memref<40x128xf32, #tpu.memory_space<vmem>>) dst(%dma_wait3A_95 : memref<40x128xf32, #tpu.memory_space<vmem_shared>>)
      tpu.yield
    }) : () -> ()
    %mul3A_54 = arith.constant 640 : i32
    %mul3A_55 = arith.muli %arg1, %mul3A_54 : i32
    %add3A_56 = arith.constant 480 : i32
    %add3A_57 = arith.addi %mul3A_55, %add3A_56 : i32
    "tpu.region"() ({
      %run_scoped3A = tpu.sem_alloc : memref<!tpu.dma_semaphore, #tpu.memory_space<semaphore_mem>>
      %dma_start3A = arith.constant 0 : i32
      %dma_start3A_90 = tpu.memref_slice %arg17[%add3A_57, %dma_start3A] : memref<10240x128xf32, #tpu.memory_space<vmem_shared>> -> memref<40x128xf32, #tpu.memory_space<vmem_shared>>
      %dma_start3A_91 = arith.constant 0 : i32
      %dma_start3A_92 = tpu.memref_slice %arg17[%add3A_57, %dma_start3A_91] : memref<10240x128xf32, #tpu.memory_space<vmem_shared>> -> memref<40x128xf32, #tpu.memory_space<vmem_shared>>
      tpu.enqueue_dma source(%arg15 : memref<40x128xf32, #tpu.memory_space<vmem>>) target(%dma_start3A_92 : memref<40x128xf32, #tpu.memory_space<vmem_shared>>) target_semaphore(%run_scoped3A : memref<!tpu.dma_semaphore, #tpu.memory_space<semaphore_mem>>)
      %dma_wait3A = arith.constant 0 : i32
      %dma_wait3A_93 = tpu.memref_slice %arg17[%add3A_57, %dma_wait3A] : memref<10240x128xf32, #tpu.memory_space<vmem_shared>> -> memref<40x128xf32, #tpu.memory_space<vmem_shared>>
      %dma_wait3A_94 = arith.constant 0 : i32
      %dma_wait3A_95 = tpu.memref_slice %arg17[%add3A_57, %dma_wait3A_94] : memref<10240x128xf32, #tpu.memory_space<vmem_shared>> -> memref<40x128xf32, #tpu.memory_space<vmem_shared>>
      tpu.wait_dma2 semaphore(%run_scoped3A : memref<!tpu.dma_semaphore, #tpu.memory_space<semaphore_mem>>) src(%arg15 : memref<40x128xf32, #tpu.memory_space<vmem>>) dst(%dma_wait3A_95 : memref<40x128xf32, #tpu.memory_space<vmem_shared>>)
      tpu.yield
    }) : () -> ()
    %mul3A_58 = arith.constant 640 : i32
    %mul3A_59 = arith.muli %arg1, %mul3A_58 : i32
    %add3A_60 = arith.constant 520 : i32
    %add3A_61 = arith.addi %mul3A_59, %add3A_60 : i32
    "tpu.region"() ({
      %run_scoped3A = tpu.sem_alloc : memref<!tpu.dma_semaphore, #tpu.memory_space<semaphore_mem>>
      %dma_start3A = arith.constant 0 : i32
      %dma_start3A_90 = tpu.memref_slice %arg17[%add3A_61, %dma_start3A] : memref<10240x128xf32, #tpu.memory_space<vmem_shared>> -> memref<40x128xf32, #tpu.memory_space<vmem_shared>>
      %dma_start3A_91 = arith.constant 0 : i32
      %dma_start3A_92 = tpu.memref_slice %arg17[%add3A_61, %dma_start3A_91] : memref<10240x128xf32, #tpu.memory_space<vmem_shared>> -> memref<40x128xf32, #tpu.memory_space<vmem_shared>>
      tpu.enqueue_dma source(%arg15 : memref<40x128xf32, #tpu.memory_space<vmem>>) target(%dma_start3A_92 : memref<40x128xf32, #tpu.memory_space<vmem_shared>>) target_semaphore(%run_scoped3A : memref<!tpu.dma_semaphore, #tpu.memory_space<semaphore_mem>>)
      %dma_wait3A = arith.constant 0 : i32
      %dma_wait3A_93 = tpu.memref_slice %arg17[%add3A_61, %dma_wait3A] : memref<10240x128xf32, #tpu.memory_space<vmem_shared>> -> memref<40x128xf32, #tpu.memory_space<vmem_shared>>
      %dma_wait3A_94 = arith.constant 0 : i32
      %dma_wait3A_95 = tpu.memref_slice %arg17[%add3A_61, %dma_wait3A_94] : memref<10240x128xf32, #tpu.memory_space<vmem_shared>> -> memref<40x128xf32, #tpu.memory_space<vmem_shared>>
      tpu.wait_dma2 semaphore(%run_scoped3A : memref<!tpu.dma_semaphore, #tpu.memory_space<semaphore_mem>>) src(%arg15 : memref<40x128xf32, #tpu.memory_space<vmem>>) dst(%dma_wait3A_95 : memref<40x128xf32, #tpu.memory_space<vmem_shared>>)
      tpu.yield
    }) : () -> ()
    %mul3A_62 = arith.constant 640 : i32
    %mul3A_63 = arith.muli %arg1, %mul3A_62 : i32
    %add3A_64 = arith.constant 560 : i32
    %add3A_65 = arith.addi %mul3A_63, %add3A_64 : i32
    "tpu.region"() ({
      %run_scoped3A = tpu.sem_alloc : memref<!tpu.dma_semaphore, #tpu.memory_space<semaphore_mem>>
      %dma_start3A = arith.constant 0 : i32
      %dma_start3A_90 = tpu.memref_slice %arg17[%add3A_65, %dma_start3A] : memref<10240x128xf32, #tpu.memory_space<vmem_shared>> -> memref<40x128xf32, #tpu.memory_space<vmem_shared>>
      %dma_start3A_91 = arith.constant 0 : i32
      %dma_start3A_92 = tpu.memref_slice %arg17[%add3A_65, %dma_start3A_91] : memref<10240x128xf32, #tpu.memory_space<vmem_shared>> -> memref<40x128xf32, #tpu.memory_space<vmem_shared>>
      tpu.enqueue_dma source(%arg15 : memref<40x128xf32, #tpu.memory_space<vmem>>) target(%dma_start3A_92 : memref<40x128xf32, #tpu.memory_space<vmem_shared>>) target_semaphore(%run_scoped3A : memref<!tpu.dma_semaphore, #tpu.memory_space<semaphore_mem>>)
      %dma_wait3A = arith.constant 0 : i32
      %dma_wait3A_93 = tpu.memref_slice %arg17[%add3A_65, %dma_wait3A] : memref<10240x128xf32, #tpu.memory_space<vmem_shared>> -> memref<40x128xf32, #tpu.memory_space<vmem_shared>>
      %dma_wait3A_94 = arith.constant 0 : i32
      %dma_wait3A_95 = tpu.memref_slice %arg17[%add3A_65, %dma_wait3A_94] : memref<10240x128xf32, #tpu.memory_space<vmem_shared>> -> memref<40x128xf32, #tpu.memory_space<vmem_shared>>
      tpu.wait_dma2 semaphore(%run_scoped3A : memref<!tpu.dma_semaphore, #tpu.memory_space<semaphore_mem>>) src(%arg15 : memref<40x128xf32, #tpu.memory_space<vmem>>) dst(%dma_wait3A_95 : memref<40x128xf32, #tpu.memory_space<vmem_shared>>)
      tpu.yield
    }) : () -> ()
    %mul3A_66 = arith.constant 640 : i32
    %mul3A_67 = arith.muli %arg1, %mul3A_66 : i32
    %add3A_68 = arith.constant 600 : i32
    %add3A_69 = arith.addi %mul3A_67, %add3A_68 : i32
    "tpu.region"() ({
      %run_scoped3A = tpu.sem_alloc : memref<!tpu.dma_semaphore, #tpu.memory_space<semaphore_mem>>
      %dma_start3A = arith.constant 0 : i32
      %dma_start3A_90 = tpu.memref_slice %arg17[%add3A_69, %dma_start3A] : memref<10240x128xf32, #tpu.memory_space<vmem_shared>> -> memref<40x128xf32, #tpu.memory_space<vmem_shared>>
      %dma_start3A_91 = arith.constant 0 : i32
      %dma_start3A_92 = tpu.memref_slice %arg17[%add3A_69, %dma_start3A_91] : memref<10240x128xf32, #tpu.memory_space<vmem_shared>> -> memref<40x128xf32, #tpu.memory_space<vmem_shared>>
      tpu.enqueue_dma source(%arg15 : memref<40x128xf32, #tpu.memory_space<vmem>>) target(%dma_start3A_92 : memref<40x128xf32, #tpu.memory_space<vmem_shared>>) target_semaphore(%run_scoped3A : memref<!tpu.dma_semaphore, #tpu.memory_space<semaphore_mem>>)
      %dma_wait3A = arith.constant 0 : i32
      %dma_wait3A_93 = tpu.memref_slice %arg17[%add3A_69, %dma_wait3A] : memref<10240x128xf32, #tpu.memory_space<vmem_shared>> -> memref<40x128xf32, #tpu.memory_space<vmem_shared>>
      %dma_wait3A_94 = arith.constant 0 : i32
      %dma_wait3A_95 = tpu.memref_slice %arg17[%add3A_69, %dma_wait3A_94] : memref<10240x128xf32, #tpu.memory_space<vmem_shared>> -> memref<40x128xf32, #tpu.memory_space<vmem_shared>>
      tpu.wait_dma2 semaphore(%run_scoped3A : memref<!tpu.dma_semaphore, #tpu.memory_space<semaphore_mem>>) src(%arg15 : memref<40x128xf32, #tpu.memory_space<vmem>>) dst(%dma_wait3A_95 : memref<40x128xf32, #tpu.memory_space<vmem_shared>>)
      tpu.yield
    }) : () -> ()
    %mul3A_70 = arith.constant 80 : i32
    %mul3A_71 = arith.muli %arg1, %mul3A_70 : i32
    %add3A_72 = arith.constant 0 : i32
    %add3A_73 = arith.addi %mul3A_71, %add3A_72 : i32
    "tpu.region"() ({
      %run_scoped3A = tpu.sem_alloc : memref<!tpu.dma_semaphore, #tpu.memory_space<semaphore_mem>>
      %dma_start3A = arith.constant 0 : i32
      %dma_start3A_90 = tpu.memref_slice %arg18[%add3A_73, %dma_start3A] : memref<1280x128xf32, #tpu.memory_space<vmem_shared>> -> memref<40x128xf32, #tpu.memory_space<vmem_shared>>
      %dma_start3A_91 = arith.constant 0 : i32
      %dma_start3A_92 = tpu.memref_slice %arg18[%add3A_73, %dma_start3A_91] : memref<1280x128xf32, #tpu.memory_space<vmem_shared>> -> memref<40x128xf32, #tpu.memory_space<vmem_shared>>
      tpu.enqueue_dma source(%arg15 : memref<40x128xf32, #tpu.memory_space<vmem>>) target(%dma_start3A_92 : memref<40x128xf32, #tpu.memory_space<vmem_shared>>) target_semaphore(%run_scoped3A : memref<!tpu.dma_semaphore, #tpu.memory_space<semaphore_mem>>)
      %dma_wait3A = arith.constant 0 : i32
      %dma_wait3A_93 = tpu.memref_slice %arg18[%add3A_73, %dma_wait3A] : memref<1280x128xf32, #tpu.memory_space<vmem_shared>> -> memref<40x128xf32, #tpu.memory_space<vmem_shared>>
      %dma_wait3A_94 = arith.constant 0 : i32
      %dma_wait3A_95 = tpu.memref_slice %arg18[%add3A_73, %dma_wait3A_94] : memref<1280x128xf32, #tpu.memory_space<vmem_shared>> -> memref<40x128xf32, #tpu.memory_space<vmem_shared>>
      tpu.wait_dma2 semaphore(%run_scoped3A : memref<!tpu.dma_semaphore, #tpu.memory_space<semaphore_mem>>) src(%arg15 : memref<40x128xf32, #tpu.memory_space<vmem>>) dst(%dma_wait3A_95 : memref<40x128xf32, #tpu.memory_space<vmem_shared>>)
      tpu.yield
    }) : () -> ()
    %mul3A_74 = arith.constant 80 : i32
    %mul3A_75 = arith.muli %arg1, %mul3A_74 : i32
    %add3A_76 = arith.constant 40 : i32
    %add3A_77 = arith.addi %mul3A_75, %add3A_76 : i32
    "tpu.region"() ({
      %run_scoped3A = tpu.sem_alloc : memref<!tpu.dma_semaphore, #tpu.memory_space<semaphore_mem>>
      %dma_start3A = arith.constant 0 : i32
      %dma_start3A_90 = tpu.memref_slice %arg18[%add3A_77, %dma_start3A] : memref<1280x128xf32, #tpu.memory_space<vmem_shared>> -> memref<40x128xf32, #tpu.memory_space<vmem_shared>>
      %dma_start3A_91 = arith.constant 0 : i32
      %dma_start3A_92 = tpu.memref_slice %arg18[%add3A_77, %dma_start3A_91] : memref<1280x128xf32, #tpu.memory_space<vmem_shared>> -> memref<40x128xf32, #tpu.memory_space<vmem_shared>>
      tpu.enqueue_dma source(%arg15 : memref<40x128xf32, #tpu.memory_space<vmem>>) target(%dma_start3A_92 : memref<40x128xf32, #tpu.memory_space<vmem_shared>>) target_semaphore(%run_scoped3A : memref<!tpu.dma_semaphore, #tpu.memory_space<semaphore_mem>>)
      %dma_wait3A = arith.constant 0 : i32
      %dma_wait3A_93 = tpu.memref_slice %arg18[%add3A_77, %dma_wait3A] : memref<1280x128xf32, #tpu.memory_space<vmem_shared>> -> memref<40x128xf32, #tpu.memory_space<vmem_shared>>
      %dma_wait3A_94 = arith.constant 0 : i32
      %dma_wait3A_95 = tpu.memref_slice %arg18[%add3A_77, %dma_wait3A_94] : memref<1280x128xf32, #tpu.memory_space<vmem_shared>> -> memref<40x128xf32, #tpu.memory_space<vmem_shared>>
      tpu.wait_dma2 semaphore(%run_scoped3A : memref<!tpu.dma_semaphore, #tpu.memory_space<semaphore_mem>>) src(%arg15 : memref<40x128xf32, #tpu.memory_space<vmem>>) dst(%dma_wait3A_95 : memref<40x128xf32, #tpu.memory_space<vmem_shared>>)
      tpu.yield
    }) : () -> ()
    %barrier3A = arith.constant 0 : index
    tpu.barrier barrier_id(%barrier3A)
    %mul3A_78 = arith.constant 10000 : i32
    %mul3A_79 = arith.muli %add3A, %mul3A_78 : i32
    %scan3A_80 = arith.constant 0 : i32
    %scan3A_81 = arith.constant 250 : i32
    %scan3A_82 = arith.addi %scan3A_80, %scan3A_81 : i32
    %scan3A_83 = arith.constant 1 : i32
    scf.for %scan3A_90 = %scan3A_80 to %scan3A_82 step %scan3A_83  : i32 {
      %mul3A_91 = arith.constant 1 : i32
      %mul3A_92 = arith.muli %scan3A_90, %mul3A_91 : i32
      %add3A_93 = arith.constant 0 : i32
      %add3A_94 = arith.addi %add3A_93, %mul3A_92 : i32
      %mul3A_95 = arith.constant 40 : i32
      %mul3A_96 = arith.muli %add3A_94, %mul3A_95 : i32
      %add3A_97 = arith.addi %mul3A_79, %mul3A_96 : i32
      "tpu.region"() ({
        %run_scoped3A = tpu.sem_alloc : memref<!tpu.dma_semaphore, #tpu.memory_space<semaphore_mem>>
        %dma_start3A = tpu.memref_slice %arg5[%add3A_97] : memref<320000xi32, #tpu.memory_space<hbm>> -> memref<40xi32, #tpu.memory_space<hbm>>
        %dma_start3A_121 = tpu.memref_slice %arg5[%add3A_97] : memref<320000xi32, #tpu.memory_space<hbm>> -> memref<40xi32, #tpu.memory_space<hbm>>
        tpu.enqueue_dma source(%dma_start3A_121 : memref<40xi32, #tpu.memory_space<hbm>>) target(%arg9 : memref<40xi32, #tpu.memory_space<vmem>>) target_semaphore(%run_scoped3A : memref<!tpu.dma_semaphore, #tpu.memory_space<semaphore_mem>>)
        %dma_wait3A = tpu.memref_slice %arg5[%add3A_97] : memref<320000xi32, #tpu.memory_space<hbm>> -> memref<40xi32, #tpu.memory_space<hbm>>
        %dma_wait3A_122 = tpu.memref_slice %arg5[%add3A_97] : memref<320000xi32, #tpu.memory_space<hbm>> -> memref<40xi32, #tpu.memory_space<hbm>>
        tpu.wait_dma2 semaphore(%run_scoped3A : memref<!tpu.dma_semaphore, #tpu.memory_space<semaphore_mem>>) src(%dma_wait3A_122 : memref<40xi32, #tpu.memory_space<hbm>>) dst(%arg9 : memref<40xi32, #tpu.memory_space<vmem>>)
        tpu.yield
      }) : () -> ()
      "tpu.region"() ({
        %run_scoped3A = tpu.sem_alloc : memref<!tpu.dma_semaphore, #tpu.memory_space<semaphore_mem>>
        %dma_start3A = arith.constant 0 : i32
        %dma_start3A_121 = tpu.memref_slice %arg10[%dma_start3A] : memref<56xi32, #tpu.memory_space<vmem>> -> memref<40xi32, #tpu.memory_space<vmem>>
        %dma_start3A_122 = tpu.memref_slice %arg6[%add3A_97] : memref<320000xi32, #tpu.memory_space<hbm>> -> memref<40xi32, #tpu.memory_space<hbm>>
        %dma_start3A_123 = arith.constant 0 : i32
        %dma_start3A_124 = tpu.memref_slice %arg10[%dma_start3A_123] : memref<56xi32, #tpu.memory_space<vmem>> -> memref<40xi32, #tpu.memory_space<vmem>>
        %dma_start3A_125 = tpu.memref_slice %arg6[%add3A_97] : memref<320000xi32, #tpu.memory_space<hbm>> -> memref<40xi32, #tpu.memory_space<hbm>>
        tpu.enqueue_dma source(%dma_start3A_125 : memref<40xi32, #tpu.memory_space<hbm>>) target(%dma_start3A_124 : memref<40xi32, #tpu.memory_space<vmem>>) target_semaphore(%run_scoped3A : memref<!tpu.dma_semaphore, #tpu.memory_space<semaphore_mem>>)
        %dma_wait3A = arith.constant 0 : i32
        %dma_wait3A_126 = tpu.memref_slice %arg10[%dma_wait3A] : memref<56xi32, #tpu.memory_space<vmem>> -> memref<40xi32, #tpu.memory_space<vmem>>
        %dma_wait3A_127 = tpu.memref_slice %arg6[%add3A_97] : memref<320000xi32, #tpu.memory_space<hbm>> -> memref<40xi32, #tpu.memory_space<hbm>>
        %dma_wait3A_128 = arith.constant 0 : i32
        %dma_wait3A_129 = tpu.memref_slice %arg10[%dma_wait3A_128] : memref<56xi32, #tpu.memory_space<vmem>> -> memref<40xi32, #tpu.memory_space<vmem>>
        %dma_wait3A_130 = tpu.memref_slice %arg6[%add3A_97] : memref<320000xi32, #tpu.memory_space<hbm>> -> memref<40xi32, #tpu.memory_space<hbm>>
        tpu.wait_dma2 semaphore(%run_scoped3A : memref<!tpu.dma_semaphore, #tpu.memory_space<semaphore_mem>>) src(%dma_wait3A_130 : memref<40xi32, #tpu.memory_space<hbm>>) dst(%dma_wait3A_129 : memref<40xi32, #tpu.memory_space<vmem>>)
        tpu.yield
      }) : () -> ()
      "tpu.region"() ({
        %run_scoped3A = tpu.sem_alloc : memref<!tpu.dma_semaphore, #tpu.memory_space<semaphore_mem>>
        %dma_start3A = arith.constant 0 : i32
        %dma_start3A_121 = arith.constant 0 : i32
        %dma_start3A_122 = tpu.memref_slice %arg3[%dma_start3A, %dma_start3A_121] : memref<10000x256xf32, #tpu.memory_space<hbm>> -> memref<10000x256xf32, #tpu.memory_space<hbm>>
        tpu.enqueue_indirect_dma source(%dma_start3A_122 : memref<10000x256xf32, #tpu.memory_space<hbm>>) target(%arg12 : memref<40x256xf32, #tpu.memory_space<vmem>>) offsets(%arg9 : memref<40xi32, #tpu.memory_space<vmem>>) semaphore(%run_scoped3A : memref<!tpu.dma_semaphore, #tpu.memory_space<semaphore_mem>>)
        %dma_wait3A = arith.constant 0 : i32
        %dma_wait3A_123 = arith.constant 0 : i32
        %dma_wait3A_124 = tpu.memref_slice %arg3[%dma_wait3A, %dma_wait3A_123] : memref<10000x256xf32, #tpu.memory_space<hbm>> -> memref<10000x256xf32, #tpu.memory_space<hbm>>
        tpu.wait_indirect_dma semaphore(%run_scoped3A : memref<!tpu.dma_semaphore, #tpu.memory_space<semaphore_mem>>) src(%dma_wait3A_124 : memref<10000x256xf32, #tpu.memory_space<hbm>>) dst(%arg12 : memref<40x256xf32, #tpu.memory_space<vmem>>)
        tpu.yield
      }) : () -> ()
      "tpu.region"() ({
        %run_scoped3A = tpu.sem_alloc : memref<!tpu.dma_semaphore, #tpu.memory_space<semaphore_mem>>
        %dma_start3A = arith.constant 0 : i32
        %dma_start3A_121 = tpu.memref_slice %arg10[%dma_start3A] : memref<56xi32, #tpu.memory_space<vmem>> -> memref<40xi32, #tpu.memory_space<vmem>>
        %dma_start3A_122 = arith.constant 0 : i32
        %dma_start3A_123 = arith.constant 0 : i32
        %dma_start3A_124 = tpu.memref_slice %arg2[%dma_start3A_122, %dma_start3A_123] : memref<10000x128xf32, #tpu.memory_space<hbm>> -> memref<10000x128xf32, #tpu.memory_space<hbm>>
        tpu.enqueue_indirect_dma source(%dma_start3A_124 : memref<10000x128xf32, #tpu.memory_space<hbm>>) target(%arg13 : memref<40x128xf32, #tpu.memory_space<vmem>>) offsets(%dma_start3A_121 : memref<40xi32, #tpu.memory_space<vmem>>) semaphore(%run_scoped3A : memref<!tpu.dma_semaphore, #tpu.memory_space<semaphore_mem>>)
        %dma_wait3A = arith.constant 0 : i32
        %dma_wait3A_125 = tpu.memref_slice %arg10[%dma_wait3A] : memref<56xi32, #tpu.memory_space<vmem>> -> memref<40xi32, #tpu.memory_space<vmem>>
        %dma_wait3A_126 = arith.constant 0 : i32
        %dma_wait3A_127 = arith.constant 0 : i32
        %dma_wait3A_128 = tpu.memref_slice %arg2[%dma_wait3A_126, %dma_wait3A_127] : memref<10000x128xf32, #tpu.memory_space<hbm>> -> memref<10000x128xf32, #tpu.memory_space<hbm>>
        tpu.wait_indirect_dma semaphore(%run_scoped3A : memref<!tpu.dma_semaphore, #tpu.memory_space<semaphore_mem>>) src(%dma_wait3A_128 : memref<10000x128xf32, #tpu.memory_space<hbm>>) dst(%arg13 : memref<40x128xf32, #tpu.memory_space<vmem>>)
        tpu.yield
      }) : () -> ()
      "tpu.region"() ({
        %run_scoped3A = tpu.sem_alloc : memref<!tpu.dma_semaphore, #tpu.memory_space<semaphore_mem>>
        %dma_start3A = arith.constant 0 : i32
        %dma_start3A_121 = tpu.memref_slice %arg4[%add3A_97, %dma_start3A] : memref<320000x128xf32, #tpu.memory_space<hbm>> -> memref<40x128xf32, #tpu.memory_space<hbm>>
        %dma_start3A_122 = arith.constant 0 : i32
        %dma_start3A_123 = tpu.memref_slice %arg4[%add3A_97, %dma_start3A_122] : memref<320000x128xf32, #tpu.memory_space<hbm>> -> memref<40x128xf32, #tpu.memory_space<hbm>>
        tpu.enqueue_dma source(%dma_start3A_123 : memref<40x128xf32, #tpu.memory_space<hbm>>) target(%arg14 : memref<40x128xf32, #tpu.memory_space<vmem>>) target_semaphore(%run_scoped3A : memref<!tpu.dma_semaphore, #tpu.memory_space<semaphore_mem>>)
        %dma_wait3A = arith.constant 0 : i32
        %dma_wait3A_124 = tpu.memref_slice %arg4[%add3A_97, %dma_wait3A] : memref<320000x128xf32, #tpu.memory_space<hbm>> -> memref<40x128xf32, #tpu.memory_space<hbm>>
        %dma_wait3A_125 = arith.constant 0 : i32
        %dma_wait3A_126 = tpu.memref_slice %arg4[%add3A_97, %dma_wait3A_125] : memref<320000x128xf32, #tpu.memory_space<hbm>> -> memref<40x128xf32, #tpu.memory_space<hbm>>
        tpu.wait_dma2 semaphore(%run_scoped3A : memref<!tpu.dma_semaphore, #tpu.memory_space<semaphore_mem>>) src(%dma_wait3A_126 : memref<40x128xf32, #tpu.memory_space<hbm>>) dst(%arg14 : memref<40x128xf32, #tpu.memory_space<vmem>>)
        tpu.yield
      }) : () -> ()
      %get3A = arith.constant 0 : index
      %get3A_98 = tpu.vector_load %arg10[%get3A] {strides = array<i32>} : memref<56xi32, #tpu.memory_space<vmem>>, vector<16xi32>,
      %shift_right_logical3A = arith.constant 3 : i32
      %shift_right_logical3A_99 = vector.broadcast %shift_right_logical3A : i32 to vector<16xi32>
      %shift_right_logical3A_100 = arith.shrui %get3A_98, %shift_right_logical3A_99 : vector<16xi32>
      %swap3A = arith.constant 0 : index
      %swap3A_101 = tpu.vector_load %arg11[%swap3A] {strides = array<i32>} : memref<40xi32, #tpu.memory_space<vmem>>, vector<16xi32>,
      tpu.vector_store %arg11[%swap3A], %shift_right_logical3A_100 {strides = array<i32>} : memref<40xi32, #tpu.memory_space<vmem>>, vector<16xi32>,
      %get3A_102 = arith.constant 16 : index
      %get3A_103 = tpu.vector_load %arg10[%get3A_102] {strides = array<i32>} : memref<56xi32, #tpu.memory_space<vmem>>, vector<16xi32>,
      %shift_right_logical3A_104 = arith.constant 3 : i32
      %shift_right_logical3A_105 = vector.broadcast %shift_right_logical3A_104 : i32 to vector<16xi32>
      %shift_right_logical3A_106 = arith.shrui %get3A_103, %shift_right_logical3A_105 : vector<16xi32>
      %swap3A_107 = arith.constant 16 : index
      %swap3A_108 = tpu.vector_load %arg11[%swap3A_107] {strides = array<i32>} : memref<40xi32, #tpu.memory_space<vmem>>, vector<16xi32>,
      tpu.vector_store %arg11[%swap3A_107], %shift_right_logical3A_106 {strides = array<i32>} : memref<40xi32, #tpu.memory_space<vmem>>, vector<16xi32>,
      %get3A_109 = arith.constant 24 : index
      %get3A_110 = tpu.vector_load %arg10[%get3A_109] {strides = array<i32>} : memref<56xi32, #tpu.memory_space<vmem>>, vector<16xi32>,
      %shift_right_logical3A_111 = arith.constant 3 : i32
      %shift_right_logical3A_112 = vector.broadcast %shift_right_logical3A_111 : i32 to vector<16xi32>
      %shift_right_logical3A_113 = arith.shrui %get3A_110, %shift_right_logical3A_112 : vector<16xi32>
      %swap3A_114 = arith.constant 24 : index
      %swap3A_115 = tpu.vector_load %arg11[%swap3A_114] {strides = array<i32>} : memref<40xi32, #tpu.memory_space<vmem>>, vector<16xi32>,
      tpu.vector_store %arg11[%swap3A_114], %shift_right_logical3A_113 {strides = array<i32>} : memref<40xi32, #tpu.memory_space<vmem>>, vector<16xi32>,
      %iota3A = tpu.iota {dimensions = array<i32: 0>} : vector<16xi32>
      %scan3A_116 = arith.constant 0 : i32
      %scan3A_117 = arith.constant 40 : i32
      %scan3A_118 = arith.addi %scan3A_116, %scan3A_117 : i32
      %scan3A_119 = arith.constant 1 : i32
      scf.for %scan3A_121 = %scan3A_116 to %scan3A_118 step %scan3A_119  : i32 {
        %mul3A_122 = arith.constant 1 : i32
        %mul3A_123 = arith.muli %scan3A_121, %mul3A_122 : i32
        %add3A_124 = arith.constant 0 : i32
        %add3A_125 = arith.addi %add3A_124, %mul3A_123 : i32
        %get3A_126 = arith.index_cast %add3A_125 : i32 to index
        %get3A_127 = arith.constant 0 : index
        %get3A_128 = tpu.vector_load %arg13[%get3A_126, %get3A_127] {strides = array<i32>} : memref<40x128xf32, #tpu.memory_space<vmem>>, vector<16xf32>,
        %get3A_129 = arith.index_cast %add3A_125 : i32 to index
        %get3A_130 = arith.constant 0 : index
        %get3A_131 = tpu.vector_load %arg12[%get3A_129, %get3A_130] {strides = array<i32>} : memref<40x256xf32, #tpu.memory_space<vmem>>, vector<16xf32>,
        %get3A_132 = arith.index_cast %add3A_125 : i32 to index
        %get3A_133 = arith.constant 0 : index
        %get3A_134 = tpu.vector_load %arg14[%get3A_132, %get3A_133] {strides = array<i32>} : memref<40x128xf32, #tpu.memory_space<vmem>>, vector<16xf32>,
        %add3A_135 = arith.addf %get3A_131, %get3A_134 : vector<16xf32>
        %mul3A_136 = arith.mulf %get3A_128, %add3A_135 : vector<16xf32>
        %get3A_137 = arith.index_cast %add3A_125 : i32 to index
        %get3A_138 = arith.constant 16 : index
        %get3A_139 = tpu.vector_load %arg13[%get3A_137, %get3A_138] {strides = array<i32>} : memref<40x128xf32, #tpu.memory_space<vmem>>, vector<16xf32>,
        %get3A_140 = arith.index_cast %add3A_125 : i32 to index
        %get3A_141 = arith.constant 16 : index
        %get3A_142 = tpu.vector_load %arg12[%get3A_140, %get3A_141] {strides = array<i32>} : memref<40x256xf32, #tpu.memory_space<vmem>>, vector<16xf32>,
        %get3A_143 = arith.index_cast %add3A_125 : i32 to index
        %get3A_144 = arith.constant 16 : index
        %get3A_145 = tpu.vector_load %arg14[%get3A_143, %get3A_144] {strides = array<i32>} : memref<40x128xf32, #tpu.memory_space<vmem>>, vector<16xf32>,
        %add3A_146 = arith.addf %get3A_142, %get3A_145 : vector<16xf32>
        %mul3A_147 = arith.mulf %get3A_139, %add3A_146 : vector<16xf32>
        %get3A_148 = arith.index_cast %add3A_125 : i32 to index
        %get3A_149 = arith.constant 32 : index
        %get3A_150 = tpu.vector_load %arg13[%get3A_148, %get3A_149] {strides = array<i32>} : memref<40x128xf32, #tpu.memory_space<vmem>>, vector<16xf32>,
        %get3A_151 = arith.index_cast %add3A_125 : i32 to index
        %get3A_152 = arith.constant 32 : index
        %get3A_153 = tpu.vector_load %arg12[%get3A_151, %get3A_152] {strides = array<i32>} : memref<40x256xf32, #tpu.memory_space<vmem>>, vector<16xf32>,
        %get3A_154 = arith.index_cast %add3A_125 : i32 to index
        %get3A_155 = arith.constant 32 : index
        %get3A_156 = tpu.vector_load %arg14[%get3A_154, %get3A_155] {strides = array<i32>} : memref<40x128xf32, #tpu.memory_space<vmem>>, vector<16xf32>,
        %add3A_157 = arith.addf %get3A_153, %get3A_156 : vector<16xf32>
        %mul3A_158 = arith.mulf %get3A_150, %add3A_157 : vector<16xf32>
        %get3A_159 = arith.index_cast %add3A_125 : i32 to index
        %get3A_160 = arith.constant 48 : index
        %get3A_161 = tpu.vector_load %arg13[%get3A_159, %get3A_160] {strides = array<i32>} : memref<40x128xf32, #tpu.memory_space<vmem>>, vector<16xf32>,
        %get3A_162 = arith.index_cast %add3A_125 : i32 to index
        %get3A_163 = arith.constant 48 : index
        %get3A_164 = tpu.vector_load %arg12[%get3A_162, %get3A_163] {strides = array<i32>} : memref<40x256xf32, #tpu.memory_space<vmem>>, vector<16xf32>,
        %get3A_165 = arith.index_cast %add3A_125 : i32 to index
        %get3A_166 = arith.constant 48 : index
        %get3A_167 = tpu.vector_load %arg14[%get3A_165, %get3A_166] {strides = array<i32>} : memref<40x128xf32, #tpu.memory_space<vmem>>, vector<16xf32>,
        %add3A_168 = arith.addf %get3A_164, %get3A_167 : vector<16xf32>
        %mul3A_169 = arith.mulf %get3A_161, %add3A_168 : vector<16xf32>
        %get3A_170 = arith.index_cast %add3A_125 : i32 to index
        %get3A_171 = arith.constant 64 : index
        %get3A_172 = tpu.vector_load %arg13[%get3A_170, %get3A_171] {strides = array<i32>} : memref<40x128xf32, #tpu.memory_space<vmem>>, vector<16xf32>,
        %get3A_173 = arith.index_cast %add3A_125 : i32 to index
        %get3A_174 = arith.constant 64 : index
        %get3A_175 = tpu.vector_load %arg12[%get3A_173, %get3A_174] {strides = array<i32>} : memref<40x256xf32, #tpu.memory_space<vmem>>, vector<16xf32>,
        %get3A_176 = arith.index_cast %add3A_125 : i32 to index
        %get3A_177 = arith.constant 64 : index
        %get3A_178 = tpu.vector_load %arg14[%get3A_176, %get3A_177] {strides = array<i32>} : memref<40x128xf32, #tpu.memory_space<vmem>>, vector<16xf32>,
        %add3A_179 = arith.addf %get3A_175, %get3A_178 : vector<16xf32>
        %mul3A_180 = arith.mulf %get3A_172, %add3A_179 : vector<16xf32>
        %get3A_181 = arith.index_cast %add3A_125 : i32 to index
        %get3A_182 = arith.constant 80 : index
        %get3A_183 = tpu.vector_load %arg13[%get3A_181, %get3A_182] {strides = array<i32>} : memref<40x128xf32, #tpu.memory_space<vmem>>, vector<16xf32>,
        %get3A_184 = arith.index_cast %add3A_125 : i32 to index
        %get3A_185 = arith.constant 80 : index
        %get3A_186 = tpu.vector_load %arg12[%get3A_184, %get3A_185] {strides = array<i32>} : memref<40x256xf32, #tpu.memory_space<vmem>>, vector<16xf32>,
        %get3A_187 = arith.index_cast %add3A_125 : i32 to index
        %get3A_188 = arith.constant 80 : index
        %get3A_189 = tpu.vector_load %arg14[%get3A_187, %get3A_188] {strides = array<i32>} : memref<40x128xf32, #tpu.memory_space<vmem>>, vector<16xf32>,
        %add3A_190 = arith.addf %get3A_186, %get3A_189 : vector<16xf32>
        %mul3A_191 = arith.mulf %get3A_183, %add3A_190 : vector<16xf32>
        %get3A_192 = arith.index_cast %add3A_125 : i32 to index
        %get3A_193 = arith.constant 96 : index
        %get3A_194 = tpu.vector_load %arg13[%get3A_192, %get3A_193] {strides = array<i32>} : memref<40x128xf32, #tpu.memory_space<vmem>>, vector<16xf32>,
        %get3A_195 = arith.index_cast %add3A_125 : i32 to index
        %get3A_196 = arith.constant 96 : index
        %get3A_197 = tpu.vector_load %arg12[%get3A_195, %get3A_196] {strides = array<i32>} : memref<40x256xf32, #tpu.memory_space<vmem>>, vector<16xf32>,
        %get3A_198 = arith.index_cast %add3A_125 : i32 to index
        %get3A_199 = arith.constant 96 : index
        %get3A_200 = tpu.vector_load %arg14[%get3A_198, %get3A_199] {strides = array<i32>} : memref<40x128xf32, #tpu.memory_space<vmem>>, vector<16xf32>,
        %add3A_201 = arith.addf %get3A_197, %get3A_200 : vector<16xf32>
        %mul3A_202 = arith.mulf %get3A_194, %add3A_201 : vector<16xf32>
        %get3A_203 = arith.index_cast %add3A_125 : i32 to index
        %get3A_204 = arith.constant 112 : index
        %get3A_205 = tpu.vector_load %arg13[%get3A_203, %get3A_204] {strides = array<i32>} : memref<40x128xf32, #tpu.memory_space<vmem>>, vector<16xf32>,
        %get3A_206 = arith.index_cast %add3A_125 : i32 to index
        %get3A_207 = arith.constant 112 : index
        %get3A_208 = tpu.vector_load %arg12[%get3A_206, %get3A_207] {strides = array<i32>} : memref<40x256xf32, #tpu.memory_space<vmem>>, vector<16xf32>,
        %get3A_209 = arith.index_cast %add3A_125 : i32 to index
        %get3A_210 = arith.constant 112 : index
        %get3A_211 = tpu.vector_load %arg14[%get3A_209, %get3A_210] {strides = array<i32>} : memref<40x128xf32, #tpu.memory_space<vmem>>, vector<16xf32>,
        %add3A_212 = arith.addf %get3A_208, %get3A_211 : vector<16xf32>
        %mul3A_213 = arith.mulf %get3A_205, %add3A_212 : vector<16xf32>
        %add3A_214 = arith.addf %mul3A_136, %mul3A_147 : vector<16xf32>
        %reduce_sum3A = arith.constant true
        %reduce_sum3A_215 = vector.broadcast %reduce_sum3A : i1 to vector<16xi1>
        %reduce_sum3A_216 = tpu.scan <sum>, %add3A_214 masked %reduce_sum3A_215 : vector<16xf32>, vector<16xi1> -> vector<16xf32>
        %reduce_sum3A_217 = vector.extract %reduce_sum3A_216[15] : f32 from vector<16xf32>
        %broadcast_in_dim3A_218 = vector.broadcast %reduce_sum3A_217 : f32 to vector<16xf32>
        %exp3A = math.exp %broadcast_in_dim3A_218 : vector<16xf32>
        %add3A_219 = arith.addf %mul3A_158, %mul3A_169 : vector<16xf32>
        %reduce_sum3A_220 = arith.constant true
        %reduce_sum3A_221 = vector.broadcast %reduce_sum3A_220 : i1 to vector<16xi1>
        %reduce_sum3A_222 = tpu.scan <sum>, %add3A_219 masked %reduce_sum3A_221 : vector<16xf32>, vector<16xi1> -> vector<16xf32>
        %reduce_sum3A_223 = vector.extract %reduce_sum3A_222[15] : f32 from vector<16xf32>
        %broadcast_in_dim3A_224 = vector.broadcast %reduce_sum3A_223 : f32 to vector<16xf32>
        %exp3A_225 = math.exp %broadcast_in_dim3A_224 : vector<16xf32>
        %add3A_226 = arith.addf %mul3A_180, %mul3A_191 : vector<16xf32>
        %reduce_sum3A_227 = arith.constant true
        %reduce_sum3A_228 = vector.broadcast %reduce_sum3A_227 : i1 to vector<16xi1>
        %reduce_sum3A_229 = tpu.scan <sum>, %add3A_226 masked %reduce_sum3A_228 : vector<16xf32>, vector<16xi1> -> vector<16xf32>
        %reduce_sum3A_230 = vector.extract %reduce_sum3A_229[15] : f32 from vector<16xf32>
        %broadcast_in_dim3A_231 = vector.broadcast %reduce_sum3A_230 : f32 to vector<16xf32>
        %exp3A_232 = math.exp %broadcast_in_dim3A_231 : vector<16xf32>
        %add3A_233 = arith.addf %mul3A_202, %mul3A_213 : vector<16xf32>
        %reduce_sum3A_234 = arith.constant true
        %reduce_sum3A_235 = vector.broadcast %reduce_sum3A_234 : i1 to vector<16xi1>
        %reduce_sum3A_236 = tpu.scan <sum>, %add3A_233 masked %reduce_sum3A_235 : vector<16xf32>, vector<16xi1> -> vector<16xf32>
        %reduce_sum3A_237 = vector.extract %reduce_sum3A_236[15] : f32 from vector<16xf32>
        %broadcast_in_dim3A_238 = vector.broadcast %reduce_sum3A_237 : f32 to vector<16xf32>
        %exp3A_239 = math.exp %broadcast_in_dim3A_238 : vector<16xf32>
        %get3A_240 = arith.index_cast %add3A_125 : i32 to index
        %get3A_241 = arith.constant 128 : index
        %get3A_242 = tpu.vector_load %arg12[%get3A_240, %get3A_241] {strides = array<i32>} : memref<40x256xf32, #tpu.memory_space<vmem>>, vector<16xf32>,
        %get3A_243 = arith.index_cast %add3A_125 : i32 to index
        %get3A_244 = arith.constant 0 : index
        %get3A_245 = tpu.vector_load %arg14[%get3A_243, %get3A_244] {strides = array<i32>} : memref<40x128xf32, #tpu.memory_space<vmem>>, vector<16xf32>,
        %add3A_246 = arith.addf %get3A_242, %get3A_245 : vector<16xf32>
        %mul3A_247 = arith.mulf %exp3A, %add3A_246 : vector<16xf32>
        %swap3A_248 = arith.index_cast %add3A_125 : i32 to index
        %swap3A_249 = arith.constant 0 : index
        %swap3A_250 = tpu.vector_load %arg15[%swap3A_248, %swap3A_249] {strides = array<i32>} : memref<40x128xf32, #tpu.memory_space<vmem>>, vector<16xf32>,
        tpu.vector_store %arg15[%swap3A_248, %swap3A_249], %mul3A_247 {strides = array<i32>} : memref<40x128xf32, #tpu.memory_space<vmem>>, vector<16xf32>,
        %get3A_251 = arith.index_cast %add3A_125 : i32 to index
        %get3A_252 = arith.constant 144 : index
        %get3A_253 = tpu.vector_load %arg12[%get3A_251, %get3A_252] {strides = array<i32>} : memref<40x256xf32, #tpu.memory_space<vmem>>, vector<16xf32>,
        %get3A_254 = arith.index_cast %add3A_125 : i32 to index
        %get3A_255 = arith.constant 16 : index
        %get3A_256 = tpu.vector_load %arg14[%get3A_254, %get3A_255] {strides = array<i32>} : memref<40x128xf32, #tpu.memory_space<vmem>>, vector<16xf32>,
        %add3A_257 = arith.addf %get3A_253, %get3A_256 : vector<16xf32>
        %mul3A_258 = arith.mulf %exp3A, %add3A_257 : vector<16xf32>
        %swap3A_259 = arith.index_cast %add3A_125 : i32 to index
        %swap3A_260 = arith.constant 16 : index
        %swap3A_261 = tpu.vector_load %arg15[%swap3A_259, %swap3A_260] {strides = array<i32>} : memref<40x128xf32, #tpu.memory_space<vmem>>, vector<16xf32>,
        tpu.vector_store %arg15[%swap3A_259, %swap3A_260], %mul3A_258 {strides = array<i32>} : memref<40x128xf32, #tpu.memory_space<vmem>>, vector<16xf32>,
        %get3A_262 = arith.index_cast %add3A_125 : i32 to index
        %get3A_263 = arith.constant 160 : index
        %get3A_264 = tpu.vector_load %arg12[%get3A_262, %get3A_263] {strides = array<i32>} : memref<40x256xf32, #tpu.memory_space<vmem>>, vector<16xf32>,
        %get3A_265 = arith.index_cast %add3A_125 : i32 to index
        %get3A_266 = arith.constant 32 : index
        %get3A_267 = tpu.vector_load %arg14[%get3A_265, %get3A_266] {strides = array<i32>} : memref<40x128xf32, #tpu.memory_space<vmem>>, vector<16xf32>,
        %add3A_268 = arith.addf %get3A_264, %get3A_267 : vector<16xf32>
        %mul3A_269 = arith.mulf %exp3A_225, %add3A_268 : vector<16xf32>
        %swap3A_270 = arith.index_cast %add3A_125 : i32 to index
        %swap3A_271 = arith.constant 32 : index
        %swap3A_272 = tpu.vector_load %arg15[%swap3A_270, %swap3A_271] {strides = array<i32>} : memref<40x128xf32, #tpu.memory_space<vmem>>, vector<16xf32>,
        tpu.vector_store %arg15[%swap3A_270, %swap3A_271], %mul3A_269 {strides = array<i32>} : memref<40x128xf32, #tpu.memory_space<vmem>>, vector<16xf32>,
        %get3A_273 = arith.index_cast %add3A_125 : i32 to index
        %get3A_274 = arith.constant 176 : index
        %get3A_275 = tpu.vector_load %arg12[%get3A_273, %get3A_274] {strides = array<i32>} : memref<40x256xf32, #tpu.memory_space<vmem>>, vector<16xf32>,
        %get3A_276 = arith.index_cast %add3A_125 : i32 to index
        %get3A_277 = arith.constant 48 : index
        %get3A_278 = tpu.vector_load %arg14[%get3A_276, %get3A_277] {strides = array<i32>} : memref<40x128xf32, #tpu.memory_space<vmem>>, vector<16xf32>,
        %add3A_279 = arith.addf %get3A_275, %get3A_278 : vector<16xf32>
        %mul3A_280 = arith.mulf %exp3A_225, %add3A_279 : vector<16xf32>
        %swap3A_281 = arith.index_cast %add3A_125 : i32 to index
        %swap3A_282 = arith.constant 48 : index
        %swap3A_283 = tpu.vector_load %arg15[%swap3A_281, %swap3A_282] {strides = array<i32>} : memref<40x128xf32, #tpu.memory_space<vmem>>, vector<16xf32>,
        tpu.vector_store %arg15[%swap3A_281, %swap3A_282], %mul3A_280 {strides = array<i32>} : memref<40x128xf32, #tpu.memory_space<vmem>>, vector<16xf32>,
        %get3A_284 = arith.index_cast %add3A_125 : i32 to index
        %get3A_285 = arith.constant 192 : index
        %get3A_286 = tpu.vector_load %arg12[%get3A_284, %get3A_285] {strides = array<i32>} : memref<40x256xf32, #tpu.memory_space<vmem>>, vector<16xf32>,
        %get3A_287 = arith.index_cast %add3A_125 : i32 to index
        %get3A_288 = arith.constant 64 : index
        %get3A_289 = tpu.vector_load %arg14[%get3A_287, %get3A_288] {strides = array<i32>} : memref<40x128xf32, #tpu.memory_space<vmem>>, vector<16xf32>,
        %add3A_290 = arith.addf %get3A_286, %get3A_289 : vector<16xf32>
        %mul3A_291 = arith.mulf %exp3A_232, %add3A_290 : vector<16xf32>
        %swap3A_292 = arith.index_cast %add3A_125 : i32 to index
        %swap3A_293 = arith.constant 64 : index
        %swap3A_294 = tpu.vector_load %arg15[%swap3A_292, %swap3A_293] {strides = array<i32>} : memref<40x128xf32, #tpu.memory_space<vmem>>, vector<16xf32>,
        tpu.vector_store %arg15[%swap3A_292, %swap3A_293], %mul3A_291 {strides = array<i32>} : memref<40x128xf32, #tpu.memory_space<vmem>>, vector<16xf32>,
        %get3A_295 = arith.index_cast %add3A_125 : i32 to index
        %get3A_296 = arith.constant 208 : index
        %get3A_297 = tpu.vector_load %arg12[%get3A_295, %get3A_296] {strides = array<i32>} : memref<40x256xf32, #tpu.memory_space<vmem>>, vector<16xf32>,
        %get3A_298 = arith.index_cast %add3A_125 : i32 to index
        %get3A_299 = arith.constant 80 : index
        %get3A_300 = tpu.vector_load %arg14[%get3A_298, %get3A_299] {strides = array<i32>} : memref<40x128xf32, #tpu.memory_space<vmem>>, vector<16xf32>,
        %add3A_301 = arith.addf %get3A_297, %get3A_300 : vector<16xf32>
        %mul3A_302 = arith.mulf %exp3A_232, %add3A_301 : vector<16xf32>
        %swap3A_303 = arith.index_cast %add3A_125 : i32 to index
        %swap3A_304 = arith.constant 80 : index
        %swap3A_305 = tpu.vector_load %arg15[%swap3A_303, %swap3A_304] {strides = array<i32>} : memref<40x128xf32, #tpu.memory_space<vmem>>, vector<16xf32>,
        tpu.vector_store %arg15[%swap3A_303, %swap3A_304], %mul3A_302 {strides = array<i32>} : memref<40x128xf32, #tpu.memory_space<vmem>>, vector<16xf32>,
        %get3A_306 = arith.index_cast %add3A_125 : i32 to index
        %get3A_307 = arith.constant 224 : index
        %get3A_308 = tpu.vector_load %arg12[%get3A_306, %get3A_307] {strides = array<i32>} : memref<40x256xf32, #tpu.memory_space<vmem>>, vector<16xf32>,
        %get3A_309 = arith.index_cast %add3A_125 : i32 to index
        %get3A_310 = arith.constant 96 : index
        %get3A_311 = tpu.vector_load %arg14[%get3A_309, %get3A_310] {strides = array<i32>} : memref<40x128xf32, #tpu.memory_space<vmem>>, vector<16xf32>,
        %add3A_312 = arith.addf %get3A_308, %get3A_311 : vector<16xf32>
        %mul3A_313 = arith.mulf %exp3A_239, %add3A_312 : vector<16xf32>
        %swap3A_314 = arith.index_cast %add3A_125 : i32 to index
        %swap3A_315 = arith.constant 96 : index
        %swap3A_316 = tpu.vector_load %arg15[%swap3A_314, %swap3A_315] {strides = array<i32>} : memref<40x128xf32, #tpu.memory_space<vmem>>, vector<16xf32>,
        tpu.vector_store %arg15[%swap3A_314, %swap3A_315], %mul3A_313 {strides = array<i32>} : memref<40x128xf32, #tpu.memory_space<vmem>>, vector<16xf32>,
        %get3A_317 = arith.index_cast %add3A_125 : i32 to index
        %get3A_318 = arith.constant 240 : index
        %get3A_319 = tpu.vector_load %arg12[%get3A_317, %get3A_318] {strides = array<i32>} : memref<40x256xf32, #tpu.memory_space<vmem>>, vector<16xf32>,
        %get3A_320 = arith.index_cast %add3A_125 : i32 to index
        %get3A_321 = arith.constant 112 : index
        %get3A_322 = tpu.vector_load %arg14[%get3A_320, %get3A_321] {strides = array<i32>} : memref<40x128xf32, #tpu.memory_space<vmem>>, vector<16xf32>,
        %add3A_323 = arith.addf %get3A_319, %get3A_322 : vector<16xf32>
        %mul3A_324 = arith.mulf %exp3A_239, %add3A_323 : vector<16xf32>
        %swap3A_325 = arith.index_cast %add3A_125 : i32 to index
        %swap3A_326 = arith.constant 112 : index
        %swap3A_327 = tpu.vector_load %arg15[%swap3A_325, %swap3A_326] {strides = array<i32>} : memref<40x128xf32, #tpu.memory_space<vmem>>, vector<16xf32>,
        tpu.vector_store %arg15[%swap3A_325, %swap3A_326], %mul3A_324 {strides = array<i32>} : memref<40x128xf32, #tpu.memory_space<vmem>>, vector<16xf32>,
        %eq3A = arith.constant 0 : i32
        %eq3A_328 = vector.broadcast %eq3A : i32 to vector<16xi32>
        %eq3A_329 = arith.cmpi eq, %iota3A, %eq3A_328 : vector<16xi32>
        %select_n3A = arith.select %eq3A_329, %exp3A, %broadcast_in_dim3A_1 : vector<16xi1>, vector<16xf32>
        %eq3A_330 = arith.constant 1 : i32
        %eq3A_331 = vector.broadcast %eq3A_330 : i32 to vector<16xi32>
        %eq3A_332 = arith.cmpi eq, %iota3A, %eq3A_331 : vector<16xi32>
        %select_n3A_333 = arith.select %eq3A_332, %exp3A_225, %broadcast_in_dim3A_1 : vector<16xi1>, vector<16xf32>
        %add3A_334 = arith.addf %select_n3A, %select_n3A_333 : vector<16xf32>
        %eq3A_335 = arith.constant 2 : i32
        %eq3A_336 = vector.broadcast %eq3A_335 : i32 to vector<16xi32>
        %eq3A_337 = arith.cmpi eq, %iota3A, %eq3A_336 : vector<16xi32>
        %select_n3A_338 = arith.select %eq3A_337, %exp3A_232, %broadcast_in_dim3A_1 : vector<16xi1>, vector<16xf32>
        %add3A_339 = arith.addf %add3A_334, %select_n3A_338 : vector<16xf32>
        %eq3A_340 = arith.constant 3 : i32
        %eq3A_341 = vector.broadcast %eq3A_340 : i32 to vector<16xi32>
        %eq3A_342 = arith.cmpi eq, %iota3A, %eq3A_341 : vector<16xi32>
        %select_n3A_343 = arith.select %eq3A_342, %exp3A_239, %broadcast_in_dim3A_1 : vector<16xi1>, vector<16xf32>
        %add3A_344 = arith.addf %add3A_339, %select_n3A_343 : vector<16xf32>
        %swap3A_345 = arith.index_cast %add3A_125 : i32 to index
        %swap3A_346 = arith.constant 0 : index
        %swap3A_347 = tpu.vector_load %arg16[%swap3A_345, %swap3A_346] {strides = array<i32>} : memref<40x128xf32, #tpu.memory_space<vmem>>, vector<16xf32>,
        tpu.vector_store %arg16[%swap3A_345, %swap3A_346], %broadcast_in_dim3A_1 {strides = array<i32>} : memref<40x128xf32, #tpu.memory_space<vmem>>, vector<16xf32>,
        %swap3A_348 = arith.index_cast %add3A_125 : i32 to index
        %swap3A_349 = arith.constant 16 : index
        %swap3A_350 = tpu.vector_load %arg16[%swap3A_348, %swap3A_349] {strides = array<i32>} : memref<40x128xf32, #tpu.memory_space<vmem>>, vector<16xf32>,
        tpu.vector_store %arg16[%swap3A_348, %swap3A_349], %broadcast_in_dim3A_1 {strides = array<i32>} : memref<40x128xf32, #tpu.memory_space<vmem>>, vector<16xf32>,
        %swap3A_351 = arith.index_cast %add3A_125 : i32 to index
        %swap3A_352 = arith.constant 32 : index
        %swap3A_353 = tpu.vector_load %arg16[%swap3A_351, %swap3A_352] {strides = array<i32>} : memref<40x128xf32, #tpu.memory_space<vmem>>, vector<16xf32>,
        tpu.vector_store %arg16[%swap3A_351, %swap3A_352], %broadcast_in_dim3A_1 {strides = array<i32>} : memref<40x128xf32, #tpu.memory_space<vmem>>, vector<16xf32>,
        %swap3A_354 = arith.index_cast %add3A_125 : i32 to index
        %swap3A_355 = arith.constant 48 : index
        %swap3A_356 = tpu.vector_load %arg16[%swap3A_354, %swap3A_355] {strides = array<i32>} : memref<40x128xf32, #tpu.memory_space<vmem>>, vector<16xf32>,
        tpu.vector_store %arg16[%swap3A_354, %swap3A_355], %broadcast_in_dim3A_1 {strides = array<i32>} : memref<40x128xf32, #tpu.memory_space<vmem>>, vector<16xf32>,
        %swap3A_357 = arith.index_cast %add3A_125 : i32 to index
        %swap3A_358 = arith.constant 64 : index
        %swap3A_359 = tpu.vector_load %arg16[%swap3A_357, %swap3A_358] {strides = array<i32>} : memref<40x128xf32, #tpu.memory_space<vmem>>, vector<16xf32>,
        tpu.vector_store %arg16[%swap3A_357, %swap3A_358], %broadcast_in_dim3A_1 {strides = array<i32>} : memref<40x128xf32, #tpu.memory_space<vmem>>, vector<16xf32>,
        %swap3A_360 = arith.index_cast %add3A_125 : i32 to index
        %swap3A_361 = arith.constant 80 : index
        %swap3A_362 = tpu.vector_load %arg16[%swap3A_360, %swap3A_361] {strides = array<i32>} : memref<40x128xf32, #tpu.memory_space<vmem>>, vector<16xf32>,
        tpu.vector_store %arg16[%swap3A_360, %swap3A_361], %broadcast_in_dim3A_1 {strides = array<i32>} : memref<40x128xf32, #tpu.memory_space<vmem>>, vector<16xf32>,
        %swap3A_363 = arith.index_cast %add3A_125 : i32 to index
        %swap3A_364 = arith.constant 96 : index
        %swap3A_365 = tpu.vector_load %arg16[%swap3A_363, %swap3A_364] {strides = array<i32>} : memref<40x128xf32, #tpu.memory_space<vmem>>, vector<16xf32>,
        tpu.vector_store %arg16[%swap3A_363, %swap3A_364], %broadcast_in_dim3A_1 {strides = array<i32>} : memref<40x128xf32, #tpu.memory_space<vmem>>, vector<16xf32>,
        %swap3A_366 = arith.index_cast %add3A_125 : i32 to index
        %swap3A_367 = arith.constant 112 : index
        %swap3A_368 = tpu.vector_load %arg16[%swap3A_366, %swap3A_367] {strides = array<i32>} : memref<40x128xf32, #tpu.memory_space<vmem>>, vector<16xf32>,
        tpu.vector_store %arg16[%swap3A_366, %swap3A_367], %broadcast_in_dim3A_1 {strides = array<i32>} : memref<40x128xf32, #tpu.memory_space<vmem>>, vector<16xf32>,
        %get3A_369 = arith.index_cast %add3A_125 : i32 to index
        %get3A_370 = tpu.vector_load %arg10[%get3A_369] {strides = array<i32>} : memref<56xi32, #tpu.memory_space<vmem>>, vector<16xi32>,
        %slice3A = vector.extract_strided_slice %get3A_370 {offsets = [0], sizes = [1], strides = [1]} : vector<16xi32> to vector<1xi32>
        %squeeze3A = vector.extract %slice3A[0] : i32 from vector<1xi32>
        %and3A = arith.constant 7 : i32
        %and3A_371 = arith.andi %squeeze3A, %and3A : i32
        %mul3A_372 = arith.constant 16 : i32
        %mul3A_373 = arith.muli %and3A_371, %mul3A_372 : i32
        %swap3A_374 = arith.index_cast %add3A_125 : i32 to index
        %swap3A_375 = arith.index_cast %mul3A_373 : i32 to index
        %swap3A_376 = tpu.vector_load %arg16[%swap3A_374, %swap3A_375] {strides = array<i32>} : memref<40x128xf32, #tpu.memory_space<vmem>>, vector<16xf32>,
        tpu.vector_store %arg16[%swap3A_374, %swap3A_375], %add3A_344 {strides = array<i32>} : memref<40x128xf32, #tpu.memory_space<vmem>>, vector<16xf32>,
      }
      %scan3A_120 = arith.constant 40 : i32
      "tpu.region"() ({
        %run_scoped3A = tpu.sem_alloc : memref<!tpu.dma_semaphore, #tpu.memory_space<semaphore_mem>>
        %dma_start3A = arith.constant 0 : i32
        %dma_start3A_121 = tpu.memref_slice %arg10[%dma_start3A] : memref<56xi32, #tpu.memory_space<vmem>> -> memref<40xi32, #tpu.memory_space<vmem>>
        %dma_start3A_122 = arith.constant 0 : i32
        %dma_start3A_123 = arith.constant 0 : i32
        %dma_start3A_124 = tpu.memref_slice %arg17[%dma_start3A_122, %dma_start3A_123] : memref<10240x128xf32, #tpu.memory_space<vmem_shared>> -> memref<10240x128xf32, #tpu.memory_space<vmem_shared>>
        tpu.enqueue_indirect_dma source(%arg15 : memref<40x128xf32, #tpu.memory_space<vmem>>) target(%dma_start3A_124 : memref<10240x128xf32, #tpu.memory_space<vmem_shared>>) offsets(%dma_start3A_121 : memref<40xi32, #tpu.memory_space<vmem>>) semaphore(%run_scoped3A : memref<!tpu.dma_semaphore, #tpu.memory_space<semaphore_mem>>) {add = true}
        %dma_wait3A = arith.constant 0 : i32
        %dma_wait3A_125 = tpu.memref_slice %arg10[%dma_wait3A] : memref<56xi32, #tpu.memory_space<vmem>> -> memref<40xi32, #tpu.memory_space<vmem>>
        %dma_wait3A_126 = arith.constant 0 : i32
        %dma_wait3A_127 = arith.constant 0 : i32
        %dma_wait3A_128 = tpu.memref_slice %arg17[%dma_wait3A_126, %dma_wait3A_127] : memref<10240x128xf32, #tpu.memory_space<vmem_shared>> -> memref<10240x128xf32, #tpu.memory_space<vmem_shared>>
        tpu.wait_indirect_dma semaphore(%run_scoped3A : memref<!tpu.dma_semaphore, #tpu.memory_space<semaphore_mem>>) src(%arg15 : memref<40x128xf32, #tpu.memory_space<vmem>>) dst(%dma_wait3A_128 : memref<10240x128xf32, #tpu.memory_space<vmem_shared>>)
        tpu.yield
      }) : () -> ()
      "tpu.region"() ({
        %run_scoped3A = tpu.sem_alloc : memref<!tpu.dma_semaphore, #tpu.memory_space<semaphore_mem>>
        %dma_start3A = arith.constant 0 : i32
        %dma_start3A_121 = arith.constant 0 : i32
        %dma_start3A_122 = tpu.memref_slice %arg18[%dma_start3A, %dma_start3A_121] : memref<1280x128xf32, #tpu.memory_space<vmem_shared>> -> memref<1280x128xf32, #tpu.memory_space<vmem_shared>>
        tpu.enqueue_indirect_dma source(%arg16 : memref<40x128xf32, #tpu.memory_space<vmem>>) target(%dma_start3A_122 : memref<1280x128xf32, #tpu.memory_space<vmem_shared>>) offsets(%arg11 : memref<40xi32, #tpu.memory_space<vmem>>) semaphore(%run_scoped3A : memref<!tpu.dma_semaphore, #tpu.memory_space<semaphore_mem>>) {add = true}
        %dma_wait3A = arith.constant 0 : i32
        %dma_wait3A_123 = arith.constant 0 : i32
        %dma_wait3A_124 = tpu.memref_slice %arg18[%dma_wait3A, %dma_wait3A_123] : memref<1280x128xf32, #tpu.memory_space<vmem_shared>> -> memref<1280x128xf32, #tpu.memory_space<vmem_shared>>
        tpu.wait_indirect_dma semaphore(%run_scoped3A : memref<!tpu.dma_semaphore, #tpu.memory_space<semaphore_mem>>) src(%arg16 : memref<40x128xf32, #tpu.memory_space<vmem>>) dst(%dma_wait3A_124 : memref<1280x128xf32, #tpu.memory_space<vmem_shared>>)
        tpu.yield
      }) : () -> ()
    }
    %scan3A_84 = arith.constant 250 : i32
    %barrier3A_85 = arith.constant 0 : index
    tpu.barrier barrier_id(%barrier3A_85)
    %mul3A_86 = arith.constant 640 : i32
    %mul3A_87 = arith.muli %arg1, %mul3A_86 : i32
    "tpu.region"() ({
      %run_scoped3A = tpu.sem_alloc : memref<!tpu.dma_semaphore, #tpu.memory_space<semaphore_mem>>
      %dma_start3A = arith.constant 0 : i32
      %dma_start3A_90 = tpu.memref_slice %arg7[%arg0, %mul3A_87, %dma_start3A] : memref<2x10240x128xf32, #tpu.memory_space<hbm>> -> memref<1x640x128xf32, #tpu.memory_space<hbm>>
      %dma_start3A_91 = tpu.memref_squeeze %dma_start3A_90 : memref<1x640x128xf32, #tpu.memory_space<hbm>> -> memref<640x128xf32, #tpu.memory_space<hbm>>
      %dma_start3A_92 = arith.constant 0 : i32
      %dma_start3A_93 = tpu.memref_slice %arg17[%mul3A_87, %dma_start3A_92] : memref<10240x128xf32, #tpu.memory_space<vmem_shared>> -> memref<640x128xf32, #tpu.memory_space<vmem_shared>>
      tpu.enqueue_dma source(%dma_start3A_93 : memref<640x128xf32, #tpu.memory_space<vmem_shared>>) target(%dma_start3A_91 : memref<640x128xf32, #tpu.memory_space<hbm>>) target_semaphore(%run_scoped3A : memref<!tpu.dma_semaphore, #tpu.memory_space<semaphore_mem>>)
      %dma_wait3A = arith.constant 0 : i32
      %dma_wait3A_94 = tpu.memref_slice %arg7[%arg0, %mul3A_87, %dma_wait3A] : memref<2x10240x128xf32, #tpu.memory_space<hbm>> -> memref<1x640x128xf32, #tpu.memory_space<hbm>>
      %dma_wait3A_95 = tpu.memref_squeeze %dma_wait3A_94 : memref<1x640x128xf32, #tpu.memory_space<hbm>> -> memref<640x128xf32, #tpu.memory_space<hbm>>
      %dma_wait3A_96 = arith.constant 0 : i32
      %dma_wait3A_97 = tpu.memref_slice %arg17[%mul3A_87, %dma_wait3A_96] : memref<10240x128xf32, #tpu.memory_space<vmem_shared>> -> memref<640x128xf32, #tpu.memory_space<vmem_shared>>
      tpu.wait_dma2 semaphore(%run_scoped3A : memref<!tpu.dma_semaphore, #tpu.memory_space<semaphore_mem>>) src(%dma_wait3A_97 : memref<640x128xf32, #tpu.memory_space<vmem_shared>>) dst(%dma_wait3A_95 : memref<640x128xf32, #tpu.memory_space<hbm>>)
      tpu.yield
    }) : () -> ()
    %mul3A_88 = arith.constant 80 : i32
    %mul3A_89 = arith.muli %arg1, %mul3A_88 : i32
    "tpu.region"() ({
      %run_scoped3A = tpu.sem_alloc : memref<!tpu.dma_semaphore, #tpu.memory_space<semaphore_mem>>
      %dma_start3A = arith.constant 0 : i32
      %dma_start3A_90 = tpu.memref_slice %arg8[%arg0, %mul3A_89, %dma_start3A] : memref<2x1280x128xf32, #tpu.memory_space<hbm>> -> memref<1x80x128xf32, #tpu.memory_space<hbm>>
      %dma_start3A_91 = tpu.memref_squeeze %dma_start3A_90 : memref<1x80x128xf32, #tpu.memory_space<hbm>> -> memref<80x128xf32, #tpu.memory_space<hbm>>
      %dma_start3A_92 = arith.constant 0 : i32
      %dma_start3A_93 = tpu.memref_slice %arg18[%mul3A_89, %dma_start3A_92] : memref<1280x128xf32, #tpu.memory_space<vmem_shared>> -> memref<80x128xf32, #tpu.memory_space<vmem_shared>>
      tpu.enqueue_dma source(%dma_start3A_93 : memref<80x128xf32, #tpu.memory_space<vmem_shared>>) target(%dma_start3A_91 : memref<80x128xf32, #tpu.memory_space<hbm>>) target_semaphore(%run_scoped3A : memref<!tpu.dma_semaphore, #tpu.memory_space<semaphore_mem>>)
      %dma_wait3A = arith.constant 0 : i32
      %dma_wait3A_94 = tpu.memref_slice %arg8[%arg0, %mul3A_89, %dma_wait3A] : memref<2x1280x128xf32, #tpu.memory_space<hbm>> -> memref<1x80x128xf32, #tpu.memory_space<hbm>>
      %dma_wait3A_95 = tpu.memref_squeeze %dma_wait3A_94 : memref<1x80x128xf32, #tpu.memory_space<hbm>> -> memref<80x128xf32, #tpu.memory_space<hbm>>
      %dma_wait3A_96 = arith.constant 0 : i32
      %dma_wait3A_97 = tpu.memref_slice %arg18[%mul3A_89, %dma_wait3A_96] : memref<1280x128xf32, #tpu.memory_space<vmem_shared>> -> memref<80x128xf32, #tpu.memory_space<vmem_shared>>
      tpu.wait_dma2 semaphore(%run_scoped3A : memref<!tpu.dma_semaphore, #tpu.memory_space<semaphore_mem>>) src(%dma_wait3A_97 : memref<80x128xf32, #tpu.memory_space<vmem_shared>>) dst(%dma_wait3A_95 : memref<80x128xf32, #tpu.memory_space<hbm>>)
      tpu.yield
    }) : () -> ()
    return
  }
}

#map = affine_map<(d0, d1) -> (0, 0)>
#map1 = affine_map<(d0, d1) -> (0)>
#map2 = affine_map<(d0, d1) -> (0, 0, 0)>
module attributes {stable_mosaic.version = 14 : i64} {
  func.func @_edge_body(%arg0: i32, %arg1: i32, %arg2: memref<10000x128xf32, #tpu.memory_space<hbm>>, %arg3: memref<10000x256xf32, #tpu.memory_space<hbm>>, %arg4: memref<320000x128xf32, #tpu.memory_space<hbm>>, %arg5: memref<320000xi32, #tpu.memory_space<hbm>>, %arg6: memref<320000xi32, #tpu.memory_space<hbm>>, %arg7: memref<2x10240x128xf32, #tpu.memory_space<hbm>>, %arg8: memref<2x1280x128xf32, #tpu.memory_space<hbm>>, %arg9: memref<40xi32, #tpu.memory_space<vmem>>, %arg10: memref<56xi32, #tpu.memory_space<vmem>>, %arg11: memref<40xi32, #tpu.memory_space<vmem>>, %arg12: memref<40x256xf32, #tpu.memory_space<vmem>>, %arg13: memref<40x128xf32, #tpu.memory_space<vmem>>, %arg14: memref<40x128xf32, #tpu.memory_space<vmem>>, %arg15: memref<40x128xf32, #tpu.memory_space<vmem>>, %arg16: memref<40x128xf32, #tpu.memory_space<vmem>>, %arg17: memref<10240x128xf32, #tpu.memory_space<vmem_shared>>, %arg18: memref<1280x128xf32, #tpu.memory_space<vmem_shared>>) attributes {dimension_semantics = [#tpu.dimension_semantics<core_parallel>, #tpu.dimension_semantics<subcore_parallel>], iteration_bounds = array<i64: 2, 16>, scalar_prefetch = 0 : i64, scratch_operands = 10 : i64, tpu.core_type = #tpu.core_type<sc_vector_subcore>, window_params = [{transform_indices = #map}, {transform_indices = #map}, {transform_indices = #map}, {transform_indices = #map1}, {transform_indices = #map1}, {transform_indices = #map2}, {transform_indices = #map2}]} {
    %mul3A = arith.constant 16 : i32
    %mul3A_0 = arith.muli %arg0, %mul3A : i32
    %add3A = arith.addi %mul3A_0, %arg1 : i32
    %broadcast_in_dim3A = arith.constant 0.000000e+00 : f32
    %broadcast_in_dim3A_1 = vector.broadcast %broadcast_in_dim3A : f32 to vector<16xf32>
    %scan3A = arith.constant 0 : i32
    %scan3A_2 = arith.constant 40 : i32
    %scan3A_3 = arith.addi %scan3A, %scan3A_2 : i32
    %scan3A_4 = arith.constant 1 : i32
    scf.for %scan3A_90 = %scan3A to %scan3A_3 step %scan3A_4  : i32 {
      %mul3A_91 = arith.constant 1 : i32
      %mul3A_92 = arith.muli %scan3A_90, %mul3A_91 : i32
      %add3A_93 = arith.constant 0 : i32
      %add3A_94 = arith.addi %add3A_93, %mul3A_92 : i32
      %swap3A = arith.index_cast %add3A_94 : i32 to index
      %swap3A_95 = arith.constant 0 : index
      %swap3A_96 = tpu.vector_load %arg15[%swap3A, %swap3A_95] {strides = array<i32>} : memref<40x128xf32, #tpu.memory_space<vmem>>, vector<16xf32>,
      tpu.vector_store %arg15[%swap3A, %swap3A_95], %broadcast_in_dim3A_1 {strides = array<i32>} : memref<40x128xf32, #tpu.memory_space<vmem>>, vector<16xf32>,
      %swap3A_97 = arith.index_cast %add3A_94 : i32 to index
      %swap3A_98 = arith.constant 16 : index
      %swap3A_99 = tpu.vector_load %arg15[%swap3A_97, %swap3A_98] {strides = array<i32>} : memref<40x128xf32, #tpu.memory_space<vmem>>, vector<16xf32>,
      tpu.vector_store %arg15[%swap3A_97, %swap3A_98], %broadcast_in_dim3A_1 {strides = array<i32>} : memref<40x128xf32, #tpu.memory_space<vmem>>, vector<16xf32>,
      %swap3A_100 = arith.index_cast %add3A_94 : i32 to index
      %swap3A_101 = arith.constant 32 : index
      %swap3A_102 = tpu.vector_load %arg15[%swap3A_100, %swap3A_101] {strides = array<i32>} : memref<40x128xf32, #tpu.memory_space<vmem>>, vector<16xf32>,
      tpu.vector_store %arg15[%swap3A_100, %swap3A_101], %broadcast_in_dim3A_1 {strides = array<i32>} : memref<40x128xf32, #tpu.memory_space<vmem>>, vector<16xf32>,
      %swap3A_103 = arith.index_cast %add3A_94 : i32 to index
      %swap3A_104 = arith.constant 48 : index
      %swap3A_105 = tpu.vector_load %arg15[%swap3A_103, %swap3A_104] {strides = array<i32>} : memref<40x128xf32, #tpu.memory_space<vmem>>, vector<16xf32>,
      tpu.vector_store %arg15[%swap3A_103, %swap3A_104], %broadcast_in_dim3A_1 {strides = array<i32>} : memref<40x128xf32, #tpu.memory_space<vmem>>, vector<16xf32>,
      %swap3A_106 = arith.index_cast %add3A_94 : i32 to index
      %swap3A_107 = arith.constant 64 : index
      %swap3A_108 = tpu.vector_load %arg15[%swap3A_106, %swap3A_107] {strides = array<i32>} : memref<40x128xf32, #tpu.memory_space<vmem>>, vector<16xf32>,
      tpu.vector_store %arg15[%swap3A_106, %swap3A_107], %broadcast_in_dim3A_1 {strides = array<i32>} : memref<40x128xf32, #tpu.memory_space<vmem>>, vector<16xf32>,
      %swap3A_109 = arith.index_cast %add3A_94 : i32 to index
      %swap3A_110 = arith.constant 80 : index
      %swap3A_111 = tpu.vector_load %arg15[%swap3A_109, %swap3A_110] {strides = array<i32>} : memref<40x128xf32, #tpu.memory_space<vmem>>, vector<16xf32>,
      tpu.vector_store %arg15[%swap3A_109, %swap3A_110], %broadcast_in_dim3A_1 {strides = array<i32>} : memref<40x128xf32, #tpu.memory_space<vmem>>, vector<16xf32>,
      %swap3A_112 = arith.index_cast %add3A_94 : i32 to index
      %swap3A_113 = arith.constant 96 : index
      %swap3A_114 = tpu.vector_load %arg15[%swap3A_112, %swap3A_113] {strides = array<i32>} : memref<40x128xf32, #tpu.memory_space<vmem>>, vector<16xf32>,
      tpu.vector_store %arg15[%swap3A_112, %swap3A_113], %broadcast_in_dim3A_1 {strides = array<i32>} : memref<40x128xf32, #tpu.memory_space<vmem>>, vector<16xf32>,
      %swap3A_115 = arith.index_cast %add3A_94 : i32 to index
      %swap3A_116 = arith.constant 112 : index
      %swap3A_117 = tpu.vector_load %arg15[%swap3A_115, %swap3A_116] {strides = array<i32>} : memref<40x128xf32, #tpu.memory_space<vmem>>, vector<16xf32>,
      tpu.vector_store %arg15[%swap3A_115, %swap3A_116], %broadcast_in_dim3A_1 {strides = array<i32>} : memref<40x128xf32, #tpu.memory_space<vmem>>, vector<16xf32>,
    }
    %scan3A_5 = arith.constant 40 : i32
    %mul3A_6 = arith.constant 640 : i32
    %mul3A_7 = arith.muli %arg1, %mul3A_6 : i32
    %add3A_8 = arith.constant 0 : i32
    %add3A_9 = arith.addi %mul3A_7, %add3A_8 : i32
    "tpu.region"() ({
      %run_scoped3A = tpu.sem_alloc : memref<!tpu.dma_semaphore, #tpu.memory_space<semaphore_mem>>
      %dma_start3A = arith.constant 0 : i32
      %dma_start3A_90 = tpu.memref_slice %arg17[%add3A_9, %dma_start3A] : memref<10240x128xf32, #tpu.memory_space<vmem_shared>> -> memref<40x128xf32, #tpu.memory_space<vmem_shared>>
      %dma_start3A_91 = arith.constant 0 : i32
      %dma_start3A_92 = tpu.memref_slice %arg17[%add3A_9, %dma_start3A_91] : memref<10240x128xf32, #tpu.memory_space<vmem_shared>> -> memref<40x128xf32, #tpu.memory_space<vmem_shared>>
      tpu.enqueue_dma source(%arg15 : memref<40x128xf32, #tpu.memory_space<vmem>>) target(%dma_start3A_92 : memref<40x128xf32, #tpu.memory_space<vmem_shared>>) target_semaphore(%run_scoped3A : memref<!tpu.dma_semaphore, #tpu.memory_space<semaphore_mem>>)
      %dma_wait3A = arith.constant 0 : i32
      %dma_wait3A_93 = tpu.memref_slice %arg17[%add3A_9, %dma_wait3A] : memref<10240x128xf32, #tpu.memory_space<vmem_shared>> -> memref<40x128xf32, #tpu.memory_space<vmem_shared>>
      %dma_wait3A_94 = arith.constant 0 : i32
      %dma_wait3A_95 = tpu.memref_slice %arg17[%add3A_9, %dma_wait3A_94] : memref<10240x128xf32, #tpu.memory_space<vmem_shared>> -> memref<40x128xf32, #tpu.memory_space<vmem_shared>>
      tpu.wait_dma2 semaphore(%run_scoped3A : memref<!tpu.dma_semaphore, #tpu.memory_space<semaphore_mem>>) src(%arg15 : memref<40x128xf32, #tpu.memory_space<vmem>>) dst(%dma_wait3A_95 : memref<40x128xf32, #tpu.memory_space<vmem_shared>>)
      tpu.yield
    }) : () -> ()
    %mul3A_10 = arith.constant 640 : i32
    %mul3A_11 = arith.muli %arg1, %mul3A_10 : i32
    %add3A_12 = arith.constant 40 : i32
    %add3A_13 = arith.addi %mul3A_11, %add3A_12 : i32
    "tpu.region"() ({
      %run_scoped3A = tpu.sem_alloc : memref<!tpu.dma_semaphore, #tpu.memory_space<semaphore_mem>>
      %dma_start3A = arith.constant 0 : i32
      %dma_start3A_90 = tpu.memref_slice %arg17[%add3A_13, %dma_start3A] : memref<10240x128xf32, #tpu.memory_space<vmem_shared>> -> memref<40x128xf32, #tpu.memory_space<vmem_shared>>
      %dma_start3A_91 = arith.constant 0 : i32
      %dma_start3A_92 = tpu.memref_slice %arg17[%add3A_13, %dma_start3A_91] : memref<10240x128xf32, #tpu.memory_space<vmem_shared>> -> memref<40x128xf32, #tpu.memory_space<vmem_shared>>
      tpu.enqueue_dma source(%arg15 : memref<40x128xf32, #tpu.memory_space<vmem>>) target(%dma_start3A_92 : memref<40x128xf32, #tpu.memory_space<vmem_shared>>) target_semaphore(%run_scoped3A : memref<!tpu.dma_semaphore, #tpu.memory_space<semaphore_mem>>)
      %dma_wait3A = arith.constant 0 : i32
      %dma_wait3A_93 = tpu.memref_slice %arg17[%add3A_13, %dma_wait3A] : memref<10240x128xf32, #tpu.memory_space<vmem_shared>> -> memref<40x128xf32, #tpu.memory_space<vmem_shared>>
      %dma_wait3A_94 = arith.constant 0 : i32
      %dma_wait3A_95 = tpu.memref_slice %arg17[%add3A_13, %dma_wait3A_94] : memref<10240x128xf32, #tpu.memory_space<vmem_shared>> -> memref<40x128xf32, #tpu.memory_space<vmem_shared>>
      tpu.wait_dma2 semaphore(%run_scoped3A : memref<!tpu.dma_semaphore, #tpu.memory_space<semaphore_mem>>) src(%arg15 : memref<40x128xf32, #tpu.memory_space<vmem>>) dst(%dma_wait3A_95 : memref<40x128xf32, #tpu.memory_space<vmem_shared>>)
      tpu.yield
    }) : () -> ()
    %mul3A_14 = arith.constant 640 : i32
    %mul3A_15 = arith.muli %arg1, %mul3A_14 : i32
    %add3A_16 = arith.constant 80 : i32
    %add3A_17 = arith.addi %mul3A_15, %add3A_16 : i32
    "tpu.region"() ({
      %run_scoped3A = tpu.sem_alloc : memref<!tpu.dma_semaphore, #tpu.memory_space<semaphore_mem>>
      %dma_start3A = arith.constant 0 : i32
      %dma_start3A_90 = tpu.memref_slice %arg17[%add3A_17, %dma_start3A] : memref<10240x128xf32, #tpu.memory_space<vmem_shared>> -> memref<40x128xf32, #tpu.memory_space<vmem_shared>>
      %dma_start3A_91 = arith.constant 0 : i32
      %dma_start3A_92 = tpu.memref_slice %arg17[%add3A_17, %dma_start3A_91] : memref<10240x128xf32, #tpu.memory_space<vmem_shared>> -> memref<40x128xf32, #tpu.memory_space<vmem_shared>>
      tpu.enqueue_dma source(%arg15 : memref<40x128xf32, #tpu.memory_space<vmem>>) target(%dma_start3A_92 : memref<40x128xf32, #tpu.memory_space<vmem_shared>>) target_semaphore(%run_scoped3A : memref<!tpu.dma_semaphore, #tpu.memory_space<semaphore_mem>>)
      %dma_wait3A = arith.constant 0 : i32
      %dma_wait3A_93 = tpu.memref_slice %arg17[%add3A_17, %dma_wait3A] : memref<10240x128xf32, #tpu.memory_space<vmem_shared>> -> memref<40x128xf32, #tpu.memory_space<vmem_shared>>
      %dma_wait3A_94 = arith.constant 0 : i32
      %dma_wait3A_95 = tpu.memref_slice %arg17[%add3A_17, %dma_wait3A_94] : memref<10240x128xf32, #tpu.memory_space<vmem_shared>> -> memref<40x128xf32, #tpu.memory_space<vmem_shared>>
      tpu.wait_dma2 semaphore(%run_scoped3A : memref<!tpu.dma_semaphore, #tpu.memory_space<semaphore_mem>>) src(%arg15 : memref<40x128xf32, #tpu.memory_space<vmem>>) dst(%dma_wait3A_95 : memref<40x128xf32, #tpu.memory_space<vmem_shared>>)
      tpu.yield
    }) : () -> ()
    %mul3A_18 = arith.constant 640 : i32
    %mul3A_19 = arith.muli %arg1, %mul3A_18 : i32
    %add3A_20 = arith.constant 120 : i32
    %add3A_21 = arith.addi %mul3A_19, %add3A_20 : i32
    "tpu.region"() ({
      %run_scoped3A = tpu.sem_alloc : memref<!tpu.dma_semaphore, #tpu.memory_space<semaphore_mem>>
      %dma_start3A = arith.constant 0 : i32
      %dma_start3A_90 = tpu.memref_slice %arg17[%add3A_21, %dma_start3A] : memref<10240x128xf32, #tpu.memory_space<vmem_shared>> -> memref<40x128xf32, #tpu.memory_space<vmem_shared>>
      %dma_start3A_91 = arith.constant 0 : i32
      %dma_start3A_92 = tpu.memref_slice %arg17[%add3A_21, %dma_start3A_91] : memref<10240x128xf32, #tpu.memory_space<vmem_shared>> -> memref<40x128xf32, #tpu.memory_space<vmem_shared>>
      tpu.enqueue_dma source(%arg15 : memref<40x128xf32, #tpu.memory_space<vmem>>) target(%dma_start3A_92 : memref<40x128xf32, #tpu.memory_space<vmem_shared>>) target_semaphore(%run_scoped3A : memref<!tpu.dma_semaphore, #tpu.memory_space<semaphore_mem>>)
      %dma_wait3A = arith.constant 0 : i32
      %dma_wait3A_93 = tpu.memref_slice %arg17[%add3A_21, %dma_wait3A] : memref<10240x128xf32, #tpu.memory_space<vmem_shared>> -> memref<40x128xf32, #tpu.memory_space<vmem_shared>>
      %dma_wait3A_94 = arith.constant 0 : i32
      %dma_wait3A_95 = tpu.memref_slice %arg17[%add3A_21, %dma_wait3A_94] : memref<10240x128xf32, #tpu.memory_space<vmem_shared>> -> memref<40x128xf32, #tpu.memory_space<vmem_shared>>
      tpu.wait_dma2 semaphore(%run_scoped3A : memref<!tpu.dma_semaphore, #tpu.memory_space<semaphore_mem>>) src(%arg15 : memref<40x128xf32, #tpu.memory_space<vmem>>) dst(%dma_wait3A_95 : memref<40x128xf32, #tpu.memory_space<vmem_shared>>)
      tpu.yield
    }) : () -> ()
    %mul3A_22 = arith.constant 640 : i32
    %mul3A_23 = arith.muli %arg1, %mul3A_22 : i32
    %add3A_24 = arith.constant 160 : i32
    %add3A_25 = arith.addi %mul3A_23, %add3A_24 : i32
    "tpu.region"() ({
      %run_scoped3A = tpu.sem_alloc : memref<!tpu.dma_semaphore, #tpu.memory_space<semaphore_mem>>
      %dma_start3A = arith.constant 0 : i32
      %dma_start3A_90 = tpu.memref_slice %arg17[%add3A_25, %dma_start3A] : memref<10240x128xf32, #tpu.memory_space<vmem_shared>> -> memref<40x128xf32, #tpu.memory_space<vmem_shared>>
      %dma_start3A_91 = arith.constant 0 : i32
      %dma_start3A_92 = tpu.memref_slice %arg17[%add3A_25, %dma_start3A_91] : memref<10240x128xf32, #tpu.memory_space<vmem_shared>> -> memref<40x128xf32, #tpu.memory_space<vmem_shared>>
      tpu.enqueue_dma source(%arg15 : memref<40x128xf32, #tpu.memory_space<vmem>>) target(%dma_start3A_92 : memref<40x128xf32, #tpu.memory_space<vmem_shared>>) target_semaphore(%run_scoped3A : memref<!tpu.dma_semaphore, #tpu.memory_space<semaphore_mem>>)
      %dma_wait3A = arith.constant 0 : i32
      %dma_wait3A_93 = tpu.memref_slice %arg17[%add3A_25, %dma_wait3A] : memref<10240x128xf32, #tpu.memory_space<vmem_shared>> -> memref<40x128xf32, #tpu.memory_space<vmem_shared>>
      %dma_wait3A_94 = arith.constant 0 : i32
      %dma_wait3A_95 = tpu.memref_slice %arg17[%add3A_25, %dma_wait3A_94] : memref<10240x128xf32, #tpu.memory_space<vmem_shared>> -> memref<40x128xf32, #tpu.memory_space<vmem_shared>>
      tpu.wait_dma2 semaphore(%run_scoped3A : memref<!tpu.dma_semaphore, #tpu.memory_space<semaphore_mem>>) src(%arg15 : memref<40x128xf32, #tpu.memory_space<vmem>>) dst(%dma_wait3A_95 : memref<40x128xf32, #tpu.memory_space<vmem_shared>>)
      tpu.yield
    }) : () -> ()
    %mul3A_26 = arith.constant 640 : i32
    %mul3A_27 = arith.muli %arg1, %mul3A_26 : i32
    %add3A_28 = arith.constant 200 : i32
    %add3A_29 = arith.addi %mul3A_27, %add3A_28 : i32
    "tpu.region"() ({
      %run_scoped3A = tpu.sem_alloc : memref<!tpu.dma_semaphore, #tpu.memory_space<semaphore_mem>>
      %dma_start3A = arith.constant 0 : i32
      %dma_start3A_90 = tpu.memref_slice %arg17[%add3A_29, %dma_start3A] : memref<10240x128xf32, #tpu.memory_space<vmem_shared>> -> memref<40x128xf32, #tpu.memory_space<vmem_shared>>
      %dma_start3A_91 = arith.constant 0 : i32
      %dma_start3A_92 = tpu.memref_slice %arg17[%add3A_29, %dma_start3A_91] : memref<10240x128xf32, #tpu.memory_space<vmem_shared>> -> memref<40x128xf32, #tpu.memory_space<vmem_shared>>
      tpu.enqueue_dma source(%arg15 : memref<40x128xf32, #tpu.memory_space<vmem>>) target(%dma_start3A_92 : memref<40x128xf32, #tpu.memory_space<vmem_shared>>) target_semaphore(%run_scoped3A : memref<!tpu.dma_semaphore, #tpu.memory_space<semaphore_mem>>)
      %dma_wait3A = arith.constant 0 : i32
      %dma_wait3A_93 = tpu.memref_slice %arg17[%add3A_29, %dma_wait3A] : memref<10240x128xf32, #tpu.memory_space<vmem_shared>> -> memref<40x128xf32, #tpu.memory_space<vmem_shared>>
      %dma_wait3A_94 = arith.constant 0 : i32
      %dma_wait3A_95 = tpu.memref_slice %arg17[%add3A_29, %dma_wait3A_94] : memref<10240x128xf32, #tpu.memory_space<vmem_shared>> -> memref<40x128xf32, #tpu.memory_space<vmem_shared>>
      tpu.wait_dma2 semaphore(%run_scoped3A : memref<!tpu.dma_semaphore, #tpu.memory_space<semaphore_mem>>) src(%arg15 : memref<40x128xf32, #tpu.memory_space<vmem>>) dst(%dma_wait3A_95 : memref<40x128xf32, #tpu.memory_space<vmem_shared>>)
      tpu.yield
    }) : () -> ()
    %mul3A_30 = arith.constant 640 : i32
    %mul3A_31 = arith.muli %arg1, %mul3A_30 : i32
    %add3A_32 = arith.constant 240 : i32
    %add3A_33 = arith.addi %mul3A_31, %add3A_32 : i32
    "tpu.region"() ({
      %run_scoped3A = tpu.sem_alloc : memref<!tpu.dma_semaphore, #tpu.memory_space<semaphore_mem>>
      %dma_start3A = arith.constant 0 : i32
      %dma_start3A_90 = tpu.memref_slice %arg17[%add3A_33, %dma_start3A] : memref<10240x128xf32, #tpu.memory_space<vmem_shared>> -> memref<40x128xf32, #tpu.memory_space<vmem_shared>>
      %dma_start3A_91 = arith.constant 0 : i32
      %dma_start3A_92 = tpu.memref_slice %arg17[%add3A_33, %dma_start3A_91] : memref<10240x128xf32, #tpu.memory_space<vmem_shared>> -> memref<40x128xf32, #tpu.memory_space<vmem_shared>>
      tpu.enqueue_dma source(%arg15 : memref<40x128xf32, #tpu.memory_space<vmem>>) target(%dma_start3A_92 : memref<40x128xf32, #tpu.memory_space<vmem_shared>>) target_semaphore(%run_scoped3A : memref<!tpu.dma_semaphore, #tpu.memory_space<semaphore_mem>>)
      %dma_wait3A = arith.constant 0 : i32
      %dma_wait3A_93 = tpu.memref_slice %arg17[%add3A_33, %dma_wait3A] : memref<10240x128xf32, #tpu.memory_space<vmem_shared>> -> memref<40x128xf32, #tpu.memory_space<vmem_shared>>
      %dma_wait3A_94 = arith.constant 0 : i32
      %dma_wait3A_95 = tpu.memref_slice %arg17[%add3A_33, %dma_wait3A_94] : memref<10240x128xf32, #tpu.memory_space<vmem_shared>> -> memref<40x128xf32, #tpu.memory_space<vmem_shared>>
      tpu.wait_dma2 semaphore(%run_scoped3A : memref<!tpu.dma_semaphore, #tpu.memory_space<semaphore_mem>>) src(%arg15 : memref<40x128xf32, #tpu.memory_space<vmem>>) dst(%dma_wait3A_95 : memref<40x128xf32, #tpu.memory_space<vmem_shared>>)
      tpu.yield
    }) : () -> ()
    %mul3A_34 = arith.constant 640 : i32
    %mul3A_35 = arith.muli %arg1, %mul3A_34 : i32
    %add3A_36 = arith.constant 280 : i32
    %add3A_37 = arith.addi %mul3A_35, %add3A_36 : i32
    "tpu.region"() ({
      %run_scoped3A = tpu.sem_alloc : memref<!tpu.dma_semaphore, #tpu.memory_space<semaphore_mem>>
      %dma_start3A = arith.constant 0 : i32
      %dma_start3A_90 = tpu.memref_slice %arg17[%add3A_37, %dma_start3A] : memref<10240x128xf32, #tpu.memory_space<vmem_shared>> -> memref<40x128xf32, #tpu.memory_space<vmem_shared>>
      %dma_start3A_91 = arith.constant 0 : i32
      %dma_start3A_92 = tpu.memref_slice %arg17[%add3A_37, %dma_start3A_91] : memref<10240x128xf32, #tpu.memory_space<vmem_shared>> -> memref<40x128xf32, #tpu.memory_space<vmem_shared>>
      tpu.enqueue_dma source(%arg15 : memref<40x128xf32, #tpu.memory_space<vmem>>) target(%dma_start3A_92 : memref<40x128xf32, #tpu.memory_space<vmem_shared>>) target_semaphore(%run_scoped3A : memref<!tpu.dma_semaphore, #tpu.memory_space<semaphore_mem>>)
      %dma_wait3A = arith.constant 0 : i32
      %dma_wait3A_93 = tpu.memref_slice %arg17[%add3A_37, %dma_wait3A] : memref<10240x128xf32, #tpu.memory_space<vmem_shared>> -> memref<40x128xf32, #tpu.memory_space<vmem_shared>>
      %dma_wait3A_94 = arith.constant 0 : i32
      %dma_wait3A_95 = tpu.memref_slice %arg17[%add3A_37, %dma_wait3A_94] : memref<10240x128xf32, #tpu.memory_space<vmem_shared>> -> memref<40x128xf32, #tpu.memory_space<vmem_shared>>
      tpu.wait_dma2 semaphore(%run_scoped3A : memref<!tpu.dma_semaphore, #tpu.memory_space<semaphore_mem>>) src(%arg15 : memref<40x128xf32, #tpu.memory_space<vmem>>) dst(%dma_wait3A_95 : memref<40x128xf32, #tpu.memory_space<vmem_shared>>)
      tpu.yield
    }) : () -> ()
    %mul3A_38 = arith.constant 640 : i32
    %mul3A_39 = arith.muli %arg1, %mul3A_38 : i32
    %add3A_40 = arith.constant 320 : i32
    %add3A_41 = arith.addi %mul3A_39, %add3A_40 : i32
    "tpu.region"() ({
      %run_scoped3A = tpu.sem_alloc : memref<!tpu.dma_semaphore, #tpu.memory_space<semaphore_mem>>
      %dma_start3A = arith.constant 0 : i32
      %dma_start3A_90 = tpu.memref_slice %arg17[%add3A_41, %dma_start3A] : memref<10240x128xf32, #tpu.memory_space<vmem_shared>> -> memref<40x128xf32, #tpu.memory_space<vmem_shared>>
      %dma_start3A_91 = arith.constant 0 : i32
      %dma_start3A_92 = tpu.memref_slice %arg17[%add3A_41, %dma_start3A_91] : memref<10240x128xf32, #tpu.memory_space<vmem_shared>> -> memref<40x128xf32, #tpu.memory_space<vmem_shared>>
      tpu.enqueue_dma source(%arg15 : memref<40x128xf32, #tpu.memory_space<vmem>>) target(%dma_start3A_92 : memref<40x128xf32, #tpu.memory_space<vmem_shared>>) target_semaphore(%run_scoped3A : memref<!tpu.dma_semaphore, #tpu.memory_space<semaphore_mem>>)
      %dma_wait3A = arith.constant 0 : i32
      %dma_wait3A_93 = tpu.memref_slice %arg17[%add3A_41, %dma_wait3A] : memref<10240x128xf32, #tpu.memory_space<vmem_shared>> -> memref<40x128xf32, #tpu.memory_space<vmem_shared>>
      %dma_wait3A_94 = arith.constant 0 : i32
      %dma_wait3A_95 = tpu.memref_slice %arg17[%add3A_41, %dma_wait3A_94] : memref<10240x128xf32, #tpu.memory_space<vmem_shared>> -> memref<40x128xf32, #tpu.memory_space<vmem_shared>>
      tpu.wait_dma2 semaphore(%run_scoped3A : memref<!tpu.dma_semaphore, #tpu.memory_space<semaphore_mem>>) src(%arg15 : memref<40x128xf32, #tpu.memory_space<vmem>>) dst(%dma_wait3A_95 : memref<40x128xf32, #tpu.memory_space<vmem_shared>>)
      tpu.yield
    }) : () -> ()
    %mul3A_42 = arith.constant 640 : i32
    %mul3A_43 = arith.muli %arg1, %mul3A_42 : i32
    %add3A_44 = arith.constant 360 : i32
    %add3A_45 = arith.addi %mul3A_43, %add3A_44 : i32
    "tpu.region"() ({
      %run_scoped3A = tpu.sem_alloc : memref<!tpu.dma_semaphore, #tpu.memory_space<semaphore_mem>>
      %dma_start3A = arith.constant 0 : i32
      %dma_start3A_90 = tpu.memref_slice %arg17[%add3A_45, %dma_start3A] : memref<10240x128xf32, #tpu.memory_space<vmem_shared>> -> memref<40x128xf32, #tpu.memory_space<vmem_shared>>
      %dma_start3A_91 = arith.constant 0 : i32
      %dma_start3A_92 = tpu.memref_slice %arg17[%add3A_45, %dma_start3A_91] : memref<10240x128xf32, #tpu.memory_space<vmem_shared>> -> memref<40x128xf32, #tpu.memory_space<vmem_shared>>
      tpu.enqueue_dma source(%arg15 : memref<40x128xf32, #tpu.memory_space<vmem>>) target(%dma_start3A_92 : memref<40x128xf32, #tpu.memory_space<vmem_shared>>) target_semaphore(%run_scoped3A : memref<!tpu.dma_semaphore, #tpu.memory_space<semaphore_mem>>)
      %dma_wait3A = arith.constant 0 : i32
      %dma_wait3A_93 = tpu.memref_slice %arg17[%add3A_45, %dma_wait3A] : memref<10240x128xf32, #tpu.memory_space<vmem_shared>> -> memref<40x128xf32, #tpu.memory_space<vmem_shared>>
      %dma_wait3A_94 = arith.constant 0 : i32
      %dma_wait3A_95 = tpu.memref_slice %arg17[%add3A_45, %dma_wait3A_94] : memref<10240x128xf32, #tpu.memory_space<vmem_shared>> -> memref<40x128xf32, #tpu.memory_space<vmem_shared>>
      tpu.wait_dma2 semaphore(%run_scoped3A : memref<!tpu.dma_semaphore, #tpu.memory_space<semaphore_mem>>) src(%arg15 : memref<40x128xf32, #tpu.memory_space<vmem>>) dst(%dma_wait3A_95 : memref<40x128xf32, #tpu.memory_space<vmem_shared>>)
      tpu.yield
    }) : () -> ()
    %mul3A_46 = arith.constant 640 : i32
    %mul3A_47 = arith.muli %arg1, %mul3A_46 : i32
    %add3A_48 = arith.constant 400 : i32
    %add3A_49 = arith.addi %mul3A_47, %add3A_48 : i32
    "tpu.region"() ({
      %run_scoped3A = tpu.sem_alloc : memref<!tpu.dma_semaphore, #tpu.memory_space<semaphore_mem>>
      %dma_start3A = arith.constant 0 : i32
      %dma_start3A_90 = tpu.memref_slice %arg17[%add3A_49, %dma_start3A] : memref<10240x128xf32, #tpu.memory_space<vmem_shared>> -> memref<40x128xf32, #tpu.memory_space<vmem_shared>>
      %dma_start3A_91 = arith.constant 0 : i32
      %dma_start3A_92 = tpu.memref_slice %arg17[%add3A_49, %dma_start3A_91] : memref<10240x128xf32, #tpu.memory_space<vmem_shared>> -> memref<40x128xf32, #tpu.memory_space<vmem_shared>>
      tpu.enqueue_dma source(%arg15 : memref<40x128xf32, #tpu.memory_space<vmem>>) target(%dma_start3A_92 : memref<40x128xf32, #tpu.memory_space<vmem_shared>>) target_semaphore(%run_scoped3A : memref<!tpu.dma_semaphore, #tpu.memory_space<semaphore_mem>>)
      %dma_wait3A = arith.constant 0 : i32
      %dma_wait3A_93 = tpu.memref_slice %arg17[%add3A_49, %dma_wait3A] : memref<10240x128xf32, #tpu.memory_space<vmem_shared>> -> memref<40x128xf32, #tpu.memory_space<vmem_shared>>
      %dma_wait3A_94 = arith.constant 0 : i32
      %dma_wait3A_95 = tpu.memref_slice %arg17[%add3A_49, %dma_wait3A_94] : memref<10240x128xf32, #tpu.memory_space<vmem_shared>> -> memref<40x128xf32, #tpu.memory_space<vmem_shared>>
      tpu.wait_dma2 semaphore(%run_scoped3A : memref<!tpu.dma_semaphore, #tpu.memory_space<semaphore_mem>>) src(%arg15 : memref<40x128xf32, #tpu.memory_space<vmem>>) dst(%dma_wait3A_95 : memref<40x128xf32, #tpu.memory_space<vmem_shared>>)
      tpu.yield
    }) : () -> ()
    %mul3A_50 = arith.constant 640 : i32
    %mul3A_51 = arith.muli %arg1, %mul3A_50 : i32
    %add3A_52 = arith.constant 440 : i32
    %add3A_53 = arith.addi %mul3A_51, %add3A_52 : i32
    "tpu.region"() ({
      %run_scoped3A = tpu.sem_alloc : memref<!tpu.dma_semaphore, #tpu.memory_space<semaphore_mem>>
      %dma_start3A = arith.constant 0 : i32
      %dma_start3A_90 = tpu.memref_slice %arg17[%add3A_53, %dma_start3A] : memref<10240x128xf32, #tpu.memory_space<vmem_shared>> -> memref<40x128xf32, #tpu.memory_space<vmem_shared>>
      %dma_start3A_91 = arith.constant 0 : i32
      %dma_start3A_92 = tpu.memref_slice %arg17[%add3A_53, %dma_start3A_91] : memref<10240x128xf32, #tpu.memory_space<vmem_shared>> -> memref<40x128xf32, #tpu.memory_space<vmem_shared>>
      tpu.enqueue_dma source(%arg15 : memref<40x128xf32, #tpu.memory_space<vmem>>) target(%dma_start3A_92 : memref<40x128xf32, #tpu.memory_space<vmem_shared>>) target_semaphore(%run_scoped3A : memref<!tpu.dma_semaphore, #tpu.memory_space<semaphore_mem>>)
      %dma_wait3A = arith.constant 0 : i32
      %dma_wait3A_93 = tpu.memref_slice %arg17[%add3A_53, %dma_wait3A] : memref<10240x128xf32, #tpu.memory_space<vmem_shared>> -> memref<40x128xf32, #tpu.memory_space<vmem_shared>>
      %dma_wait3A_94 = arith.constant 0 : i32
      %dma_wait3A_95 = tpu.memref_slice %arg17[%add3A_53, %dma_wait3A_94] : memref<10240x128xf32, #tpu.memory_space<vmem_shared>> -> memref<40x128xf32, #tpu.memory_space<vmem_shared>>
      tpu.wait_dma2 semaphore(%run_scoped3A : memref<!tpu.dma_semaphore, #tpu.memory_space<semaphore_mem>>) src(%arg15 : memref<40x128xf32, #tpu.memory_space<vmem>>) dst(%dma_wait3A_95 : memref<40x128xf32, #tpu.memory_space<vmem_shared>>)
      tpu.yield
    }) : () -> ()
    %mul3A_54 = arith.constant 640 : i32
    %mul3A_55 = arith.muli %arg1, %mul3A_54 : i32
    %add3A_56 = arith.constant 480 : i32
    %add3A_57 = arith.addi %mul3A_55, %add3A_56 : i32
    "tpu.region"() ({
      %run_scoped3A = tpu.sem_alloc : memref<!tpu.dma_semaphore, #tpu.memory_space<semaphore_mem>>
      %dma_start3A = arith.constant 0 : i32
      %dma_start3A_90 = tpu.memref_slice %arg17[%add3A_57, %dma_start3A] : memref<10240x128xf32, #tpu.memory_space<vmem_shared>> -> memref<40x128xf32, #tpu.memory_space<vmem_shared>>
      %dma_start3A_91 = arith.constant 0 : i32
      %dma_start3A_92 = tpu.memref_slice %arg17[%add3A_57, %dma_start3A_91] : memref<10240x128xf32, #tpu.memory_space<vmem_shared>> -> memref<40x128xf32, #tpu.memory_space<vmem_shared>>
      tpu.enqueue_dma source(%arg15 : memref<40x128xf32, #tpu.memory_space<vmem>>) target(%dma_start3A_92 : memref<40x128xf32, #tpu.memory_space<vmem_shared>>) target_semaphore(%run_scoped3A : memref<!tpu.dma_semaphore, #tpu.memory_space<semaphore_mem>>)
      %dma_wait3A = arith.constant 0 : i32
      %dma_wait3A_93 = tpu.memref_slice %arg17[%add3A_57, %dma_wait3A] : memref<10240x128xf32, #tpu.memory_space<vmem_shared>> -> memref<40x128xf32, #tpu.memory_space<vmem_shared>>
      %dma_wait3A_94 = arith.constant 0 : i32
      %dma_wait3A_95 = tpu.memref_slice %arg17[%add3A_57, %dma_wait3A_94] : memref<10240x128xf32, #tpu.memory_space<vmem_shared>> -> memref<40x128xf32, #tpu.memory_space<vmem_shared>>
      tpu.wait_dma2 semaphore(%run_scoped3A : memref<!tpu.dma_semaphore, #tpu.memory_space<semaphore_mem>>) src(%arg15 : memref<40x128xf32, #tpu.memory_space<vmem>>) dst(%dma_wait3A_95 : memref<40x128xf32, #tpu.memory_space<vmem_shared>>)
      tpu.yield
    }) : () -> ()
    %mul3A_58 = arith.constant 640 : i32
    %mul3A_59 = arith.muli %arg1, %mul3A_58 : i32
    %add3A_60 = arith.constant 520 : i32
    %add3A_61 = arith.addi %mul3A_59, %add3A_60 : i32
    "tpu.region"() ({
      %run_scoped3A = tpu.sem_alloc : memref<!tpu.dma_semaphore, #tpu.memory_space<semaphore_mem>>
      %dma_start3A = arith.constant 0 : i32
      %dma_start3A_90 = tpu.memref_slice %arg17[%add3A_61, %dma_start3A] : memref<10240x128xf32, #tpu.memory_space<vmem_shared>> -> memref<40x128xf32, #tpu.memory_space<vmem_shared>>
      %dma_start3A_91 = arith.constant 0 : i32
      %dma_start3A_92 = tpu.memref_slice %arg17[%add3A_61, %dma_start3A_91] : memref<10240x128xf32, #tpu.memory_space<vmem_shared>> -> memref<40x128xf32, #tpu.memory_space<vmem_shared>>
      tpu.enqueue_dma source(%arg15 : memref<40x128xf32, #tpu.memory_space<vmem>>) target(%dma_start3A_92 : memref<40x128xf32, #tpu.memory_space<vmem_shared>>) target_semaphore(%run_scoped3A : memref<!tpu.dma_semaphore, #tpu.memory_space<semaphore_mem>>)
      %dma_wait3A = arith.constant 0 : i32
      %dma_wait3A_93 = tpu.memref_slice %arg17[%add3A_61, %dma_wait3A] : memref<10240x128xf32, #tpu.memory_space<vmem_shared>> -> memref<40x128xf32, #tpu.memory_space<vmem_shared>>
      %dma_wait3A_94 = arith.constant 0 : i32
      %dma_wait3A_95 = tpu.memref_slice %arg17[%add3A_61, %dma_wait3A_94] : memref<10240x128xf32, #tpu.memory_space<vmem_shared>> -> memref<40x128xf32, #tpu.memory_space<vmem_shared>>
      tpu.wait_dma2 semaphore(%run_scoped3A : memref<!tpu.dma_semaphore, #tpu.memory_space<semaphore_mem>>) src(%arg15 : memref<40x128xf32, #tpu.memory_space<vmem>>) dst(%dma_wait3A_95 : memref<40x128xf32, #tpu.memory_space<vmem_shared>>)
      tpu.yield
    }) : () -> ()
    %mul3A_62 = arith.constant 640 : i32
    %mul3A_63 = arith.muli %arg1, %mul3A_62 : i32
    %add3A_64 = arith.constant 560 : i32
    %add3A_65 = arith.addi %mul3A_63, %add3A_64 : i32
    "tpu.region"() ({
      %run_scoped3A = tpu.sem_alloc : memref<!tpu.dma_semaphore, #tpu.memory_space<semaphore_mem>>
      %dma_start3A = arith.constant 0 : i32
      %dma_start3A_90 = tpu.memref_slice %arg17[%add3A_65, %dma_start3A] : memref<10240x128xf32, #tpu.memory_space<vmem_shared>> -> memref<40x128xf32, #tpu.memory_space<vmem_shared>>
      %dma_start3A_91 = arith.constant 0 : i32
      %dma_start3A_92 = tpu.memref_slice %arg17[%add3A_65, %dma_start3A_91] : memref<10240x128xf32, #tpu.memory_space<vmem_shared>> -> memref<40x128xf32, #tpu.memory_space<vmem_shared>>
      tpu.enqueue_dma source(%arg15 : memref<40x128xf32, #tpu.memory_space<vmem>>) target(%dma_start3A_92 : memref<40x128xf32, #tpu.memory_space<vmem_shared>>) target_semaphore(%run_scoped3A : memref<!tpu.dma_semaphore, #tpu.memory_space<semaphore_mem>>)
      %dma_wait3A = arith.constant 0 : i32
      %dma_wait3A_93 = tpu.memref_slice %arg17[%add3A_65, %dma_wait3A] : memref<10240x128xf32, #tpu.memory_space<vmem_shared>> -> memref<40x128xf32, #tpu.memory_space<vmem_shared>>
      %dma_wait3A_94 = arith.constant 0 : i32
      %dma_wait3A_95 = tpu.memref_slice %arg17[%add3A_65, %dma_wait3A_94] : memref<10240x128xf32, #tpu.memory_space<vmem_shared>> -> memref<40x128xf32, #tpu.memory_space<vmem_shared>>
      tpu.wait_dma2 semaphore(%run_scoped3A : memref<!tpu.dma_semaphore, #tpu.memory_space<semaphore_mem>>) src(%arg15 : memref<40x128xf32, #tpu.memory_space<vmem>>) dst(%dma_wait3A_95 : memref<40x128xf32, #tpu.memory_space<vmem_shared>>)
      tpu.yield
    }) : () -> ()
    %mul3A_66 = arith.constant 640 : i32
    %mul3A_67 = arith.muli %arg1, %mul3A_66 : i32
    %add3A_68 = arith.constant 600 : i32
    %add3A_69 = arith.addi %mul3A_67, %add3A_68 : i32
    "tpu.region"() ({
      %run_scoped3A = tpu.sem_alloc : memref<!tpu.dma_semaphore, #tpu.memory_space<semaphore_mem>>
      %dma_start3A = arith.constant 0 : i32
      %dma_start3A_90 = tpu.memref_slice %arg17[%add3A_69, %dma_start3A] : memref<10240x128xf32, #tpu.memory_space<vmem_shared>> -> memref<40x128xf32, #tpu.memory_space<vmem_shared>>
      %dma_start3A_91 = arith.constant 0 : i32
      %dma_start3A_92 = tpu.memref_slice %arg17[%add3A_69, %dma_start3A_91] : memref<10240x128xf32, #tpu.memory_space<vmem_shared>> -> memref<40x128xf32, #tpu.memory_space<vmem_shared>>
      tpu.enqueue_dma source(%arg15 : memref<40x128xf32, #tpu.memory_space<vmem>>) target(%dma_start3A_92 : memref<40x128xf32, #tpu.memory_space<vmem_shared>>) target_semaphore(%run_scoped3A : memref<!tpu.dma_semaphore, #tpu.memory_space<semaphore_mem>>)
      %dma_wait3A = arith.constant 0 : i32
      %dma_wait3A_93 = tpu.memref_slice %arg17[%add3A_69, %dma_wait3A] : memref<10240x128xf32, #tpu.memory_space<vmem_shared>> -> memref<40x128xf32, #tpu.memory_space<vmem_shared>>
      %dma_wait3A_94 = arith.constant 0 : i32
      %dma_wait3A_95 = tpu.memref_slice %arg17[%add3A_69, %dma_wait3A_94] : memref<10240x128xf32, #tpu.memory_space<vmem_shared>> -> memref<40x128xf32, #tpu.memory_space<vmem_shared>>
      tpu.wait_dma2 semaphore(%run_scoped3A : memref<!tpu.dma_semaphore, #tpu.memory_space<semaphore_mem>>) src(%arg15 : memref<40x128xf32, #tpu.memory_space<vmem>>) dst(%dma_wait3A_95 : memref<40x128xf32, #tpu.memory_space<vmem_shared>>)
      tpu.yield
    }) : () -> ()
    %mul3A_70 = arith.constant 80 : i32
    %mul3A_71 = arith.muli %arg1, %mul3A_70 : i32
    %add3A_72 = arith.constant 0 : i32
    %add3A_73 = arith.addi %mul3A_71, %add3A_72 : i32
    "tpu.region"() ({
      %run_scoped3A = tpu.sem_alloc : memref<!tpu.dma_semaphore, #tpu.memory_space<semaphore_mem>>
      %dma_start3A = arith.constant 0 : i32
      %dma_start3A_90 = tpu.memref_slice %arg18[%add3A_73, %dma_start3A] : memref<1280x128xf32, #tpu.memory_space<vmem_shared>> -> memref<40x128xf32, #tpu.memory_space<vmem_shared>>
      %dma_start3A_91 = arith.constant 0 : i32
      %dma_start3A_92 = tpu.memref_slice %arg18[%add3A_73, %dma_start3A_91] : memref<1280x128xf32, #tpu.memory_space<vmem_shared>> -> memref<40x128xf32, #tpu.memory_space<vmem_shared>>
      tpu.enqueue_dma source(%arg15 : memref<40x128xf32, #tpu.memory_space<vmem>>) target(%dma_start3A_92 : memref<40x128xf32, #tpu.memory_space<vmem_shared>>) target_semaphore(%run_scoped3A : memref<!tpu.dma_semaphore, #tpu.memory_space<semaphore_mem>>)
      %dma_wait3A = arith.constant 0 : i32
      %dma_wait3A_93 = tpu.memref_slice %arg18[%add3A_73, %dma_wait3A] : memref<1280x128xf32, #tpu.memory_space<vmem_shared>> -> memref<40x128xf32, #tpu.memory_space<vmem_shared>>
      %dma_wait3A_94 = arith.constant 0 : i32
      %dma_wait3A_95 = tpu.memref_slice %arg18[%add3A_73, %dma_wait3A_94] : memref<1280x128xf32, #tpu.memory_space<vmem_shared>> -> memref<40x128xf32, #tpu.memory_space<vmem_shared>>
      tpu.wait_dma2 semaphore(%run_scoped3A : memref<!tpu.dma_semaphore, #tpu.memory_space<semaphore_mem>>) src(%arg15 : memref<40x128xf32, #tpu.memory_space<vmem>>) dst(%dma_wait3A_95 : memref<40x128xf32, #tpu.memory_space<vmem_shared>>)
      tpu.yield
    }) : () -> ()
    %mul3A_74 = arith.constant 80 : i32
    %mul3A_75 = arith.muli %arg1, %mul3A_74 : i32
    %add3A_76 = arith.constant 40 : i32
    %add3A_77 = arith.addi %mul3A_75, %add3A_76 : i32
    "tpu.region"() ({
      %run_scoped3A = tpu.sem_alloc : memref<!tpu.dma_semaphore, #tpu.memory_space<semaphore_mem>>
      %dma_start3A = arith.constant 0 : i32
      %dma_start3A_90 = tpu.memref_slice %arg18[%add3A_77, %dma_start3A] : memref<1280x128xf32, #tpu.memory_space<vmem_shared>> -> memref<40x128xf32, #tpu.memory_space<vmem_shared>>
      %dma_start3A_91 = arith.constant 0 : i32
      %dma_start3A_92 = tpu.memref_slice %arg18[%add3A_77, %dma_start3A_91] : memref<1280x128xf32, #tpu.memory_space<vmem_shared>> -> memref<40x128xf32, #tpu.memory_space<vmem_shared>>
      tpu.enqueue_dma source(%arg15 : memref<40x128xf32, #tpu.memory_space<vmem>>) target(%dma_start3A_92 : memref<40x128xf32, #tpu.memory_space<vmem_shared>>) target_semaphore(%run_scoped3A : memref<!tpu.dma_semaphore, #tpu.memory_space<semaphore_mem>>)
      %dma_wait3A = arith.constant 0 : i32
      %dma_wait3A_93 = tpu.memref_slice %arg18[%add3A_77, %dma_wait3A] : memref<1280x128xf32, #tpu.memory_space<vmem_shared>> -> memref<40x128xf32, #tpu.memory_space<vmem_shared>>
      %dma_wait3A_94 = arith.constant 0 : i32
      %dma_wait3A_95 = tpu.memref_slice %arg18[%add3A_77, %dma_wait3A_94] : memref<1280x128xf32, #tpu.memory_space<vmem_shared>> -> memref<40x128xf32, #tpu.memory_space<vmem_shared>>
      tpu.wait_dma2 semaphore(%run_scoped3A : memref<!tpu.dma_semaphore, #tpu.memory_space<semaphore_mem>>) src(%arg15 : memref<40x128xf32, #tpu.memory_space<vmem>>) dst(%dma_wait3A_95 : memref<40x128xf32, #tpu.memory_space<vmem_shared>>)
      tpu.yield
    }) : () -> ()
    %barrier3A = arith.constant 0 : index
    tpu.barrier barrier_id(%barrier3A)
    %mul3A_78 = arith.constant 10000 : i32
    %mul3A_79 = arith.muli %add3A, %mul3A_78 : i32
    %scan3A_80 = arith.constant 0 : i32
    %scan3A_81 = arith.constant 250 : i32
    %scan3A_82 = arith.addi %scan3A_80, %scan3A_81 : i32
    %scan3A_83 = arith.constant 1 : i32
    scf.for %scan3A_90 = %scan3A_80 to %scan3A_82 step %scan3A_83  : i32 {
      %mul3A_91 = arith.constant 1 : i32
      %mul3A_92 = arith.muli %scan3A_90, %mul3A_91 : i32
      %add3A_93 = arith.constant 0 : i32
      %add3A_94 = arith.addi %add3A_93, %mul3A_92 : i32
      %mul3A_95 = arith.constant 40 : i32
      %mul3A_96 = arith.muli %add3A_94, %mul3A_95 : i32
      %add3A_97 = arith.addi %mul3A_79, %mul3A_96 : i32
      "tpu.region"() ({
        %run_scoped3A = tpu.sem_alloc : memref<!tpu.dma_semaphore, #tpu.memory_space<semaphore_mem>>
        %dma_start3A = tpu.memref_slice %arg5[%add3A_97] : memref<320000xi32, #tpu.memory_space<hbm>> -> memref<40xi32, #tpu.memory_space<hbm>>
        %dma_start3A_121 = tpu.memref_slice %arg5[%add3A_97] : memref<320000xi32, #tpu.memory_space<hbm>> -> memref<40xi32, #tpu.memory_space<hbm>>
        tpu.enqueue_dma source(%dma_start3A_121 : memref<40xi32, #tpu.memory_space<hbm>>) target(%arg9 : memref<40xi32, #tpu.memory_space<vmem>>) target_semaphore(%run_scoped3A : memref<!tpu.dma_semaphore, #tpu.memory_space<semaphore_mem>>)
        %dma_wait3A = tpu.memref_slice %arg5[%add3A_97] : memref<320000xi32, #tpu.memory_space<hbm>> -> memref<40xi32, #tpu.memory_space<hbm>>
        %dma_wait3A_122 = tpu.memref_slice %arg5[%add3A_97] : memref<320000xi32, #tpu.memory_space<hbm>> -> memref<40xi32, #tpu.memory_space<hbm>>
        tpu.wait_dma2 semaphore(%run_scoped3A : memref<!tpu.dma_semaphore, #tpu.memory_space<semaphore_mem>>) src(%dma_wait3A_122 : memref<40xi32, #tpu.memory_space<hbm>>) dst(%arg9 : memref<40xi32, #tpu.memory_space<vmem>>)
        tpu.yield
      }) : () -> ()
      "tpu.region"() ({
        %run_scoped3A = tpu.sem_alloc : memref<!tpu.dma_semaphore, #tpu.memory_space<semaphore_mem>>
        %dma_start3A = arith.constant 0 : i32
        %dma_start3A_121 = tpu.memref_slice %arg10[%dma_start3A] : memref<56xi32, #tpu.memory_space<vmem>> -> memref<40xi32, #tpu.memory_space<vmem>>
        %dma_start3A_122 = tpu.memref_slice %arg6[%add3A_97] : memref<320000xi32, #tpu.memory_space<hbm>> -> memref<40xi32, #tpu.memory_space<hbm>>
        %dma_start3A_123 = arith.constant 0 : i32
        %dma_start3A_124 = tpu.memref_slice %arg10[%dma_start3A_123] : memref<56xi32, #tpu.memory_space<vmem>> -> memref<40xi32, #tpu.memory_space<vmem>>
        %dma_start3A_125 = tpu.memref_slice %arg6[%add3A_97] : memref<320000xi32, #tpu.memory_space<hbm>> -> memref<40xi32, #tpu.memory_space<hbm>>
        tpu.enqueue_dma source(%dma_start3A_125 : memref<40xi32, #tpu.memory_space<hbm>>) target(%dma_start3A_124 : memref<40xi32, #tpu.memory_space<vmem>>) target_semaphore(%run_scoped3A : memref<!tpu.dma_semaphore, #tpu.memory_space<semaphore_mem>>)
        %dma_wait3A = arith.constant 0 : i32
        %dma_wait3A_126 = tpu.memref_slice %arg10[%dma_wait3A] : memref<56xi32, #tpu.memory_space<vmem>> -> memref<40xi32, #tpu.memory_space<vmem>>
        %dma_wait3A_127 = tpu.memref_slice %arg6[%add3A_97] : memref<320000xi32, #tpu.memory_space<hbm>> -> memref<40xi32, #tpu.memory_space<hbm>>
        %dma_wait3A_128 = arith.constant 0 : i32
        %dma_wait3A_129 = tpu.memref_slice %arg10[%dma_wait3A_128] : memref<56xi32, #tpu.memory_space<vmem>> -> memref<40xi32, #tpu.memory_space<vmem>>
        %dma_wait3A_130 = tpu.memref_slice %arg6[%add3A_97] : memref<320000xi32, #tpu.memory_space<hbm>> -> memref<40xi32, #tpu.memory_space<hbm>>
        tpu.wait_dma2 semaphore(%run_scoped3A : memref<!tpu.dma_semaphore, #tpu.memory_space<semaphore_mem>>) src(%dma_wait3A_130 : memref<40xi32, #tpu.memory_space<hbm>>) dst(%dma_wait3A_129 : memref<40xi32, #tpu.memory_space<vmem>>)
        tpu.yield
      }) : () -> ()
      "tpu.region"() ({
        %run_scoped3A = tpu.sem_alloc : memref<!tpu.dma_semaphore, #tpu.memory_space<semaphore_mem>>
        %dma_start3A = arith.constant 0 : i32
        %dma_start3A_121 = arith.constant 0 : i32
        %dma_start3A_122 = tpu.memref_slice %arg3[%dma_start3A, %dma_start3A_121] : memref<10000x256xf32, #tpu.memory_space<hbm>> -> memref<10000x256xf32, #tpu.memory_space<hbm>>
        tpu.enqueue_indirect_dma source(%dma_start3A_122 : memref<10000x256xf32, #tpu.memory_space<hbm>>) target(%arg12 : memref<40x256xf32, #tpu.memory_space<vmem>>) offsets(%arg9 : memref<40xi32, #tpu.memory_space<vmem>>) semaphore(%run_scoped3A : memref<!tpu.dma_semaphore, #tpu.memory_space<semaphore_mem>>)
        %dma_wait3A = arith.constant 0 : i32
        %dma_wait3A_123 = arith.constant 0 : i32
        %dma_wait3A_124 = tpu.memref_slice %arg3[%dma_wait3A, %dma_wait3A_123] : memref<10000x256xf32, #tpu.memory_space<hbm>> -> memref<10000x256xf32, #tpu.memory_space<hbm>>
        tpu.wait_indirect_dma semaphore(%run_scoped3A : memref<!tpu.dma_semaphore, #tpu.memory_space<semaphore_mem>>) src(%dma_wait3A_124 : memref<10000x256xf32, #tpu.memory_space<hbm>>) dst(%arg12 : memref<40x256xf32, #tpu.memory_space<vmem>>)
        tpu.yield
      }) : () -> ()
      "tpu.region"() ({
        %run_scoped3A = tpu.sem_alloc : memref<!tpu.dma_semaphore, #tpu.memory_space<semaphore_mem>>
        %dma_start3A = arith.constant 0 : i32
        %dma_start3A_121 = tpu.memref_slice %arg10[%dma_start3A] : memref<56xi32, #tpu.memory_space<vmem>> -> memref<40xi32, #tpu.memory_space<vmem>>
        %dma_start3A_122 = arith.constant 0 : i32
        %dma_start3A_123 = arith.constant 0 : i32
        %dma_start3A_124 = tpu.memref_slice %arg2[%dma_start3A_122, %dma_start3A_123] : memref<10000x128xf32, #tpu.memory_space<hbm>> -> memref<10000x128xf32, #tpu.memory_space<hbm>>
        tpu.enqueue_indirect_dma source(%dma_start3A_124 : memref<10000x128xf32, #tpu.memory_space<hbm>>) target(%arg13 : memref<40x128xf32, #tpu.memory_space<vmem>>) offsets(%dma_start3A_121 : memref<40xi32, #tpu.memory_space<vmem>>) semaphore(%run_scoped3A : memref<!tpu.dma_semaphore, #tpu.memory_space<semaphore_mem>>)
        %dma_wait3A = arith.constant 0 : i32
        %dma_wait3A_125 = tpu.memref_slice %arg10[%dma_wait3A] : memref<56xi32, #tpu.memory_space<vmem>> -> memref<40xi32, #tpu.memory_space<vmem>>
        %dma_wait3A_126 = arith.constant 0 : i32
        %dma_wait3A_127 = arith.constant 0 : i32
        %dma_wait3A_128 = tpu.memref_slice %arg2[%dma_wait3A_126, %dma_wait3A_127] : memref<10000x128xf32, #tpu.memory_space<hbm>> -> memref<10000x128xf32, #tpu.memory_space<hbm>>
        tpu.wait_indirect_dma semaphore(%run_scoped3A : memref<!tpu.dma_semaphore, #tpu.memory_space<semaphore_mem>>) src(%dma_wait3A_128 : memref<10000x128xf32, #tpu.memory_space<hbm>>) dst(%arg13 : memref<40x128xf32, #tpu.memory_space<vmem>>)
        tpu.yield
      }) : () -> ()
      "tpu.region"() ({
        %run_scoped3A = tpu.sem_alloc : memref<!tpu.dma_semaphore, #tpu.memory_space<semaphore_mem>>
        %dma_start3A = arith.constant 0 : i32
        %dma_start3A_121 = tpu.memref_slice %arg4[%add3A_97, %dma_start3A] : memref<320000x128xf32, #tpu.memory_space<hbm>> -> memref<40x128xf32, #tpu.memory_space<hbm>>
        %dma_start3A_122 = arith.constant 0 : i32
        %dma_start3A_123 = tpu.memref_slice %arg4[%add3A_97, %dma_start3A_122] : memref<320000x128xf32, #tpu.memory_space<hbm>> -> memref<40x128xf32, #tpu.memory_space<hbm>>
        tpu.enqueue_dma source(%dma_start3A_123 : memref<40x128xf32, #tpu.memory_space<hbm>>) target(%arg14 : memref<40x128xf32, #tpu.memory_space<vmem>>) target_semaphore(%run_scoped3A : memref<!tpu.dma_semaphore, #tpu.memory_space<semaphore_mem>>)
        %dma_wait3A = arith.constant 0 : i32
        %dma_wait3A_124 = tpu.memref_slice %arg4[%add3A_97, %dma_wait3A] : memref<320000x128xf32, #tpu.memory_space<hbm>> -> memref<40x128xf32, #tpu.memory_space<hbm>>
        %dma_wait3A_125 = arith.constant 0 : i32
        %dma_wait3A_126 = tpu.memref_slice %arg4[%add3A_97, %dma_wait3A_125] : memref<320000x128xf32, #tpu.memory_space<hbm>> -> memref<40x128xf32, #tpu.memory_space<hbm>>
        tpu.wait_dma2 semaphore(%run_scoped3A : memref<!tpu.dma_semaphore, #tpu.memory_space<semaphore_mem>>) src(%dma_wait3A_126 : memref<40x128xf32, #tpu.memory_space<hbm>>) dst(%arg14 : memref<40x128xf32, #tpu.memory_space<vmem>>)
        tpu.yield
      }) : () -> ()
      %get3A = arith.constant 0 : index
      %get3A_98 = tpu.vector_load %arg10[%get3A] {strides = array<i32>} : memref<56xi32, #tpu.memory_space<vmem>>, vector<16xi32>,
      %shift_right_logical3A = arith.constant 3 : i32
      %shift_right_logical3A_99 = vector.broadcast %shift_right_logical3A : i32 to vector<16xi32>
      %shift_right_logical3A_100 = arith.shrui %get3A_98, %shift_right_logical3A_99 : vector<16xi32>
      %swap3A = arith.constant 0 : index
      %swap3A_101 = tpu.vector_load %arg11[%swap3A] {strides = array<i32>} : memref<40xi32, #tpu.memory_space<vmem>>, vector<16xi32>,
      tpu.vector_store %arg11[%swap3A], %shift_right_logical3A_100 {strides = array<i32>} : memref<40xi32, #tpu.memory_space<vmem>>, vector<16xi32>,
      %get3A_102 = arith.constant 16 : index
      %get3A_103 = tpu.vector_load %arg10[%get3A_102] {strides = array<i32>} : memref<56xi32, #tpu.memory_space<vmem>>, vector<16xi32>,
      %shift_right_logical3A_104 = arith.constant 3 : i32
      %shift_right_logical3A_105 = vector.broadcast %shift_right_logical3A_104 : i32 to vector<16xi32>
      %shift_right_logical3A_106 = arith.shrui %get3A_103, %shift_right_logical3A_105 : vector<16xi32>
      %swap3A_107 = arith.constant 16 : index
      %swap3A_108 = tpu.vector_load %arg11[%swap3A_107] {strides = array<i32>} : memref<40xi32, #tpu.memory_space<vmem>>, vector<16xi32>,
      tpu.vector_store %arg11[%swap3A_107], %shift_right_logical3A_106 {strides = array<i32>} : memref<40xi32, #tpu.memory_space<vmem>>, vector<16xi32>,
      %get3A_109 = arith.constant 24 : index
      %get3A_110 = tpu.vector_load %arg10[%get3A_109] {strides = array<i32>} : memref<56xi32, #tpu.memory_space<vmem>>, vector<16xi32>,
      %shift_right_logical3A_111 = arith.constant 3 : i32
      %shift_right_logical3A_112 = vector.broadcast %shift_right_logical3A_111 : i32 to vector<16xi32>
      %shift_right_logical3A_113 = arith.shrui %get3A_110, %shift_right_logical3A_112 : vector<16xi32>
      %swap3A_114 = arith.constant 24 : index
      %swap3A_115 = tpu.vector_load %arg11[%swap3A_114] {strides = array<i32>} : memref<40xi32, #tpu.memory_space<vmem>>, vector<16xi32>,
      tpu.vector_store %arg11[%swap3A_114], %shift_right_logical3A_113 {strides = array<i32>} : memref<40xi32, #tpu.memory_space<vmem>>, vector<16xi32>,
      %iota3A = tpu.iota {dimensions = array<i32: 0>} : vector<16xi32>
      %scan3A_116 = arith.constant 0 : i32
      %scan3A_117 = arith.constant 40 : i32
      %scan3A_118 = arith.addi %scan3A_116, %scan3A_117 : i32
      %scan3A_119 = arith.constant 1 : i32
      scf.for %scan3A_121 = %scan3A_116 to %scan3A_118 step %scan3A_119  : i32 {
        %mul3A_122 = arith.constant 1 : i32
        %mul3A_123 = arith.muli %scan3A_121, %mul3A_122 : i32
        %add3A_124 = arith.constant 0 : i32
        %add3A_125 = arith.addi %add3A_124, %mul3A_123 : i32
        %get3A_126 = arith.index_cast %add3A_125 : i32 to index
        %get3A_127 = arith.constant 0 : index
        %get3A_128 = tpu.vector_load %arg13[%get3A_126, %get3A_127] {strides = array<i32>} : memref<40x128xf32, #tpu.memory_space<vmem>>, vector<16xf32>,
        %get3A_129 = arith.index_cast %add3A_125 : i32 to index
        %get3A_130 = arith.constant 0 : index
        %get3A_131 = tpu.vector_load %arg12[%get3A_129, %get3A_130] {strides = array<i32>} : memref<40x256xf32, #tpu.memory_space<vmem>>, vector<16xf32>,
        %get3A_132 = arith.index_cast %add3A_125 : i32 to index
        %get3A_133 = arith.constant 0 : index
        %get3A_134 = tpu.vector_load %arg14[%get3A_132, %get3A_133] {strides = array<i32>} : memref<40x128xf32, #tpu.memory_space<vmem>>, vector<16xf32>,
        %add3A_135 = arith.addf %get3A_131, %get3A_134 : vector<16xf32>
        %mul3A_136 = arith.mulf %get3A_128, %add3A_135 : vector<16xf32>
        %get3A_137 = arith.index_cast %add3A_125 : i32 to index
        %get3A_138 = arith.constant 16 : index
        %get3A_139 = tpu.vector_load %arg13[%get3A_137, %get3A_138] {strides = array<i32>} : memref<40x128xf32, #tpu.memory_space<vmem>>, vector<16xf32>,
        %get3A_140 = arith.index_cast %add3A_125 : i32 to index
        %get3A_141 = arith.constant 16 : index
        %get3A_142 = tpu.vector_load %arg12[%get3A_140, %get3A_141] {strides = array<i32>} : memref<40x256xf32, #tpu.memory_space<vmem>>, vector<16xf32>,
        %get3A_143 = arith.index_cast %add3A_125 : i32 to index
        %get3A_144 = arith.constant 16 : index
        %get3A_145 = tpu.vector_load %arg14[%get3A_143, %get3A_144] {strides = array<i32>} : memref<40x128xf32, #tpu.memory_space<vmem>>, vector<16xf32>,
        %add3A_146 = arith.addf %get3A_142, %get3A_145 : vector<16xf32>
        %mul3A_147 = arith.mulf %get3A_139, %add3A_146 : vector<16xf32>
        %get3A_148 = arith.index_cast %add3A_125 : i32 to index
        %get3A_149 = arith.constant 32 : index
        %get3A_150 = tpu.vector_load %arg13[%get3A_148, %get3A_149] {strides = array<i32>} : memref<40x128xf32, #tpu.memory_space<vmem>>, vector<16xf32>,
        %get3A_151 = arith.index_cast %add3A_125 : i32 to index
        %get3A_152 = arith.constant 32 : index
        %get3A_153 = tpu.vector_load %arg12[%get3A_151, %get3A_152] {strides = array<i32>} : memref<40x256xf32, #tpu.memory_space<vmem>>, vector<16xf32>,
        %get3A_154 = arith.index_cast %add3A_125 : i32 to index
        %get3A_155 = arith.constant 32 : index
        %get3A_156 = tpu.vector_load %arg14[%get3A_154, %get3A_155] {strides = array<i32>} : memref<40x128xf32, #tpu.memory_space<vmem>>, vector<16xf32>,
        %add3A_157 = arith.addf %get3A_153, %get3A_156 : vector<16xf32>
        %mul3A_158 = arith.mulf %get3A_150, %add3A_157 : vector<16xf32>
        %get3A_159 = arith.index_cast %add3A_125 : i32 to index
        %get3A_160 = arith.constant 48 : index
        %get3A_161 = tpu.vector_load %arg13[%get3A_159, %get3A_160] {strides = array<i32>} : memref<40x128xf32, #tpu.memory_space<vmem>>, vector<16xf32>,
        %get3A_162 = arith.index_cast %add3A_125 : i32 to index
        %get3A_163 = arith.constant 48 : index
        %get3A_164 = tpu.vector_load %arg12[%get3A_162, %get3A_163] {strides = array<i32>} : memref<40x256xf32, #tpu.memory_space<vmem>>, vector<16xf32>,
        %get3A_165 = arith.index_cast %add3A_125 : i32 to index
        %get3A_166 = arith.constant 48 : index
        %get3A_167 = tpu.vector_load %arg14[%get3A_165, %get3A_166] {strides = array<i32>} : memref<40x128xf32, #tpu.memory_space<vmem>>, vector<16xf32>,
        %add3A_168 = arith.addf %get3A_164, %get3A_167 : vector<16xf32>
        %mul3A_169 = arith.mulf %get3A_161, %add3A_168 : vector<16xf32>
        %get3A_170 = arith.index_cast %add3A_125 : i32 to index
        %get3A_171 = arith.constant 64 : index
        %get3A_172 = tpu.vector_load %arg13[%get3A_170, %get3A_171] {strides = array<i32>} : memref<40x128xf32, #tpu.memory_space<vmem>>, vector<16xf32>,
        %get3A_173 = arith.index_cast %add3A_125 : i32 to index
        %get3A_174 = arith.constant 64 : index
        %get3A_175 = tpu.vector_load %arg12[%get3A_173, %get3A_174] {strides = array<i32>} : memref<40x256xf32, #tpu.memory_space<vmem>>, vector<16xf32>,
        %get3A_176 = arith.index_cast %add3A_125 : i32 to index
        %get3A_177 = arith.constant 64 : index
        %get3A_178 = tpu.vector_load %arg14[%get3A_176, %get3A_177] {strides = array<i32>} : memref<40x128xf32, #tpu.memory_space<vmem>>, vector<16xf32>,
        %add3A_179 = arith.addf %get3A_175, %get3A_178 : vector<16xf32>
        %mul3A_180 = arith.mulf %get3A_172, %add3A_179 : vector<16xf32>
        %get3A_181 = arith.index_cast %add3A_125 : i32 to index
        %get3A_182 = arith.constant 80 : index
        %get3A_183 = tpu.vector_load %arg13[%get3A_181, %get3A_182] {strides = array<i32>} : memref<40x128xf32, #tpu.memory_space<vmem>>, vector<16xf32>,
        %get3A_184 = arith.index_cast %add3A_125 : i32 to index
        %get3A_185 = arith.constant 80 : index
        %get3A_186 = tpu.vector_load %arg12[%get3A_184, %get3A_185] {strides = array<i32>} : memref<40x256xf32, #tpu.memory_space<vmem>>, vector<16xf32>,
        %get3A_187 = arith.index_cast %add3A_125 : i32 to index
        %get3A_188 = arith.constant 80 : index
        %get3A_189 = tpu.vector_load %arg14[%get3A_187, %get3A_188] {strides = array<i32>} : memref<40x128xf32, #tpu.memory_space<vmem>>, vector<16xf32>,
        %add3A_190 = arith.addf %get3A_186, %get3A_189 : vector<16xf32>
        %mul3A_191 = arith.mulf %get3A_183, %add3A_190 : vector<16xf32>
        %get3A_192 = arith.index_cast %add3A_125 : i32 to index
        %get3A_193 = arith.constant 96 : index
        %get3A_194 = tpu.vector_load %arg13[%get3A_192, %get3A_193] {strides = array<i32>} : memref<40x128xf32, #tpu.memory_space<vmem>>, vector<16xf32>,
        %get3A_195 = arith.index_cast %add3A_125 : i32 to index
        %get3A_196 = arith.constant 96 : index
        %get3A_197 = tpu.vector_load %arg12[%get3A_195, %get3A_196] {strides = array<i32>} : memref<40x256xf32, #tpu.memory_space<vmem>>, vector<16xf32>,
        %get3A_198 = arith.index_cast %add3A_125 : i32 to index
        %get3A_199 = arith.constant 96 : index
        %get3A_200 = tpu.vector_load %arg14[%get3A_198, %get3A_199] {strides = array<i32>} : memref<40x128xf32, #tpu.memory_space<vmem>>, vector<16xf32>,
        %add3A_201 = arith.addf %get3A_197, %get3A_200 : vector<16xf32>
        %mul3A_202 = arith.mulf %get3A_194, %add3A_201 : vector<16xf32>
        %get3A_203 = arith.index_cast %add3A_125 : i32 to index
        %get3A_204 = arith.constant 112 : index
        %get3A_205 = tpu.vector_load %arg13[%get3A_203, %get3A_204] {strides = array<i32>} : memref<40x128xf32, #tpu.memory_space<vmem>>, vector<16xf32>,
        %get3A_206 = arith.index_cast %add3A_125 : i32 to index
        %get3A_207 = arith.constant 112 : index
        %get3A_208 = tpu.vector_load %arg12[%get3A_206, %get3A_207] {strides = array<i32>} : memref<40x256xf32, #tpu.memory_space<vmem>>, vector<16xf32>,
        %get3A_209 = arith.index_cast %add3A_125 : i32 to index
        %get3A_210 = arith.constant 112 : index
        %get3A_211 = tpu.vector_load %arg14[%get3A_209, %get3A_210] {strides = array<i32>} : memref<40x128xf32, #tpu.memory_space<vmem>>, vector<16xf32>,
        %add3A_212 = arith.addf %get3A_208, %get3A_211 : vector<16xf32>
        %mul3A_213 = arith.mulf %get3A_205, %add3A_212 : vector<16xf32>
        %add3A_214 = arith.addf %mul3A_136, %mul3A_147 : vector<16xf32>
        %reduce_sum3A = arith.constant true
        %reduce_sum3A_215 = vector.broadcast %reduce_sum3A : i1 to vector<16xi1>
        %reduce_sum3A_216 = tpu.scan <sum>, %add3A_214 masked %reduce_sum3A_215 : vector<16xf32>, vector<16xi1> -> vector<16xf32>
        %reduce_sum3A_217 = vector.extract %reduce_sum3A_216[15] : f32 from vector<16xf32>
        %broadcast_in_dim3A_218 = vector.broadcast %reduce_sum3A_217 : f32 to vector<16xf32>
        %exp3A = math.exp %broadcast_in_dim3A_218 : vector<16xf32>
        %add3A_219 = arith.addf %mul3A_158, %mul3A_169 : vector<16xf32>
        %reduce_sum3A_220 = arith.constant true
        %reduce_sum3A_221 = vector.broadcast %reduce_sum3A_220 : i1 to vector<16xi1>
        %reduce_sum3A_222 = tpu.scan <sum>, %add3A_219 masked %reduce_sum3A_221 : vector<16xf32>, vector<16xi1> -> vector<16xf32>
        %reduce_sum3A_223 = vector.extract %reduce_sum3A_222[15] : f32 from vector<16xf32>
        %broadcast_in_dim3A_224 = vector.broadcast %reduce_sum3A_223 : f32 to vector<16xf32>
        %exp3A_225 = math.exp %broadcast_in_dim3A_224 : vector<16xf32>
        %add3A_226 = arith.addf %mul3A_180, %mul3A_191 : vector<16xf32>
        %reduce_sum3A_227 = arith.constant true
        %reduce_sum3A_228 = vector.broadcast %reduce_sum3A_227 : i1 to vector<16xi1>
        %reduce_sum3A_229 = tpu.scan <sum>, %add3A_226 masked %reduce_sum3A_228 : vector<16xf32>, vector<16xi1> -> vector<16xf32>
        %reduce_sum3A_230 = vector.extract %reduce_sum3A_229[15] : f32 from vector<16xf32>
        %broadcast_in_dim3A_231 = vector.broadcast %reduce_sum3A_230 : f32 to vector<16xf32>
        %exp3A_232 = math.exp %broadcast_in_dim3A_231 : vector<16xf32>
        %add3A_233 = arith.addf %mul3A_202, %mul3A_213 : vector<16xf32>
        %reduce_sum3A_234 = arith.constant true
        %reduce_sum3A_235 = vector.broadcast %reduce_sum3A_234 : i1 to vector<16xi1>
        %reduce_sum3A_236 = tpu.scan <sum>, %add3A_233 masked %reduce_sum3A_235 : vector<16xf32>, vector<16xi1> -> vector<16xf32>
        %reduce_sum3A_237 = vector.extract %reduce_sum3A_236[15] : f32 from vector<16xf32>
        %broadcast_in_dim3A_238 = vector.broadcast %reduce_sum3A_237 : f32 to vector<16xf32>
        %exp3A_239 = math.exp %broadcast_in_dim3A_238 : vector<16xf32>
        %get3A_240 = arith.index_cast %add3A_125 : i32 to index
        %get3A_241 = arith.constant 128 : index
        %get3A_242 = tpu.vector_load %arg12[%get3A_240, %get3A_241] {strides = array<i32>} : memref<40x256xf32, #tpu.memory_space<vmem>>, vector<16xf32>,
        %get3A_243 = arith.index_cast %add3A_125 : i32 to index
        %get3A_244 = arith.constant 0 : index
        %get3A_245 = tpu.vector_load %arg14[%get3A_243, %get3A_244] {strides = array<i32>} : memref<40x128xf32, #tpu.memory_space<vmem>>, vector<16xf32>,
        %add3A_246 = arith.addf %get3A_242, %get3A_245 : vector<16xf32>
        %mul3A_247 = arith.mulf %exp3A, %add3A_246 : vector<16xf32>
        %swap3A_248 = arith.index_cast %add3A_125 : i32 to index
        %swap3A_249 = arith.constant 0 : index
        %swap3A_250 = tpu.vector_load %arg15[%swap3A_248, %swap3A_249] {strides = array<i32>} : memref<40x128xf32, #tpu.memory_space<vmem>>, vector<16xf32>,
        tpu.vector_store %arg15[%swap3A_248, %swap3A_249], %mul3A_247 {strides = array<i32>} : memref<40x128xf32, #tpu.memory_space<vmem>>, vector<16xf32>,
        %get3A_251 = arith.index_cast %add3A_125 : i32 to index
        %get3A_252 = arith.constant 144 : index
        %get3A_253 = tpu.vector_load %arg12[%get3A_251, %get3A_252] {strides = array<i32>} : memref<40x256xf32, #tpu.memory_space<vmem>>, vector<16xf32>,
        %get3A_254 = arith.index_cast %add3A_125 : i32 to index
        %get3A_255 = arith.constant 16 : index
        %get3A_256 = tpu.vector_load %arg14[%get3A_254, %get3A_255] {strides = array<i32>} : memref<40x128xf32, #tpu.memory_space<vmem>>, vector<16xf32>,
        %add3A_257 = arith.addf %get3A_253, %get3A_256 : vector<16xf32>
        %mul3A_258 = arith.mulf %exp3A, %add3A_257 : vector<16xf32>
        %swap3A_259 = arith.index_cast %add3A_125 : i32 to index
        %swap3A_260 = arith.constant 16 : index
        %swap3A_261 = tpu.vector_load %arg15[%swap3A_259, %swap3A_260] {strides = array<i32>} : memref<40x128xf32, #tpu.memory_space<vmem>>, vector<16xf32>,
        tpu.vector_store %arg15[%swap3A_259, %swap3A_260], %mul3A_258 {strides = array<i32>} : memref<40x128xf32, #tpu.memory_space<vmem>>, vector<16xf32>,
        %get3A_262 = arith.index_cast %add3A_125 : i32 to index
        %get3A_263 = arith.constant 160 : index
        %get3A_264 = tpu.vector_load %arg12[%get3A_262, %get3A_263] {strides = array<i32>} : memref<40x256xf32, #tpu.memory_space<vmem>>, vector<16xf32>,
        %get3A_265 = arith.index_cast %add3A_125 : i32 to index
        %get3A_266 = arith.constant 32 : index
        %get3A_267 = tpu.vector_load %arg14[%get3A_265, %get3A_266] {strides = array<i32>} : memref<40x128xf32, #tpu.memory_space<vmem>>, vector<16xf32>,
        %add3A_268 = arith.addf %get3A_264, %get3A_267 : vector<16xf32>
        %mul3A_269 = arith.mulf %exp3A_225, %add3A_268 : vector<16xf32>
        %swap3A_270 = arith.index_cast %add3A_125 : i32 to index
        %swap3A_271 = arith.constant 32 : index
        %swap3A_272 = tpu.vector_load %arg15[%swap3A_270, %swap3A_271] {strides = array<i32>} : memref<40x128xf32, #tpu.memory_space<vmem>>, vector<16xf32>,
        tpu.vector_store %arg15[%swap3A_270, %swap3A_271], %mul3A_269 {strides = array<i32>} : memref<40x128xf32, #tpu.memory_space<vmem>>, vector<16xf32>,
        %get3A_273 = arith.index_cast %add3A_125 : i32 to index
        %get3A_274 = arith.constant 176 : index
        %get3A_275 = tpu.vector_load %arg12[%get3A_273, %get3A_274] {strides = array<i32>} : memref<40x256xf32, #tpu.memory_space<vmem>>, vector<16xf32>,
        %get3A_276 = arith.index_cast %add3A_125 : i32 to index
        %get3A_277 = arith.constant 48 : index
        %get3A_278 = tpu.vector_load %arg14[%get3A_276, %get3A_277] {strides = array<i32>} : memref<40x128xf32, #tpu.memory_space<vmem>>, vector<16xf32>,
        %add3A_279 = arith.addf %get3A_275, %get3A_278 : vector<16xf32>
        %mul3A_280 = arith.mulf %exp3A_225, %add3A_279 : vector<16xf32>
        %swap3A_281 = arith.index_cast %add3A_125 : i32 to index
        %swap3A_282 = arith.constant 48 : index
        %swap3A_283 = tpu.vector_load %arg15[%swap3A_281, %swap3A_282] {strides = array<i32>} : memref<40x128xf32, #tpu.memory_space<vmem>>, vector<16xf32>,
        tpu.vector_store %arg15[%swap3A_281, %swap3A_282], %mul3A_280 {strides = array<i32>} : memref<40x128xf32, #tpu.memory_space<vmem>>, vector<16xf32>,
        %get3A_284 = arith.index_cast %add3A_125 : i32 to index
        %get3A_285 = arith.constant 192 : index
        %get3A_286 = tpu.vector_load %arg12[%get3A_284, %get3A_285] {strides = array<i32>} : memref<40x256xf32, #tpu.memory_space<vmem>>, vector<16xf32>,
        %get3A_287 = arith.index_cast %add3A_125 : i32 to index
        %get3A_288 = arith.constant 64 : index
        %get3A_289 = tpu.vector_load %arg14[%get3A_287, %get3A_288] {strides = array<i32>} : memref<40x128xf32, #tpu.memory_space<vmem>>, vector<16xf32>,
        %add3A_290 = arith.addf %get3A_286, %get3A_289 : vector<16xf32>
        %mul3A_291 = arith.mulf %exp3A_232, %add3A_290 : vector<16xf32>
        %swap3A_292 = arith.index_cast %add3A_125 : i32 to index
        %swap3A_293 = arith.constant 64 : index
        %swap3A_294 = tpu.vector_load %arg15[%swap3A_292, %swap3A_293] {strides = array<i32>} : memref<40x128xf32, #tpu.memory_space<vmem>>, vector<16xf32>,
        tpu.vector_store %arg15[%swap3A_292, %swap3A_293], %mul3A_291 {strides = array<i32>} : memref<40x128xf32, #tpu.memory_space<vmem>>, vector<16xf32>,
        %get3A_295 = arith.index_cast %add3A_125 : i32 to index
        %get3A_296 = arith.constant 208 : index
        %get3A_297 = tpu.vector_load %arg12[%get3A_295, %get3A_296] {strides = array<i32>} : memref<40x256xf32, #tpu.memory_space<vmem>>, vector<16xf32>,
        %get3A_298 = arith.index_cast %add3A_125 : i32 to index
        %get3A_299 = arith.constant 80 : index
        %get3A_300 = tpu.vector_load %arg14[%get3A_298, %get3A_299] {strides = array<i32>} : memref<40x128xf32, #tpu.memory_space<vmem>>, vector<16xf32>,
        %add3A_301 = arith.addf %get3A_297, %get3A_300 : vector<16xf32>
        %mul3A_302 = arith.mulf %exp3A_232, %add3A_301 : vector<16xf32>
        %swap3A_303 = arith.index_cast %add3A_125 : i32 to index
        %swap3A_304 = arith.constant 80 : index
        %swap3A_305 = tpu.vector_load %arg15[%swap3A_303, %swap3A_304] {strides = array<i32>} : memref<40x128xf32, #tpu.memory_space<vmem>>, vector<16xf32>,
        tpu.vector_store %arg15[%swap3A_303, %swap3A_304], %mul3A_302 {strides = array<i32>} : memref<40x128xf32, #tpu.memory_space<vmem>>, vector<16xf32>,
        %get3A_306 = arith.index_cast %add3A_125 : i32 to index
        %get3A_307 = arith.constant 224 : index
        %get3A_308 = tpu.vector_load %arg12[%get3A_306, %get3A_307] {strides = array<i32>} : memref<40x256xf32, #tpu.memory_space<vmem>>, vector<16xf32>,
        %get3A_309 = arith.index_cast %add3A_125 : i32 to index
        %get3A_310 = arith.constant 96 : index
        %get3A_311 = tpu.vector_load %arg14[%get3A_309, %get3A_310] {strides = array<i32>} : memref<40x128xf32, #tpu.memory_space<vmem>>, vector<16xf32>,
        %add3A_312 = arith.addf %get3A_308, %get3A_311 : vector<16xf32>
        %mul3A_313 = arith.mulf %exp3A_239, %add3A_312 : vector<16xf32>
        %swap3A_314 = arith.index_cast %add3A_125 : i32 to index
        %swap3A_315 = arith.constant 96 : index
        %swap3A_316 = tpu.vector_load %arg15[%swap3A_314, %swap3A_315] {strides = array<i32>} : memref<40x128xf32, #tpu.memory_space<vmem>>, vector<16xf32>,
        tpu.vector_store %arg15[%swap3A_314, %swap3A_315], %mul3A_313 {strides = array<i32>} : memref<40x128xf32, #tpu.memory_space<vmem>>, vector<16xf32>,
        %get3A_317 = arith.index_cast %add3A_125 : i32 to index
        %get3A_318 = arith.constant 240 : index
        %get3A_319 = tpu.vector_load %arg12[%get3A_317, %get3A_318] {strides = array<i32>} : memref<40x256xf32, #tpu.memory_space<vmem>>, vector<16xf32>,
        %get3A_320 = arith.index_cast %add3A_125 : i32 to index
        %get3A_321 = arith.constant 112 : index
        %get3A_322 = tpu.vector_load %arg14[%get3A_320, %get3A_321] {strides = array<i32>} : memref<40x128xf32, #tpu.memory_space<vmem>>, vector<16xf32>,
        %add3A_323 = arith.addf %get3A_319, %get3A_322 : vector<16xf32>
        %mul3A_324 = arith.mulf %exp3A_239, %add3A_323 : vector<16xf32>
        %swap3A_325 = arith.index_cast %add3A_125 : i32 to index
        %swap3A_326 = arith.constant 112 : index
        %swap3A_327 = tpu.vector_load %arg15[%swap3A_325, %swap3A_326] {strides = array<i32>} : memref<40x128xf32, #tpu.memory_space<vmem>>, vector<16xf32>,
        tpu.vector_store %arg15[%swap3A_325, %swap3A_326], %mul3A_324 {strides = array<i32>} : memref<40x128xf32, #tpu.memory_space<vmem>>, vector<16xf32>,
        %eq3A = arith.constant 0 : i32
        %eq3A_328 = vector.broadcast %eq3A : i32 to vector<16xi32>
        %eq3A_329 = arith.cmpi eq, %iota3A, %eq3A_328 : vector<16xi32>
        %select_n3A = arith.select %eq3A_329, %exp3A, %broadcast_in_dim3A_1 : vector<16xi1>, vector<16xf32>
        %eq3A_330 = arith.constant 1 : i32
        %eq3A_331 = vector.broadcast %eq3A_330 : i32 to vector<16xi32>
        %eq3A_332 = arith.cmpi eq, %iota3A, %eq3A_331 : vector<16xi32>
        %select_n3A_333 = arith.select %eq3A_332, %exp3A_225, %broadcast_in_dim3A_1 : vector<16xi1>, vector<16xf32>
        %add3A_334 = arith.addf %select_n3A, %select_n3A_333 : vector<16xf32>
        %eq3A_335 = arith.constant 2 : i32
        %eq3A_336 = vector.broadcast %eq3A_335 : i32 to vector<16xi32>
        %eq3A_337 = arith.cmpi eq, %iota3A, %eq3A_336 : vector<16xi32>
        %select_n3A_338 = arith.select %eq3A_337, %exp3A_232, %broadcast_in_dim3A_1 : vector<16xi1>, vector<16xf32>
        %add3A_339 = arith.addf %add3A_334, %select_n3A_338 : vector<16xf32>
        %eq3A_340 = arith.constant 3 : i32
        %eq3A_341 = vector.broadcast %eq3A_340 : i32 to vector<16xi32>
        %eq3A_342 = arith.cmpi eq, %iota3A, %eq3A_341 : vector<16xi32>
        %select_n3A_343 = arith.select %eq3A_342, %exp3A_239, %broadcast_in_dim3A_1 : vector<16xi1>, vector<16xf32>
        %add3A_344 = arith.addf %add3A_339, %select_n3A_343 : vector<16xf32>
        %swap3A_345 = arith.index_cast %add3A_125 : i32 to index
        %swap3A_346 = arith.constant 0 : index
        %swap3A_347 = tpu.vector_load %arg16[%swap3A_345, %swap3A_346] {strides = array<i32>} : memref<40x128xf32, #tpu.memory_space<vmem>>, vector<16xf32>,
        tpu.vector_store %arg16[%swap3A_345, %swap3A_346], %broadcast_in_dim3A_1 {strides = array<i32>} : memref<40x128xf32, #tpu.memory_space<vmem>>, vector<16xf32>,
        %swap3A_348 = arith.index_cast %add3A_125 : i32 to index
        %swap3A_349 = arith.constant 16 : index
        %swap3A_350 = tpu.vector_load %arg16[%swap3A_348, %swap3A_349] {strides = array<i32>} : memref<40x128xf32, #tpu.memory_space<vmem>>, vector<16xf32>,
        tpu.vector_store %arg16[%swap3A_348, %swap3A_349], %broadcast_in_dim3A_1 {strides = array<i32>} : memref<40x128xf32, #tpu.memory_space<vmem>>, vector<16xf32>,
        %swap3A_351 = arith.index_cast %add3A_125 : i32 to index
        %swap3A_352 = arith.constant 32 : index
        %swap3A_353 = tpu.vector_load %arg16[%swap3A_351, %swap3A_352] {strides = array<i32>} : memref<40x128xf32, #tpu.memory_space<vmem>>, vector<16xf32>,
        tpu.vector_store %arg16[%swap3A_351, %swap3A_352], %broadcast_in_dim3A_1 {strides = array<i32>} : memref<40x128xf32, #tpu.memory_space<vmem>>, vector<16xf32>,
        %swap3A_354 = arith.index_cast %add3A_125 : i32 to index
        %swap3A_355 = arith.constant 48 : index
        %swap3A_356 = tpu.vector_load %arg16[%swap3A_354, %swap3A_355] {strides = array<i32>} : memref<40x128xf32, #tpu.memory_space<vmem>>, vector<16xf32>,
        tpu.vector_store %arg16[%swap3A_354, %swap3A_355], %broadcast_in_dim3A_1 {strides = array<i32>} : memref<40x128xf32, #tpu.memory_space<vmem>>, vector<16xf32>,
        %swap3A_357 = arith.index_cast %add3A_125 : i32 to index
        %swap3A_358 = arith.constant 64 : index
        %swap3A_359 = tpu.vector_load %arg16[%swap3A_357, %swap3A_358] {strides = array<i32>} : memref<40x128xf32, #tpu.memory_space<vmem>>, vector<16xf32>,
        tpu.vector_store %arg16[%swap3A_357, %swap3A_358], %broadcast_in_dim3A_1 {strides = array<i32>} : memref<40x128xf32, #tpu.memory_space<vmem>>, vector<16xf32>,
        %swap3A_360 = arith.index_cast %add3A_125 : i32 to index
        %swap3A_361 = arith.constant 80 : index
        %swap3A_362 = tpu.vector_load %arg16[%swap3A_360, %swap3A_361] {strides = array<i32>} : memref<40x128xf32, #tpu.memory_space<vmem>>, vector<16xf32>,
        tpu.vector_store %arg16[%swap3A_360, %swap3A_361], %broadcast_in_dim3A_1 {strides = array<i32>} : memref<40x128xf32, #tpu.memory_space<vmem>>, vector<16xf32>,
        %swap3A_363 = arith.index_cast %add3A_125 : i32 to index
        %swap3A_364 = arith.constant 96 : index
        %swap3A_365 = tpu.vector_load %arg16[%swap3A_363, %swap3A_364] {strides = array<i32>} : memref<40x128xf32, #tpu.memory_space<vmem>>, vector<16xf32>,
        tpu.vector_store %arg16[%swap3A_363, %swap3A_364], %broadcast_in_dim3A_1 {strides = array<i32>} : memref<40x128xf32, #tpu.memory_space<vmem>>, vector<16xf32>,
        %swap3A_366 = arith.index_cast %add3A_125 : i32 to index
        %swap3A_367 = arith.constant 112 : index
        %swap3A_368 = tpu.vector_load %arg16[%swap3A_366, %swap3A_367] {strides = array<i32>} : memref<40x128xf32, #tpu.memory_space<vmem>>, vector<16xf32>,
        tpu.vector_store %arg16[%swap3A_366, %swap3A_367], %broadcast_in_dim3A_1 {strides = array<i32>} : memref<40x128xf32, #tpu.memory_space<vmem>>, vector<16xf32>,
        %get3A_369 = arith.index_cast %add3A_125 : i32 to index
        %get3A_370 = tpu.vector_load %arg10[%get3A_369] {strides = array<i32>} : memref<56xi32, #tpu.memory_space<vmem>>, vector<16xi32>,
        %slice3A = vector.extract_strided_slice %get3A_370 {offsets = [0], sizes = [1], strides = [1]} : vector<16xi32> to vector<1xi32>
        %squeeze3A = vector.extract %slice3A[0] : i32 from vector<1xi32>
        %and3A = arith.constant 7 : i32
        %and3A_371 = arith.andi %squeeze3A, %and3A : i32
        %mul3A_372 = arith.constant 16 : i32
        %mul3A_373 = arith.muli %and3A_371, %mul3A_372 : i32
        %swap3A_374 = arith.index_cast %add3A_125 : i32 to index
        %swap3A_375 = arith.index_cast %mul3A_373 : i32 to index
        %swap3A_376 = tpu.vector_load %arg16[%swap3A_374, %swap3A_375] {strides = array<i32>} : memref<40x128xf32, #tpu.memory_space<vmem>>, vector<16xf32>,
        tpu.vector_store %arg16[%swap3A_374, %swap3A_375], %add3A_344 {strides = array<i32>} : memref<40x128xf32, #tpu.memory_space<vmem>>, vector<16xf32>,
      }
      %scan3A_120 = arith.constant 40 : i32
      "tpu.region"() ({
        %run_scoped3A = tpu.sem_alloc : memref<!tpu.dma_semaphore, #tpu.memory_space<semaphore_mem>>
        %dma_start3A = arith.constant 0 : i32
        %dma_start3A_121 = tpu.memref_slice %arg10[%dma_start3A] : memref<56xi32, #tpu.memory_space<vmem>> -> memref<40xi32, #tpu.memory_space<vmem>>
        %dma_start3A_122 = arith.constant 0 : i32
        %dma_start3A_123 = arith.constant 0 : i32
        %dma_start3A_124 = tpu.memref_slice %arg17[%dma_start3A_122, %dma_start3A_123] : memref<10240x128xf32, #tpu.memory_space<vmem_shared>> -> memref<10240x128xf32, #tpu.memory_space<vmem_shared>>
        tpu.enqueue_indirect_dma source(%arg15 : memref<40x128xf32, #tpu.memory_space<vmem>>) target(%dma_start3A_124 : memref<10240x128xf32, #tpu.memory_space<vmem_shared>>) offsets(%dma_start3A_121 : memref<40xi32, #tpu.memory_space<vmem>>) semaphore(%run_scoped3A : memref<!tpu.dma_semaphore, #tpu.memory_space<semaphore_mem>>) {add = true}
        %dma_wait3A = arith.constant 0 : i32
        %dma_wait3A_125 = tpu.memref_slice %arg10[%dma_wait3A] : memref<56xi32, #tpu.memory_space<vmem>> -> memref<40xi32, #tpu.memory_space<vmem>>
        %dma_wait3A_126 = arith.constant 0 : i32
        %dma_wait3A_127 = arith.constant 0 : i32
        %dma_wait3A_128 = tpu.memref_slice %arg17[%dma_wait3A_126, %dma_wait3A_127] : memref<10240x128xf32, #tpu.memory_space<vmem_shared>> -> memref<10240x128xf32, #tpu.memory_space<vmem_shared>>
        tpu.wait_indirect_dma semaphore(%run_scoped3A : memref<!tpu.dma_semaphore, #tpu.memory_space<semaphore_mem>>) src(%arg15 : memref<40x128xf32, #tpu.memory_space<vmem>>) dst(%dma_wait3A_128 : memref<10240x128xf32, #tpu.memory_space<vmem_shared>>)
        tpu.yield
      }) : () -> ()
      "tpu.region"() ({
        %run_scoped3A = tpu.sem_alloc : memref<!tpu.dma_semaphore, #tpu.memory_space<semaphore_mem>>
        %dma_start3A = arith.constant 0 : i32
        %dma_start3A_121 = arith.constant 0 : i32
        %dma_start3A_122 = tpu.memref_slice %arg18[%dma_start3A, %dma_start3A_121] : memref<1280x128xf32, #tpu.memory_space<vmem_shared>> -> memref<1280x128xf32, #tpu.memory_space<vmem_shared>>
        tpu.enqueue_indirect_dma source(%arg16 : memref<40x128xf32, #tpu.memory_space<vmem>>) target(%dma_start3A_122 : memref<1280x128xf32, #tpu.memory_space<vmem_shared>>) offsets(%arg11 : memref<40xi32, #tpu.memory_space<vmem>>) semaphore(%run_scoped3A : memref<!tpu.dma_semaphore, #tpu.memory_space<semaphore_mem>>) {add = true}
        %dma_wait3A = arith.constant 0 : i32
        %dma_wait3A_123 = arith.constant 0 : i32
        %dma_wait3A_124 = tpu.memref_slice %arg18[%dma_wait3A, %dma_wait3A_123] : memref<1280x128xf32, #tpu.memory_space<vmem_shared>> -> memref<1280x128xf32, #tpu.memory_space<vmem_shared>>
        tpu.wait_indirect_dma semaphore(%run_scoped3A : memref<!tpu.dma_semaphore, #tpu.memory_space<semaphore_mem>>) src(%arg16 : memref<40x128xf32, #tpu.memory_space<vmem>>) dst(%dma_wait3A_124 : memref<1280x128xf32, #tpu.memory_space<vmem_shared>>)
        tpu.yield
      }) : () -> ()
    }
    %scan3A_84 = arith.constant 250 : i32
    %barrier3A_85 = arith.constant 0 : index
    tpu.barrier barrier_id(%barrier3A_85)
    %mul3A_86 = arith.constant 640 : i32
    %mul3A_87 = arith.muli %arg1, %mul3A_86 : i32
    "tpu.region"() ({
      %run_scoped3A = tpu.sem_alloc : memref<!tpu.dma_semaphore, #tpu.memory_space<semaphore_mem>>
      %dma_start3A = arith.constant 0 : i32
      %dma_start3A_90 = tpu.memref_slice %arg7[%arg0, %mul3A_87, %dma_start3A] : memref<2x10240x128xf32, #tpu.memory_space<hbm>> -> memref<1x640x128xf32, #tpu.memory_space<hbm>>
      %dma_start3A_91 = tpu.memref_squeeze %dma_start3A_90 : memref<1x640x128xf32, #tpu.memory_space<hbm>> -> memref<640x128xf32, #tpu.memory_space<hbm>>
      %dma_start3A_92 = arith.constant 0 : i32
      %dma_start3A_93 = tpu.memref_slice %arg17[%mul3A_87, %dma_start3A_92] : memref<10240x128xf32, #tpu.memory_space<vmem_shared>> -> memref<640x128xf32, #tpu.memory_space<vmem_shared>>
      tpu.enqueue_dma source(%dma_start3A_93 : memref<640x128xf32, #tpu.memory_space<vmem_shared>>) target(%dma_start3A_91 : memref<640x128xf32, #tpu.memory_space<hbm>>) target_semaphore(%run_scoped3A : memref<!tpu.dma_semaphore, #tpu.memory_space<semaphore_mem>>)
      %dma_wait3A = arith.constant 0 : i32
      %dma_wait3A_94 = tpu.memref_slice %arg7[%arg0, %mul3A_87, %dma_wait3A] : memref<2x10240x128xf32, #tpu.memory_space<hbm>> -> memref<1x640x128xf32, #tpu.memory_space<hbm>>
      %dma_wait3A_95 = tpu.memref_squeeze %dma_wait3A_94 : memref<1x640x128xf32, #tpu.memory_space<hbm>> -> memref<640x128xf32, #tpu.memory_space<hbm>>
      %dma_wait3A_96 = arith.constant 0 : i32
      %dma_wait3A_97 = tpu.memref_slice %arg17[%mul3A_87, %dma_wait3A_96] : memref<10240x128xf32, #tpu.memory_space<vmem_shared>> -> memref<640x128xf32, #tpu.memory_space<vmem_shared>>
      tpu.wait_dma2 semaphore(%run_scoped3A : memref<!tpu.dma_semaphore, #tpu.memory_space<semaphore_mem>>) src(%dma_wait3A_97 : memref<640x128xf32, #tpu.memory_space<vmem_shared>>) dst(%dma_wait3A_95 : memref<640x128xf32, #tpu.memory_space<hbm>>)
      tpu.yield
    }) : () -> ()
    %mul3A_88 = arith.constant 80 : i32
    %mul3A_89 = arith.muli %arg1, %mul3A_88 : i32
    "tpu.region"() ({
      %run_scoped3A = tpu.sem_alloc : memref<!tpu.dma_semaphore, #tpu.memory_space<semaphore_mem>>
      %dma_start3A = arith.constant 0 : i32
      %dma_start3A_90 = tpu.memref_slice %arg8[%arg0, %mul3A_89, %dma_start3A] : memref<2x1280x128xf32, #tpu.memory_space<hbm>> -> memref<1x80x128xf32, #tpu.memory_space<hbm>>
      %dma_start3A_91 = tpu.memref_squeeze %dma_start3A_90 : memref<1x80x128xf32, #tpu.memory_space<hbm>> -> memref<80x128xf32, #tpu.memory_space<hbm>>
      %dma_start3A_92 = arith.constant 0 : i32
      %dma_start3A_93 = tpu.memref_slice %arg18[%mul3A_89, %dma_start3A_92] : memref<1280x128xf32, #tpu.memory_space<vmem_shared>> -> memref<80x128xf32, #tpu.memory_space<vmem_shared>>
      tpu.enqueue_dma source(%dma_start3A_93 : memref<80x128xf32, #tpu.memory_space<vmem_shared>>) target(%dma_start3A_91 : memref<80x128xf32, #tpu.memory_space<hbm>>) target_semaphore(%run_scoped3A : memref<!tpu.dma_semaphore, #tpu.memory_space<semaphore_mem>>)
      %dma_wait3A = arith.constant 0 : i32
      %dma_wait3A_94 = tpu.memref_slice %arg8[%arg0, %mul3A_89, %dma_wait3A] : memref<2x1280x128xf32, #tpu.memory_space<hbm>> -> memref<1x80x128xf32, #tpu.memory_space<hbm>>
      %dma_wait3A_95 = tpu.memref_squeeze %dma_wait3A_94 : memref<1x80x128xf32, #tpu.memory_space<hbm>> -> memref<80x128xf32, #tpu.memory_space<hbm>>
      %dma_wait3A_96 = arith.constant 0 : i32
      %dma_wait3A_97 = tpu.memref_slice %arg18[%mul3A_89, %dma_wait3A_96] : memref<1280x128xf32, #tpu.memory_space<vmem_shared>> -> memref<80x128xf32, #tpu.memory_space<vmem_shared>>
      tpu.wait_dma2 semaphore(%run_scoped3A : memref<!tpu.dma_semaphore, #tpu.memory_space<semaphore_mem>>) src(%dma_wait3A_97 : memref<80x128xf32, #tpu.memory_space<vmem_shared>>) dst(%dma_wait3A_95 : memref<80x128xf32, #tpu.memory_space<hbm>>)
      tpu.yield
    }) : () -> ()
    return
  }
}

module attributes {stable_mosaic.version = 14 : i64} {
  func.func @_proj_body(%arg0: i32, %arg1: memref<2000x128xf32, #tpu.memory_space<vmem>>, %arg2: memref<128x512xf32, #tpu.memory_space<vmem>>, %arg3: memref<1x512xf32, #tpu.memory_space<vmem>>, %arg4: memref<2000x128xf32, #tpu.memory_space<vmem>>, %arg5: memref<2000x256xf32, #tpu.memory_space<vmem>>, %arg6: memref<2000x128xf32, #tpu.memory_space<vmem>>) attributes {dimension_semantics = [#tpu.dimension_semantics<arbitrary>], iteration_bounds = array<i64: 5>, scalar_prefetch = 0 : i64, scratch_operands = 0 : i64, tpu.core_type = #tpu.core_type<tc>, window_params = [{transform_indices = @transform_0, window_bounds = array<i64: 2000, 128>}, {pipeline_mode = #tpu.pipeline_mode<synchronous>, transform_indices = @transform_1, window_bounds = array<i64: 128, 512>}, {pipeline_mode = #tpu.pipeline_mode<synchronous>, transform_indices = @transform_2, window_bounds = array<i64: 1, 512>}, {transform_indices = @transform_3, window_bounds = array<i64: 2000, 128>}, {transform_indices = @transform_4, window_bounds = array<i64: 2000, 256>}, {transform_indices = @transform_5, window_bounds = array<i64: 2000, 128>}]} {
    %get3A = arith.constant 0 : index
    %get3A_0 = arith.constant 0 : index
    %get3A_1 = vector.load %arg1[%get3A, %get3A_0] : memref<2000x128xf32, #tpu.memory_space<vmem>>, vector<2000x128xf32>
    %get3A_2 = arith.constant 0 : index
    %get3A_3 = arith.constant 0 : index
    %get3A_4 = vector.load %arg2[%get3A_2, %get3A_3] : memref<128x512xf32, #tpu.memory_space<vmem>>, vector<128x512xf32>
    %dot_general3A = arith.constant dense<0.000000e+00> : vector<2000x512xf32>
    %dot_general3A_5 = tpu.matmul %get3A_1, %get3A_4, %dot_general3A {dimension_numbers = #tpu.dot_dimension_numbers<[1], [0], [0], [1], [0, 0, 1, 1], [], []>, transpose_lhs_hint = false} : vector<2000x128xf32>, vector<128x512xf32>, vector<2000x512xf32> -> vector<2000x512xf32>
    %get3A_6 = arith.constant 0 : index
    %get3A_7 = arith.constant 0 : index
    %get3A_8 = vector.load %arg3[%get3A_6, %get3A_7] : memref<1x512xf32, #tpu.memory_space<vmem>>, vector<1x512xf32>
    %add3A = vector.broadcast %get3A_8 : vector<1x512xf32> to vector<2000x512xf32>
    %add3A_9 = arith.addf %dot_general3A_5, %add3A : vector<2000x512xf32>
    %slice3A = vector.extract_strided_slice %add3A_9 {offsets = [0, 0], sizes = [2000, 128], strides = [1, 1]} : vector<2000x512xf32> to vector<2000x128xf32>
    %mul3A = arith.constant 0.176776692 : f32
    %mul3A_10 = vector.broadcast %mul3A : f32 to vector<2000x128xf32>
    %mul3A_11 = arith.mulf %slice3A, %mul3A_10 : vector<2000x128xf32>
    %swap3A = arith.constant 0 : index
    %swap3A_12 = arith.constant 0 : index
    %swap3A_13 = vector.load %arg4[%swap3A, %swap3A_12] : memref<2000x128xf32, #tpu.memory_space<vmem>>, vector<2000x128xf32>
    tpu.vector_store %arg4[%swap3A, %swap3A_12], %mul3A_11 {strides = array<i32>} : memref<2000x128xf32, #tpu.memory_space<vmem>>, vector<2000x128xf32>,
    %slice3A_14 = vector.extract_strided_slice %add3A_9 {offsets = [0, 128], sizes = [2000, 256], strides = [1, 1]} : vector<2000x512xf32> to vector<2000x256xf32>
    %swap3A_15 = arith.constant 0 : index
    %swap3A_16 = arith.constant 0 : index
    %swap3A_17 = vector.load %arg5[%swap3A_15, %swap3A_16] : memref<2000x256xf32, #tpu.memory_space<vmem>>, vector<2000x256xf32>
    tpu.vector_store %arg5[%swap3A_15, %swap3A_16], %slice3A_14 {strides = array<i32>} : memref<2000x256xf32, #tpu.memory_space<vmem>>, vector<2000x256xf32>,
    %slice3A_18 = vector.extract_strided_slice %add3A_9 {offsets = [0, 384], sizes = [2000, 128], strides = [1, 1]} : vector<2000x512xf32> to vector<2000x128xf32>
    %swap3A_19 = arith.constant 0 : index
    %swap3A_20 = arith.constant 0 : index
    %swap3A_21 = vector.load %arg6[%swap3A_19, %swap3A_20] : memref<2000x128xf32, #tpu.memory_space<vmem>>, vector<2000x128xf32>
    tpu.vector_store %arg6[%swap3A_19, %swap3A_20], %slice3A_18 {strides = array<i32>} : memref<2000x128xf32, #tpu.memory_space<vmem>>, vector<2000x128xf32>,
    return
  }
  func.func @transform_0(%arg0: i32) -> (i32, i32) {
    %c0_i32 = arith.constant 0 : i32
    %c0_i32_0 = arith.constant 0 : i32
    return %arg0, %c0_i32 : i32, i32
  }
  func.func @transform_1(%arg0: i32) -> (i32, i32) {
    %c0_i32 = arith.constant 0 : i32
    %c0_i32_0 = arith.constant 0 : i32
    %c0_i32_1 = arith.constant 0 : i32
    return %c0_i32, %c0_i32_0 : i32, i32
  }
  func.func @transform_2(%arg0: i32) -> (i32, i32) {
    %c0_i32 = arith.constant 0 : i32
    %c0_i32_0 = arith.constant 0 : i32
    %c0_i32_1 = arith.constant 0 : i32
    return %c0_i32, %c0_i32_0 : i32, i32
  }
  func.func @transform_3(%arg0: i32) -> (i32, i32) {
    %c0_i32 = arith.constant 0 : i32
    %c0_i32_0 = arith.constant 0 : i32
    return %arg0, %c0_i32 : i32, i32
  }
  func.func @transform_4(%arg0: i32) -> (i32, i32) {
    %c0_i32 = arith.constant 0 : i32
    %c0_i32_0 = arith.constant 0 : i32
    return %arg0, %c0_i32 : i32, i32
  }
  func.func @transform_5(%arg0: i32) -> (i32, i32) {
    %c0_i32 = arith.constant 0 : i32
    %c0_i32_0 = arith.constant 0 : i32
    return %arg0, %c0_i32 : i32, i32
  }
}

module attributes {stable_mosaic.version = 14 : i64} {
  func.func @_eproj_body(%arg0: i32, %arg1: memref<2000x128xf32, #tpu.memory_space<vmem>>, %arg2: memref<128x128xf32, #tpu.memory_space<vmem>>, %arg3: memref<1x128xf32, #tpu.memory_space<vmem>>, %arg4: memref<2000x128xf32, #tpu.memory_space<vmem>>) attributes {dimension_semantics = [#tpu.dimension_semantics<arbitrary>], iteration_bounds = array<i64: 160>, scalar_prefetch = 0 : i64, scratch_operands = 0 : i64, tpu.core_type = #tpu.core_type<tc>, window_params = [{transform_indices = @transform_0, window_bounds = array<i64: 2000, 128>}, {pipeline_mode = #tpu.pipeline_mode<synchronous>, transform_indices = @transform_1, window_bounds = array<i64: 128, 128>}, {pipeline_mode = #tpu.pipeline_mode<synchronous>, transform_indices = @transform_2, window_bounds = array<i64: 1, 128>}, {transform_indices = @transform_3, window_bounds = array<i64: 2000, 128>}]} {
    %get3A = arith.constant 0 : index
    %get3A_0 = arith.constant 0 : index
    %get3A_1 = vector.load %arg1[%get3A, %get3A_0] : memref<2000x128xf32, #tpu.memory_space<vmem>>, vector<2000x128xf32>
    %get3A_2 = arith.constant 0 : index
    %get3A_3 = arith.constant 0 : index
    %get3A_4 = vector.load %arg2[%get3A_2, %get3A_3] : memref<128x128xf32, #tpu.memory_space<vmem>>, vector<128x128xf32>
    %dot_general3A = arith.constant dense<0.000000e+00> : vector<2000x128xf32>
    %dot_general3A_5 = tpu.matmul %get3A_1, %get3A_4, %dot_general3A {dimension_numbers = #tpu.dot_dimension_numbers<[1], [0], [0], [1], [0, 0, 1, 1], [], []>, transpose_lhs_hint = false} : vector<2000x128xf32>, vector<128x128xf32>, vector<2000x128xf32> -> vector<2000x128xf32>
    %get3A_6 = arith.constant 0 : index
    %get3A_7 = arith.constant 0 : index
    %get3A_8 = vector.load %arg3[%get3A_6, %get3A_7] : memref<1x128xf32, #tpu.memory_space<vmem>>, vector<1x128xf32>
    %add3A = vector.broadcast %get3A_8 : vector<1x128xf32> to vector<2000x128xf32>
    %add3A_9 = arith.addf %dot_general3A_5, %add3A : vector<2000x128xf32>
    %swap3A = arith.constant 0 : index
    %swap3A_10 = arith.constant 0 : index
    %swap3A_11 = vector.load %arg4[%swap3A, %swap3A_10] : memref<2000x128xf32, #tpu.memory_space<vmem>>, vector<2000x128xf32>
    tpu.vector_store %arg4[%swap3A, %swap3A_10], %add3A_9 {strides = array<i32>} : memref<2000x128xf32, #tpu.memory_space<vmem>>, vector<2000x128xf32>,
    return
  }
  func.func @transform_0(%arg0: i32) -> (i32, i32) {
    %c0_i32 = arith.constant 0 : i32
    %c0_i32_0 = arith.constant 0 : i32
    return %arg0, %c0_i32 : i32, i32
  }
  func.func @transform_1(%arg0: i32) -> (i32, i32) {
    %c0_i32 = arith.constant 0 : i32
    %c0_i32_0 = arith.constant 0 : i32
    %c0_i32_1 = arith.constant 0 : i32
    return %c0_i32, %c0_i32_0 : i32, i32
  }
  func.func @transform_2(%arg0: i32) -> (i32, i32) {
    %c0_i32 = arith.constant 0 : i32
    %c0_i32_0 = arith.constant 0 : i32
    %c0_i32_1 = arith.constant 0 : i32
    return %c0_i32, %c0_i32_0 : i32, i32
  }
  func.func @transform_3(%arg0: i32) -> (i32, i32) {
    %c0_i32 = arith.constant 0 : i32
    %c0_i32_0 = arith.constant 0 : i32
    return %arg0, %c0_i32 : i32, i32
  }
}

module attributes {stable_mosaic.version = 14 : i64} {
  func.func @_final_body(%arg0: i32, %arg1: memref<2x400x128xf32, #tpu.memory_space<vmem>>, %arg2: memref<2x400x16xf32, #tpu.memory_space<vmem>>, %arg3: memref<400x128xf32, #tpu.memory_space<vmem>>, %arg4: memref<400x128xf32, #tpu.memory_space<vmem>>) attributes {dimension_semantics = [#tpu.dimension_semantics<arbitrary>], iteration_bounds = array<i64: 25>, scalar_prefetch = 0 : i64, scratch_operands = 0 : i64, tpu.core_type = #tpu.core_type<tc>, window_params = [{transform_indices = @transform_0, window_bounds = array<i64: 2, 400, 128>}, {transform_indices = @transform_1, window_bounds = array<i64: 2, 400, 16>}, {transform_indices = @transform_2, window_bounds = array<i64: 400, 128>}, {transform_indices = @transform_3, window_bounds = array<i64: 400, 128>}]} {
    %get3A = arith.constant 0 : index
    %get3A_0 = arith.constant 0 : index
    %get3A_1 = arith.constant 0 : index
    %get3A_2 = vector.load %arg1[%get3A, %get3A_0, %get3A_1] : memref<2x400x128xf32, #tpu.memory_space<vmem>>, vector<1x400x128xf32>
    %get3A_3 = vector.shape_cast %get3A_2 : vector<1x400x128xf32> to vector<400x128xf32>
    %get3A_4 = arith.constant 1 : index
    %get3A_5 = arith.constant 0 : index
    %get3A_6 = arith.constant 0 : index
    %get3A_7 = vector.load %arg1[%get3A_4, %get3A_5, %get3A_6] : memref<2x400x128xf32, #tpu.memory_space<vmem>>, vector<1x400x128xf32>
    %get3A_8 = vector.shape_cast %get3A_7 : vector<1x400x128xf32> to vector<400x128xf32>
    %add3A = arith.addf %get3A_3, %get3A_8 : vector<400x128xf32>
    %get3A_9 = arith.constant 0 : index
    %get3A_10 = arith.constant 0 : index
    %get3A_11 = arith.constant 0 : index
    %get3A_12 = vector.load %arg2[%get3A_9, %get3A_10, %get3A_11] : memref<2x400x16xf32, #tpu.memory_space<vmem>>, vector<1x400x16xf32>
    %get3A_13 = vector.shape_cast %get3A_12 : vector<1x400x16xf32> to vector<400x16xf32>
    %get3A_14 = arith.constant 1 : index
    %get3A_15 = arith.constant 0 : index
    %get3A_16 = arith.constant 0 : index
    %get3A_17 = vector.load %arg2[%get3A_14, %get3A_15, %get3A_16] : memref<2x400x16xf32, #tpu.memory_space<vmem>>, vector<1x400x16xf32>
    %get3A_18 = vector.shape_cast %get3A_17 : vector<1x400x16xf32> to vector<400x16xf32>
    %add3A_19 = arith.addf %get3A_13, %get3A_18 : vector<400x16xf32>
    %iota3A = tpu.iota {dimensions = array<i32: 0>} : vector<16x128xi32>
    %iota3A_20 = tpu.iota {dimensions = array<i32: 1>} : vector<16x128xi32>
    %jit3A = arith.constant 32 : i32
    %div3A = vector.broadcast %jit3A : i32 to vector<16x128xi32>
    %div3A_21 = arith.divsi %iota3A_20, %div3A : vector<16x128xi32>
    %sign3A = arith.constant 0 : i32
    %sign3A_22 = vector.broadcast %sign3A : i32 to vector<16x128xi32>
    %sign3A_23 = arith.cmpi sgt, %iota3A_20, %sign3A_22 : vector<16x128xi32>
    %sign3A_24 = arith.extui %sign3A_23 : vector<16x128xi1> to vector<16x128xi32>
    %sign3A_25 = arith.constant 0 : i32
    %sign3A_26 = vector.broadcast %sign3A_25 : i32 to vector<16x128xi32>
    %sign3A_27 = arith.cmpi slt, %iota3A_20, %sign3A_26 : vector<16x128xi32>
    %sign3A_28 = arith.extui %sign3A_27 : vector<16x128xi1> to vector<16x128xi32>
    %sign3A_29 = arith.subi %sign3A_24, %sign3A_28 : vector<16x128xi32>
    %sign3A_30 = arith.constant 0 : i32
    %sign3A_31 = arith.cmpi sgt, %jit3A, %sign3A_30 : i32
    %sign3A_32 = arith.extui %sign3A_31 : i1 to i32
    %sign3A_33 = arith.constant 0 : i32
    %sign3A_34 = arith.cmpi slt, %jit3A, %sign3A_33 : i32
    %sign3A_35 = arith.extui %sign3A_34 : i1 to i32
    %sign3A_36 = arith.subi %sign3A_32, %sign3A_35 : i32
    %ne3A = vector.broadcast %sign3A_36 : i32 to vector<16x128xi32>
    %ne3A_37 = arith.cmpi ne, %sign3A_29, %ne3A : vector<16x128xi32>
    %rem3A = vector.broadcast %jit3A : i32 to vector<16x128xi32>
    %rem3A_38 = arith.remsi %iota3A_20, %rem3A : vector<16x128xi32>
    %ne3A_39 = arith.constant 0 : i32
    %ne3A_40 = vector.broadcast %ne3A_39 : i32 to vector<16x128xi32>
    %ne3A_41 = arith.cmpi ne, %rem3A_38, %ne3A_40 : vector<16x128xi32>
    %and3A = arith.andi %ne3A_37, %ne3A_41 : vector<16x128xi1>
    %sub3A = arith.constant 1 : i32
    %sub3A_42 = vector.broadcast %sub3A : i32 to vector<16x128xi32>
    %sub3A_43 = arith.subi %div3A_21, %sub3A_42 : vector<16x128xi32>
    %select_n3A = arith.select %and3A, %sub3A_43, %div3A_21 : vector<16x128xi1>, vector<16x128xi32>
    %eq3A = arith.cmpi eq, %iota3A, %select_n3A : vector<16x128xi32>
    %jit3A_44 = arith.constant 1.000000e+00 : f32
    %jit3A_45 = arith.constant 0.000000e+00 : f32
    %broadcast_in_dim3A = vector.broadcast %jit3A_44 : f32 to vector<16x128xf32>
    %broadcast_in_dim3A_46 = vector.broadcast %jit3A_45 : f32 to vector<16x128xf32>
    %select_n3A_47 = arith.select %eq3A, %broadcast_in_dim3A, %broadcast_in_dim3A_46 : vector<16x128xi1>, vector<16x128xf32>
    %dot_general3A = arith.constant dense<0.000000e+00> : vector<400x128xf32>
    %dot_general3A_48 = tpu.matmul %add3A_19, %select_n3A_47, %dot_general3A {dimension_numbers = #tpu.dot_dimension_numbers<[1], [0], [0], [1], [0, 0, 1, 1], [], []>, transpose_lhs_hint = false} : vector<400x16xf32>, vector<16x128xf32>, vector<400x128xf32> -> vector<400x128xf32>
    %add3A_49 = arith.constant 1.000000e-16 : f32
    %add3A_50 = vector.broadcast %add3A_49 : f32 to vector<400x128xf32>
    %add3A_51 = arith.addf %dot_general3A_48, %add3A_50 : vector<400x128xf32>
    %div3A_52 = arith.divf %add3A, %add3A_51 : vector<400x128xf32>
    %get3A_53 = arith.constant 0 : index
    %get3A_54 = arith.constant 0 : index
    %get3A_55 = vector.load %arg3[%get3A_53, %get3A_54] : memref<400x128xf32, #tpu.memory_space<vmem>>, vector<400x128xf32>
    %add3A_56 = arith.addf %div3A_52, %get3A_55 : vector<400x128xf32>
    %swap3A = arith.constant 0 : index
    %swap3A_57 = arith.constant 0 : index
    %swap3A_58 = vector.load %arg4[%swap3A, %swap3A_57] : memref<400x128xf32, #tpu.memory_space<vmem>>, vector<400x128xf32>
    tpu.vector_store %arg4[%swap3A, %swap3A_57], %add3A_56 {strides = array<i32>} : memref<400x128xf32, #tpu.memory_space<vmem>>, vector<400x128xf32>,
    return
  }
  func.func @transform_0(%arg0: i32) -> (i32, i32, i32) {
    %c0_i32 = arith.constant 0 : i32
    %c0_i32_0 = arith.constant 0 : i32
    %c0_i32_1 = arith.constant 0 : i32
    return %c0_i32, %arg0, %c0_i32_0 : i32, i32, i32
  }
  func.func @transform_1(%arg0: i32) -> (i32, i32, i32) {
    %c0_i32 = arith.constant 0 : i32
    %c0_i32_0 = arith.constant 0 : i32
    %c0_i32_1 = arith.constant 0 : i32
    return %c0_i32, %arg0, %c0_i32_0 : i32, i32, i32
  }
  func.func @transform_2(%arg0: i32) -> (i32, i32) {
    %c0_i32 = arith.constant 0 : i32
    %c0_i32_0 = arith.constant 0 : i32
    return %arg0, %c0_i32 : i32, i32
  }
  func.func @transform_3(%arg0: i32) -> (i32, i32) {
    %c0_i32 = arith.constant 0 : i32
    %c0_i32_0 = arith.constant 0 : i32
    return %arg0, %c0_i32 : i32, i32
  }
}

module attributes {stable_mosaic.version = 14 : i64} {
  func.func @_bn_body(%arg0: i32, %arg1: memref<10000x128xf32, #tpu.memory_space<vmem>>, %arg2: memref<1x128xf32, #tpu.memory_space<vmem>>, %arg3: memref<1x128xf32, #tpu.memory_space<vmem>>, %arg4: memref<10000x128xf32, #tpu.memory_space<vmem>>) attributes {dimension_semantics = [#tpu.dimension_semantics<arbitrary>], iteration_bounds = array<i64: 1>, scalar_prefetch = 0 : i64, scratch_operands = 0 : i64, tpu.core_type = #tpu.core_type<tc>, window_params = [{pipeline_mode = #tpu.pipeline_mode<synchronous>, transform_indices = @transform_0, window_bounds = array<i64: 10000, 128>}, {pipeline_mode = #tpu.pipeline_mode<synchronous>, transform_indices = @transform_1, window_bounds = array<i64: 1, 128>}, {pipeline_mode = #tpu.pipeline_mode<synchronous>, transform_indices = @transform_2, window_bounds = array<i64: 1, 128>}, {pipeline_mode = #tpu.pipeline_mode<synchronous>, transform_indices = @transform_3, window_bounds = array<i64: 10000, 128>}]} {
    %get3A = arith.constant 0 : index
    %get3A_0 = arith.constant 0 : index
    %get3A_1 = vector.load %arg1[%get3A, %get3A_0] : memref<10000x128xf32, #tpu.memory_space<vmem>>, vector<10000x128xf32>
    %reduce_sum3A = arith.constant dense<0.000000e+00> : vector<128xf32>
    %reduce_sum3A_2 = vector.multi_reduction <add>, %get3A_1, %reduce_sum3A [0] : vector<10000x128xf32> to vector<128xf32>
    %broadcast_in_dim3A = vector.shape_cast %reduce_sum3A_2 : vector<128xf32> to vector<1x128xf32>
    %div3A = arith.constant 1.000000e+04 : f32
    %div3A_3 = vector.broadcast %div3A : f32 to vector<1x128xf32>
    %div3A_4 = arith.divf %broadcast_in_dim3A, %div3A_3 : vector<1x128xf32>
    %sub3A = vector.broadcast %div3A_4 : vector<1x128xf32> to vector<10000x128xf32>
    %sub3A_5 = arith.subf %get3A_1, %sub3A : vector<10000x128xf32>
    %integer_pow3A = arith.mulf %sub3A_5, %sub3A_5 : vector<10000x128xf32>
    %reduce_sum3A_6 = arith.constant dense<0.000000e+00> : vector<128xf32>
    %reduce_sum3A_7 = vector.multi_reduction <add>, %integer_pow3A, %reduce_sum3A_6 [0] : vector<10000x128xf32> to vector<128xf32>
    %broadcast_in_dim3A_8 = vector.shape_cast %reduce_sum3A_7 : vector<128xf32> to vector<1x128xf32>
    %div3A_9 = arith.constant 1.000000e+04 : f32
    %div3A_10 = vector.broadcast %div3A_9 : f32 to vector<1x128xf32>
    %div3A_11 = arith.divf %broadcast_in_dim3A_8, %div3A_10 : vector<1x128xf32>
    %sub3A_12 = vector.broadcast %div3A_4 : vector<1x128xf32> to vector<10000x128xf32>
    %sub3A_13 = arith.subf %get3A_1, %sub3A_12 : vector<10000x128xf32>
    %add3A = arith.constant 9.99999974E-6 : f32
    %add3A_14 = vector.broadcast %add3A : f32 to vector<1x128xf32>
    %add3A_15 = arith.addf %div3A_11, %add3A_14 : vector<1x128xf32>
    %sqrt3A = math.sqrt %add3A_15 : vector<1x128xf32>
    %div3A_16 = vector.broadcast %sqrt3A : vector<1x128xf32> to vector<10000x128xf32>
    %div3A_17 = arith.divf %sub3A_13, %div3A_16 : vector<10000x128xf32>
    %get3A_18 = arith.constant 0 : index
    %get3A_19 = arith.constant 0 : index
    %get3A_20 = vector.load %arg2[%get3A_18, %get3A_19] : memref<1x128xf32, #tpu.memory_space<vmem>>, vector<1x128xf32>
    %mul3A = vector.broadcast %get3A_20 : vector<1x128xf32> to vector<10000x128xf32>
    %mul3A_21 = arith.mulf %div3A_17, %mul3A : vector<10000x128xf32>
    %get3A_22 = arith.constant 0 : index
    %get3A_23 = arith.constant 0 : index
    %get3A_24 = vector.load %arg3[%get3A_22, %get3A_23] : memref<1x128xf32, #tpu.memory_space<vmem>>, vector<1x128xf32>
    %add3A_25 = vector.broadcast %get3A_24 : vector<1x128xf32> to vector<10000x128xf32>
    %add3A_26 = arith.addf %mul3A_21, %add3A_25 : vector<10000x128xf32>
    %max3A = arith.constant 0.000000e+00 : f32
    %max3A_27 = vector.broadcast %max3A : f32 to vector<10000x128xf32>
    %max3A_28 = arith.maximumf %add3A_26, %max3A_27 : vector<10000x128xf32>
    %swap3A = arith.constant 0 : index
    %swap3A_29 = arith.constant 0 : index
    %swap3A_30 = vector.load %arg4[%swap3A, %swap3A_29] : memref<10000x128xf32, #tpu.memory_space<vmem>>, vector<10000x128xf32>
    tpu.vector_store %arg4[%swap3A, %swap3A_29], %max3A_28 {strides = array<i32>} : memref<10000x128xf32, #tpu.memory_space<vmem>>, vector<10000x128xf32>,
    return
  }
  func.func @transform_0(%arg0: i32) -> (i32, i32) {
    %c0_i32 = arith.constant 0 : i32
    %c0_i32_0 = arith.constant 0 : i32
    %c0_i32_1 = arith.constant 0 : i32
    return %c0_i32, %c0_i32_0 : i32, i32
  }
  func.func @transform_1(%arg0: i32) -> (i32, i32) {
    %c0_i32 = arith.constant 0 : i32
    %c0_i32_0 = arith.constant 0 : i32
    %c0_i32_1 = arith.constant 0 : i32
    return %c0_i32, %c0_i32_0 : i32, i32
  }
  func.func @transform_2(%arg0: i32) -> (i32, i32) {
    %c0_i32 = arith.constant 0 : i32
    %c0_i32_0 = arith.constant 0 : i32
    %c0_i32_1 = arith.constant 0 : i32
    return %c0_i32, %c0_i32_0 : i32, i32
  }
  func.func @transform_3(%arg0: i32) -> (i32, i32) {
    %c0_i32 = arith.constant 0 : i32
    %c0_i32_0 = arith.constant 0 : i32
    %c0_i32_1 = arith.constant 0 : i32
    return %c0_i32, %c0_i32_0 : i32, i32
  }
}

module attributes {stable_mosaic.version = 14 : i64} {
  func.func @_final_body(%arg0: i32, %arg1: memref<2x400x128xf32, #tpu.memory_space<vmem>>, %arg2: memref<2x400x16xf32, #tpu.memory_space<vmem>>, %arg3: memref<400x128xf32, #tpu.memory_space<vmem>>, %arg4: memref<400x128xf32, #tpu.memory_space<vmem>>) attributes {dimension_semantics = [#tpu.dimension_semantics<arbitrary>], iteration_bounds = array<i64: 25>, scalar_prefetch = 0 : i64, scratch_operands = 0 : i64, tpu.core_type = #tpu.core_type<tc>, window_params = [{transform_indices = @transform_0, window_bounds = array<i64: 2, 400, 128>}, {transform_indices = @transform_1, window_bounds = array<i64: 2, 400, 16>}, {transform_indices = @transform_2, window_bounds = array<i64: 400, 128>}, {transform_indices = @transform_3, window_bounds = array<i64: 400, 128>}]} {
    %get3A = arith.constant 0 : index
    %get3A_0 = arith.constant 0 : index
    %get3A_1 = arith.constant 0 : index
    %get3A_2 = vector.load %arg1[%get3A, %get3A_0, %get3A_1] : memref<2x400x128xf32, #tpu.memory_space<vmem>>, vector<1x400x128xf32>
    %get3A_3 = vector.shape_cast %get3A_2 : vector<1x400x128xf32> to vector<400x128xf32>
    %get3A_4 = arith.constant 1 : index
    %get3A_5 = arith.constant 0 : index
    %get3A_6 = arith.constant 0 : index
    %get3A_7 = vector.load %arg1[%get3A_4, %get3A_5, %get3A_6] : memref<2x400x128xf32, #tpu.memory_space<vmem>>, vector<1x400x128xf32>
    %get3A_8 = vector.shape_cast %get3A_7 : vector<1x400x128xf32> to vector<400x128xf32>
    %add3A = arith.addf %get3A_3, %get3A_8 : vector<400x128xf32>
    %get3A_9 = arith.constant 0 : index
    %get3A_10 = arith.constant 0 : index
    %get3A_11 = arith.constant 0 : index
    %get3A_12 = vector.load %arg2[%get3A_9, %get3A_10, %get3A_11] : memref<2x400x16xf32, #tpu.memory_space<vmem>>, vector<1x400x16xf32>
    %get3A_13 = vector.shape_cast %get3A_12 : vector<1x400x16xf32> to vector<400x16xf32>
    %get3A_14 = arith.constant 1 : index
    %get3A_15 = arith.constant 0 : index
    %get3A_16 = arith.constant 0 : index
    %get3A_17 = vector.load %arg2[%get3A_14, %get3A_15, %get3A_16] : memref<2x400x16xf32, #tpu.memory_space<vmem>>, vector<1x400x16xf32>
    %get3A_18 = vector.shape_cast %get3A_17 : vector<1x400x16xf32> to vector<400x16xf32>
    %add3A_19 = arith.addf %get3A_13, %get3A_18 : vector<400x16xf32>
    %iota3A = tpu.iota {dimensions = array<i32: 0>} : vector<16x128xi32>
    %iota3A_20 = tpu.iota {dimensions = array<i32: 1>} : vector<16x128xi32>
    %jit3A = arith.constant 32 : i32
    %div3A = vector.broadcast %jit3A : i32 to vector<16x128xi32>
    %div3A_21 = arith.divsi %iota3A_20, %div3A : vector<16x128xi32>
    %sign3A = arith.constant 0 : i32
    %sign3A_22 = vector.broadcast %sign3A : i32 to vector<16x128xi32>
    %sign3A_23 = arith.cmpi sgt, %iota3A_20, %sign3A_22 : vector<16x128xi32>
    %sign3A_24 = arith.extui %sign3A_23 : vector<16x128xi1> to vector<16x128xi32>
    %sign3A_25 = arith.constant 0 : i32
    %sign3A_26 = vector.broadcast %sign3A_25 : i32 to vector<16x128xi32>
    %sign3A_27 = arith.cmpi slt, %iota3A_20, %sign3A_26 : vector<16x128xi32>
    %sign3A_28 = arith.extui %sign3A_27 : vector<16x128xi1> to vector<16x128xi32>
    %sign3A_29 = arith.subi %sign3A_24, %sign3A_28 : vector<16x128xi32>
    %sign3A_30 = arith.constant 0 : i32
    %sign3A_31 = arith.cmpi sgt, %jit3A, %sign3A_30 : i32
    %sign3A_32 = arith.extui %sign3A_31 : i1 to i32
    %sign3A_33 = arith.constant 0 : i32
    %sign3A_34 = arith.cmpi slt, %jit3A, %sign3A_33 : i32
    %sign3A_35 = arith.extui %sign3A_34 : i1 to i32
    %sign3A_36 = arith.subi %sign3A_32, %sign3A_35 : i32
    %ne3A = vector.broadcast %sign3A_36 : i32 to vector<16x128xi32>
    %ne3A_37 = arith.cmpi ne, %sign3A_29, %ne3A : vector<16x128xi32>
    %rem3A = vector.broadcast %jit3A : i32 to vector<16x128xi32>
    %rem3A_38 = arith.remsi %iota3A_20, %rem3A : vector<16x128xi32>
    %ne3A_39 = arith.constant 0 : i32
    %ne3A_40 = vector.broadcast %ne3A_39 : i32 to vector<16x128xi32>
    %ne3A_41 = arith.cmpi ne, %rem3A_38, %ne3A_40 : vector<16x128xi32>
    %and3A = arith.andi %ne3A_37, %ne3A_41 : vector<16x128xi1>
    %sub3A = arith.constant 1 : i32
    %sub3A_42 = vector.broadcast %sub3A : i32 to vector<16x128xi32>
    %sub3A_43 = arith.subi %div3A_21, %sub3A_42 : vector<16x128xi32>
    %select_n3A = arith.select %and3A, %sub3A_43, %div3A_21 : vector<16x128xi1>, vector<16x128xi32>
    %eq3A = arith.cmpi eq, %iota3A, %select_n3A : vector<16x128xi32>
    %jit3A_44 = arith.constant 1.000000e+00 : f32
    %jit3A_45 = arith.constant 0.000000e+00 : f32
    %broadcast_in_dim3A = vector.broadcast %jit3A_44 : f32 to vector<16x128xf32>
    %broadcast_in_dim3A_46 = vector.broadcast %jit3A_45 : f32 to vector<16x128xf32>
    %select_n3A_47 = arith.select %eq3A, %broadcast_in_dim3A, %broadcast_in_dim3A_46 : vector<16x128xi1>, vector<16x128xf32>
    %dot_general3A = arith.constant dense<0.000000e+00> : vector<400x128xf32>
    %dot_general3A_48 = tpu.matmul %add3A_19, %select_n3A_47, %dot_general3A {dimension_numbers = #tpu.dot_dimension_numbers<[1], [0], [0], [1], [0, 0, 1, 1], [], []>, transpose_lhs_hint = false} : vector<400x16xf32>, vector<16x128xf32>, vector<400x128xf32> -> vector<400x128xf32>
    %add3A_49 = arith.constant 1.000000e-16 : f32
    %add3A_50 = vector.broadcast %add3A_49 : f32 to vector<400x128xf32>
    %add3A_51 = arith.addf %dot_general3A_48, %add3A_50 : vector<400x128xf32>
    %div3A_52 = arith.divf %add3A, %add3A_51 : vector<400x128xf32>
    %get3A_53 = arith.constant 0 : index
    %get3A_54 = arith.constant 0 : index
    %get3A_55 = vector.load %arg3[%get3A_53, %get3A_54] : memref<400x128xf32, #tpu.memory_space<vmem>>, vector<400x128xf32>
    %add3A_56 = arith.addf %div3A_52, %get3A_55 : vector<400x128xf32>
    %swap3A = arith.constant 0 : index
    %swap3A_57 = arith.constant 0 : index
    %swap3A_58 = vector.load %arg4[%swap3A, %swap3A_57] : memref<400x128xf32, #tpu.memory_space<vmem>>, vector<400x128xf32>
    tpu.vector_store %arg4[%swap3A, %swap3A_57], %add3A_56 {strides = array<i32>} : memref<400x128xf32, #tpu.memory_space<vmem>>, vector<400x128xf32>,
    return
  }
  func.func @transform_0(%arg0: i32) -> (i32, i32, i32) {
    %c0_i32 = arith.constant 0 : i32
    %c0_i32_0 = arith.constant 0 : i32
    %c0_i32_1 = arith.constant 0 : i32
    return %c0_i32, %arg0, %c0_i32_0 : i32, i32, i32
  }
  func.func @transform_1(%arg0: i32) -> (i32, i32, i32) {
    %c0_i32 = arith.constant 0 : i32
    %c0_i32_0 = arith.constant 0 : i32
    %c0_i32_1 = arith.constant 0 : i32
    return %c0_i32, %arg0, %c0_i32_0 : i32, i32, i32
  }
  func.func @transform_2(%arg0: i32) -> (i32, i32) {
    %c0_i32 = arith.constant 0 : i32
    %c0_i32_0 = arith.constant 0 : i32
    return %arg0, %c0_i32 : i32, i32
  }
  func.func @transform_3(%arg0: i32) -> (i32, i32) {
    %c0_i32 = arith.constant 0 : i32
    %c0_i32_0 = arith.constant 0 : i32
    return %arg0, %c0_i32 : i32, i32
  }
}

</mosaic_0001>

<sc_bundles>
// kernel: kernel.16.cloned.1.call-start
scs
__scs_entry_jumppad:
0x0: {  	(pc) =	sbr.rel $0x88, $3  }
0x1: {  	(tag) =	ssettag $0x0;
	lr =	simm.s32 $0x1  }
0x2: {  	[smem:$0x3F7C] =	sst lr;
	_ =	strace $0xD0000000  }
0x3: {  	_ = 	snop  }
0x4: {  	_ = 	snop  }
0x5: {  	_ = 	snop  }
0x6: {  	_ = 	snop  }
0x7: {  	_ = 	snop  }
__scs_overlays_trampoline_lowered:
0x8: {  	[smem:$0x3F8B] =	sst s0  }
0x9: {  	[smem:$0x3F8C] =	sst s1  }
0xa: {  	[smem:$0x3F8D] =	sst s2  }
0xb: {  	[smem:$0x3F8E] =	sst s3  }
0xc: {  	[smem:$0x3F8F] =	sst s4  }
0xd: {  	[smem:$0x3F90] =	sst s5  }
0xe: {  	[smem:$0x3F91] =	sst s6  }
0xf: {  	[smem:$0x3F92] =	sst s7  }
0x10: {  	[smem:$0x3F93] =	sst s8  }
0x11: {  	[smem:$0x3F94] =	sst s9;
	s0 =	simm.s32 @!p0 $0x0  }
0x12: {  	s1 =	sld [smem:$0x3F7A];
	s0 =	simm.s32 @p0 $0x1  }
0x13: {  	[smem:$0x3F95] =	sst s0;
	s0 =	simm.s32 @!p1 $0x0  }
0x14: {  	s2 =	sld [smem:$0x3F79];
	s0 =	simm.s32 @p1 $0x1  }
0x15: {  	[smem:$0x3F96] =	sst s0;
	s0 =	simm.s32 @!p2 $0x0  }
0x16: {  	s3 =	sld [smem:$0x3FDB];
	s0 =	simm.s32 @p2 $0x1  }
0x17: {  	s4 =	simm.s32 $0x1BF5;
	[smem:$0x3F98] =	sst s0  }
0x18: {  	s0 =	sld [smem:$0x3F7B];
	_ =	swait.ge [sflag:s4], $0x0  }
0x19: {  	s7 =	sld [smem:$0x3F7C]  }
0x1a: {  	s8 =	sadd.s32 $0xFFFFE003, lr  }
0x1b: {  	s9 =	sadd.s32 $0xFFFFFEF7, lr;
	s5 =	simm.s32 $0xFFFFFFFF;
	p2 =	slt.u32 s8, $0xFFFFF086  }
0x1c: {  	p1 =	slt.u32 s9, $0xF7A;
	s5 =	simm.s32 @!p2 $0x0  }
0x1d: {  	s5 =	simm.s32 @p1 $0x1;
	p0 =	seq.s32 s7, s2  }
0x1e: {  	s7 =	smul.u32 @!p0 $0xF7A, s2;
	p2 =	seq.s32 @!p0 s5, $0x0  }
0x1f: {  	s9 =	smul.u32 $0xF7A, s1;
	s8 =	simm.s32 @!p0 $0x1BF5;
	p2 =	por !p2, p0  }
0x20: {  	[sflag:s8] =	ssyncset.s32 @!p0 $0xFFFFF086;
	s6 =	sadd.s32 @!p0 s3, s7;
	s7 =	simm.s32 @!p0 $0x108  }
0x21: {  	s3 =	sadd.s32 s3, s9;
	s6 =	sadd.s32 @!p0 $0x88, s6;
	s7 =	simm.s32 @p2 $0x1082  }
0x22: {  	[simem:s7], [sflag:s8] =	dma.local @!p0 [hbm:s6], $0xF7A  }
0x23: {  	s9 =	sor.u32 $0xD0000000, s2;
	s6 =	simm.s32 $0x108;
	_ =	swait.ge @!p0 [sflag:s8], $0x0  }
0x24: {  	s3 =	sadd.s32 $0x88, s3;
	s6 =	simm.s32 @!p1 $0x1082;
	[sflag:s4] =	ssyncset.s32 $0xFFFFF086  }
0x25: {  	[simem:s6], [sflag:s4] =	dma.local [hbm:s3], $0xF7A  }
0x26: {  	[smem:$0x3F7C] =	sst s1;
	(tag) =	ssettag s2;
	_ =	strace s9  }
0x27: {  	s1 =	sld [smem:$0x3F8C]  }
0x28: {  	s2 =	sld [smem:$0x3F8D]  }
0x29: {  	s4 =	sld [smem:$0x3F8F]  }
0x2a: {  	p0 =	seq.s32 s5, $0x0;
	s5 =	sld [smem:$0x3F90]  }
0x2b: {  	s6 =	sld [smem:$0x3F91]  }
0x2c: {  	s7 =	sld [smem:$0x3F92]  }
0x2d: {  	s3 =	simm.s32 $0x108;
	s8 =	sld [smem:$0x3F93]  }
0x2e: {  	s3 =	simm.s32 @!p0 $0x1082;
	s9 =	sld [smem:$0x3F94]  }
0x2f: {  	lr =	sadd.s32 s0, s3;
	s0 =	sld [smem:$0x3F8B]  }
0x30: {  	s3 =	sld [smem:$0x3F8E]  }
0x31: {  	[smem:$0x3F97] =	sst s10  }
0x32: {  	s10 =	sld [smem:$0x3F95];
	_ =	sdelay $0x3  }
0x33: {  	p0 =	seq.s32 s10, $0x1;
	s10 =	sld [smem:$0x3F97];
	_ =	sdelay $0x3  }
0x34: {  	[smem:$0x3F97] =	sst s10  }
0x35: {  	s10 =	sld [smem:$0x3F96];
	_ =	sdelay $0x3  }
0x36: {  	p1 =	seq.s32 s10, $0x1;
	s10 =	sld [smem:$0x3F97];
	_ =	sdelay $0x3  }
0x37: {  	[smem:$0x3F97] =	sst s10  }
0x38: {  	s10 =	sld [smem:$0x3F98]  }
0x39: {  	_ = 	snop;
	(pc) =	sbr.ind lr, $3  }
0x3a: {  	_ = 	snop  }
0x3b: {  	_ = 	snop  }
0x3c: {  	p2 =	seq.s32 s10, $0x1;
	s10 =	sld [smem:$0x3F97]  }
0x3d: {  	_ =	shalt  }
0x3e: {  	_ =	shalt  }
0x3f: {  	_ =	shalt  }
0x40: {  	_ =	shalt  }
0x41: {  	_ =	shalt  }
0x42: {  	_ =	shalt  }
0x43: {  	_ =	shalt  }
0x44: {  	_ =	shalt  }
0x45: {  	_ =	shalt  }
0x46: {  	_ =	shalt  }
0x47: {  	_ =	shalt  }
0x48: {  	_ =	shalt  }
0x49: {  	_ =	shalt  }
0x4a: {  	_ =	shalt  }
0x4b: {  	_ =	shalt  }
0x4c: {  	_ =	shalt  }
0x4d: {  	_ =	shalt  }
0x4e: {  	_ =	shalt  }
0x4f: {  	_ =	shalt  }
0x50: {  	_ =	shalt  }
0x51: {  	_ =	shalt  }
0x52: {  	_ =	shalt  }
0x53: {  	_ =	shalt  }
0x54: {  	_ =	shalt  }
0x55: {  	_ =	shalt  }
0x56: {  	_ =	shalt  }
0x57: {  	_ =	shalt  }
0x58: {  	_ =	shalt  }
0x59: {  	_ =	shalt  }
0x5a: {  	_ =	shalt  }
0x5b: {  	_ =	shalt  }
0x5c: {  	_ =	shalt  }
0x5d: {  	_ =	shalt  }
0x5e: {  	_ =	shalt  }
0x5f: {  	_ =	shalt  }
0x60: {  	_ =	shalt  }
0x61: {  	_ =	shalt  }
0x62: {  	_ =	shalt  }
0x63: {  	_ =	shalt  }
0x64: {  	_ =	shalt  }
0x65: {  	_ =	shalt  }
0x66: {  	_ =	shalt  }
0x67: {  	_ =	shalt  }
0x68: {  	_ =	shalt  }
0x69: {  	_ =	shalt  }
0x6a: {  	_ =	shalt  }
0x6b: {  	_ =	shalt  }
0x6c: {  	_ =	shalt  }
0x6d: {  	_ =	shalt  }
0x6e: {  	_ =	shalt  }
0x6f: {  	_ =	shalt  }
0x70: {  	_ =	shalt  }
0x71: {  	_ =	shalt  }
0x72: {  	_ =	shalt  }
0x73: {  	_ =	shalt  }
0x74: {  	_ =	shalt  }
0x75: {  	_ =	shalt  }
0x76: {  	_ =	shalt  }
0x77: {  	_ =	shalt  }
0x78: {  	_ =	shalt  }
0x79: {  	_ =	shalt  }
0x7a: {  	_ =	shalt  }
0x7b: {  	_ =	shalt  }
0x7c: {  	_ =	shalt  }
0x7d: {  	_ =	shalt  }
0x7e: {  	_ =	shalt  }
0x7f: {  	_ =	shalt  }
0x80: {  	_ =	shalt  }
0x81: {  	_ =	shalt  }
0x82: {  	_ =	shalt  }
0x83: {  	_ =	shalt  }
0x84: {  	_ =	shalt  }
0x85: {  	_ =	shalt  }
0x86: {  	_ =	shalt  }
0x87: {  	_ =	shalt  }
.Lfunc_end0:
.L_simem_size_0:
called_computation_lowered:
.L_overlay_start_0:
0x88: {  	s2 =	sld [smem:$0x3FD9]  }
0x89: {  	s3 =	sld [smem:$0x3FFE];
	_ =	sdelay $0x1  }
0x8a: {  	s1 =	srdreg.scid  }
0x8b: {  	s0 =	sand.u32 $0x1, s1  }
0x8c: {  	s14 =	sshll.u32 s0, $0xA;
	s2 =	sadd.s32 s3, s2  }
0x8d: {  	s2 =	sadd.s32 s2, s14  }
0x8e: {  	[smem:$0x3FA3] =	sst s2  }
0x8f: {  	_ = 	snop  }
0x90: {  	s2 =	sld [smem:$0x3FD0];
	_ =	sdelay $0x2  }
0x91: {  	s15 =	simm.s32 $0xA;
	s4 =	simm.s32 $0x10  }
0x92: {  	[smem:s4], [sflag:s15] =	dma.local [hbm:s2], $0x1  }
0x93: {  	_ =	swait.eq [sflag:s15], $0x1  }
0x94: {  	[sflag:s15] =	ssyncset.done $0x0  }
0x95: {  	s16 =	sld [smem:$0x10];
	[sflag:s15] =	ssyncadd.s32 $0xFFFFFFFF  }
0x96: {  	s17 =	sld [smem:$0x11];
	(tm) =	ssettm $0x1  }
0x97: {  	s18 =	sld [smem:$0x3FFB];
	_ =	sdelay $0x3  }
0x98: {  	_ =	strace s18  }
0x99: {  	s4 =	sld [smem:$0x3FFC];
	_ =	sdelay $0x3  }
0x9a: {  	_ =	strace s4  }
0x9b: {  	s4 =	sld [smem:$0x3FFD];
	_ =	sdelay $0x3  }
0x9c: {  	_ =	strace s4  }
0x9d: {  	_ =	strace $0x8FFFFFFF  }
0x9e: {  	s19 =	sld [smem:$0x3FDB];
	_ =	sdelay $0x1  }
0x9f: {  	s5 =	simm.s32 $_scs_section_size  }
0xa0: {  	s6 =	simm.s32 $_size__tile_overlayer_lowered;
	s7 =	simm.s32 $_tile_overlayer_lowered  }
0xa1: {  	s22 =	simm.s32 $0x1BFF;
	s21 =	sshll.u32 s7, $0x1;
	s4 =	sadd.s32 s5, s19  }
0xa2: {  	s8 =	simm.s32 $0x0;
	s20 =	sshll.u32 s6, $0x1;
	s6 =	sadd.s32 s21, s4  }
0xa3: {  	[timem:s8], [sflag:s22] =	dma.local [hbm:s6], s20  }
0xa4: {  	_ =	swait.ge [sflag:s22], s20  }
0xa5: {  	s5 =	ssub.s32 $0x0, s20;
	[sflag:s22] =	ssyncset.done $0x0  }
0xa6: {  	[sflag:s22] =	ssyncadd.s32 s5;
	_ =	sdelay $0x1  }
0xa7: {  	s23 =	simm.s32 $0x1B8B  }
0xa8: {  	_ =	swait.ge [sflag:s23], $0x1  }
0xa9: {  	[sflag:s23] =	ssyncset.done $0x0  }
0xaa: {  	s25 =	simm.s32 $0x1B8E;
	s24 =	sld [smem:$0x3FFE];
	[sflag:s23] =	ssyncadd.s32 $0xFFFFFFFF  }
0xab: {  	s26 =	simm.s32 $execute0_lowered;
	[smem:$0x3FD2] =	sst s25  }
0xac: {  	s6 =	sshll.u32 s26, $0x1;
	_ =	strace $0x80000046;
	[dreg:$0x1] =	wrdreg $0xFFFFFFFF  }
0xad: {  	s28 =	simm.s32 $_size_execute0_lowered;
	s4 =	sadd.s32 s4, s6;
	[dreg:$0x0] =	wrdreg $0x0  }
0xae: {  	s6 =	sshll.u32 s28, $0x1;
	[dreg:$0x2] =	wrdreg s4  }
0xaf: {  	[dreg:$0x3] =	wrdreg s6  }
0xb0: {  	[dreg:$0x4] =	wrdreg $0xC0  }
0xb1: {  	_ =	task [dreg:s8], $0x5FFFF  }
0xb2: {  	[dreg:$0x1] =	wrdreg $0xFFFFFFFF  }
0xb3: {  	[dreg:$0x0] =	wrdreg $0x60  }
0xb4: {  	[dreg:$0x2] =	wrdreg s16  }
0xb5: {  	[dreg:$0x3] =	wrdreg s24  }
0xb6: {  	[dreg:$0x4] =	wrdreg s17  }
0xb7: {  	[dreg:$0x5] =	wrdreg $0x79800  }
0xb8: {  	[dreg:$0x6] =	wrdreg $0x1B9800  }
0xb9: {  	[dreg:$0x7] =	wrdreg $0x9  }
0xba: {  	_ =	task.clear_ibuf [dreg:s8], $0x8FFFF;
	_ =	strace $0x90000046  }
0xbb: {  	s29 =	simm.s32 $0x9;
	_ =	strace $0x80000048  }
0xbc: {  	_ =	swait.ge [sflag:s29], $0x1  }
0xbd: {  	[sflag:s29] =	ssyncadd.s32 $0xFFFFFFFF  }
0xbe: {  	_ =	strace $0x90000048  }
0xbf: {  	_ =	sfence  }
0xc0: {  	s30 =	sld [smem:$0x0];
	_ =	sdelay $0x2  }
0xc1: {  	s31 =	sshll.u32 s1, $0xD;
	s1 =	sshrl.u32 s1, $0x2  }
0xc2: {  	s3 =	sand.u32 $0x4000, s31;
	s1 =	sadd.s32 s1, s30  }
0xc3: {  	s0 =	sor.u32 s3, s0;
	s1 =	sshll.u32 s1, $0x11  }
0xc4: {  	s0 =	sor.u32 s1, s0  }
0xc5: {  	s0 =	sadd.s32 $0x8F2B, s0  }
0xc6: {  	[sflag:s0] =	ssyncadd.remote.s32 $0x1  }
0xc7: {  	_ =	sfence.sel $0xFFFF  }
0xc8: {  	[dreg:$0x0] =	wrdreg $0xFFFFFFFF;
	(pc) =	sbr.abs _section_cstart, $3  }
0xc9: {  	[dreg:$0x1] =	wrdreg $0xFFFFFFFF  }
0xca: {  	_ =	task.clear_ibuf [dreg:s8], $0x2FFFF;
	_ =	strace $0x9FFFFFFF  }
0xcb: {  	(tm) =	ssettm $0x7FFFFFFF  }
tec
execute0_lowered:
.L_overlay_start_1:
0x0: {  	(tag) =	ssettag $0x1  }
0x1: {  	s6 =	stileid.u32  }
0x2: {  	s0 =	rddreg [dreg:$0x0];
	s11 =	smul.u32 $0x14000, s6  }
0x3: {  	s3 =	srdreg.scid;
	s13 =	smul.u32 $0x2800, s6  }
0x4: {  	s1 =	rddreg [dreg:$0x1];
	s3 =	sand.u32 $0x1, s3;
	s23 =	smul.u32 $0x50000, s6  }
0x5: {  	s2 =	rddreg [dreg:$0x2];
	s10 =	smul.u32 $0x140000, s3  }
0x6: {  	s4 =	rddreg [dreg:$0x3];
	s12 =	smul.u32 $0x28000, s3  }
0x7: {  	s5 =	rddreg [dreg:$0x4];
	s21 =	simm.s32 $0x0;
	s10 =	sadd.s32 s11, s10  }
0x8: {  	s22 =	sadd.s32 s13, s12;
	s12 =	sshrl.u32 s23, $0x2;
	s10 =	sshrl.u32 s10, $0x3  }
0x9: {  	[smem:$0x7FF] =	sst s21;
	s24 =	sadd.s32 s10, s1;
	s10 =	sadd.s32 s12, s4  }
0xa: {  	_ =	strace $0x80000047;
	s12 =	sadd.s32 $0x1400, s10;
	[dreg:$0x7] =	wrdreg s10  }
0xb: {  	s28 =	sadd.s32 $0x2800, s10;
	[dreg:$0x8] =	wrdreg s12  }
0xc: {  	s7 =	sadd.s32 $0x1B000, s1;
	s29 =	sadd.s32 $0x3C00, s10;
	[dreg:$0x9] =	wrdreg s28  }
0xd: {  	s8 =	sadd.s32 $0x11200, s1;
	s30 =	sadd.s32 $0x5000, s10;
	[dreg:$0xa] =	wrdreg s29  }
0xe: {  	s9 =	sadd.s32 $0x7400, s1;
	s31 =	sadd.s32 $0x6400, s10;
	[dreg:$0xb] =	wrdreg s30  }
0xf: {  	s14 =	smul.u32 $0xA000, s6;
	s15 =	sadd.s32 $0x7800, s10;
	[dreg:$0xc] =	wrdreg s31  }
0x10: {  	s25 =	ssub.s32 $0x2, s3;
	s16 =	sadd.s32 $0x8C00, s10;
	[dreg:$0xd] =	wrdreg s15  }
0x11: {  	s3 =	sshll.u32 s3, $0x4;
	s17 =	sadd.s32 $0xA000, s10;
	[dreg:$0xe] =	wrdreg s16  }
0x12: {  	s26 =	sshrl.u32 s25, $0x1;
	s18 =	sadd.s32 $0xB400, s10;
	[dreg:$0xf] =	wrdreg s17  }
0x13: {  	s11 =	sshrl.u32 s22, $0x3;
	s19 =	sadd.s32 $0xC800, s10;
	[dreg:$0x10] =	wrdreg s18  }
0x14: {  	s1 =	sadd.s32 s11, s1;
	s20 =	sadd.s32 $0x9A400, s24;
	[dreg:$0x11] =	wrdreg s19  }
0x15: {  	s11 =	ssub.s32 s25, s26;
	s1 =	sadd.s32 $0x90400, s1;
	[dreg:$0x13] =	wrdreg s20  }
0x16: {  	s3 =	sor.u32 s6, s3;
	s23 =	smax.u32 s11, $0x1;
	[dreg:$0x14] =	wrdreg s1  }
0x17: {  	s13 =	simm.s32 $0x980;
	s24 =	sadd.s32 $0xDC00, s10;
	[dreg:$0x15] =	wrdreg s23  }
0x18: {  	s22 =	smul.u32 $0x2710, s3;
	s26 =	sadd.s32 $0xF000, s10;
	[dreg:$0x16] =	wrdreg s24  }
0x19: {  	s11 =	simm.s32 $0x1;
	s12 =	sshrl.u32 s14, $0x2;
	[dreg:$0x17] =	wrdreg s26  }
0x1a: {  	s28 =	sadd.s32 $0x10400, s10;
	s29 =	sadd.s32 $0x11800, s10;
	s30 =	sadd.s32 $0x12C00, s10  }
0x1b: {  	s1 =	simm.s32 $0x5180;
	s14 =	simm.s32 $0x1180;
	s15 =	simm.s32 $0x1980  }
0x1c: {  	s16 =	simm.s32 $0x2180;
	s17 =	simm.s32 $0x28;
	[dreg:$0x18] =	wrdreg s28  }
0x1d: {  	v3 =	vlaneseq.u32;
	v0 =	vimm.f32 $0.0e+00;
	s18 =	simm.s32 $0x2980;
	s19 =	simm.s32 $0x3D80;
	[dreg:$0x19] =	wrdreg s29  }
0x1e: {  	vm0 =	vmmov $0xffff;
	vm1 =	vmmov $0x1;
	vm2 =	vcmask $0x308;
	s20 =	simm.s32 $0x80;
	s25 =	sadd.s32 s12, s5;
	[dreg:$0x1a] =	wrdreg s30  }
0x1f: {  	vm3 =	vcmask $0x70C;
	vm4 =	vcmask $0xB10;
	v2 =	vshrl.u32 v3, $0x3;
	s23 =	simm.s32 $0x100;
	s31 =	sadd.s32 $0x1400, s25;
	[dreg:$0x12] =	wrdreg s25  }
0x20: {  	v1 =	vand.u32 $0x7, v3;
	v3 =	vor.u32 $0x8, v3;
	v2 =	vmul.u32 $0x8, v2;
	s24 =	simm.s32 $0x6580;
	s12 =	simm.s32 $0x180;
	[dreg:$0x1b] =	wrdreg s31  }
.LBB2_1:
0x21: {  	[dreg:$0x6] =	wrdreg s21;
	s3 =	simm.s32 $0x0;
	s21 =	simm.s32 $0x200  }
.LBB2_2:
0x22: {  	p0 =	sne.s32 s21, $0x4E00;
	[tilespmem:s3+$0x51F0] =	vst v0  }
0x23: {  	[tilespmem:s3+$0x5180] =	vst v0  }
0x24: {  	[tilespmem:s3+$0x5190] =	vst v0  }
.Ltmp0:
0x25: {  	[tilespmem:s3+$0x51A0] =	vst v0;
	(pc) =	sbr.rel @p0 .LBB2_2-.Ltmp0, $4  }
0x26: {  	[tilespmem:s3+$0x51B0] =	vst v0  }
0x27: {  	[tilespmem:s3+$0x51C0] =	vst v0  }
0x28: {  	[tilespmem:s3+$0x51D0] =	vst v0  }
0x29: {  	[tilespmem:s3+$0x51E0] =	vst v0;
	s3 =	sshra.s32 s21, $0x2;
	s21 =	sadd.s32 $0x200, s21  }
0x2a: {  	[tilespmem:s3+$0x51F0] =	vst v0  }
0x2b: {  	[tilespmem:s3+$0x5180] =	vst v0  }
0x2c: {  	[tilespmem:s3+$0x5190] =	vst v0  }
0x2d: {  	[tilespmem:s3+$0x51A0] =	vst v0  }
0x2e: {  	[tilespmem:s3+$0x51B0] =	vst v0  }
0x2f: {  	[tilespmem:s3+$0x51C0] =	vst v0  }
0x30: {  	[tilespmem:s3+$0x51D0] =	vst v0  }
0x31: {  	[tilespmem:s3+$0x51E0] =	vst v0  }
0x32: {  	[spmem:s10] =	stream.linear.scatter [tilespmem:s1], [sflag:$0x1], $0x1400, $0x38;
	[tilespmem:$0x1E180] =	vst v63  }
0x33: {  	_ =	swait.ge [sflag:s11], $0x1400  }
0x34: {  	[sflag:s11] =	ssyncset.done $0x0  }
0x35: {  	s6 =	rddreg [dreg:$0x8];
	[sflag:s11] =	ssyncadd.s32 $0xFFFFEC00  }
0x36: {  	[spmem:s6] =	stream.linear.scatter [tilespmem:s1], [sflag:$0x1], $0x1400, $0x38;
	[tilespmem:$0x1E180] =	vst v63  }
0x37: {  	_ =	swait.ge [sflag:s11], $0x1400  }
0x38: {  	[sflag:s11] =	ssyncset.done $0x0  }
0x39: {  	s10 =	rddreg [dreg:$0x9];
	[sflag:s11] =	ssyncadd.s32 $0xFFFFEC00  }
0x3a: {  	[spmem:s10] =	stream.linear.scatter [tilespmem:s1], [sflag:$0x1], $0x1400, $0x38;
	[tilespmem:$0x1E180] =	vst v63  }
0x3b: {  	_ =	swait.ge [sflag:s11], $0x1400  }
0x3c: {  	[sflag:s11] =	ssyncset.done $0x0  }
0x3d: {  	s21 =	rddreg [dreg:$0xa];
	[sflag:s11] =	ssyncadd.s32 $0xFFFFEC00  }
0x3e: {  	[spmem:s21] =	stream.linear.scatter [tilespmem:s1], [sflag:$0x1], $0x1400, $0x38;
	[tilespmem:$0x1E180] =	vst v63  }
0x3f: {  	_ =	swait.ge [sflag:s11], $0x1400  }
0x40: {  	[sflag:s11] =	ssyncset.done $0x0  }
0x41: {  	s26 =	rddreg [dreg:$0xb];
	[sflag:s11] =	ssyncadd.s32 $0xFFFFEC00  }
0x42: {  	[spmem:s26] =	stream.linear.scatter [tilespmem:s1], [sflag:$0x1], $0x1400, $0x38;
	[tilespmem:$0x1E180] =	vst v63  }
0x43: {  	_ =	swait.ge [sflag:s11], $0x1400  }
0x44: {  	[sflag:s11] =	ssyncset.done $0x0  }
0x45: {  	s28 =	rddreg [dreg:$0xc];
	[sflag:s11] =	ssyncadd.s32 $0xFFFFEC00  }
0x46: {  	[spmem:s28] =	stream.linear.scatter [tilespmem:s1], [sflag:$0x1], $0x1400, $0x38;
	[tilespmem:$0x1E180] =	vst v63  }
0x47: {  	_ =	swait.ge [sflag:s11], $0x1400  }
0x48: {  	[sflag:s11] =	ssyncset.done $0x0  }
0x49: {  	s29 =	rddreg [dreg:$0xd];
	[sflag:s11] =	ssyncadd.s32 $0xFFFFEC00  }
0x4a: {  	[spmem:s29] =	stream.linear.scatter [tilespmem:s1], [sflag:$0x1], $0x1400, $0x38;
	[tilespmem:$0x1E180] =	vst v63  }
0x4b: {  	_ =	swait.ge [sflag:s11], $0x1400  }
0x4c: {  	[sflag:s11] =	ssyncset.done $0x0  }
0x4d: {  	s30 =	rddreg [dreg:$0xe];
	[sflag:s11] =	ssyncadd.s32 $0xFFFFEC00  }
0x4e: {  	[spmem:s30] =	stream.linear.scatter [tilespmem:s1], [sflag:$0x1], $0x1400, $0x38;
	[tilespmem:$0x1E180] =	vst v63  }
0x4f: {  	_ =	swait.ge [sflag:s11], $0x1400  }
0x50: {  	[sflag:s11] =	ssyncset.done $0x0  }
0x51: {  	s31 =	rddreg [dreg:$0xf];
	[sflag:s11] =	ssyncadd.s32 $0xFFFFEC00  }
0x52: {  	[spmem:s31] =	stream.linear.scatter [tilespmem:s1], [sflag:$0x1], $0x1400, $0x38;
	[tilespmem:$0x1E180] =	vst v63  }
0x53: {  	_ =	swait.ge [sflag:s11], $0x1400  }
0x54: {  	[sflag:s11] =	ssyncset.done $0x0  }
0x55: {  	s6 =	rddreg [dreg:$0x10];
	[sflag:s11] =	ssyncadd.s32 $0xFFFFEC00  }
0x56: {  	[spmem:s6] =	stream.linear.scatter [tilespmem:s1], [sflag:$0x1], $0x1400, $0x38;
	[tilespmem:$0x1E180] =	vst v63  }
0x57: {  	_ =	swait.ge [sflag:s11], $0x1400  }
0x58: {  	[sflag:s11] =	ssyncset.done $0x0  }
0x59: {  	s10 =	rddreg [dreg:$0x11];
	[sflag:s11] =	ssyncadd.s32 $0xFFFFEC00  }
0x5a: {  	[spmem:s10] =	stream.linear.scatter [tilespmem:s1], [sflag:$0x1], $0x1400, $0x38;
	[tilespmem:$0x1E180] =	vst v63  }
0x5b: {  	_ =	swait.ge [sflag:s11], $0x1400  }
0x5c: {  	[sflag:s11] =	ssyncset.done $0x0  }
0x5d: {  	s21 =	rddreg [dreg:$0x16];
	[sflag:s11] =	ssyncadd.s32 $0xFFFFEC00  }
0x5e: {  	[spmem:s21] =	stream.linear.scatter [tilespmem:s1], [sflag:$0x1], $0x1400, $0x38;
	[tilespmem:$0x1E180] =	vst v63  }
0x5f: {  	_ =	swait.ge [sflag:s11], $0x1400  }
0x60: {  	[sflag:s11] =	ssyncset.done $0x0  }
0x61: {  	s26 =	rddreg [dreg:$0x17];
	[sflag:s11] =	ssyncadd.s32 $0xFFFFEC00  }
0x62: {  	[spmem:s26] =	stream.linear.scatter [tilespmem:s1], [sflag:$0x1], $0x1400, $0x38;
	[tilespmem:$0x1E180] =	vst v63  }
0x63: {  	_ =	swait.ge [sflag:s11], $0x1400  }
0x64: {  	[sflag:s11] =	ssyncset.done $0x0  }
0x65: {  	s28 =	rddreg [dreg:$0x18];
	[sflag:s11] =	ssyncadd.s32 $0xFFFFEC00  }
0x66: {  	[spmem:s28] =	stream.linear.scatter [tilespmem:s1], [sflag:$0x1], $0x1400, $0x38;
	[tilespmem:$0x1E180] =	vst v63  }
0x67: {  	_ =	swait.ge [sflag:s11], $0x1400  }
0x68: {  	[sflag:s11] =	ssyncset.done $0x0  }
0x69: {  	s29 =	rddreg [dreg:$0x19];
	[sflag:s11] =	ssyncadd.s32 $0xFFFFEC00  }
0x6a: {  	[spmem:s29] =	stream.linear.scatter [tilespmem:s1], [sflag:$0x1], $0x1400, $0x38;
	[tilespmem:$0x1E180] =	vst v63  }
0x6b: {  	_ =	swait.ge [sflag:s11], $0x1400  }
0x6c: {  	[sflag:s11] =	ssyncset.done $0x0  }
0x6d: {  	s30 =	rddreg [dreg:$0x1a];
	[sflag:s11] =	ssyncadd.s32 $0xFFFFEC00  }
0x6e: {  	[spmem:s30] =	stream.linear.scatter [tilespmem:s1], [sflag:$0x1], $0x1400, $0x38;
	[tilespmem:$0x1E180] =	vst v63  }
0x6f: {  	_ =	swait.ge [sflag:s11], $0x1400  }
0x70: {  	[sflag:s11] =	ssyncset.done $0x0  }
0x71: {  	[sflag:s11] =	ssyncadd.s32 $0xFFFFEC00  }
0x72: {  	[spmem:s25] =	stream.linear.scatter [tilespmem:s1], [sflag:$0x1], $0x1400, $0x38;
	[tilespmem:$0x1E180] =	vst v63  }
0x73: {  	_ =	swait.ge [sflag:s11], $0x1400  }
0x74: {  	[sflag:s11] =	ssyncset.done $0x0  }
0x75: {  	s31 =	rddreg [dreg:$0x1b];
	[sflag:s11] =	ssyncadd.s32 $0xFFFFEC00  }
0x76: {  	[spmem:s31] =	stream.linear.scatter [tilespmem:s1], [sflag:$0x1], $0x1400, $0x38;
	[tilespmem:$0x1E180] =	vst v63  }
0x77: {  	_ =	swait.ge [sflag:s11], $0x1400  }
0x78: {  	[sflag:s11] =	ssyncset.done $0x0  }
0x79: {  	[sflag:s11] =	ssyncadd.s32 $0xFFFFEC00  }
0x7a: {  	s26 =	simm.s32 $0x0;
	s25 =	simm.s32 $0x0;
	[bflag:$0x0] =	sbarrier.arrive $0xFFFF  }
.LBB2_4:
0x7b: {  	s3 =	smul.u32 $0x28, s26;
	_ =	sdelay $0x1  }
0x7c: {  	s3 =	sadd.s32 s22, s3  }
0x7d: {  	s21 =	sshrl.u32 s3, $0x3  }
0x7e: {  	s28 =	sadd.s32 s8, s21  }
0x7f: {  	[tilespmem:s25], [sflag:$0x1] =	stream.linear.gather [hbm4b:s28+s25], $0x28, $0x38;
	[tilespmem:$0x1E180] =	vst v63  }
0x80: {  	_ =	swait.ge [sflag:s11], $0x28  }
0x81: {  	[sflag:s11] =	ssyncset.done $0x0  }
0x82: {  	s21 =	sadd.s32 s9, s21;
	s28 =	simm.s32 $0x80;
	[sflag:s11] =	ssyncadd.s32 $0xFFFFFFD8  }
0x83: {  	[tilespmem:s28], [sflag:$0x1] =	stream.linear.gather [hbm4b:s21+s25], $0x28, $0x38;
	[tilespmem:$0x1E180] =	vst v63  }
0x84: {  	_ =	swait.ge [sflag:s11], $0x28  }
0x85: {  	[sflag:s11] =	ssyncset.done $0x0  }
0x86: {  	[sflag:s11] =	ssyncadd.s32 $0xFFFFFFD8  }
0x87: {  	v4 =	vld [tilespmem:$0x0];
	_ =	sdelay $0x4  }
0x88: {  	v5 =	vshll.u32 v4, $0x1  }
0x89: {  	v4 =	vand.u32 $0x7, v4;
	v5 =	vand.u32 $0xFFFFFFF0, v5  }
0x8a: {  	v4 =	vor.u32 v4, v5  }
0x8b: {  	v5 =	vperm.xlane v4, v1;
	_ =	sdelay $0x1  }
0x8c: {  	v4 =	vperm.xlane v4, v3;
	v5 =	vadd.s32 v2, v5;
	_ =	sdelay $0x1  }
0x8d: {  	v4 =	vadd.s32 v2, v4;
	_ =	sdelay $0x2  }
0x8e: {  	[tilespmem:s12], [sflag:$0x1] =	stream.indirect_vreg.gather [hbm4b:s7+s25], $0x80, v5, vm0, $0xb8;
	[tilespmem:$0x1E180] =	vst v63  }
0x8f: {  	_ = 	snop  }
0x90: {  	[tilespmem:s13], [sflag:$0x1] =	stream.indirect_vreg.gather [hbm4b:s7+s25], $0x80, v4, vm0, $0xb8;
	[tilespmem:$0x1E180] =	vst v63  }
0x91: {  	v4 =	vld [tilespmem:$0x10];
	_ =	sdelay $0x4  }
0x92: {  	v5 =	vshll.u32 v4, $0x1  }
0x93: {  	v4 =	vand.u32 $0x7, v4;
	v5 =	vand.u32 $0xFFFFFFF0, v5  }
0x94: {  	v4 =	vor.u32 v4, v5  }
0x95: {  	v5 =	vperm.xlane v4, v1;
	_ =	sdelay $0x1  }
0x96: {  	v4 =	vperm.xlane v4, v3;
	v5 =	vadd.s32 v2, v5;
	_ =	sdelay $0x1  }
0x97: {  	v4 =	vadd.s32 v2, v4;
	_ =	sdelay $0x2  }
0x98: {  	[tilespmem:s14], [sflag:$0x1] =	stream.indirect_vreg.gather [hbm4b:s7+s25], $0x80, v5, vm0, $0xb8;
	[tilespmem:$0x1E180] =	vst v63  }
0x99: {  	_ = 	snop  }
0x9a: {  	[tilespmem:s15], [sflag:$0x1] =	stream.indirect_vreg.gather [hbm4b:s7+s25], $0x80, v4, vm0, $0xb8;
	[tilespmem:$0x1E180] =	vst v63  }
0x9b: {  	v4 =	vld.msk [tilespmem:$0x20], $0xff;
	_ =	sdelay $0x4  }
0x9c: {  	v5 =	vshll.u32 v4, $0x1  }
0x9d: {  	v4 =	vand.u32 $0x7, v4;
	v5 =	vand.u32 $0xFFFFFFF0, v5  }
0x9e: {  	v4 =	vor.u32 v4, v5  }
0x9f: {  	v4 =	vperm.xlane v4, v1;
	_ =	sdelay $0x1  }
0xa0: {  	v4 =	vadd.s32 v2, v4;
	_ =	sdelay $0x4  }
0xa1: {  	[tilespmem:s16], [sflag:$0x1] =	stream.indirect_vreg.gather [hbm4b:s7+s25], $0x80, v4, vm0, $0xb8;
	[tilespmem:$0x1E180] =	vst v63  }
0xa2: {  	_ =	swait.ge [sflag:s11], $0x2800  }
0xa3: {  	[sflag:s11] =	ssyncset.done $0x0  }
0xa4: {  	[sflag:s11] =	ssyncadd.s32 $0xFFFFD800  }
0xa5: {  	[tilespmem:s18], [sflag:$0x1] =	stream.indirect.gather [hbm4b:s0+s17], $0x80, s28, s17, $0xb8;
	[tilespmem:$0x1E180] =	vst v63  }
0xa6: {  	_ =	swait.ge [sflag:s11], $0x1400  }
0xa7: {  	s3 =	sshll.u32 s3, $0x4;
	[sflag:s11] =	ssyncset.done $0x0  }
0xa8: {  	s3 =	sadd.s32 s2, s3;
	[sflag:s11] =	ssyncadd.s32 $0xFFFFEC00  }
0xa9: {  	[tilespmem:s19], [sflag:$0x1] =	stream.linear.gather [hbm4b:s3+s25], $0x1400, $0x38;
	[tilespmem:$0x1E180] =	vst v63  }
0xaa: {  	_ =	swait.ge [sflag:s11], $0x1400  }
0xab: {  	[sflag:s11] =	ssyncset.done $0x0  }
0xac: {  	[sflag:s11] =	ssyncadd.s32 $0xFFFFEC00  }
0xad: {  	v4 =	vld [tilespmem:$0x80]  }
0xae: {  	v5 =	vld [tilespmem:$0x90]  }
0xaf: {  	v6 =	vld [tilespmem:$0x98];
	_ =	sdelay $0x2  }
0xb0: {  	v4 =	vshrl.u32 v4, $0x3  }
0xb1: {  	[tilespmem:$0x100] =	vst v4;
	v4 =	vshrl.u32 v5, $0x3  }
0xb2: {  	[tilespmem:$0x110] =	vst v4;
	v4 =	vshrl.u32 v6, $0x3  }
0xb3: {  	s6 =	simm.s32 $0x0;
	s10 =	sand.u32 $0x3800, s25;
	s29 =	sand.u32 $0x380, s25;
	[tilespmem:$0x118] =	vst v4  }
0xb4: {  	s21 =	sor.u32 s29, s10;
	v4 =	vld [tilespmem:s6+$0x3D90]  }
0xb5: {  	v5 =	vld [tilespmem:s21+$0x190]  }
0xb6: {  	v6 =	vld [tilespmem:s21+$0x180]  }
0xb7: {  	v7 =	vld [tilespmem:s6+$0x3D80]  }
0xb8: {  	v8 =	vld [tilespmem:s6+$0x2990]  }
0xb9: {  	v9 =	vld [tilespmem:s6+$0x2980];
	_ =	sdelay $0x2  }
0xba: {  	v6 =	vadd.f32 v7, v6;
	v4 =	vadd.f32 v4, v5;
	_ =	sdelay $0x1  }
0xbb: {  	v5 =	vmul.f32 v6, v9;
	v4 =	vmul.f32 v4, v8;
	_ =	sdelay $0x1  }
0xbc: {  	v4 =	vadd.f32 v4, v5;
	_ =	sdelay $0x1  }
0xbd: {  	(xrf2) =	vadd.scan.msk.f32 $0xffff, v4;
	_ =	sdelay $0x5  }
0xbe: {  	v44 =	vld [tilespmem:s21+$0x1A0]  }
0xbf: {  	v6 =	vld [tilespmem:s21+$0x1B0]  }
0xc0: {  	v5 =	vld [tilespmem:s6+$0x3DA0]  }
0xc1: {  	v4 =	vld [tilespmem:s6+$0x3DB0]  }
0xc2: {  	v45 =	vld [tilespmem:s6+$0x29B0];
	v10, _, _ =	vpop (xrf2)  }
0xc3: {  	v11 =	vld [tilespmem:s6+$0x29A0];
	v10 =	vmul.f32 $1.442695020e+00, v10;
	_ =	sdelay $0x1  }
0xc4: {  	v10 =	vbroadcast v10, $0xF  }
0xc5: {  	v5 =	vadd.f32 v5, v44;
	v4 =	vadd.f32 v4, v6  }
0xc6: {  	(erf) = vpow2.f32 v10  }
0xc7: {  	v5 =	vmul.f32 v5, v11;
	v4 =	vmul.f32 v4, v45;
	_ =	sdelay $0x1  }
0xc8: {  	v4 =	vadd.f32 v4, v5;
	v5 =	vld [tilespmem:s21+$0x580];
	_ =	sdelay $0x1  }
0xc9: {  	(xrf2) =	vadd.scan.msk.f32 $0xffff, v4;
	_ =	sdelay $0x1  }
0xca: {  	v46 =	vld [tilespmem:s21+$0x1E0]  }
0xcb: {  	v47 =	vld [tilespmem:s21+$0x1D0];
	v5 =	vadd.f32 v5, v7  }
0xcc: {  	v48 =	vld [tilespmem:s21+$0x1C0];
	v7 =	vpop (erf)  }
0xcd: {  	v49 =	vld [tilespmem:s6+$0x3D90];
	v5 =	vmul.f32 v5, v7  }
0xce: {  	v12 =	vld [tilespmem:s6+$0x3DC0]  }
0xcf: {  	v6 =	vld [tilespmem:s21+$0x1F0];
	[tilespmem:s6+$0x5180] =	vst v5  }
0xd0: {  	v5 =	vld [tilespmem:s21+$0x590]  }
0xd1: {  	v4 =	vld [tilespmem:s6+$0x3DD0]  }
0xd2: {  	v13 =	vld [tilespmem:s6+$0x29D0];
	v14, _, _ =	vpop (xrf2)  }
0xd3: {  	v15 =	vld [tilespmem:s6+$0x29C0];
	v14 =	vmul.f32 $1.442695020e+00, v14;
	_ =	sdelay $0x1  }
0xd4: {  	v14 =	vbroadcast v14, $0xF;
	v5 =	vadd.f32 v49, v5  }
0xd5: {  	v10 =	vadd.f32 v12, v48;
	v4 =	vadd.f32 v4, v47  }
0xd6: {  	(erf) = vpow2.f32 v14;
	v5 =	vmul.f32 v5, v7  }
0xd7: {  	v50 =	vmul.f32 v10, v15;
	v4 =	vmul.f32 v4, v13  }
0xd8: {  	[tilespmem:s6+$0x5190] =	vst v5;
	v5 =	vld [tilespmem:s6+$0x3DA0]  }
0xd9: {  	v4 =	vadd.f32 v4, v50;
	v51 =	vld [tilespmem:s21+$0x5A0];
	_ =	sdelay $0x1  }
0xda: {  	(xrf2) =	vadd.scan.msk.f32 $0xffff, v4;
	_ =	sdelay $0x2  }
0xdb: {  	v4 =	vadd.f32 v5, v51  }
0xdc: {  	v5 =	vpop (erf)  }
0xdd: {  	v4 =	vmul.f32 v4, v5  }
0xde: {  	v52 =	vld [tilespmem:s6+$0x3DF0]  }
0xdf: {  	[tilespmem:s6+$0x51A0] =	vst v4;
	v4 =	vld [tilespmem:s6+$0x3DB0]  }
0xe0: {  	v53 =	vld [tilespmem:s21+$0x5B0]  }
0xe1: {  	v54 =	vld [tilespmem:s6+$0x3DE0]  }
0xe2: {  	v55 =	vld [tilespmem:s6+$0x29F0];
	v56, _, _ =	vpop (xrf2)  }
0xe3: {  	v57 =	vld [tilespmem:s6+$0x29E0];
	v13 =	vmul.f32 $1.442695020e+00, v56;
	_ =	sdelay $0x1  }
0xe4: {  	v13 =	vbroadcast v13, $0xF;
	v4 =	vadd.f32 v4, v53  }
0xe5: {  	v8 =	vadd.f32 v54, v46;
	v6 =	vadd.f32 v52, v6  }
0xe6: {  	(erf) = vpow2.f32 v13;
	v4 =	vmul.f32 v4, v5  }
0xe7: {  	v8 =	vmul.f32 v8, v57;
	v6 =	vmul.f32 v6, v55  }
0xe8: {  	[tilespmem:s6+$0x51B0] =	vst v4;
	v4 =	vld [tilespmem:s6+$0x3DC0]  }
0xe9: {  	v6 =	vadd.f32 v6, v8;
	v58 =	vld [tilespmem:s21+$0x5C0];
	_ =	sdelay $0x1  }
0xea: {  	(xrf2) =	vadd.scan.msk.f32 $0xffff, v6;
	_ =	sdelay $0x2  }
0xeb: {  	v4 =	vadd.f32 v4, v58  }
0xec: {  	v6 =	vpop (erf)  }
0xed: {  	v4 =	vmul.f32 v4, v6;
	_ =	sdelay $0x1  }
0xee: {  	[tilespmem:s6+$0x51C0] =	vst v4;
	v4 =	vld [tilespmem:s6+$0x3DD0]  }
0xef: {  	v59 =	vld [tilespmem:s21+$0x5D0];
	_ =	sdelay $0x1  }
0xf0: {  	v60, _, _ =	vpop (xrf2)  }
0xf1: {  	v9 =	vmul.f32 $1.442695020e+00, v60;
	_ =	sdelay $0x1  }
0xf2: {  	v9 =	vbroadcast v9, $0xF;
	v4 =	vadd.f32 v4, v59;
	_ =	sdelay $0x1  }
0xf3: {  	(erf) = vpow2.f32 v9;
	v4 =	vmul.f32 v4, v6;
	_ =	sdelay $0x1  }
0xf4: {  	[tilespmem:s6+$0x51D0] =	vst v4;
	v4 =	vld [tilespmem:s6+$0x3DE0]  }
0xf5: {  	v61 =	vld [tilespmem:s21+$0x5E0];
	_ =	sdelay $0x4  }
0xf6: {  	v4 =	vadd.f32 v4, v61  }
0xf7: {  	v62 =	vpop (erf)  }
0xf8: {  	v4 =	vmul.f32 v4, v62;
	_ =	sdelay $0x1  }
0xf9: {  	[tilespmem:s6+$0x51E0] =	vst v4;
	v4 =	vld [tilespmem:s6+$0x3DF0]  }
0xfa: {  	v63 =	vld [tilespmem:s21+$0x5F0]  }
0xfb: {  	[tilespmem:s6+$0x65F0] =	vst v0  }
0xfc: {  	[tilespmem:s6+$0x65E0] =	vst v0  }
0xfd: {  	[tilespmem:s6+$0x65D0] =	vst v0  }
0xfe: {  	[tilespmem:s6+$0x65C0] =	vst v0  }
0xff: {  	[tilespmem:s6+$0x65B0] =	vst v0;
	v4 =	vadd.f32 v4, v63  }
0x100: {  	[tilespmem:s6+$0x65A0] =	vst v0  }
0x101: {  	[tilespmem:s6+$0x6590] =	vst v0;
	v4 =	vmul.f32 v4, v62  }
0x102: {  	[tilespmem:s6+$0x6580] =	vst v0  }
0x103: {  	[tilespmem:s6+$0x51F0] =	vst v4  }
0x104: {  	v4 =	vld [tilespmem:s28+$0x0];
	_ =	sdelay $0x4  }
0x105: {  	(v2sf) =	vpush v4, $0x0;
	_ =	sdelay $0xb  }
0x106: {  	v5 =	vsel vm2, $0x0, v5;
	v4 =	vnsel vm1, $0x0, v7  }
0x107: {  	v4 =	vadd.f32 v5, v4  }
0x108: {  	v5 =	vsel vm3, $0x0, v6  }
0x109: {  	v4 =	vadd.f32 v5, v4;
	s21 =	spop (v2sf)  }
0x10a: {  	v5 =	vsel vm4, $0x0, v62;
	s3 =	sand.u32 $0x7, s21  }
0x10b: {  	v4 =	vadd.f32 v5, v4;
	s3 =	sshll.u32 s3, $0x4  }
0x10c: {  	s31 =	simm.s32 $0x100;
	s6 =	sadd.s32 $0x0, s3;
	s3 =	simm.s32 $0x80  }
0x10d: {  	s30 =	sand.u32 $0x3800, s31;
	s29 =	simm.s32 $0x80;
	s10 =	sand.u32 $0x380, s3;
	[tilespmem:s6+$0x6580] =	vst v4  }
0x10e: {  	s30 =	sor.u32 s10, s30;
	v4 =	vld [tilespmem:s29+$0x3D90]  }
0x10f: {  	s21 =	simm.s32 $0x400;
	v5 =	vld [tilespmem:s30+$0x190]  }
.LBB2_5:
0x110: {  	p0 =	sne.s32 s21, $0x4E00;
	v6 =	vld [tilespmem:s30+$0x180]  }
0x111: {  	v7 =	vld [tilespmem:s29+$0x3D80]  }
0x112: {  	v8 =	vld [tilespmem:s29+$0x2990]  }
0x113: {  	v9 =	vld [tilespmem:s29+$0x2980];
	_ =	sdelay $0x2  }
0x114: {  	v4 =	vadd.f32 v4, v5;
	v6 =	vadd.f32 v7, v6;
	_ =	sdelay $0x1  }
0x115: {  	v4 =	vmul.f32 v4, v8;
	v5 =	vmul.f32 v6, v9;
	_ =	sdelay $0x1  }
0x116: {  	v4 =	vadd.f32 v4, v5;
	_ =	sdelay $0x1  }
0x117: {  	(xrf2) =	vadd.scan.msk.f32 $0xffff, v4;
	_ =	sdelay $0x5  }
0x118: {  	v4 =	vld [tilespmem:s29+$0x3DB0]  }
0x119: {  	v5 =	vld [tilespmem:s29+$0x3DA0]  }
0x11a: {  	v6 =	vld [tilespmem:s30+$0x1B0]  }
0x11b: {  	v8 =	vld [tilespmem:s30+$0x1A0]  }
0x11c: {  	v9 =	vld [tilespmem:s29+$0x29B0];
	v10, _, _ =	vpop (xrf2)  }
0x11d: {  	v11 =	vld [tilespmem:s29+$0x29A0];
	v10 =	vmul.f32 $1.442695020e+00, v10;
	_ =	sdelay $0x1  }
0x11e: {  	v10 =	vbroadcast v10, $0xF  }
0x11f: {  	v4 =	vadd.f32 v4, v6;
	v5 =	vadd.f32 v5, v8  }
0x120: {  	(erf) = vpow2.f32 v10  }
0x121: {  	v4 =	vmul.f32 v4, v9;
	v5 =	vmul.f32 v5, v11;
	_ =	sdelay $0x1  }
0x122: {  	v4 =	vadd.f32 v4, v5;
	v5 =	vld [tilespmem:s30+$0x580];
	_ =	sdelay $0x1  }
0x123: {  	(xrf2) =	vadd.scan.msk.f32 $0xffff, v4;
	_ =	sdelay $0x1  }
0x124: {  	v6 =	vld [tilespmem:s29+$0x3DD0]  }
0x125: {  	v4 =	vadd.f32 v5, v7;
	v5 =	vld [tilespmem:s29+$0x3D90]  }
0x126: {  	v7 =	vld [tilespmem:s30+$0x1F0];
	v8 =	vpop (erf)  }
0x127: {  	v9 =	vld [tilespmem:s30+$0x1E0];
	v10 =	vmul.f32 v4, v8;
	v4 =	vnsel vm1, $0x0, v8  }
0x128: {  	v11 =	vld [tilespmem:s30+$0x1D0]  }
0x129: {  	v12 =	vld [tilespmem:s30+$0x1C0];
	[tilespmem:s29+$0x5180] =	vst v10  }
0x12a: {  	v10 =	vld [tilespmem:s30+$0x590]  }
0x12b: {  	v13 =	vld [tilespmem:s29+$0x3DC0]  }
0x12c: {  	v14 =	vld [tilespmem:s29+$0x29D0];
	v15, _, _ =	vpop (xrf2)  }
0x12d: {  	v16 =	vld [tilespmem:s29+$0x29C0];
	v15 =	vmul.f32 $1.442695020e+00, v15;
	_ =	sdelay $0x1  }
0x12e: {  	v15 =	vbroadcast v15, $0xF;
	v5 =	vadd.f32 v5, v10  }
0x12f: {  	v6 =	vadd.f32 v6, v11;
	v10 =	vadd.f32 v13, v12  }
0x130: {  	v5 =	vmul.f32 v5, v8;
	(erf) = vpow2.f32 v15  }
0x131: {  	v6 =	vmul.f32 v6, v14;
	v8 =	vmul.f32 v10, v16  }
0x132: {  	[tilespmem:s29+$0x5190] =	vst v5;
	v5 =	vld [tilespmem:s29+$0x3DA0]  }
0x133: {  	v6 =	vadd.f32 v6, v8;
	v8 =	vld [tilespmem:s30+$0x5A0];
	_ =	sdelay $0x1  }
0x134: {  	(xrf2) =	vadd.scan.msk.f32 $0xffff, v6;
	_ =	sdelay $0x2  }
0x135: {  	v6 =	vadd.f32 v5, v8  }
0x136: {  	v5 =	vpop (erf)  }
0x137: {  	v6 =	vmul.f32 v6, v5  }
0x138: {  	v8 =	vld [tilespmem:s29+$0x3DF0]  }
0x139: {  	[tilespmem:s29+$0x51A0] =	vst v6;
	v6 =	vld [tilespmem:s29+$0x3DB0]  }
0x13a: {  	v10 =	vld [tilespmem:s30+$0x5B0]  }
0x13b: {  	v11 =	vld [tilespmem:s29+$0x3DE0]  }
0x13c: {  	v12 =	vld [tilespmem:s29+$0x29F0];
	v13, _, _ =	vpop (xrf2)  }
0x13d: {  	v14 =	vld [tilespmem:s29+$0x29E0];
	v13 =	vmul.f32 $1.442695020e+00, v13;
	_ =	sdelay $0x1  }
0x13e: {  	v13 =	vbroadcast v13, $0xF;
	v6 =	vadd.f32 v6, v10  }
0x13f: {  	v7 =	vadd.f32 v8, v7;
	v9 =	vadd.f32 v11, v9  }
0x140: {  	v6 =	vmul.f32 v6, v5;
	(erf) = vpow2.f32 v13  }
0x141: {  	v7 =	vmul.f32 v7, v12;
	v8 =	vmul.f32 v9, v14  }
0x142: {  	[tilespmem:s29+$0x51B0] =	vst v6;
	v6 =	vld [tilespmem:s29+$0x3DC0]  }
0x143: {  	v7 =	vadd.f32 v7, v8;
	v8 =	vld [tilespmem:s30+$0x5C0];
	_ =	sdelay $0x1  }
0x144: {  	(xrf2) =	vadd.scan.msk.f32 $0xffff, v7;
	_ =	sdelay $0x2  }
0x145: {  	v6 =	vadd.f32 v6, v8  }
0x146: {  	v7 =	vpop (erf)  }
0x147: {  	v6 =	vmul.f32 v6, v7;
	_ =	sdelay $0x1  }
0x148: {  	[tilespmem:s29+$0x51C0] =	vst v6;
	v6 =	vld [tilespmem:s29+$0x3DD0]  }
0x149: {  	v8 =	vld [tilespmem:s30+$0x5D0];
	_ =	sdelay $0x1  }
0x14a: {  	v9, _, _ =	vpop (xrf2)  }
0x14b: {  	v9 =	vmul.f32 $1.442695020e+00, v9;
	_ =	sdelay $0x1  }
0x14c: {  	v9 =	vbroadcast v9, $0xF;
	v6 =	vadd.f32 v6, v8;
	_ =	sdelay $0x1  }
0x14d: {  	v6 =	vmul.f32 v6, v7;
	(erf) = vpow2.f32 v9;
	_ =	sdelay $0x1  }
0x14e: {  	[tilespmem:s29+$0x51D0] =	vst v6;
	v6 =	vld [tilespmem:s29+$0x3DE0]  }
0x14f: {  	v8 =	vld [tilespmem:s30+$0x5E0];
	_ =	sdelay $0x4  }
0x150: {  	v6 =	vadd.f32 v6, v8  }
0x151: {  	v8 =	vpop (erf)  }
0x152: {  	v6 =	vmul.f32 v6, v8;
	_ =	sdelay $0x1  }
0x153: {  	[tilespmem:s29+$0x51E0] =	vst v6;
	v6 =	vld [tilespmem:s29+$0x3DF0]  }
0x154: {  	v9 =	vld [tilespmem:s30+$0x5F0];
	[tilespmem:s29+$0x65F0] =	vst v0  }
0x155: {  	[tilespmem:s29+$0x65E0] =	vst v0  }
0x156: {  	[tilespmem:s29+$0x65D0] =	vst v0  }
0x157: {  	[tilespmem:s29+$0x65C0] =	vst v0  }
0x158: {  	[tilespmem:s29+$0x65B0] =	vst v0  }
0x159: {  	v6 =	vadd.f32 v6, v9;
	[tilespmem:s29+$0x65A0] =	vst v0  }
0x15a: {  	[tilespmem:s29+$0x6590] =	vst v0  }
0x15b: {  	v6 =	vmul.f32 v6, v8;
	[tilespmem:s29+$0x6580] =	vst v0;
	_ =	sdelay $0x1  }
0x15c: {  	s28 =	sadd.s32 $0x1, s28;
	[tilespmem:s29+$0x51F0] =	vst v6  }
0x15d: {  	v6 =	vld [tilespmem:s28+$0x0];
	_ =	sdelay $0x4  }
0x15e: {  	(v2sf) =	vpush v6, $0x0;
	_ =	sdelay $0xb  }
0x15f: {  	v5 =	vsel vm2, $0x0, v5  }
0x160: {  	v4 =	vadd.f32 v5, v4  }
0x161: {  	v5 =	vsel vm3, $0x0, v7  }
0x162: {  	v4 =	vadd.f32 v5, v4;
	s10 =	spop (v2sf)  }
0x163: {  	v5 =	vsel vm4, $0x0, v8;
	s10 =	sand.u32 $0x7, s10  }
.Ltmp1:
0x164: {  	v4 =	vadd.f32 v5, v4;
	s10 =	sshll.u32 s10, $0x4;
	(pc) =	sbr.rel @p0 .LBB2_5-.Ltmp1, $4  }
0x165: {  	s31 =	sadd.s32 $0x100, s31;
	s3 =	sadd.s32 $0x80, s3;
	s10 =	sadd.s32 s29, s10  }
0x166: {  	s6 =	sand.u32 $0x380, s3;
	s30 =	sand.u32 $0x3800, s31;
	s29 =	sshra.s32 s21, $0x2;
	[tilespmem:s10+$0x6580] =	vst v4  }
0x167: {  	s30 =	sor.u32 s6, s30;
	v4 =	vld [tilespmem:s29+$0x3D90]  }
0x168: {  	s21 =	sadd.s32 $0x200, s21;
	v5 =	vld [tilespmem:s30+$0x190]  }
0x169: {  	v6 =	vld [tilespmem:s30+$0x180]  }
0x16a: {  	v7 =	vld [tilespmem:s29+$0x3D80]  }
0x16b: {  	v8 =	vld [tilespmem:s29+$0x2990]  }
0x16c: {  	v9 =	vld [tilespmem:s29+$0x2980];
	_ =	sdelay $0x2  }
0x16d: {  	v4 =	vadd.f32 v4, v5;
	v6 =	vadd.f32 v7, v6;
	_ =	sdelay $0x1  }
0x16e: {  	v4 =	vmul.f32 v4, v8;
	v5 =	vmul.f32 v6, v9;
	_ =	sdelay $0x1  }
0x16f: {  	v4 =	vadd.f32 v4, v5;
	_ =	sdelay $0x1  }
0x170: {  	(xrf2) =	vadd.scan.msk.f32 $0xffff, v4;
	_ =	sdelay $0x5  }
0x171: {  	v38 =	vld [tilespmem:s30+$0x1B0]  }
0x172: {  	v39 =	vld [tilespmem:s30+$0x1A0]  }
0x173: {  	v5 =	vld [tilespmem:s29+$0x3DA0]  }
0x174: {  	v4 =	vld [tilespmem:s29+$0x3DB0]  }
0x175: {  	v10 =	vld [tilespmem:s29+$0x29B0];
	v40, _, _ =	vpop (xrf2)  }
0x176: {  	v11 =	vld [tilespmem:s29+$0x29A0];
	v9 =	vmul.f32 $1.442695020e+00, v40;
	_ =	sdelay $0x1  }
0x177: {  	v9 =	vbroadcast v9, $0xF  }
0x178: {  	v5 =	vadd.f32 v5, v39;
	v4 =	vadd.f32 v4, v38  }
0x179: {  	(erf) = vpow2.f32 v9  }
0x17a: {  	v5 =	vmul.f32 v5, v11;
	v4 =	vmul.f32 v4, v10;
	_ =	sdelay $0x1  }
0x17b: {  	v41 =	vld [tilespmem:s30+$0x580];
	v4 =	vadd.f32 v4, v5;
	_ =	sdelay $0x1  }
0x17c: {  	(xrf2) =	vadd.scan.msk.f32 $0xffff, v4;
	_ =	sdelay $0x1  }
0x17d: {  	v42 =	vld [tilespmem:s30+$0x1F0]  }
0x17e: {  	v44 =	vld [tilespmem:s30+$0x1E0];
	v6 =	vadd.f32 v41, v7  }
0x17f: {  	v45 =	vld [tilespmem:s30+$0x1D0];
	v43 =	vpop (erf)  }
0x180: {  	v46 =	vld [tilespmem:s30+$0x1C0];
	v6 =	vmul.f32 v6, v43  }
0x181: {  	v13 =	vld [tilespmem:s29+$0x3DC0]  }
0x182: {  	v5 =	vld [tilespmem:s29+$0x3D90];
	[tilespmem:s29+$0x5180] =	vst v6  }
0x183: {  	v6 =	vld [tilespmem:s30+$0x590]  }
0x184: {  	v4 =	vld [tilespmem:s29+$0x3DD0]  }
0x185: {  	v14 =	vld [tilespmem:s29+$0x29D0];
	v12, _, _ =	vpop (xrf2)  }
0x186: {  	v47 =	vld [tilespmem:s29+$0x29C0];
	v12 =	vmul.f32 $1.442695020e+00, v12;
	_ =	sdelay $0x1  }
0x187: {  	v12 =	vbroadcast v12, $0xF;
	v5 =	vadd.f32 v5, v6  }
0x188: {  	v11 =	vadd.f32 v13, v46;
	v4 =	vadd.f32 v4, v45  }
0x189: {  	(erf) = vpow2.f32 v12;
	v5 =	vmul.f32 v5, v43  }
0x18a: {  	v4 =	vmul.f32 v4, v14;
	v6 =	vmul.f32 v11, v47  }
0x18b: {  	[tilespmem:s29+$0x5190] =	vst v5;
	v5 =	vld [tilespmem:s29+$0x3DA0]  }
0x18c: {  	v4 =	vadd.f32 v4, v6;
	v48 =	vld [tilespmem:s30+$0x5A0];
	_ =	sdelay $0x1  }
0x18d: {  	(xrf2) =	vadd.scan.msk.f32 $0xffff, v4;
	_ =	sdelay $0x2  }
0x18e: {  	v4 =	vadd.f32 v5, v48  }
0x18f: {  	v5 =	vpop (erf)  }
0x190: {  	v4 =	vmul.f32 v4, v5  }
0x191: {  	v49 =	vld [tilespmem:s29+$0x3DF0]  }
0x192: {  	[tilespmem:s29+$0x51A0] =	vst v4;
	v4 =	vld [tilespmem:s29+$0x3DB0]  }
0x193: {  	v50 =	vld [tilespmem:s30+$0x5B0]  }
0x194: {  	v52 =	vld [tilespmem:s29+$0x3DE0]  }
0x195: {  	v53 =	vld [tilespmem:s29+$0x29F0];
	v51, _, _ =	vpop (xrf2)  }
0x196: {  	v54 =	vld [tilespmem:s29+$0x29E0];
	v11 =	vmul.f32 $1.442695020e+00, v51;
	_ =	sdelay $0x1  }
0x197: {  	v11 =	vbroadcast v11, $0xF;
	v4 =	vadd.f32 v4, v50  }
0x198: {  	v9 =	vadd.f32 v52, v44;
	v6 =	vadd.f32 v49, v42  }
0x199: {  	(erf) = vpow2.f32 v11;
	v4 =	vmul.f32 v4, v5  }
0x19a: {  	v55 =	vmul.f32 v9, v54;
	v6 =	vmul.f32 v6, v53  }
0x19b: {  	[tilespmem:s29+$0x51B0] =	vst v4;
	v4 =	vld [tilespmem:s29+$0x3DC0]  }
0x19c: {  	v6 =	vadd.f32 v6, v55;
	v56 =	vld [tilespmem:s30+$0x5C0];
	_ =	sdelay $0x1  }
0x19d: {  	(xrf2) =	vadd.scan.msk.f32 $0xffff, v6;
	_ =	sdelay $0x2  }
0x19e: {  	v4 =	vadd.f32 v4, v56  }
0x19f: {  	v57 =	vpop (erf)  }
0x1a0: {  	v4 =	vmul.f32 v4, v57;
	_ =	sdelay $0x1  }
0x1a1: {  	[tilespmem:s29+$0x51C0] =	vst v4;
	v4 =	vld [tilespmem:s29+$0x3DD0]  }
0x1a2: {  	v58 =	vld [tilespmem:s30+$0x5D0];
	_ =	sdelay $0x1  }
0x1a3: {  	v59, _, _ =	vpop (xrf2)  }
0x1a4: {  	v9 =	vmul.f32 $1.442695020e+00, v59;
	_ =	sdelay $0x1  }
0x1a5: {  	v60 =	vbroadcast v9, $0xF;
	v4 =	vadd.f32 v4, v58;
	_ =	sdelay $0x1  }
0x1a6: {  	(erf) = vpow2.f32 v60;
	v4 =	vmul.f32 v4, v57;
	_ =	sdelay $0x1  }
0x1a7: {  	[tilespmem:s29+$0x51D0] =	vst v4;
	v4 =	vld [tilespmem:s29+$0x3DE0]  }
0x1a8: {  	v61 =	vld [tilespmem:s30+$0x5E0];
	_ =	sdelay $0x4  }
0x1a9: {  	v4 =	vadd.f32 v4, v61  }
0x1aa: {  	v62 =	vpop (erf)  }
0x1ab: {  	v4 =	vmul.f32 v4, v62;
	_ =	sdelay $0x1  }
0x1ac: {  	[tilespmem:s29+$0x51E0] =	vst v4;
	v4 =	vld [tilespmem:s29+$0x3DF0]  }
0x1ad: {  	v63 =	vld [tilespmem:s30+$0x5F0]  }
0x1ae: {  	[tilespmem:s29+$0x65F0] =	vst v0  }
0x1af: {  	[tilespmem:s29+$0x65E0] =	vst v0  }
0x1b0: {  	[tilespmem:s29+$0x65D0] =	vst v0  }
0x1b1: {  	[tilespmem:s29+$0x65C0] =	vst v0  }
0x1b2: {  	[tilespmem:s29+$0x65B0] =	vst v0;
	v4 =	vadd.f32 v4, v63  }
0x1b3: {  	[tilespmem:s29+$0x65A0] =	vst v0  }
0x1b4: {  	[tilespmem:s29+$0x6590] =	vst v0;
	v4 =	vmul.f32 v4, v62  }
0x1b5: {  	[tilespmem:s29+$0x6580] =	vst v0  }
0x1b6: {  	s3 =	sadd.s32 $0x1, s28;
	[tilespmem:s29+$0x51F0] =	vst v4  }
0x1b7: {  	v4 =	vld [tilespmem:s3+$0x0];
	_ =	sdelay $0x4  }
0x1b8: {  	(v2sf) =	vpush v4, $0x0;
	_ =	sdelay $0xb  }
0x1b9: {  	v5 =	vsel vm2, $0x0, v5;
	v4 =	vnsel vm1, $0x0, v43  }
0x1ba: {  	v4 =	vadd.f32 v5, v4  }
0x1bb: {  	v5 =	vsel vm3, $0x0, v57  }
0x1bc: {  	v4 =	vadd.f32 v5, v4;
	s31 =	spop (v2sf)  }
0x1bd: {  	v5 =	vsel vm4, $0x0, v62;
	s3 =	sand.u32 $0x7, s31  }
0x1be: {  	v4 =	vadd.f32 v5, v4;
	s3 =	sshll.u32 s3, $0x4  }
0x1bf: {  	s3 =	sadd.s32 s29, s3  }
0x1c0: {  	[tilespmem:s3+$0x6580] =	vst v4  }
0x1c1: {  	[spmem:s4] =	stream.indirect.scatter.add.f32 [tilespmem:s1], [sflag:$0x1], $0x80, s20, s17, $0xb8;
	[tilespmem:$0x1E180] =	vst v63  }
0x1c2: {  	s26 =	sadd.s32 $0x1, s26;
	_ =	swait.ge [sflag:s11], $0x1400  }
0x1c3: {  	p0 =	sne.s32 s26, $0xFA;
	[sflag:s11] =	ssyncset.done $0x0  }
.Ltmp2:
0x1c4: {  	[sflag:s11] =	ssyncadd.s32 $0xFFFFEC00;
	(pc) =	sbr.rel @p0 .LBB2_4-.Ltmp2, $4  }
0x1c5: {  	[spmem:s5] =	stream.indirect.scatter.add.f32 [tilespmem:s24], [sflag:$0x1], $0x80, s23, s17, $0xb8;
	[tilespmem:$0x1E180] =	vst v63  }
0x1c6: {  	_ =	swait.ge [sflag:s11], $0x1400  }
0x1c7: {  	[sflag:s11] =	ssyncset.done $0x0  }
0x1c8: {  	[sflag:s11] =	ssyncadd.s32 $0xFFFFEC00  }
0x1c9: {  	s3 =	stileid.u32;
	[bflag:$0x0] =	sbarrier.arrive $0xFFFF  }
0x1ca: {  	s3 =	sshll.u32 s3, $0x6;
	s10 =	rddreg [dreg:$0x7]  }
0x1cb: {  	s21 =	rddreg [dreg:$0x13];
	s3 =	sor.u32 $0x1C01, s3;
	s6 =	sshrl.u32 s10, $0x3  }
0x1cc: {  	[hbm:s21], [sflag:s3] =	dma.local [spmem:s6], $0x2800  }
0x1cd: {  	_ =	swait.ge [sflag:s11], $0x2800  }
0x1ce: {  	[sflag:s11] =	ssyncset.done $0x0;
	s25 =	rddreg [dreg:$0x12]  }
0x1cf: {  	s29 =	rddreg [dreg:$0x14];
	[sflag:s11] =	ssyncadd.s32 $0xFFFFD800;
	s28 =	sshrl.u32 s25, $0x3  }
0x1d0: {  	[hbm:s29], [sflag:s3] =	dma.local [spmem:s28], $0x500  }
0x1d1: {  	_ =	swait.ge [sflag:s11], $0x500  }
0x1d2: {  	s30 =	rddreg [dreg:$0x6]  }
0x1d3: {  	s31 =	rddreg [dreg:$0x15];
	s21 =	sadd.s32 $0x1, s30  }
0x1d4: {  	p0 =	sne.s32 s21, s31  }
.Ltmp3:
0x1d5: {  	_ = 	snop;
	(pc) =	sbr.rel @p0 .LBB2_1-.Ltmp3, $3  }
0x1d6: {  	_ =	sdelay $0x1  }
0x1d7: {  	[sflag:s11] =	ssyncset.done $0x0  }
0x1d8: {  	[sflag:s11] =	ssyncadd.s32 $0xFFFFFB00  }
0x1d9: {  	_ =	sfence.sel $0x180000  }
0x1da: {  	[bflag:$0x0] =	sbarrier.arrive $0xFFFF  }
0x1db: {  	_ =	strace $0x90000047  }
0x1dc: {  	s0 =	stileid.u32;
	[bflag:$0x2] =	sbarrier.arrive $0xFFFF  }
0x1dd: {  	p0 =	sne.s32 s0, $0x0;
	s0 =	rddreg [dreg:$0x5]  }
0x1de: {  	s0 =	sadd.s32 @!p0 $0x100000, s0  }
0x1df: {  	[sflag:s0] =	ssyncadd.tile.s32 @!p0 $0x1;
	_ =	shalt  }
.Lfunc_end2:
_tile_overlayer_lowered:
.L_overlay_start_2:
0x1e0: {  	(tag) =	ssettag $0x2  }
0x1e1: {  	s0 =	rddreg [dreg:$0x0];
	s2 =	stileid.u32  }
0x1e2: {  	s1 =	rddreg [dreg:$0x1];
	p0 =	sne.s32 s2, $0x0  }
0x1e3: {  	s3 =	rddreg [dreg:$0x2];
	[bflag:$0x3] =	sbarrier.arrive $0xFFFF;
	s2 =	simm.s32 @!p0 $0x1C01  }
0x1e4: {  	[timem:s3], [sflag:s2] =	dma.local @!p0 [hbm:s0], s1  }
0x1e5: {  	s0 =	simm.s32 @!p0 $0x1  }
0x1e6: {  	_ =	swait.ge @!p0 [sflag:s0], s1  }
0x1e7: {  	s1 =	ssub.s32 @!p0 $0x0, s1;
	[sflag:s0] =	ssyncset.done @!p0 $0x0  }
0x1e8: {  	[sflag:s0] =	ssyncadd.s32 @!p0 s1  }
0x1e9: {  	[bflag:$0x3] =	sbarrier.arrive $0xFFFF  }
0x1ea: {  	_ =	shalt  }

// kernel: kernel.19.cloned.1.call-start
scs
__scs_entry_jumppad:
0x0: {  	(pc) =	sbr.rel $0x88, $3  }
0x1: {  	(tag) =	ssettag $0x0;
	lr =	simm.s32 $0x1  }
0x2: {  	[smem:$0x3F7C] =	sst lr;
	_ =	strace $0xD0000000  }
0x3: {  	_ = 	snop  }
0x4: {  	_ = 	snop  }
0x5: {  	_ = 	snop  }
0x6: {  	_ = 	snop  }
0x7: {  	_ = 	snop  }
__scs_overlays_trampoline_lowered:
0x8: {  	[smem:$0x3F8B] =	sst s0  }
0x9: {  	[smem:$0x3F8C] =	sst s1  }
0xa: {  	[smem:$0x3F8D] =	sst s2  }
0xb: {  	[smem:$0x3F8E] =	sst s3  }
0xc: {  	[smem:$0x3F8F] =	sst s4  }
0xd: {  	[smem:$0x3F90] =	sst s5  }
0xe: {  	[smem:$0x3F91] =	sst s6  }
0xf: {  	[smem:$0x3F92] =	sst s7  }
0x10: {  	[smem:$0x3F93] =	sst s8  }
0x11: {  	[smem:$0x3F94] =	sst s9;
	s0 =	simm.s32 @!p0 $0x0  }
0x12: {  	s1 =	sld [smem:$0x3F7A];
	s0 =	simm.s32 @p0 $0x1  }
0x13: {  	[smem:$0x3F95] =	sst s0;
	s0 =	simm.s32 @!p1 $0x0  }
0x14: {  	s2 =	sld [smem:$0x3F79];
	s0 =	simm.s32 @p1 $0x1  }
0x15: {  	[smem:$0x3F96] =	sst s0;
	s0 =	simm.s32 @!p2 $0x0  }
0x16: {  	s3 =	sld [smem:$0x3FDB];
	s0 =	simm.s32 @p2 $0x1  }
0x17: {  	s4 =	simm.s32 $0x1BF5;
	[smem:$0x3F98] =	sst s0  }
0x18: {  	s0 =	sld [smem:$0x3F7B];
	_ =	swait.ge [sflag:s4], $0x0  }
0x19: {  	s7 =	sld [smem:$0x3F7C]  }
0x1a: {  	s8 =	sadd.s32 $0xFFFFE003, lr  }
0x1b: {  	s9 =	sadd.s32 $0xFFFFFEF7, lr;
	s5 =	simm.s32 $0xFFFFFFFF;
	p2 =	slt.u32 s8, $0xFFFFF086  }
0x1c: {  	p1 =	slt.u32 s9, $0xF7A;
	s5 =	simm.s32 @!p2 $0x0  }
0x1d: {  	s5 =	simm.s32 @p1 $0x1;
	p0 =	seq.s32 s7, s2  }
0x1e: {  	s7 =	smul.u32 @!p0 $0xF7A, s2;
	p2 =	seq.s32 @!p0 s5, $0x0  }
0x1f: {  	s9 =	smul.u32 $0xF7A, s1;
	s8 =	simm.s32 @!p0 $0x1BF5;
	p2 =	por !p2, p0  }
0x20: {  	[sflag:s8] =	ssyncset.s32 @!p0 $0xFFFFF086;
	s6 =	sadd.s32 @!p0 s3, s7;
	s7 =	simm.s32 @!p0 $0x108  }
0x21: {  	s3 =	sadd.s32 s3, s9;
	s6 =	sadd.s32 @!p0 $0x88, s6;
	s7 =	simm.s32 @p2 $0x1082  }
0x22: {  	[simem:s7], [sflag:s8] =	dma.local @!p0 [hbm:s6], $0xF7A  }
0x23: {  	s9 =	sor.u32 $0xD0000000, s2;
	s6 =	simm.s32 $0x108;
	_ =	swait.ge @!p0 [sflag:s8], $0x0  }
0x24: {  	s3 =	sadd.s32 $0x88, s3;
	s6 =	simm.s32 @!p1 $0x1082;
	[sflag:s4] =	ssyncset.s32 $0xFFFFF086  }
0x25: {  	[simem:s6], [sflag:s4] =	dma.local [hbm:s3], $0xF7A  }
0x26: {  	[smem:$0x3F7C] =	sst s1;
	(tag) =	ssettag s2;
	_ =	strace s9  }
0x27: {  	s1 =	sld [smem:$0x3F8C]  }
0x28: {  	s2 =	sld [smem:$0x3F8D]  }
0x29: {  	s4 =	sld [smem:$0x3F8F]  }
0x2a: {  	p0 =	seq.s32 s5, $0x0;
	s5 =	sld [smem:$0x3F90]  }
0x2b: {  	s6 =	sld [smem:$0x3F91]  }
0x2c: {  	s7 =	sld [smem:$0x3F92]  }
0x2d: {  	s3 =	simm.s32 $0x108;
	s8 =	sld [smem:$0x3F93]  }
0x2e: {  	s3 =	simm.s32 @!p0 $0x1082;
	s9 =	sld [smem:$0x3F94]  }
0x2f: {  	lr =	sadd.s32 s0, s3;
	s0 =	sld [smem:$0x3F8B]  }
0x30: {  	s3 =	sld [smem:$0x3F8E]  }
0x31: {  	[smem:$0x3F97] =	sst s10  }
0x32: {  	s10 =	sld [smem:$0x3F95];
	_ =	sdelay $0x3  }
0x33: {  	p0 =	seq.s32 s10, $0x1;
	s10 =	sld [smem:$0x3F97];
	_ =	sdelay $0x3  }
0x34: {  	[smem:$0x3F97] =	sst s10  }
0x35: {  	s10 =	sld [smem:$0x3F96];
	_ =	sdelay $0x3  }
0x36: {  	p1 =	seq.s32 s10, $0x1;
	s10 =	sld [smem:$0x3F97];
	_ =	sdelay $0x3  }
0x37: {  	[smem:$0x3F97] =	sst s10  }
0x38: {  	s10 =	sld [smem:$0x3F98]  }
0x39: {  	_ = 	snop;
	(pc) =	sbr.ind lr, $3  }
0x3a: {  	_ = 	snop  }
0x3b: {  	_ = 	snop  }
0x3c: {  	p2 =	seq.s32 s10, $0x1;
	s10 =	sld [smem:$0x3F97]  }
0x3d: {  	_ =	shalt  }
0x3e: {  	_ =	shalt  }
0x3f: {  	_ =	shalt  }
0x40: {  	_ =	shalt  }
0x41: {  	_ =	shalt  }
0x42: {  	_ =	shalt  }
0x43: {  	_ =	shalt  }
0x44: {  	_ =	shalt  }
0x45: {  	_ =	shalt  }
0x46: {  	_ =	shalt  }
0x47: {  	_ =	shalt  }
0x48: {  	_ =	shalt  }
0x49: {  	_ =	shalt  }
0x4a: {  	_ =	shalt  }
0x4b: {  	_ =	shalt  }
0x4c: {  	_ =	shalt  }
0x4d: {  	_ =	shalt  }
0x4e: {  	_ =	shalt  }
0x4f: {  	_ =	shalt  }
0x50: {  	_ =	shalt  }
0x51: {  	_ =	shalt  }
0x52: {  	_ =	shalt  }
0x53: {  	_ =	shalt  }
0x54: {  	_ =	shalt  }
0x55: {  	_ =	shalt  }
0x56: {  	_ =	shalt  }
0x57: {  	_ =	shalt  }
0x58: {  	_ =	shalt  }
0x59: {  	_ =	shalt  }
0x5a: {  	_ =	shalt  }
0x5b: {  	_ =	shalt  }
0x5c: {  	_ =	shalt  }
0x5d: {  	_ =	shalt  }
0x5e: {  	_ =	shalt  }
0x5f: {  	_ =	shalt  }
0x60: {  	_ =	shalt  }
0x61: {  	_ =	shalt  }
0x62: {  	_ =	shalt  }
0x63: {  	_ =	shalt  }
0x64: {  	_ =	shalt  }
0x65: {  	_ =	shalt  }
0x66: {  	_ =	shalt  }
0x67: {  	_ =	shalt  }
0x68: {  	_ =	shalt  }
0x69: {  	_ =	shalt  }
0x6a: {  	_ =	shalt  }
0x6b: {  	_ =	shalt  }
0x6c: {  	_ =	shalt  }
0x6d: {  	_ =	shalt  }
0x6e: {  	_ =	shalt  }
0x6f: {  	_ =	shalt  }
0x70: {  	_ =	shalt  }
0x71: {  	_ =	shalt  }
0x72: {  	_ =	shalt  }
0x73: {  	_ =	shalt  }
0x74: {  	_ =	shalt  }
0x75: {  	_ =	shalt  }
0x76: {  	_ =	shalt  }
0x77: {  	_ =	shalt  }
0x78: {  	_ =	shalt  }
0x79: {  	_ =	shalt  }
0x7a: {  	_ =	shalt  }
0x7b: {  	_ =	shalt  }
0x7c: {  	_ =	shalt  }
0x7d: {  	_ =	shalt  }
0x7e: {  	_ =	shalt  }
0x7f: {  	_ =	shalt  }
0x80: {  	_ =	shalt  }
0x81: {  	_ =	shalt  }
0x82: {  	_ =	shalt  }
0x83: {  	_ =	shalt  }
0x84: {  	_ =	shalt  }
0x85: {  	_ =	shalt  }
0x86: {  	_ =	shalt  }
0x87: {  	_ =	shalt  }
.Lfunc_end0:
.L_simem_size_0:
called_computation.1_lowered:
.L_overlay_start_0:
0x88: {  	s2 =	sld [smem:$0x3FD9]  }
0x89: {  	s3 =	sld [smem:$0x3FFE];
	_ =	sdelay $0x1  }
0x8a: {  	s1 =	srdreg.scid  }
0x8b: {  	s0 =	sand.u32 $0x1, s1  }
0x8c: {  	s14 =	sshll.u32 s0, $0xA;
	s2 =	sadd.s32 s3, s2  }
0x8d: {  	s2 =	sadd.s32 s2, s14  }
0x8e: {  	[smem:$0x3FA3] =	sst s2  }
0x8f: {  	_ = 	snop  }
0x90: {  	s2 =	sld [smem:$0x3FD0];
	_ =	sdelay $0x2  }
0x91: {  	s15 =	simm.s32 $0xA;
	s4 =	simm.s32 $0x10  }
0x92: {  	[smem:s4], [sflag:s15] =	dma.local [hbm:s2], $0x1  }
0x93: {  	_ =	swait.eq [sflag:s15], $0x1  }
0x94: {  	[sflag:s15] =	ssyncset.done $0x0  }
0x95: {  	[sflag:s15] =	ssyncadd.s32 $0xFFFFFFFF  }
0x96: {  	s16 =	sld [smem:$0x10];
	(tm) =	ssettm $0x1  }
0x97: {  	s17 =	sld [smem:$0x3FFB];
	_ =	sdelay $0x3  }
0x98: {  	_ =	strace s17  }
0x99: {  	s3 =	sld [smem:$0x3FFC];
	_ =	sdelay $0x3  }
0x9a: {  	_ =	strace s3  }
0x9b: {  	s3 =	sld [smem:$0x3FFD];
	_ =	sdelay $0x3  }
0x9c: {  	_ =	strace s3  }
0x9d: {  	_ =	strace $0x8FFFFFFF  }
0x9e: {  	s18 =	sld [smem:$0x3FDB];
	_ =	sdelay $0x1  }
0x9f: {  	s19 =	simm.s32 $_scs_section_size  }
0xa0: {  	s5 =	simm.s32 $_size__tile_overlayer_lowered;
	s6 =	simm.s32 $_tile_overlayer_lowered  }
0xa1: {  	s22 =	simm.s32 $0x1BFF;
	s21 =	sshll.u32 s6, $0x1;
	s3 =	sadd.s32 s19, s18  }
0xa2: {  	s7 =	simm.s32 $0x0;
	s20 =	sshll.u32 s5, $0x1;
	s5 =	sadd.s32 s21, s3  }
0xa3: {  	[timem:s7], [sflag:s22] =	dma.local [hbm:s5], s20  }
0xa4: {  	_ =	swait.ge [sflag:s22], s20  }
0xa5: {  	s4 =	ssub.s32 $0x0, s20;
	[sflag:s22] =	ssyncset.done $0x0  }
0xa6: {  	[sflag:s22] =	ssyncadd.s32 s4;
	_ =	sdelay $0x1  }
0xa7: {  	s23 =	simm.s32 $0x1B8B  }
0xa8: {  	_ =	swait.ge [sflag:s23], $0x1  }
0xa9: {  	[sflag:s23] =	ssyncset.done $0x0  }
0xaa: {  	s25 =	simm.s32 $0x1B8E;
	s24 =	sld [smem:$0x3FFE];
	[sflag:s23] =	ssyncadd.s32 $0xFFFFFFFF  }
0xab: {  	s26 =	simm.s32 $execute0_lowered;
	[smem:$0x3FD2] =	sst s25  }
0xac: {  	s5 =	sshll.u32 s26, $0x1;
	_ =	strace $0x80000049;
	[dreg:$0x1] =	wrdreg $0xFFFFFFFF  }
0xad: {  	s28 =	simm.s32 $_size_execute0_lowered;
	s3 =	sadd.s32 s3, s5;
	[dreg:$0x0] =	wrdreg $0x0  }
0xae: {  	s5 =	sshll.u32 s28, $0x1;
	[dreg:$0x2] =	wrdreg s3  }
0xaf: {  	[dreg:$0x3] =	wrdreg s5  }
0xb0: {  	[dreg:$0x4] =	wrdreg $0xC0  }
0xb1: {  	_ =	task [dreg:s7], $0x5FFFF  }
0xb2: {  	[dreg:$0x1] =	wrdreg $0xFFFFFFFF  }
0xb3: {  	[dreg:$0x0] =	wrdreg $0x60  }
0xb4: {  	[dreg:$0x2] =	wrdreg s16  }
0xb5: {  	[dreg:$0x3] =	wrdreg s24  }
0xb6: {  	[dreg:$0x4] =	wrdreg $0x79800  }
0xb7: {  	[dreg:$0x5] =	wrdreg $0x1B9800  }
0xb8: {  	[dreg:$0x6] =	wrdreg $0x9  }
0xb9: {  	_ =	task.clear_ibuf [dreg:s7], $0x7FFFF;
	_ =	strace $0x90000049  }
0xba: {  	s29 =	simm.s32 $0x9;
	_ =	strace $0x8000004B  }
0xbb: {  	_ =	swait.ge [sflag:s29], $0x1  }
0xbc: {  	[sflag:s29] =	ssyncadd.s32 $0xFFFFFFFF  }
0xbd: {  	_ =	strace $0x9000004B  }
0xbe: {  	_ =	sfence  }
0xbf: {  	s30 =	sld [smem:$0x0];
	_ =	sdelay $0x2  }
0xc0: {  	s31 =	sshll.u32 s1, $0xD;
	s1 =	sshrl.u32 s1, $0x2  }
0xc1: {  	s3 =	sand.u32 $0x4000, s31;
	s1 =	sadd.s32 s1, s30  }
0xc2: {  	s0 =	sor.u32 s3, s0;
	s1 =	sshll.u32 s1, $0x11  }
0xc3: {  	s0 =	sor.u32 s1, s0  }
0xc4: {  	s0 =	sadd.s32 $0x8F2B, s0  }
0xc5: {  	[sflag:s0] =	ssyncadd.remote.s32 $0x1  }
0xc6: {  	_ =	sfence.sel $0xFFFF  }
0xc7: {  	[dreg:$0x0] =	wrdreg $0xFFFFFFFF;
	(pc) =	sbr.abs _section_cstart, $3  }
0xc8: {  	[dreg:$0x1] =	wrdreg $0xFFFFFFFF  }
0xc9: {  	_ =	task.clear_ibuf [dreg:s7], $0x2FFFF;
	_ =	strace $0x9FFFFFFF  }
0xca: {  	(tm) =	ssettm $0x7FFFFFFF  }
0xcb: {  	_ =	shalt  }
tec
execute0_lowered:
.L_overlay_start_1:
0x0: {  	(tag) =	ssettag $0x1  }
0x1: {  	s0 =	rddreg [dreg:$0x0];
	s5 =	stileid.u32  }
0x2: {  	s1 =	rddreg [dreg:$0x1];
	s11 =	smul.u32 $0x14000, s5  }
0x3: {  	s2 =	srdreg.scid;
	s13 =	smul.u32 $0x2800, s5  }
0x4: {  	s3 =	rddreg [dreg:$0x2];
	s2 =	sand.u32 $0x1, s2;
	s23 =	smul.u32 $0x50000, s5  }
0x5: {  	s4 =	rddreg [dreg:$0x3];
	s21 =	simm.s32 $0x0;
	s10 =	smul.u32 $0x140000, s2  }
0x6: {  	[smem:$0x7FF] =	sst s21;
	s12 =	smul.u32 $0x28000, s2  }
0x7: {  	s6 =	sadd.s32 $0x1B000, s1;
	s7 =	sadd.s32 $0xEA400, s1;
	s10 =	sadd.s32 s11, s10  }
0x8: {  	s22 =	sadd.s32 s13, s12;
	s12 =	sshrl.u32 s23, $0x2;
	s10 =	sshrl.u32 s10, $0x3  }
0x9: {  	s8 =	sadd.s32 $0x11200, s1;
	s24 =	sadd.s32 s10, s1;
	s10 =	sadd.s32 s12, s3  }
0xa: {  	_ =	strace $0x8000004A;
	s12 =	sadd.s32 $0x1400, s10;
	[dreg:$0x6] =	wrdreg s10  }
0xb: {  	s9 =	sadd.s32 $0x7400, s1;
	s28 =	sadd.s32 $0x2800, s10;
	[dreg:$0x7] =	wrdreg s12  }
0xc: {  	s14 =	smul.u32 $0xA000, s5;
	s29 =	sadd.s32 $0x3C00, s10;
	[dreg:$0x8] =	wrdreg s28  }
0xd: {  	s25 =	ssub.s32 $0x2, s2;
	s30 =	sadd.s32 $0x5000, s10;
	[dreg:$0x9] =	wrdreg s29  }
0xe: {  	s2 =	sshll.u32 s2, $0x4;
	s31 =	sadd.s32 $0x6400, s10;
	[dreg:$0xa] =	wrdreg s30  }
0xf: {  	s26 =	sshrl.u32 s25, $0x1;
	s15 =	sadd.s32 $0x7800, s10;
	[dreg:$0xb] =	wrdreg s31  }
0x10: {  	s2 =	sor.u32 s5, s2;
	s16 =	sadd.s32 $0x8C00, s10;
	[dreg:$0xc] =	wrdreg s15  }
0x11: {  	s13 =	simm.s32 $0x980;
	s17 =	sadd.s32 $0xA000, s10;
	[dreg:$0xd] =	wrdreg s16  }
0x12: {  	s11 =	sshrl.u32 s22, $0x3;
	s18 =	sadd.s32 $0xB400, s10;
	[dreg:$0xe] =	wrdreg s17  }
0x13: {  	s22 =	smul.u32 $0x2710, s2;
	s19 =	sadd.s32 $0xC800, s10;
	[dreg:$0xf] =	wrdreg s18  }
0x14: {  	s1 =	sadd.s32 s11, s1;
	s20 =	sadd.s32 $0x9A400, s24;
	[dreg:$0x10] =	wrdreg s19  }
0x15: {  	s11 =	ssub.s32 s25, s26;
	s1 =	sadd.s32 $0x90400, s1;
	[dreg:$0x12] =	wrdreg s20  }
0x16: {  	s2 =	simm.s32 $0x5180;
	s23 =	smax.u32 s11, $0x1;
	[dreg:$0x13] =	wrdreg s1  }
0x17: {  	s24 =	sadd.s32 $0xDC00, s10;
	s26 =	sadd.s32 $0xF000, s10;
	[dreg:$0x14] =	wrdreg s23  }
0x18: {  	s11 =	simm.s32 $0x1;
	s12 =	sshrl.u32 s14, $0x2;
	[dreg:$0x15] =	wrdreg s24  }
0x19: {  	[dreg:$0x16] =	wrdreg s26;
	s28 =	sadd.s32 $0x10400, s10;
	s29 =	sadd.s32 $0x11800, s10  }
0x1a: {  	s30 =	sadd.s32 $0x12C00, s10;
	s14 =	simm.s32 $0x1180;
	s15 =	simm.s32 $0x1980  }
0x1b: {  	s16 =	simm.s32 $0x2180;
	s17 =	simm.s32 $0x28;
	[dreg:$0x17] =	wrdreg s28  }
0x1c: {  	v3 =	vlaneseq.u32;
	v0 =	vimm.f32 $0.0e+00;
	s18 =	simm.s32 $0x2980;
	s19 =	simm.s32 $0x3D80;
	[dreg:$0x18] =	wrdreg s29  }
0x1d: {  	vm0 =	vmmov $0xffff;
	vm1 =	vmmov $0x1;
	vm2 =	vcmask $0x308;
	s20 =	simm.s32 $0x80;
	s25 =	sadd.s32 s12, s4;
	[dreg:$0x19] =	wrdreg s30  }
0x1e: {  	vm3 =	vcmask $0x70C;
	vm4 =	vcmask $0xB10;
	v2 =	vshrl.u32 v3, $0x3;
	s23 =	simm.s32 $0x100;
	s31 =	sadd.s32 $0x1400, s25;
	[dreg:$0x11] =	wrdreg s25  }
0x1f: {  	v1 =	vand.u32 $0x7, v3;
	v3 =	vor.u32 $0x8, v3;
	v2 =	vmul.u32 $0x8, v2;
	s24 =	simm.s32 $0x6580;
	s12 =	simm.s32 $0x180;
	[dreg:$0x1a] =	wrdreg s31  }
.LBB2_1:
0x20: {  	[dreg:$0x5] =	wrdreg s21;
	s1 =	simm.s32 $0x0;
	s21 =	simm.s32 $0x200  }
.LBB2_2:
0x21: {  	p0 =	sne.s32 s21, $0x4E00;
	[tilespmem:s1+$0x51F0] =	vst v0  }
0x22: {  	[tilespmem:s1+$0x5180] =	vst v0  }
0x23: {  	[tilespmem:s1+$0x5190] =	vst v0  }
.Ltmp0:
0x24: {  	[tilespmem:s1+$0x51A0] =	vst v0;
	(pc) =	sbr.rel @p0 .LBB2_2-.Ltmp0, $4  }
0x25: {  	[tilespmem:s1+$0x51B0] =	vst v0  }
0x26: {  	[tilespmem:s1+$0x51C0] =	vst v0  }
0x27: {  	[tilespmem:s1+$0x51D0] =	vst v0  }
0x28: {  	[tilespmem:s1+$0x51E0] =	vst v0;
	s1 =	sshra.s32 s21, $0x2;
	s21 =	sadd.s32 $0x200, s21  }
0x29: {  	[tilespmem:s1+$0x51F0] =	vst v0  }
0x2a: {  	[tilespmem:s1+$0x5180] =	vst v0  }
0x2b: {  	[tilespmem:s1+$0x5190] =	vst v0  }
0x2c: {  	[tilespmem:s1+$0x51A0] =	vst v0  }
0x2d: {  	[tilespmem:s1+$0x51B0] =	vst v0  }
0x2e: {  	[tilespmem:s1+$0x51C0] =	vst v0  }
0x2f: {  	[tilespmem:s1+$0x51D0] =	vst v0  }
0x30: {  	[tilespmem:s1+$0x51E0] =	vst v0  }
0x31: {  	[spmem:s10] =	stream.linear.scatter [tilespmem:s2], [sflag:$0x1], $0x1400, $0x38;
	[tilespmem:$0x1E180] =	vst v63  }
0x32: {  	_ =	swait.ge [sflag:s11], $0x1400  }
0x33: {  	[sflag:s11] =	ssyncset.done $0x0  }
0x34: {  	s5 =	rddreg [dreg:$0x7];
	[sflag:s11] =	ssyncadd.s32 $0xFFFFEC00  }
0x35: {  	[spmem:s5] =	stream.linear.scatter [tilespmem:s2], [sflag:$0x1], $0x1400, $0x38;
	[tilespmem:$0x1E180] =	vst v63  }
0x36: {  	_ =	swait.ge [sflag:s11], $0x1400  }
0x37: {  	[sflag:s11] =	ssyncset.done $0x0  }
0x38: {  	s10 =	rddreg [dreg:$0x8];
	[sflag:s11] =	ssyncadd.s32 $0xFFFFEC00  }
0x39: {  	[spmem:s10] =	stream.linear.scatter [tilespmem:s2], [sflag:$0x1], $0x1400, $0x38;
	[tilespmem:$0x1E180] =	vst v63  }
0x3a: {  	_ =	swait.ge [sflag:s11], $0x1400  }
0x3b: {  	[sflag:s11] =	ssyncset.done $0x0  }
0x3c: {  	s21 =	rddreg [dreg:$0x9];
	[sflag:s11] =	ssyncadd.s32 $0xFFFFEC00  }
0x3d: {  	[spmem:s21] =	stream.linear.scatter [tilespmem:s2], [sflag:$0x1], $0x1400, $0x38;
	[tilespmem:$0x1E180] =	vst v63  }
0x3e: {  	_ =	swait.ge [sflag:s11], $0x1400  }
0x3f: {  	[sflag:s11] =	ssyncset.done $0x0  }
0x40: {  	s26 =	rddreg [dreg:$0xa];
	[sflag:s11] =	ssyncadd.s32 $0xFFFFEC00  }
0x41: {  	[spmem:s26] =	stream.linear.scatter [tilespmem:s2], [sflag:$0x1], $0x1400, $0x38;
	[tilespmem:$0x1E180] =	vst v63  }
0x42: {  	_ =	swait.ge [sflag:s11], $0x1400  }
0x43: {  	[sflag:s11] =	ssyncset.done $0x0  }
0x44: {  	s28 =	rddreg [dreg:$0xb];
	[sflag:s11] =	ssyncadd.s32 $0xFFFFEC00  }
0x45: {  	[spmem:s28] =	stream.linear.scatter [tilespmem:s2], [sflag:$0x1], $0x1400, $0x38;
	[tilespmem:$0x1E180] =	vst v63  }
0x46: {  	_ =	swait.ge [sflag:s11], $0x1400  }
0x47: {  	[sflag:s11] =	ssyncset.done $0x0  }
0x48: {  	s29 =	rddreg [dreg:$0xc];
	[sflag:s11] =	ssyncadd.s32 $0xFFFFEC00  }
0x49: {  	[spmem:s29] =	stream.linear.scatter [tilespmem:s2], [sflag:$0x1], $0x1400, $0x38;
	[tilespmem:$0x1E180] =	vst v63  }
0x4a: {  	_ =	swait.ge [sflag:s11], $0x1400  }
0x4b: {  	[sflag:s11] =	ssyncset.done $0x0  }
0x4c: {  	s30 =	rddreg [dreg:$0xd];
	[sflag:s11] =	ssyncadd.s32 $0xFFFFEC00  }
0x4d: {  	[spmem:s30] =	stream.linear.scatter [tilespmem:s2], [sflag:$0x1], $0x1400, $0x38;
	[tilespmem:$0x1E180] =	vst v63  }
0x4e: {  	_ =	swait.ge [sflag:s11], $0x1400  }
0x4f: {  	[sflag:s11] =	ssyncset.done $0x0  }
0x50: {  	s31 =	rddreg [dreg:$0xe];
	[sflag:s11] =	ssyncadd.s32 $0xFFFFEC00  }
0x51: {  	[spmem:s31] =	stream.linear.scatter [tilespmem:s2], [sflag:$0x1], $0x1400, $0x38;
	[tilespmem:$0x1E180] =	vst v63  }
0x52: {  	_ =	swait.ge [sflag:s11], $0x1400  }
0x53: {  	[sflag:s11] =	ssyncset.done $0x0  }
0x54: {  	s5 =	rddreg [dreg:$0xf];
	[sflag:s11] =	ssyncadd.s32 $0xFFFFEC00  }
0x55: {  	[spmem:s5] =	stream.linear.scatter [tilespmem:s2], [sflag:$0x1], $0x1400, $0x38;
	[tilespmem:$0x1E180] =	vst v63  }
0x56: {  	_ =	swait.ge [sflag:s11], $0x1400  }
0x57: {  	[sflag:s11] =	ssyncset.done $0x0  }
0x58: {  	s10 =	rddreg [dreg:$0x10];
	[sflag:s11] =	ssyncadd.s32 $0xFFFFEC00  }
0x59: {  	[spmem:s10] =	stream.linear.scatter [tilespmem:s2], [sflag:$0x1], $0x1400, $0x38;
	[tilespmem:$0x1E180] =	vst v63  }
0x5a: {  	_ =	swait.ge [sflag:s11], $0x1400  }
0x5b: {  	[sflag:s11] =	ssyncset.done $0x0  }
0x5c: {  	s21 =	rddreg [dreg:$0x15];
	[sflag:s11] =	ssyncadd.s32 $0xFFFFEC00  }
0x5d: {  	[spmem:s21] =	stream.linear.scatter [tilespmem:s2], [sflag:$0x1], $0x1400, $0x38;
	[tilespmem:$0x1E180] =	vst v63  }
0x5e: {  	_ =	swait.ge [sflag:s11], $0x1400  }
0x5f: {  	[sflag:s11] =	ssyncset.done $0x0  }
0x60: {  	s26 =	rddreg [dreg:$0x16];
	[sflag:s11] =	ssyncadd.s32 $0xFFFFEC00  }
0x61: {  	[spmem:s26] =	stream.linear.scatter [tilespmem:s2], [sflag:$0x1], $0x1400, $0x38;
	[tilespmem:$0x1E180] =	vst v63  }
0x62: {  	_ =	swait.ge [sflag:s11], $0x1400  }
0x63: {  	[sflag:s11] =	ssyncset.done $0x0  }
0x64: {  	s28 =	rddreg [dreg:$0x17];
	[sflag:s11] =	ssyncadd.s32 $0xFFFFEC00  }
0x65: {  	[spmem:s28] =	stream.linear.scatter [tilespmem:s2], [sflag:$0x1], $0x1400, $0x38;
	[tilespmem:$0x1E180] =	vst v63  }
0x66: {  	_ =	swait.ge [sflag:s11], $0x1400  }
0x67: {  	[sflag:s11] =	ssyncset.done $0x0  }
0x68: {  	s29 =	rddreg [dreg:$0x18];
	[sflag:s11] =	ssyncadd.s32 $0xFFFFEC00  }
0x69: {  	[spmem:s29] =	stream.linear.scatter [tilespmem:s2], [sflag:$0x1], $0x1400, $0x38;
	[tilespmem:$0x1E180] =	vst v63  }
0x6a: {  	_ =	swait.ge [sflag:s11], $0x1400  }
0x6b: {  	[sflag:s11] =	ssyncset.done $0x0  }
0x6c: {  	s30 =	rddreg [dreg:$0x19];
	[sflag:s11] =	ssyncadd.s32 $0xFFFFEC00  }
0x6d: {  	[spmem:s30] =	stream.linear.scatter [tilespmem:s2], [sflag:$0x1], $0x1400, $0x38;
	[tilespmem:$0x1E180] =	vst v63  }
0x6e: {  	_ =	swait.ge [sflag:s11], $0x1400  }
0x6f: {  	[sflag:s11] =	ssyncset.done $0x0  }
0x70: {  	[sflag:s11] =	ssyncadd.s32 $0xFFFFEC00  }
0x71: {  	[spmem:s25] =	stream.linear.scatter [tilespmem:s2], [sflag:$0x1], $0x1400, $0x38;
	[tilespmem:$0x1E180] =	vst v63  }
0x72: {  	_ =	swait.ge [sflag:s11], $0x1400  }
0x73: {  	[sflag:s11] =	ssyncset.done $0x0  }
0x74: {  	s31 =	rddreg [dreg:$0x1a];
	[sflag:s11] =	ssyncadd.s32 $0xFFFFEC00  }
0x75: {  	[spmem:s31] =	stream.linear.scatter [tilespmem:s2], [sflag:$0x1], $0x1400, $0x38;
	[tilespmem:$0x1E180] =	vst v63  }
0x76: {  	_ =	swait.ge [sflag:s11], $0x1400  }
0x77: {  	[sflag:s11] =	ssyncset.done $0x0  }
0x78: {  	[sflag:s11] =	ssyncadd.s32 $0xFFFFEC00  }
0x79: {  	s26 =	simm.s32 $0x0;
	s25 =	simm.s32 $0x0;
	[bflag:$0x0] =	sbarrier.arrive $0xFFFF  }
.LBB2_4:
0x7a: {  	s1 =	smul.u32 $0x28, s26;
	_ =	sdelay $0x1  }
0x7b: {  	s1 =	sadd.s32 s22, s1  }
0x7c: {  	s21 =	sshrl.u32 s1, $0x3  }
0x7d: {  	s28 =	sadd.s32 s8, s21  }
0x7e: {  	[tilespmem:s25], [sflag:$0x1] =	stream.linear.gather [hbm4b:s28+s25], $0x28, $0x38;
	[tilespmem:$0x1E180] =	vst v63  }
0x7f: {  	_ =	swait.ge [sflag:s11], $0x28  }
0x80: {  	[sflag:s11] =	ssyncset.done $0x0  }
0x81: {  	s21 =	sadd.s32 s9, s21;
	s28 =	simm.s32 $0x80;
	[sflag:s11] =	ssyncadd.s32 $0xFFFFFFD8  }
0x82: {  	[tilespmem:s28], [sflag:$0x1] =	stream.linear.gather [hbm4b:s21+s25], $0x28, $0x38;
	[tilespmem:$0x1E180] =	vst v63  }
0x83: {  	_ =	swait.ge [sflag:s11], $0x28  }
0x84: {  	[sflag:s11] =	ssyncset.done $0x0  }
0x85: {  	[sflag:s11] =	ssyncadd.s32 $0xFFFFFFD8  }
0x86: {  	v4 =	vld [tilespmem:$0x0];
	_ =	sdelay $0x4  }
0x87: {  	v5 =	vshll.u32 v4, $0x1  }
0x88: {  	v4 =	vand.u32 $0x7, v4;
	v5 =	vand.u32 $0xFFFFFFF0, v5  }
0x89: {  	v4 =	vor.u32 v4, v5  }
0x8a: {  	v5 =	vperm.xlane v4, v1;
	_ =	sdelay $0x1  }
0x8b: {  	v4 =	vperm.xlane v4, v3;
	v5 =	vadd.s32 v2, v5;
	_ =	sdelay $0x1  }
0x8c: {  	v4 =	vadd.s32 v2, v4;
	_ =	sdelay $0x2  }
0x8d: {  	[tilespmem:s12], [sflag:$0x1] =	stream.indirect_vreg.gather [hbm4b:s6+s25], $0x80, v5, vm0, $0xb8;
	[tilespmem:$0x1E180] =	vst v63  }
0x8e: {  	_ = 	snop  }
0x8f: {  	[tilespmem:s13], [sflag:$0x1] =	stream.indirect_vreg.gather [hbm4b:s6+s25], $0x80, v4, vm0, $0xb8;
	[tilespmem:$0x1E180] =	vst v63  }
0x90: {  	v4 =	vld [tilespmem:$0x10];
	_ =	sdelay $0x4  }
0x91: {  	v5 =	vshll.u32 v4, $0x1  }
0x92: {  	v4 =	vand.u32 $0x7, v4;
	v5 =	vand.u32 $0xFFFFFFF0, v5  }
0x93: {  	v4 =	vor.u32 v4, v5  }
0x94: {  	v5 =	vperm.xlane v4, v1;
	_ =	sdelay $0x1  }
0x95: {  	v4 =	vperm.xlane v4, v3;
	v5 =	vadd.s32 v2, v5;
	_ =	sdelay $0x1  }
0x96: {  	v4 =	vadd.s32 v2, v4;
	_ =	sdelay $0x2  }
0x97: {  	[tilespmem:s14], [sflag:$0x1] =	stream.indirect_vreg.gather [hbm4b:s6+s25], $0x80, v5, vm0, $0xb8;
	[tilespmem:$0x1E180] =	vst v63  }
0x98: {  	_ = 	snop  }
0x99: {  	[tilespmem:s15], [sflag:$0x1] =	stream.indirect_vreg.gather [hbm4b:s6+s25], $0x80, v4, vm0, $0xb8;
	[tilespmem:$0x1E180] =	vst v63  }
0x9a: {  	v4 =	vld.msk [tilespmem:$0x20], $0xff;
	_ =	sdelay $0x4  }
0x9b: {  	v5 =	vshll.u32 v4, $0x1  }
0x9c: {  	v4 =	vand.u32 $0x7, v4;
	v5 =	vand.u32 $0xFFFFFFF0, v5  }
0x9d: {  	v4 =	vor.u32 v4, v5  }
0x9e: {  	v4 =	vperm.xlane v4, v1;
	_ =	sdelay $0x1  }
0x9f: {  	v4 =	vadd.s32 v2, v4;
	_ =	sdelay $0x4  }
0xa0: {  	[tilespmem:s16], [sflag:$0x1] =	stream.indirect_vreg.gather [hbm4b:s6+s25], $0x80, v4, vm0, $0xb8;
	[tilespmem:$0x1E180] =	vst v63  }
0xa1: {  	_ =	swait.ge [sflag:s11], $0x2800  }
0xa2: {  	[sflag:s11] =	ssyncset.done $0x0  }
0xa3: {  	[sflag:s11] =	ssyncadd.s32 $0xFFFFD800  }
0xa4: {  	[tilespmem:s18], [sflag:$0x1] =	stream.indirect.gather [hbm4b:s0+s17], $0x80, s28, s17, $0xb8;
	[tilespmem:$0x1E180] =	vst v63  }
0xa5: {  	_ =	swait.ge [sflag:s11], $0x1400  }
0xa6: {  	s1 =	sshll.u32 s1, $0x4;
	[sflag:s11] =	ssyncset.done $0x0  }
0xa7: {  	s1 =	sadd.s32 s7, s1;
	[sflag:s11] =	ssyncadd.s32 $0xFFFFEC00  }
0xa8: {  	[tilespmem:s19], [sflag:$0x1] =	stream.linear.gather [hbm4b:s1+s25], $0x1400, $0x38;
	[tilespmem:$0x1E180] =	vst v63  }
0xa9: {  	_ =	swait.ge [sflag:s11], $0x1400  }
0xaa: {  	[sflag:s11] =	ssyncset.done $0x0  }
0xab: {  	[sflag:s11] =	ssyncadd.s32 $0xFFFFEC00  }
0xac: {  	v4 =	vld [tilespmem:$0x80]  }
0xad: {  	v5 =	vld [tilespmem:$0x90]  }
0xae: {  	v6 =	vld [tilespmem:$0x98];
	_ =	sdelay $0x2  }
0xaf: {  	v4 =	vshrl.u32 v4, $0x3  }
0xb0: {  	[tilespmem:$0x100] =	vst v4;
	v4 =	vshrl.u32 v5, $0x3  }
0xb1: {  	[tilespmem:$0x110] =	vst v4;
	v4 =	vshrl.u32 v6, $0x3  }
0xb2: {  	s5 =	simm.s32 $0x0;
	s10 =	sand.u32 $0x3800, s25;
	s29 =	sand.u32 $0x380, s25;
	[tilespmem:$0x118] =	vst v4  }
0xb3: {  	s21 =	sor.u32 s29, s10;
	v4 =	vld [tilespmem:s5+$0x3D90]  }
0xb4: {  	v5 =	vld [tilespmem:s21+$0x190]  }
0xb5: {  	v6 =	vld [tilespmem:s21+$0x180]  }
0xb6: {  	v7 =	vld [tilespmem:s5+$0x3D80]  }
0xb7: {  	v8 =	vld [tilespmem:s5+$0x2990]  }
0xb8: {  	v9 =	vld [tilespmem:s5+$0x2980];
	_ =	sdelay $0x2  }
0xb9: {  	v6 =	vadd.f32 v7, v6;
	v4 =	vadd.f32 v4, v5;
	_ =	sdelay $0x1  }
0xba: {  	v5 =	vmul.f32 v6, v9;
	v4 =	vmul.f32 v4, v8;
	_ =	sdelay $0x1  }
0xbb: {  	v4 =	vadd.f32 v4, v5;
	_ =	sdelay $0x1  }
0xbc: {  	(xrf2) =	vadd.scan.msk.f32 $0xffff, v4;
	_ =	sdelay $0x5  }
0xbd: {  	v44 =	vld [tilespmem:s21+$0x1A0]  }
0xbe: {  	v6 =	vld [tilespmem:s21+$0x1B0]  }
0xbf: {  	v5 =	vld [tilespmem:s5+$0x3DA0]  }
0xc0: {  	v4 =	vld [tilespmem:s5+$0x3DB0]  }
0xc1: {  	v45 =	vld [tilespmem:s5+$0x29B0];
	v10, _, _ =	vpop (xrf2)  }
0xc2: {  	v11 =	vld [tilespmem:s5+$0x29A0];
	v10 =	vmul.f32 $1.442695020e+00, v10;
	_ =	sdelay $0x1  }
0xc3: {  	v10 =	vbroadcast v10, $0xF  }
0xc4: {  	v5 =	vadd.f32 v5, v44;
	v4 =	vadd.f32 v4, v6  }
0xc5: {  	(erf) = vpow2.f32 v10  }
0xc6: {  	v5 =	vmul.f32 v5, v11;
	v4 =	vmul.f32 v4, v45;
	_ =	sdelay $0x1  }
0xc7: {  	v4 =	vadd.f32 v4, v5;
	v5 =	vld [tilespmem:s21+$0x580];
	_ =	sdelay $0x1  }
0xc8: {  	(xrf2) =	vadd.scan.msk.f32 $0xffff, v4;
	_ =	sdelay $0x1  }
0xc9: {  	v46 =	vld [tilespmem:s21+$0x1E0]  }
0xca: {  	v47 =	vld [tilespmem:s21+$0x1D0];
	v5 =	vadd.f32 v5, v7  }
0xcb: {  	v48 =	vld [tilespmem:s21+$0x1C0];
	v7 =	vpop (erf)  }
0xcc: {  	v49 =	vld [tilespmem:s5+$0x3D90];
	v5 =	vmul.f32 v5, v7  }
0xcd: {  	v12 =	vld [tilespmem:s5+$0x3DC0]  }
0xce: {  	v6 =	vld [tilespmem:s21+$0x1F0];
	[tilespmem:s5+$0x5180] =	vst v5  }
0xcf: {  	v5 =	vld [tilespmem:s21+$0x590]  }
0xd0: {  	v4 =	vld [tilespmem:s5+$0x3DD0]  }
0xd1: {  	v13 =	vld [tilespmem:s5+$0x29D0];
	v14, _, _ =	vpop (xrf2)  }
0xd2: {  	v15 =	vld [tilespmem:s5+$0x29C0];
	v14 =	vmul.f32 $1.442695020e+00, v14;
	_ =	sdelay $0x1  }
0xd3: {  	v14 =	vbroadcast v14, $0xF;
	v5 =	vadd.f32 v49, v5  }
0xd4: {  	v10 =	vadd.f32 v12, v48;
	v4 =	vadd.f32 v4, v47  }
0xd5: {  	(erf) = vpow2.f32 v14;
	v5 =	vmul.f32 v5, v7  }
0xd6: {  	v50 =	vmul.f32 v10, v15;
	v4 =	vmul.f32 v4, v13  }
0xd7: {  	[tilespmem:s5+$0x5190] =	vst v5;
	v5 =	vld [tilespmem:s5+$0x3DA0]  }
0xd8: {  	v4 =	vadd.f32 v4, v50;
	v51 =	vld [tilespmem:s21+$0x5A0];
	_ =	sdelay $0x1  }
0xd9: {  	(xrf2) =	vadd.scan.msk.f32 $0xffff, v4;
	_ =	sdelay $0x2  }
0xda: {  	v4 =	vadd.f32 v5, v51  }
0xdb: {  	v5 =	vpop (erf)  }
0xdc: {  	v4 =	vmul.f32 v4, v5  }
0xdd: {  	v52 =	vld [tilespmem:s5+$0x3DF0]  }
0xde: {  	[tilespmem:s5+$0x51A0] =	vst v4;
	v4 =	vld [tilespmem:s5+$0x3DB0]  }
0xdf: {  	v53 =	vld [tilespmem:s21+$0x5B0]  }
0xe0: {  	v54 =	vld [tilespmem:s5+$0x3DE0]  }
0xe1: {  	v55 =	vld [tilespmem:s5+$0x29F0];
	v56, _, _ =	vpop (xrf2)  }
0xe2: {  	v57 =	vld [tilespmem:s5+$0x29E0];
	v13 =	vmul.f32 $1.442695020e+00, v56;
	_ =	sdelay $0x1  }
0xe3: {  	v13 =	vbroadcast v13, $0xF;
	v4 =	vadd.f32 v4, v53  }
0xe4: {  	v8 =	vadd.f32 v54, v46;
	v6 =	vadd.f32 v52, v6  }
0xe5: {  	(erf) = vpow2.f32 v13;
	v4 =	vmul.f32 v4, v5  }
0xe6: {  	v8 =	vmul.f32 v8, v57;
	v6 =	vmul.f32 v6, v55  }
0xe7: {  	[tilespmem:s5+$0x51B0] =	vst v4;
	v4 =	vld [tilespmem:s5+$0x3DC0]  }
0xe8: {  	v6 =	vadd.f32 v6, v8;
	v58 =	vld [tilespmem:s21+$0x5C0];
	_ =	sdelay $0x1  }
0xe9: {  	(xrf2) =	vadd.scan.msk.f32 $0xffff, v6;
	_ =	sdelay $0x2  }
0xea: {  	v4 =	vadd.f32 v4, v58  }
0xeb: {  	v6 =	vpop (erf)  }
0xec: {  	v4 =	vmul.f32 v4, v6;
	_ =	sdelay $0x1  }
0xed: {  	[tilespmem:s5+$0x51C0] =	vst v4;
	v4 =	vld [tilespmem:s5+$0x3DD0]  }
0xee: {  	v59 =	vld [tilespmem:s21+$0x5D0];
	_ =	sdelay $0x1  }
0xef: {  	v60, _, _ =	vpop (xrf2)  }
0xf0: {  	v9 =	vmul.f32 $1.442695020e+00, v60;
	_ =	sdelay $0x1  }
0xf1: {  	v9 =	vbroadcast v9, $0xF;
	v4 =	vadd.f32 v4, v59;
	_ =	sdelay $0x1  }
0xf2: {  	(erf) = vpow2.f32 v9;
	v4 =	vmul.f32 v4, v6;
	_ =	sdelay $0x1  }
0xf3: {  	[tilespmem:s5+$0x51D0] =	vst v4;
	v4 =	vld [tilespmem:s5+$0x3DE0]  }
0xf4: {  	v61 =	vld [tilespmem:s21+$0x5E0];
	_ =	sdelay $0x4  }
0xf5: {  	v4 =	vadd.f32 v4, v61  }
0xf6: {  	v62 =	vpop (erf)  }
0xf7: {  	v4 =	vmul.f32 v4, v62;
	_ =	sdelay $0x1  }
0xf8: {  	[tilespmem:s5+$0x51E0] =	vst v4;
	v4 =	vld [tilespmem:s5+$0x3DF0]  }
0xf9: {  	v63 =	vld [tilespmem:s21+$0x5F0]  }
0xfa: {  	[tilespmem:s5+$0x65F0] =	vst v0  }
0xfb: {  	[tilespmem:s5+$0x65E0] =	vst v0  }
0xfc: {  	[tilespmem:s5+$0x65D0] =	vst v0  }
0xfd: {  	[tilespmem:s5+$0x65C0] =	vst v0  }
0xfe: {  	[tilespmem:s5+$0x65B0] =	vst v0;
	v4 =	vadd.f32 v4, v63  }
0xff: {  	[tilespmem:s5+$0x65A0] =	vst v0  }
0x100: {  	[tilespmem:s5+$0x6590] =	vst v0;
	v4 =	vmul.f32 v4, v62  }
0x101: {  	[tilespmem:s5+$0x6580] =	vst v0  }
0x102: {  	[tilespmem:s5+$0x51F0] =	vst v4  }
0x103: {  	v4 =	vld [tilespmem:s28+$0x0];
	_ =	sdelay $0x4  }
0x104: {  	(v2sf) =	vpush v4, $0x0;
	_ =	sdelay $0xb  }
0x105: {  	v5 =	vsel vm2, $0x0, v5;
	v4 =	vnsel vm1, $0x0, v7  }
0x106: {  	v4 =	vadd.f32 v5, v4  }
0x107: {  	v5 =	vsel vm3, $0x0, v6  }
0x108: {  	v4 =	vadd.f32 v5, v4;
	s21 =	spop (v2sf)  }
0x109: {  	v5 =	vsel vm4, $0x0, v62;
	s1 =	sand.u32 $0x7, s21  }
0x10a: {  	v4 =	vadd.f32 v5, v4;
	s1 =	sshll.u32 s1, $0x4  }
0x10b: {  	s31 =	simm.s32 $0x100;
	s5 =	sadd.s32 $0x0, s1;
	s1 =	simm.s32 $0x80  }
0x10c: {  	s30 =	sand.u32 $0x3800, s31;
	s29 =	simm.s32 $0x80;
	s10 =	sand.u32 $0x380, s1;
	[tilespmem:s5+$0x6580] =	vst v4  }
0x10d: {  	s30 =	sor.u32 s10, s30;
	v4 =	vld [tilespmem:s29+$0x3D90]  }
0x10e: {  	s21 =	simm.s32 $0x400;
	v5 =	vld [tilespmem:s30+$0x190]  }
.LBB2_5:
0x10f: {  	p0 =	sne.s32 s21, $0x4E00;
	v6 =	vld [tilespmem:s30+$0x180]  }
0x110: {  	v7 =	vld [tilespmem:s29+$0x3D80]  }
0x111: {  	v8 =	vld [tilespmem:s29+$0x2990]  }
0x112: {  	v9 =	vld [tilespmem:s29+$0x2980];
	_ =	sdelay $0x2  }
0x113: {  	v4 =	vadd.f32 v4, v5;
	v6 =	vadd.f32 v7, v6;
	_ =	sdelay $0x1  }
0x114: {  	v4 =	vmul.f32 v4, v8;
	v5 =	vmul.f32 v6, v9;
	_ =	sdelay $0x1  }
0x115: {  	v4 =	vadd.f32 v4, v5;
	_ =	sdelay $0x1  }
0x116: {  	(xrf2) =	vadd.scan.msk.f32 $0xffff, v4;
	_ =	sdelay $0x5  }
0x117: {  	v4 =	vld [tilespmem:s29+$0x3DB0]  }
0x118: {  	v5 =	vld [tilespmem:s29+$0x3DA0]  }
0x119: {  	v6 =	vld [tilespmem:s30+$0x1B0]  }
0x11a: {  	v8 =	vld [tilespmem:s30+$0x1A0]  }
0x11b: {  	v9 =	vld [tilespmem:s29+$0x29B0];
	v10, _, _ =	vpop (xrf2)  }
0x11c: {  	v11 =	vld [tilespmem:s29+$0x29A0];
	v10 =	vmul.f32 $1.442695020e+00, v10;
	_ =	sdelay $0x1  }
0x11d: {  	v10 =	vbroadcast v10, $0xF  }
0x11e: {  	v4 =	vadd.f32 v4, v6;
	v5 =	vadd.f32 v5, v8  }
0x11f: {  	(erf) = vpow2.f32 v10  }
0x120: {  	v4 =	vmul.f32 v4, v9;
	v5 =	vmul.f32 v5, v11;
	_ =	sdelay $0x1  }
0x121: {  	v4 =	vadd.f32 v4, v5;
	v5 =	vld [tilespmem:s30+$0x580];
	_ =	sdelay $0x1  }
0x122: {  	(xrf2) =	vadd.scan.msk.f32 $0xffff, v4;
	_ =	sdelay $0x1  }
0x123: {  	v6 =	vld [tilespmem:s29+$0x3DD0]  }
0x124: {  	v4 =	vadd.f32 v5, v7;
	v5 =	vld [tilespmem:s29+$0x3D90]  }
0x125: {  	v7 =	vld [tilespmem:s30+$0x1F0];
	v8 =	vpop (erf)  }
0x126: {  	v9 =	vld [tilespmem:s30+$0x1E0];
	v10 =	vmul.f32 v4, v8;
	v4 =	vnsel vm1, $0x0, v8  }
0x127: {  	v11 =	vld [tilespmem:s30+$0x1D0]  }
0x128: {  	v12 =	vld [tilespmem:s30+$0x1C0];
	[tilespmem:s29+$0x5180] =	vst v10  }
0x129: {  	v10 =	vld [tilespmem:s30+$0x590]  }
0x12a: {  	v13 =	vld [tilespmem:s29+$0x3DC0]  }
0x12b: {  	v14 =	vld [tilespmem:s29+$0x29D0];
	v15, _, _ =	vpop (xrf2)  }
0x12c: {  	v16 =	vld [tilespmem:s29+$0x29C0];
	v15 =	vmul.f32 $1.442695020e+00, v15;
	_ =	sdelay $0x1  }
0x12d: {  	v15 =	vbroadcast v15, $0xF;
	v5 =	vadd.f32 v5, v10  }
0x12e: {  	v6 =	vadd.f32 v6, v11;
	v10 =	vadd.f32 v13, v12  }
0x12f: {  	v5 =	vmul.f32 v5, v8;
	(erf) = vpow2.f32 v15  }
0x130: {  	v6 =	vmul.f32 v6, v14;
	v8 =	vmul.f32 v10, v16  }
0x131: {  	[tilespmem:s29+$0x5190] =	vst v5;
	v5 =	vld [tilespmem:s29+$0x3DA0]  }
0x132: {  	v6 =	vadd.f32 v6, v8;
	v8 =	vld [tilespmem:s30+$0x5A0];
	_ =	sdelay $0x1  }
0x133: {  	(xrf2) =	vadd.scan.msk.f32 $0xffff, v6;
	_ =	sdelay $0x2  }
0x134: {  	v6 =	vadd.f32 v5, v8  }
0x135: {  	v5 =	vpop (erf)  }
0x136: {  	v6 =	vmul.f32 v6, v5  }
0x137: {  	v8 =	vld [tilespmem:s29+$0x3DF0]  }
0x138: {  	[tilespmem:s29+$0x51A0] =	vst v6;
	v6 =	vld [tilespmem:s29+$0x3DB0]  }
0x139: {  	v10 =	vld [tilespmem:s30+$0x5B0]  }
0x13a: {  	v11 =	vld [tilespmem:s29+$0x3DE0]  }
0x13b: {  	v12 =	vld [tilespmem:s29+$0x29F0];
	v13, _, _ =	vpop (xrf2)  }
0x13c: {  	v14 =	vld [tilespmem:s29+$0x29E0];
	v13 =	vmul.f32 $1.442695020e+00, v13;
	_ =	sdelay $0x1  }
0x13d: {  	v13 =	vbroadcast v13, $0xF;
	v6 =	vadd.f32 v6, v10  }
0x13e: {  	v7 =	vadd.f32 v8, v7;
	v9 =	vadd.f32 v11, v9  }
0x13f: {  	v6 =	vmul.f32 v6, v5;
	(erf) = vpow2.f32 v13  }
0x140: {  	v7 =	vmul.f32 v7, v12;
	v8 =	vmul.f32 v9, v14  }
0x141: {  	[tilespmem:s29+$0x51B0] =	vst v6;
	v6 =	vld [tilespmem:s29+$0x3DC0]  }
0x142: {  	v7 =	vadd.f32 v7, v8;
	v8 =	vld [tilespmem:s30+$0x5C0];
	_ =	sdelay $0x1  }
0x143: {  	(xrf2) =	vadd.scan.msk.f32 $0xffff, v7;
	_ =	sdelay $0x2  }
0x144: {  	v6 =	vadd.f32 v6, v8  }
0x145: {  	v7 =	vpop (erf)  }
0x146: {  	v6 =	vmul.f32 v6, v7;
	_ =	sdelay $0x1  }
0x147: {  	[tilespmem:s29+$0x51C0] =	vst v6;
	v6 =	vld [tilespmem:s29+$0x3DD0]  }
0x148: {  	v8 =	vld [tilespmem:s30+$0x5D0];
	_ =	sdelay $0x1  }
0x149: {  	v9, _, _ =	vpop (xrf2)  }
0x14a: {  	v9 =	vmul.f32 $1.442695020e+00, v9;
	_ =	sdelay $0x1  }
0x14b: {  	v9 =	vbroadcast v9, $0xF;
	v6 =	vadd.f32 v6, v8;
	_ =	sdelay $0x1  }
0x14c: {  	v6 =	vmul.f32 v6, v7;
	(erf) = vpow2.f32 v9;
	_ =	sdelay $0x1  }
0x14d: {  	[tilespmem:s29+$0x51D0] =	vst v6;
	v6 =	vld [tilespmem:s29+$0x3DE0]  }
0x14e: {  	v8 =	vld [tilespmem:s30+$0x5E0];
	_ =	sdelay $0x4  }
0x14f: {  	v6 =	vadd.f32 v6, v8  }
0x150: {  	v8 =	vpop (erf)  }
0x151: {  	v6 =	vmul.f32 v6, v8;
	_ =	sdelay $0x1  }
0x152: {  	[tilespmem:s29+$0x51E0] =	vst v6;
	v6 =	vld [tilespmem:s29+$0x3DF0]  }
0x153: {  	v9 =	vld [tilespmem:s30+$0x5F0];
	[tilespmem:s29+$0x65F0] =	vst v0  }
0x154: {  	[tilespmem:s29+$0x65E0] =	vst v0  }
0x155: {  	[tilespmem:s29+$0x65D0] =	vst v0  }
0x156: {  	[tilespmem:s29+$0x65C0] =	vst v0  }
0x157: {  	[tilespmem:s29+$0x65B0] =	vst v0  }
0x158: {  	v6 =	vadd.f32 v6, v9;
	[tilespmem:s29+$0x65A0] =	vst v0  }
0x159: {  	[tilespmem:s29+$0x6590] =	vst v0  }
0x15a: {  	v6 =	vmul.f32 v6, v8;
	[tilespmem:s29+$0x6580] =	vst v0;
	_ =	sdelay $0x1  }
0x15b: {  	s28 =	sadd.s32 $0x1, s28;
	[tilespmem:s29+$0x51F0] =	vst v6  }
0x15c: {  	v6 =	vld [tilespmem:s28+$0x0];
	_ =	sdelay $0x4  }
0x15d: {  	(v2sf) =	vpush v6, $0x0;
	_ =	sdelay $0xb  }
0x15e: {  	v5 =	vsel vm2, $0x0, v5  }
0x15f: {  	v4 =	vadd.f32 v5, v4  }
0x160: {  	v5 =	vsel vm3, $0x0, v7  }
0x161: {  	v4 =	vadd.f32 v5, v4;
	s10 =	spop (v2sf)  }
0x162: {  	v5 =	vsel vm4, $0x0, v8;
	s10 =	sand.u32 $0x7, s10  }
.Ltmp1:
0x163: {  	v4 =	vadd.f32 v5, v4;
	s10 =	sshll.u32 s10, $0x4;
	(pc) =	sbr.rel @p0 .LBB2_5-.Ltmp1, $4  }
0x164: {  	s31 =	sadd.s32 $0x100, s31;
	s1 =	sadd.s32 $0x80, s1;
	s10 =	sadd.s32 s29, s10  }
0x165: {  	s5 =	sand.u32 $0x380, s1;
	s30 =	sand.u32 $0x3800, s31;
	s29 =	sshra.s32 s21, $0x2;
	[tilespmem:s10+$0x6580] =	vst v4  }
0x166: {  	s30 =	sor.u32 s5, s30;
	v4 =	vld [tilespmem:s29+$0x3D90]  }
0x167: {  	s21 =	sadd.s32 $0x200, s21;
	v5 =	vld [tilespmem:s30+$0x190]  }
0x168: {  	v6 =	vld [tilespmem:s30+$0x180]  }
0x169: {  	v7 =	vld [tilespmem:s29+$0x3D80]  }
0x16a: {  	v8 =	vld [tilespmem:s29+$0x2990]  }
0x16b: {  	v9 =	vld [tilespmem:s29+$0x2980];
	_ =	sdelay $0x2  }
0x16c: {  	v4 =	vadd.f32 v4, v5;
	v6 =	vadd.f32 v7, v6;
	_ =	sdelay $0x1  }
0x16d: {  	v4 =	vmul.f32 v4, v8;
	v5 =	vmul.f32 v6, v9;
	_ =	sdelay $0x1  }
0x16e: {  	v4 =	vadd.f32 v4, v5;
	_ =	sdelay $0x1  }
0x16f: {  	(xrf2) =	vadd.scan.msk.f32 $0xffff, v4;
	_ =	sdelay $0x5  }
0x170: {  	v38 =	vld [tilespmem:s30+$0x1B0]  }
0x171: {  	v39 =	vld [tilespmem:s30+$0x1A0]  }
0x172: {  	v5 =	vld [tilespmem:s29+$0x3DA0]  }
0x173: {  	v4 =	vld [tilespmem:s29+$0x3DB0]  }
0x174: {  	v10 =	vld [tilespmem:s29+$0x29B0];
	v40, _, _ =	vpop (xrf2)  }
0x175: {  	v11 =	vld [tilespmem:s29+$0x29A0];
	v9 =	vmul.f32 $1.442695020e+00, v40;
	_ =	sdelay $0x1  }
0x176: {  	v9 =	vbroadcast v9, $0xF  }
0x177: {  	v5 =	vadd.f32 v5, v39;
	v4 =	vadd.f32 v4, v38  }
0x178: {  	(erf) = vpow2.f32 v9  }
0x179: {  	v5 =	vmul.f32 v5, v11;
	v4 =	vmul.f32 v4, v10;
	_ =	sdelay $0x1  }
0x17a: {  	v41 =	vld [tilespmem:s30+$0x580];
	v4 =	vadd.f32 v4, v5;
	_ =	sdelay $0x1  }
0x17b: {  	(xrf2) =	vadd.scan.msk.f32 $0xffff, v4;
	_ =	sdelay $0x1  }
0x17c: {  	v42 =	vld [tilespmem:s30+$0x1F0]  }
0x17d: {  	v44 =	vld [tilespmem:s30+$0x1E0];
	v6 =	vadd.f32 v41, v7  }
0x17e: {  	v45 =	vld [tilespmem:s30+$0x1D0];
	v43 =	vpop (erf)  }
0x17f: {  	v46 =	vld [tilespmem:s30+$0x1C0];
	v6 =	vmul.f32 v6, v43  }
0x180: {  	v13 =	vld [tilespmem:s29+$0x3DC0]  }
0x181: {  	v5 =	vld [tilespmem:s29+$0x3D90];
	[tilespmem:s29+$0x5180] =	vst v6  }
0x182: {  	v6 =	vld [tilespmem:s30+$0x590]  }
0x183: {  	v4 =	vld [tilespmem:s29+$0x3DD0]  }
0x184: {  	v14 =	vld [tilespmem:s29+$0x29D0];
	v12, _, _ =	vpop (xrf2)  }
0x185: {  	v47 =	vld [tilespmem:s29+$0x29C0];
	v12 =	vmul.f32 $1.442695020e+00, v12;
	_ =	sdelay $0x1  }
0x186: {  	v12 =	vbroadcast v12, $0xF;
	v5 =	vadd.f32 v5, v6  }
0x187: {  	v11 =	vadd.f32 v13, v46;
	v4 =	vadd.f32 v4, v45  }
0x188: {  	(erf) = vpow2.f32 v12;
	v5 =	vmul.f32 v5, v43  }
0x189: {  	v4 =	vmul.f32 v4, v14;
	v6 =	vmul.f32 v11, v47  }
0x18a: {  	[tilespmem:s29+$0x5190] =	vst v5;
	v5 =	vld [tilespmem:s29+$0x3DA0]  }
0x18b: {  	v4 =	vadd.f32 v4, v6;
	v48 =	vld [tilespmem:s30+$0x5A0];
	_ =	sdelay $0x1  }
0x18c: {  	(xrf2) =	vadd.scan.msk.f32 $0xffff, v4;
	_ =	sdelay $0x2  }
0x18d: {  	v4 =	vadd.f32 v5, v48  }
0x18e: {  	v5 =	vpop (erf)  }
0x18f: {  	v4 =	vmul.f32 v4, v5  }
0x190: {  	v49 =	vld [tilespmem:s29+$0x3DF0]  }
0x191: {  	[tilespmem:s29+$0x51A0] =	vst v4;
	v4 =	vld [tilespmem:s29+$0x3DB0]  }
0x192: {  	v50 =	vld [tilespmem:s30+$0x5B0]  }
0x193: {  	v52 =	vld [tilespmem:s29+$0x3DE0]  }
0x194: {  	v53 =	vld [tilespmem:s29+$0x29F0];
	v51, _, _ =	vpop (xrf2)  }
0x195: {  	v54 =	vld [tilespmem:s29+$0x29E0];
	v11 =	vmul.f32 $1.442695020e+00, v51;
	_ =	sdelay $0x1  }
0x196: {  	v11 =	vbroadcast v11, $0xF;
	v4 =	vadd.f32 v4, v50  }
0x197: {  	v9 =	vadd.f32 v52, v44;
	v6 =	vadd.f32 v49, v42  }
0x198: {  	(erf) = vpow2.f32 v11;
	v4 =	vmul.f32 v4, v5  }
0x199: {  	v55 =	vmul.f32 v9, v54;
	v6 =	vmul.f32 v6, v53  }
0x19a: {  	[tilespmem:s29+$0x51B0] =	vst v4;
	v4 =	vld [tilespmem:s29+$0x3DC0]  }
0x19b: {  	v6 =	vadd.f32 v6, v55;
	v56 =	vld [tilespmem:s30+$0x5C0];
	_ =	sdelay $0x1  }
0x19c: {  	(xrf2) =	vadd.scan.msk.f32 $0xffff, v6;
	_ =	sdelay $0x2  }
0x19d: {  	v4 =	vadd.f32 v4, v56  }
0x19e: {  	v57 =	vpop (erf)  }
0x19f: {  	v4 =	vmul.f32 v4, v57;
	_ =	sdelay $0x1  }
0x1a0: {  	[tilespmem:s29+$0x51C0] =	vst v4;
	v4 =	vld [tilespmem:s29+$0x3DD0]  }
0x1a1: {  	v58 =	vld [tilespmem:s30+$0x5D0];
	_ =	sdelay $0x1  }
0x1a2: {  	v59, _, _ =	vpop (xrf2)  }
0x1a3: {  	v9 =	vmul.f32 $1.442695020e+00, v59;
	_ =	sdelay $0x1  }
0x1a4: {  	v60 =	vbroadcast v9, $0xF;
	v4 =	vadd.f32 v4, v58;
	_ =	sdelay $0x1  }
0x1a5: {  	(erf) = vpow2.f32 v60;
	v4 =	vmul.f32 v4, v57;
	_ =	sdelay $0x1  }
0x1a6: {  	[tilespmem:s29+$0x51D0] =	vst v4;
	v4 =	vld [tilespmem:s29+$0x3DE0]  }
0x1a7: {  	v61 =	vld [tilespmem:s30+$0x5E0];
	_ =	sdelay $0x4  }
0x1a8: {  	v4 =	vadd.f32 v4, v61  }
0x1a9: {  	v62 =	vpop (erf)  }
0x1aa: {  	v4 =	vmul.f32 v4, v62;
	_ =	sdelay $0x1  }
0x1ab: {  	[tilespmem:s29+$0x51E0] =	vst v4;
	v4 =	vld [tilespmem:s29+$0x3DF0]  }
0x1ac: {  	v63 =	vld [tilespmem:s30+$0x5F0]  }
0x1ad: {  	[tilespmem:s29+$0x65F0] =	vst v0  }
0x1ae: {  	[tilespmem:s29+$0x65E0] =	vst v0  }
0x1af: {  	[tilespmem:s29+$0x65D0] =	vst v0  }
0x1b0: {  	[tilespmem:s29+$0x65C0] =	vst v0  }
0x1b1: {  	[tilespmem:s29+$0x65B0] =	vst v0;
	v4 =	vadd.f32 v4, v63  }
0x1b2: {  	[tilespmem:s29+$0x65A0] =	vst v0  }
0x1b3: {  	[tilespmem:s29+$0x6590] =	vst v0;
	v4 =	vmul.f32 v4, v62  }
0x1b4: {  	[tilespmem:s29+$0x6580] =	vst v0  }
0x1b5: {  	s1 =	sadd.s32 $0x1, s28;
	[tilespmem:s29+$0x51F0] =	vst v4  }
0x1b6: {  	v4 =	vld [tilespmem:s1+$0x0];
	_ =	sdelay $0x4  }
0x1b7: {  	(v2sf) =	vpush v4, $0x0;
	_ =	sdelay $0xb  }
0x1b8: {  	v5 =	vsel vm2, $0x0, v5;
	v4 =	vnsel vm1, $0x0, v43  }
0x1b9: {  	v4 =	vadd.f32 v5, v4  }
0x1ba: {  	v5 =	vsel vm3, $0x0, v57  }
0x1bb: {  	v4 =	vadd.f32 v5, v4;
	s31 =	spop (v2sf)  }
0x1bc: {  	v5 =	vsel vm4, $0x0, v62;
	s1 =	sand.u32 $0x7, s31  }
0x1bd: {  	v4 =	vadd.f32 v5, v4;
	s1 =	sshll.u32 s1, $0x4  }
0x1be: {  	s1 =	sadd.s32 s29, s1  }
0x1bf: {  	[tilespmem:s1+$0x6580] =	vst v4  }
0x1c0: {  	[spmem:s3] =	stream.indirect.scatter.add.f32 [tilespmem:s2], [sflag:$0x1], $0x80, s20, s17, $0xb8;
	[tilespmem:$0x1E180] =	vst v63  }
0x1c1: {  	s26 =	sadd.s32 $0x1, s26;
	_ =	swait.ge [sflag:s11], $0x1400  }
0x1c2: {  	p0 =	sne.s32 s26, $0xFA;
	[sflag:s11] =	ssyncset.done $0x0  }
.Ltmp2:
0x1c3: {  	[sflag:s11] =	ssyncadd.s32 $0xFFFFEC00;
	(pc) =	sbr.rel @p0 .LBB2_4-.Ltmp2, $4  }
0x1c4: {  	[spmem:s4] =	stream.indirect.scatter.add.f32 [tilespmem:s24], [sflag:$0x1], $0x80, s23, s17, $0xb8;
	[tilespmem:$0x1E180] =	vst v63  }
0x1c5: {  	_ =	swait.ge [sflag:s11], $0x1400  }
0x1c6: {  	[sflag:s11] =	ssyncset.done $0x0  }
0x1c7: {  	[sflag:s11] =	ssyncadd.s32 $0xFFFFEC00  }
0x1c8: {  	s1 =	stileid.u32;
	[bflag:$0x0] =	sbarrier.arrive $0xFFFF  }
0x1c9: {  	s1 =	sshll.u32 s1, $0x6;
	s10 =	rddreg [dreg:$0x6]  }
0x1ca: {  	s21 =	rddreg [dreg:$0x12];
	s1 =	sor.u32 $0x1C01, s1;
	s5 =	sshrl.u32 s10, $0x3  }
0x1cb: {  	[hbm:s21], [sflag:s1] =	dma.local [spmem:s5], $0x2800  }
0x1cc: {  	_ =	swait.ge [sflag:s11], $0x2800  }
0x1cd: {  	[sflag:s11] =	ssyncset.done $0x0;
	s25 =	rddreg [dreg:$0x11]  }
0x1ce: {  	s29 =	rddreg [dreg:$0x13];
	[sflag:s11] =	ssyncadd.s32 $0xFFFFD800;
	s28 =	sshrl.u32 s25, $0x3  }
0x1cf: {  	[hbm:s29], [sflag:s1] =	dma.local [spmem:s28], $0x500  }
0x1d0: {  	_ =	swait.ge [sflag:s11], $0x500  }
0x1d1: {  	s30 =	rddreg [dreg:$0x5]  }
0x1d2: {  	s31 =	rddreg [dreg:$0x14];
	s21 =	sadd.s32 $0x1, s30  }
0x1d3: {  	p0 =	sne.s32 s21, s31  }
.Ltmp3:
0x1d4: {  	_ = 	snop;
	(pc) =	sbr.rel @p0 .LBB2_1-.Ltmp3, $3  }
0x1d5: {  	_ =	sdelay $0x1  }
0x1d6: {  	[sflag:s11] =	ssyncset.done $0x0  }
0x1d7: {  	[sflag:s11] =	ssyncadd.s32 $0xFFFFFB00  }
0x1d8: {  	_ =	sfence.sel $0x180000  }
0x1d9: {  	[bflag:$0x0] =	sbarrier.arrive $0xFFFF  }
0x1da: {  	_ =	strace $0x9000004A  }
0x1db: {  	s0 =	stileid.u32;
	[bflag:$0x2] =	sbarrier.arrive $0xFFFF  }
0x1dc: {  	p0 =	sne.s32 s0, $0x0;
	s0 =	rddreg [dreg:$0x4]  }
0x1dd: {  	s0 =	sadd.s32 @!p0 $0x100000, s0  }
0x1de: {  	[sflag:s0] =	ssyncadd.tile.s32 @!p0 $0x1;
	_ =	shalt  }
.Lfunc_end2:
_tile_overlayer_lowered:
.L_overlay_start_2:
0x1df: {  	(tag) =	ssettag $0x2  }
0x1e0: {  	s0 =	rddreg [dreg:$0x0];
	s2 =	stileid.u32  }
0x1e1: {  	s1 =	rddreg [dreg:$0x1];
	p0 =	sne.s32 s2, $0x0  }
0x1e2: {  	s3 =	rddreg [dreg:$0x2];
	[bflag:$0x3] =	sbarrier.arrive $0xFFFF;
	s2 =	simm.s32 @!p0 $0x1C01  }
0x1e3: {  	[timem:s3], [sflag:s2] =	dma.local @!p0 [hbm:s0], s1  }
0x1e4: {  	s0 =	simm.s32 @!p0 $0x1  }
0x1e5: {  	_ =	swait.ge @!p0 [sflag:s0], s1  }
0x1e6: {  	s1 =	ssub.s32 @!p0 $0x0, s1;
	[sflag:s0] =	ssyncset.done @!p0 $0x0  }
0x1e7: {  	[sflag:s0] =	ssyncadd.s32 @!p0 s1  }
0x1e8: {  	[bflag:$0x3] =	sbarrier.arrive $0xFFFF  }
0x1e9: {  	_ =	shalt  }

// kernel: kernel.22.cloned.1.call-start
scs
__scs_entry_jumppad:
0x0: {  	(pc) =	sbr.rel $0x88, $3  }
0x1: {  	(tag) =	ssettag $0x0;
	lr =	simm.s32 $0x1  }
0x2: {  	[smem:$0x3F7C] =	sst lr;
	_ =	strace $0xD0000000  }
0x3: {  	_ = 	snop  }
0x4: {  	_ = 	snop  }
0x5: {  	_ = 	snop  }
0x6: {  	_ = 	snop  }
0x7: {  	_ = 	snop  }
__scs_overlays_trampoline_lowered:
0x8: {  	[smem:$0x3F8B] =	sst s0  }
0x9: {  	[smem:$0x3F8C] =	sst s1  }
0xa: {  	[smem:$0x3F8D] =	sst s2  }
0xb: {  	[smem:$0x3F8E] =	sst s3  }
0xc: {  	[smem:$0x3F8F] =	sst s4  }
0xd: {  	[smem:$0x3F90] =	sst s5  }
0xe: {  	[smem:$0x3F91] =	sst s6  }
0xf: {  	[smem:$0x3F92] =	sst s7  }
0x10: {  	[smem:$0x3F93] =	sst s8  }
0x11: {  	[smem:$0x3F94] =	sst s9;
	s0 =	simm.s32 @!p0 $0x0  }
0x12: {  	s1 =	sld [smem:$0x3F7A];
	s0 =	simm.s32 @p0 $0x1  }
0x13: {  	[smem:$0x3F95] =	sst s0;
	s0 =	simm.s32 @!p1 $0x0  }
0x14: {  	s2 =	sld [smem:$0x3F79];
	s0 =	simm.s32 @p1 $0x1  }
0x15: {  	[smem:$0x3F96] =	sst s0;
	s0 =	simm.s32 @!p2 $0x0  }
0x16: {  	s3 =	sld [smem:$0x3FDB];
	s0 =	simm.s32 @p2 $0x1  }
0x17: {  	s4 =	simm.s32 $0x1BF5;
	[smem:$0x3F98] =	sst s0  }
0x18: {  	s0 =	sld [smem:$0x3F7B];
	_ =	swait.ge [sflag:s4], $0x0  }
0x19: {  	s7 =	sld [smem:$0x3F7C]  }
0x1a: {  	s8 =	sadd.s32 $0xFFFFE003, lr  }
0x1b: {  	s9 =	sadd.s32 $0xFFFFFEF7, lr;
	s5 =	simm.s32 $0xFFFFFFFF;
	p2 =	slt.u32 s8, $0xFFFFF086  }
0x1c: {  	p1 =	slt.u32 s9, $0xF7A;
	s5 =	simm.s32 @!p2 $0x0  }
0x1d: {  	s5 =	simm.s32 @p1 $0x1;
	p0 =	seq.s32 s7, s2  }
0x1e: {  	s7 =	smul.u32 @!p0 $0xF7A, s2;
	p2 =	seq.s32 @!p0 s5, $0x0  }
0x1f: {  	s9 =	smul.u32 $0xF7A, s1;
	s8 =	simm.s32 @!p0 $0x1BF5;
	p2 =	por !p2, p0  }
0x20: {  	[sflag:s8] =	ssyncset.s32 @!p0 $0xFFFFF086;
	s6 =	sadd.s32 @!p0 s3, s7;
	s7 =	simm.s32 @!p0 $0x108  }
0x21: {  	s3 =	sadd.s32 s3, s9;
	s6 =	sadd.s32 @!p0 $0x88, s6;
	s7 =	simm.s32 @p2 $0x1082  }
0x22: {  	[simem:s7], [sflag:s8] =	dma.local @!p0 [hbm:s6], $0xF7A  }
0x23: {  	s9 =	sor.u32 $0xD0000000, s2;
	s6 =	simm.s32 $0x108;
	_ =	swait.ge @!p0 [sflag:s8], $0x0  }
0x24: {  	s3 =	sadd.s32 $0x88, s3;
	s6 =	simm.s32 @!p1 $0x1082;
	[sflag:s4] =	ssyncset.s32 $0xFFFFF086  }
0x25: {  	[simem:s6], [sflag:s4] =	dma.local [hbm:s3], $0xF7A  }
0x26: {  	[smem:$0x3F7C] =	sst s1;
	(tag) =	ssettag s2;
	_ =	strace s9  }
0x27: {  	s1 =	sld [smem:$0x3F8C]  }
0x28: {  	s2 =	sld [smem:$0x3F8D]  }
0x29: {  	s4 =	sld [smem:$0x3F8F]  }
0x2a: {  	p0 =	seq.s32 s5, $0x0;
	s5 =	sld [smem:$0x3F90]  }
0x2b: {  	s6 =	sld [smem:$0x3F91]  }
0x2c: {  	s7 =	sld [smem:$0x3F92]  }
0x2d: {  	s3 =	simm.s32 $0x108;
	s8 =	sld [smem:$0x3F93]  }
0x2e: {  	s3 =	simm.s32 @!p0 $0x1082;
	s9 =	sld [smem:$0x3F94]  }
0x2f: {  	lr =	sadd.s32 s0, s3;
	s0 =	sld [smem:$0x3F8B]  }
0x30: {  	s3 =	sld [smem:$0x3F8E]  }
0x31: {  	[smem:$0x3F97] =	sst s10  }
0x32: {  	s10 =	sld [smem:$0x3F95];
	_ =	sdelay $0x3  }
0x33: {  	p0 =	seq.s32 s10, $0x1;
	s10 =	sld [smem:$0x3F97];
	_ =	sdelay $0x3  }
0x34: {  	[smem:$0x3F97] =	sst s10  }
0x35: {  	s10 =	sld [smem:$0x3F96];
	_ =	sdelay $0x3  }
0x36: {  	p1 =	seq.s32 s10, $0x1;
	s10 =	sld [smem:$0x3F97];
	_ =	sdelay $0x3  }
0x37: {  	[smem:$0x3F97] =	sst s10  }
0x38: {  	s10 =	sld [smem:$0x3F98]  }
0x39: {  	_ = 	snop;
	(pc) =	sbr.ind lr, $3  }
0x3a: {  	_ = 	snop  }
0x3b: {  	_ = 	snop  }
0x3c: {  	p2 =	seq.s32 s10, $0x1;
	s10 =	sld [smem:$0x3F97]  }
0x3d: {  	_ =	shalt  }
0x3e: {  	_ =	shalt  }
0x3f: {  	_ =	shalt  }
0x40: {  	_ =	shalt  }
0x41: {  	_ =	shalt  }
0x42: {  	_ =	shalt  }
0x43: {  	_ =	shalt  }
0x44: {  	_ =	shalt  }
0x45: {  	_ =	shalt  }
0x46: {  	_ =	shalt  }
0x47: {  	_ =	shalt  }
0x48: {  	_ =	shalt  }
0x49: {  	_ =	shalt  }
0x4a: {  	_ =	shalt  }
0x4b: {  	_ =	shalt  }
0x4c: {  	_ =	shalt  }
0x4d: {  	_ =	shalt  }
0x4e: {  	_ =	shalt  }
0x4f: {  	_ =	shalt  }
0x50: {  	_ =	shalt  }
0x51: {  	_ =	shalt  }
0x52: {  	_ =	shalt  }
0x53: {  	_ =	shalt  }
0x54: {  	_ =	shalt  }
0x55: {  	_ =	shalt  }
0x56: {  	_ =	shalt  }
0x57: {  	_ =	shalt  }
0x58: {  	_ =	shalt  }
0x59: {  	_ =	shalt  }
0x5a: {  	_ =	shalt  }
0x5b: {  	_ =	shalt  }
0x5c: {  	_ =	shalt  }
0x5d: {  	_ =	shalt  }
0x5e: {  	_ =	shalt  }
0x5f: {  	_ =	shalt  }
0x60: {  	_ =	shalt  }
0x61: {  	_ =	shalt  }
0x62: {  	_ =	shalt  }
0x63: {  	_ =	shalt  }
0x64: {  	_ =	shalt  }
0x65: {  	_ =	shalt  }
0x66: {  	_ =	shalt  }
0x67: {  	_ =	shalt  }
0x68: {  	_ =	shalt  }
0x69: {  	_ =	shalt  }
0x6a: {  	_ =	shalt  }
0x6b: {  	_ =	shalt  }
0x6c: {  	_ =	shalt  }
0x6d: {  	_ =	shalt  }
0x6e: {  	_ =	shalt  }
0x6f: {  	_ =	shalt  }
0x70: {  	_ =	shalt  }
0x71: {  	_ =	shalt  }
0x72: {  	_ =	shalt  }
0x73: {  	_ =	shalt  }
0x74: {  	_ =	shalt  }
0x75: {  	_ =	shalt  }
0x76: {  	_ =	shalt  }
0x77: {  	_ =	shalt  }
0x78: {  	_ =	shalt  }
0x79: {  	_ =	shalt  }
0x7a: {  	_ =	shalt  }
0x7b: {  	_ =	shalt  }
0x7c: {  	_ =	shalt  }
0x7d: {  	_ =	shalt  }
0x7e: {  	_ =	shalt  }
0x7f: {  	_ =	shalt  }
0x80: {  	_ =	shalt  }
0x81: {  	_ =	shalt  }
0x82: {  	_ =	shalt  }
0x83: {  	_ =	shalt  }
0x84: {  	_ =	shalt  }
0x85: {  	_ =	shalt  }
0x86: {  	_ =	shalt  }
0x87: {  	_ =	shalt  }
.Lfunc_end0:
.L_simem_size_0:
called_computation.2_lowered:
.L_overlay_start_0:
0x88: {  	s2 =	sld [smem:$0x3FD9]  }
0x89: {  	s3 =	sld [smem:$0x3FFE];
	_ =	sdelay $0x1  }
0x8a: {  	s1 =	srdreg.scid  }
0x8b: {  	s0 =	sand.u32 $0x1, s1  }
0x8c: {  	s14 =	sshll.u32 s0, $0xA;
	s2 =	sadd.s32 s3, s2  }
0x8d: {  	s2 =	sadd.s32 s2, s14  }
0x8e: {  	[smem:$0x3FA3] =	sst s2  }
0x8f: {  	_ = 	snop  }
0x90: {  	s2 =	sld [smem:$0x3FD0];
	_ =	sdelay $0x2  }
0x91: {  	s15 =	simm.s32 $0xA;
	s4 =	simm.s32 $0x10  }
0x92: {  	[smem:s4], [sflag:s15] =	dma.local [hbm:s2], $0x1  }
0x93: {  	_ =	swait.eq [sflag:s15], $0x1  }
0x94: {  	[sflag:s15] =	ssyncset.done $0x0  }
0x95: {  	s16 =	sld [smem:$0x10];
	[sflag:s15] =	ssyncadd.s32 $0xFFFFFFFF  }
0x96: {  	s17 =	sld [smem:$0x11];
	(tm) =	ssettm $0x1  }
0x97: {  	s18 =	sld [smem:$0x3FFB];
	_ =	sdelay $0x3  }
0x98: {  	_ =	strace s18  }
0x99: {  	s4 =	sld [smem:$0x3FFC];
	_ =	sdelay $0x3  }
0x9a: {  	_ =	strace s4  }
0x9b: {  	s4 =	sld [smem:$0x3FFD];
	_ =	sdelay $0x3  }
0x9c: {  	_ =	strace s4  }
0x9d: {  	_ =	strace $0x8FFFFFFF  }
0x9e: {  	s19 =	sld [smem:$0x3FDB];
	_ =	sdelay $0x1  }
0x9f: {  	s5 =	simm.s32 $_scs_section_size  }
0xa0: {  	s6 =	simm.s32 $_size__tile_overlayer_lowered;
	s7 =	simm.s32 $_tile_overlayer_lowered  }
0xa1: {  	s22 =	simm.s32 $0x1BFF;
	s21 =	sshll.u32 s7, $0x1;
	s4 =	sadd.s32 s5, s19  }
0xa2: {  	s8 =	simm.s32 $0x0;
	s20 =	sshll.u32 s6, $0x1;
	s6 =	sadd.s32 s21, s4  }
0xa3: {  	[timem:s8], [sflag:s22] =	dma.local [hbm:s6], s20  }
0xa4: {  	_ =	swait.ge [sflag:s22], s20  }
0xa5: {  	s5 =	ssub.s32 $0x0, s20;
	[sflag:s22] =	ssyncset.done $0x0  }
0xa6: {  	[sflag:s22] =	ssyncadd.s32 s5;
	_ =	sdelay $0x1  }
0xa7: {  	s23 =	simm.s32 $0x1B8B  }
0xa8: {  	_ =	swait.ge [sflag:s23], $0x1  }
0xa9: {  	[sflag:s23] =	ssyncset.done $0x0  }
0xaa: {  	s25 =	simm.s32 $0x1B8E;
	s24 =	sld [smem:$0x3FFE];
	[sflag:s23] =	ssyncadd.s32 $0xFFFFFFFF  }
0xab: {  	s26 =	simm.s32 $execute0_lowered;
	[smem:$0x3FD2] =	sst s25  }
0xac: {  	s6 =	sshll.u32 s26, $0x1;
	_ =	strace $0x8000004C;
	[dreg:$0x1] =	wrdreg $0xFFFFFFFF  }
0xad: {  	s28 =	simm.s32 $_size_execute0_lowered;
	s4 =	sadd.s32 s4, s6;
	[dreg:$0x0] =	wrdreg $0x0  }
0xae: {  	s6 =	sshll.u32 s28, $0x1;
	[dreg:$0x2] =	wrdreg s4  }
0xaf: {  	[dreg:$0x3] =	wrdreg s6  }
0xb0: {  	[dreg:$0x4] =	wrdreg $0xC0  }
0xb1: {  	_ =	task [dreg:s8], $0x5FFFF  }
0xb2: {  	[dreg:$0x1] =	wrdreg $0xFFFFFFFF  }
0xb3: {  	[dreg:$0x0] =	wrdreg $0x60  }
0xb4: {  	[dreg:$0x2] =	wrdreg s16  }
0xb5: {  	[dreg:$0x3] =	wrdreg s24  }
0xb6: {  	[dreg:$0x4] =	wrdreg s17  }
0xb7: {  	[dreg:$0x5] =	wrdreg $0x79800  }
0xb8: {  	[dreg:$0x6] =	wrdreg $0x1B9800  }
0xb9: {  	[dreg:$0x7] =	wrdreg $0x9  }
0xba: {  	_ =	task.clear_ibuf [dreg:s8], $0x8FFFF;
	_ =	strace $0x9000004C  }
0xbb: {  	s29 =	simm.s32 $0x9;
	_ =	strace $0x8000004E  }
0xbc: {  	_ =	swait.ge [sflag:s29], $0x1  }
0xbd: {  	[sflag:s29] =	ssyncadd.s32 $0xFFFFFFFF  }
0xbe: {  	_ =	strace $0x9000004E  }
0xbf: {  	_ =	sfence  }
0xc0: {  	s30 =	sld [smem:$0x0];
	_ =	sdelay $0x2  }
0xc1: {  	s31 =	sshll.u32 s1, $0xD;
	s1 =	sshrl.u32 s1, $0x2  }
0xc2: {  	s3 =	sand.u32 $0x4000, s31;
	s1 =	sadd.s32 s1, s30  }
0xc3: {  	s0 =	sor.u32 s3, s0;
	s1 =	sshll.u32 s1, $0x11  }
0xc4: {  	s0 =	sor.u32 s1, s0  }
0xc5: {  	s0 =	sadd.s32 $0x8F2B, s0  }
0xc6: {  	[sflag:s0] =	ssyncadd.remote.s32 $0x1  }
0xc7: {  	_ =	sfence.sel $0xFFFF  }
0xc8: {  	[dreg:$0x0] =	wrdreg $0xFFFFFFFF;
	(pc) =	sbr.abs _section_cstart, $3  }
0xc9: {  	[dreg:$0x1] =	wrdreg $0xFFFFFFFF  }
0xca: {  	_ =	task.clear_ibuf [dreg:s8], $0x2FFFF;
	_ =	strace $0x9FFFFFFF  }
0xcb: {  	(tm) =	ssettm $0x7FFFFFFF  }
tec
execute0_lowered:
.L_overlay_start_1:
0x0: {  	(tag) =	ssettag $0x1  }
0x1: {  	s6 =	stileid.u32  }
0x2: {  	s0 =	rddreg [dreg:$0x0];
	s11 =	smul.u32 $0x14000, s6  }
0x3: {  	s3 =	srdreg.scid;
	s13 =	smul.u32 $0x2800, s6  }
0x4: {  	s1 =	rddreg [dreg:$0x1];
	s3 =	sand.u32 $0x1, s3;
	s23 =	smul.u32 $0x50000, s6  }
0x5: {  	s2 =	rddreg [dreg:$0x2];
	s10 =	smul.u32 $0x140000, s3  }
0x6: {  	s4 =	rddreg [dreg:$0x3];
	s12 =	smul.u32 $0x28000, s3  }
0x7: {  	s5 =	rddreg [dreg:$0x4];
	s21 =	simm.s32 $0x0;
	s10 =	sadd.s32 s11, s10  }
0x8: {  	s22 =	sadd.s32 s13, s12;
	s12 =	sshrl.u32 s23, $0x2;
	s10 =	sshrl.u32 s10, $0x3  }
0x9: {  	[smem:$0x7FF] =	sst s21;
	s24 =	sadd.s32 s10, s1;
	s10 =	sadd.s32 s12, s4  }
0xa: {  	_ =	strace $0x8000004D;
	s12 =	sadd.s32 $0x1400, s10;
	[dreg:$0x7] =	wrdreg s10  }
0xb: {  	s28 =	sadd.s32 $0x2800, s10;
	[dreg:$0x8] =	wrdreg s12  }
0xc: {  	s7 =	sadd.s32 $0x1B000, s1;
	s29 =	sadd.s32 $0x3C00, s10;
	[dreg:$0x9] =	wrdreg s28  }
0xd: {  	s8 =	sadd.s32 $0x11200, s1;
	s30 =	sadd.s32 $0x5000, s10;
	[dreg:$0xa] =	wrdreg s29  }
0xe: {  	s9 =	sadd.s32 $0x7400, s1;
	s31 =	sadd.s32 $0x6400, s10;
	[dreg:$0xb] =	wrdreg s30  }
0xf: {  	s14 =	smul.u32 $0xA000, s6;
	s15 =	sadd.s32 $0x7800, s10;
	[dreg:$0xc] =	wrdreg s31  }
0x10: {  	s25 =	ssub.s32 $0x2, s3;
	s16 =	sadd.s32 $0x8C00, s10;
	[dreg:$0xd] =	wrdreg s15  }
0x11: {  	s3 =	sshll.u32 s3, $0x4;
	s17 =	sadd.s32 $0xA000, s10;
	[dreg:$0xe] =	wrdreg s16  }
0x12: {  	s26 =	sshrl.u32 s25, $0x1;
	s18 =	sadd.s32 $0xB400, s10;
	[dreg:$0xf] =	wrdreg s17  }
0x13: {  	s11 =	sshrl.u32 s22, $0x3;
	s19 =	sadd.s32 $0xC800, s10;
	[dreg:$0x10] =	wrdreg s18  }
0x14: {  	s1 =	sadd.s32 s11, s1;
	s20 =	sadd.s32 $0x9A400, s24;
	[dreg:$0x11] =	wrdreg s19  }
0x15: {  	s11 =	ssub.s32 s25, s26;
	s1 =	sadd.s32 $0x90400, s1;
	[dreg:$0x13] =	wrdreg s20  }
0x16: {  	s3 =	sor.u32 s6, s3;
	s23 =	smax.u32 s11, $0x1;
	[dreg:$0x14] =	wrdreg s1  }
0x17: {  	s13 =	simm.s32 $0x980;
	s24 =	sadd.s32 $0xDC00, s10;
	[dreg:$0x15] =	wrdreg s23  }
0x18: {  	s22 =	smul.u32 $0x2710, s3;
	s26 =	sadd.s32 $0xF000, s10;
	[dreg:$0x16] =	wrdreg s24  }
0x19: {  	s11 =	simm.s32 $0x1;
	s12 =	sshrl.u32 s14, $0x2;
	[dreg:$0x17] =	wrdreg s26  }
0x1a: {  	s28 =	sadd.s32 $0x10400, s10;
	s29 =	sadd.s32 $0x11800, s10;
	s30 =	sadd.s32 $0x12C00, s10  }
0x1b: {  	s1 =	simm.s32 $0x5180;
	s14 =	simm.s32 $0x1180;
	s15 =	simm.s32 $0x1980  }
0x1c: {  	s16 =	simm.s32 $0x2180;
	s17 =	simm.s32 $0x28;
	[dreg:$0x18] =	wrdreg s28  }
0x1d: {  	v3 =	vlaneseq.u32;
	v0 =	vimm.f32 $0.0e+00;
	s18 =	simm.s32 $0x2980;
	s19 =	simm.s32 $0x3D80;
	[dreg:$0x19] =	wrdreg s29  }
0x1e: {  	vm0 =	vmmov $0xffff;
	vm1 =	vmmov $0x1;
	vm2 =	vcmask $0x308;
	s20 =	simm.s32 $0x80;
	s25 =	sadd.s32 s12, s5;
	[dreg:$0x1a] =	wrdreg s30  }
0x1f: {  	vm3 =	vcmask $0x70C;
	vm4 =	vcmask $0xB10;
	v2 =	vshrl.u32 v3, $0x3;
	s23 =	simm.s32 $0x100;
	s31 =	sadd.s32 $0x1400, s25;
	[dreg:$0x12] =	wrdreg s25  }
0x20: {  	v1 =	vand.u32 $0x7, v3;
	v3 =	vor.u32 $0x8, v3;
	v2 =	vmul.u32 $0x8, v2;
	s24 =	simm.s32 $0x6580;
	s12 =	simm.s32 $0x180;
	[dreg:$0x1b] =	wrdreg s31  }
.LBB2_1:
0x21: {  	[dreg:$0x6] =	wrdreg s21;
	s3 =	simm.s32 $0x0;
	s21 =	simm.s32 $0x200  }
.LBB2_2:
0x22: {  	p0 =	sne.s32 s21, $0x4E00;
	[tilespmem:s3+$0x51F0] =	vst v0  }
0x23: {  	[tilespmem:s3+$0x5180] =	vst v0  }
0x24: {  	[tilespmem:s3+$0x5190] =	vst v0  }
.Ltmp0:
0x25: {  	[tilespmem:s3+$0x51A0] =	vst v0;
	(pc) =	sbr.rel @p0 .LBB2_2-.Ltmp0, $4  }
0x26: {  	[tilespmem:s3+$0x51B0] =	vst v0  }
0x27: {  	[tilespmem:s3+$0x51C0] =	vst v0  }
0x28: {  	[tilespmem:s3+$0x51D0] =	vst v0  }
0x29: {  	[tilespmem:s3+$0x51E0] =	vst v0;
	s3 =	sshra.s32 s21, $0x2;
	s21 =	sadd.s32 $0x200, s21  }
0x2a: {  	[tilespmem:s3+$0x51F0] =	vst v0  }
0x2b: {  	[tilespmem:s3+$0x5180] =	vst v0  }
0x2c: {  	[tilespmem:s3+$0x5190] =	vst v0  }
0x2d: {  	[tilespmem:s3+$0x51A0] =	vst v0  }
0x2e: {  	[tilespmem:s3+$0x51B0] =	vst v0  }
0x2f: {  	[tilespmem:s3+$0x51C0] =	vst v0  }
0x30: {  	[tilespmem:s3+$0x51D0] =	vst v0  }
0x31: {  	[tilespmem:s3+$0x51E0] =	vst v0  }
0x32: {  	[spmem:s10] =	stream.linear.scatter [tilespmem:s1], [sflag:$0x1], $0x1400, $0x38;
	[tilespmem:$0x1E180] =	vst v63  }
0x33: {  	_ =	swait.ge [sflag:s11], $0x1400  }
0x34: {  	[sflag:s11] =	ssyncset.done $0x0  }
0x35: {  	s6 =	rddreg [dreg:$0x8];
	[sflag:s11] =	ssyncadd.s32 $0xFFFFEC00  }
0x36: {  	[spmem:s6] =	stream.linear.scatter [tilespmem:s1], [sflag:$0x1], $0x1400, $0x38;
	[tilespmem:$0x1E180] =	vst v63  }
0x37: {  	_ =	swait.ge [sflag:s11], $0x1400  }
0x38: {  	[sflag:s11] =	ssyncset.done $0x0  }
0x39: {  	s10 =	rddreg [dreg:$0x9];
	[sflag:s11] =	ssyncadd.s32 $0xFFFFEC00  }
0x3a: {  	[spmem:s10] =	stream.linear.scatter [tilespmem:s1], [sflag:$0x1], $0x1400, $0x38;
	[tilespmem:$0x1E180] =	vst v63  }
0x3b: {  	_ =	swait.ge [sflag:s11], $0x1400  }
0x3c: {  	[sflag:s11] =	ssyncset.done $0x0  }
0x3d: {  	s21 =	rddreg [dreg:$0xa];
	[sflag:s11] =	ssyncadd.s32 $0xFFFFEC00  }
0x3e: {  	[spmem:s21] =	stream.linear.scatter [tilespmem:s1], [sflag:$0x1], $0x1400, $0x38;
	[tilespmem:$0x1E180] =	vst v63  }
0x3f: {  	_ =	swait.ge [sflag:s11], $0x1400  }
0x40: {  	[sflag:s11] =	ssyncset.done $0x0  }
0x41: {  	s26 =	rddreg [dreg:$0xb];
	[sflag:s11] =	ssyncadd.s32 $0xFFFFEC00  }
0x42: {  	[spmem:s26] =	stream.linear.scatter [tilespmem:s1], [sflag:$0x1], $0x1400, $0x38;
	[tilespmem:$0x1E180] =	vst v63  }
0x43: {  	_ =	swait.ge [sflag:s11], $0x1400  }
0x44: {  	[sflag:s11] =	ssyncset.done $0x0  }
0x45: {  	s28 =	rddreg [dreg:$0xc];
	[sflag:s11] =	ssyncadd.s32 $0xFFFFEC00  }
0x46: {  	[spmem:s28] =	stream.linear.scatter [tilespmem:s1], [sflag:$0x1], $0x1400, $0x38;
	[tilespmem:$0x1E180] =	vst v63  }
0x47: {  	_ =	swait.ge [sflag:s11], $0x1400  }
0x48: {  	[sflag:s11] =	ssyncset.done $0x0  }
0x49: {  	s29 =	rddreg [dreg:$0xd];
	[sflag:s11] =	ssyncadd.s32 $0xFFFFEC00  }
0x4a: {  	[spmem:s29] =	stream.linear.scatter [tilespmem:s1], [sflag:$0x1], $0x1400, $0x38;
	[tilespmem:$0x1E180] =	vst v63  }
0x4b: {  	_ =	swait.ge [sflag:s11], $0x1400  }
0x4c: {  	[sflag:s11] =	ssyncset.done $0x0  }
0x4d: {  	s30 =	rddreg [dreg:$0xe];
	[sflag:s11] =	ssyncadd.s32 $0xFFFFEC00  }
0x4e: {  	[spmem:s30] =	stream.linear.scatter [tilespmem:s1], [sflag:$0x1], $0x1400, $0x38;
	[tilespmem:$0x1E180] =	vst v63  }
0x4f: {  	_ =	swait.ge [sflag:s11], $0x1400  }
0x50: {  	[sflag:s11] =	ssyncset.done $0x0  }
0x51: {  	s31 =	rddreg [dreg:$0xf];
	[sflag:s11] =	ssyncadd.s32 $0xFFFFEC00  }
0x52: {  	[spmem:s31] =	stream.linear.scatter [tilespmem:s1], [sflag:$0x1], $0x1400, $0x38;
	[tilespmem:$0x1E180] =	vst v63  }
0x53: {  	_ =	swait.ge [sflag:s11], $0x1400  }
0x54: {  	[sflag:s11] =	ssyncset.done $0x0  }
0x55: {  	s6 =	rddreg [dreg:$0x10];
	[sflag:s11] =	ssyncadd.s32 $0xFFFFEC00  }
0x56: {  	[spmem:s6] =	stream.linear.scatter [tilespmem:s1], [sflag:$0x1], $0x1400, $0x38;
	[tilespmem:$0x1E180] =	vst v63  }
0x57: {  	_ =	swait.ge [sflag:s11], $0x1400  }
0x58: {  	[sflag:s11] =	ssyncset.done $0x0  }
0x59: {  	s10 =	rddreg [dreg:$0x11];
	[sflag:s11] =	ssyncadd.s32 $0xFFFFEC00  }
0x5a: {  	[spmem:s10] =	stream.linear.scatter [tilespmem:s1], [sflag:$0x1], $0x1400, $0x38;
	[tilespmem:$0x1E180] =	vst v63  }
0x5b: {  	_ =	swait.ge [sflag:s11], $0x1400  }
0x5c: {  	[sflag:s11] =	ssyncset.done $0x0  }
0x5d: {  	s21 =	rddreg [dreg:$0x16];
	[sflag:s11] =	ssyncadd.s32 $0xFFFFEC00  }
0x5e: {  	[spmem:s21] =	stream.linear.scatter [tilespmem:s1], [sflag:$0x1], $0x1400, $0x38;
	[tilespmem:$0x1E180] =	vst v63  }
0x5f: {  	_ =	swait.ge [sflag:s11], $0x1400  }
0x60: {  	[sflag:s11] =	ssyncset.done $0x0  }
0x61: {  	s26 =	rddreg [dreg:$0x17];
	[sflag:s11] =	ssyncadd.s32 $0xFFFFEC00  }
0x62: {  	[spmem:s26] =	stream.linear.scatter [tilespmem:s1], [sflag:$0x1], $0x1400, $0x38;
	[tilespmem:$0x1E180] =	vst v63  }
0x63: {  	_ =	swait.ge [sflag:s11], $0x1400  }
0x64: {  	[sflag:s11] =	ssyncset.done $0x0  }
0x65: {  	s28 =	rddreg [dreg:$0x18];
	[sflag:s11] =	ssyncadd.s32 $0xFFFFEC00  }
0x66: {  	[spmem:s28] =	stream.linear.scatter [tilespmem:s1], [sflag:$0x1], $0x1400, $0x38;
	[tilespmem:$0x1E180] =	vst v63  }
0x67: {  	_ =	swait.ge [sflag:s11], $0x1400  }
0x68: {  	[sflag:s11] =	ssyncset.done $0x0  }
0x69: {  	s29 =	rddreg [dreg:$0x19];
	[sflag:s11] =	ssyncadd.s32 $0xFFFFEC00  }
0x6a: {  	[spmem:s29] =	stream.linear.scatter [tilespmem:s1], [sflag:$0x1], $0x1400, $0x38;
	[tilespmem:$0x1E180] =	vst v63  }
0x6b: {  	_ =	swait.ge [sflag:s11], $0x1400  }
0x6c: {  	[sflag:s11] =	ssyncset.done $0x0  }
0x6d: {  	s30 =	rddreg [dreg:$0x1a];
	[sflag:s11] =	ssyncadd.s32 $0xFFFFEC00  }
0x6e: {  	[spmem:s30] =	stream.linear.scatter [tilespmem:s1], [sflag:$0x1], $0x1400, $0x38;
	[tilespmem:$0x1E180] =	vst v63  }
0x6f: {  	_ =	swait.ge [sflag:s11], $0x1400  }
0x70: {  	[sflag:s11] =	ssyncset.done $0x0  }
0x71: {  	[sflag:s11] =	ssyncadd.s32 $0xFFFFEC00  }
0x72: {  	[spmem:s25] =	stream.linear.scatter [tilespmem:s1], [sflag:$0x1], $0x1400, $0x38;
	[tilespmem:$0x1E180] =	vst v63  }
0x73: {  	_ =	swait.ge [sflag:s11], $0x1400  }
0x74: {  	[sflag:s11] =	ssyncset.done $0x0  }
0x75: {  	s31 =	rddreg [dreg:$0x1b];
	[sflag:s11] =	ssyncadd.s32 $0xFFFFEC00  }
0x76: {  	[spmem:s31] =	stream.linear.scatter [tilespmem:s1], [sflag:$0x1], $0x1400, $0x38;
	[tilespmem:$0x1E180] =	vst v63  }
0x77: {  	_ =	swait.ge [sflag:s11], $0x1400  }
0x78: {  	[sflag:s11] =	ssyncset.done $0x0  }
0x79: {  	[sflag:s11] =	ssyncadd.s32 $0xFFFFEC00  }
0x7a: {  	s26 =	simm.s32 $0x0;
	s25 =	simm.s32 $0x0;
	[bflag:$0x0] =	sbarrier.arrive $0xFFFF  }
.LBB2_4:
0x7b: {  	s3 =	smul.u32 $0x28, s26;
	_ =	sdelay $0x1  }
0x7c: {  	s3 =	sadd.s32 s22, s3  }
0x7d: {  	s21 =	sshrl.u32 s3, $0x3  }
0x7e: {  	s28 =	sadd.s32 s8, s21  }
0x7f: {  	[tilespmem:s25], [sflag:$0x1] =	stream.linear.gather [hbm4b:s28+s25], $0x28, $0x38;
	[tilespmem:$0x1E180] =	vst v63  }
0x80: {  	_ =	swait.ge [sflag:s11], $0x28  }
0x81: {  	[sflag:s11] =	ssyncset.done $0x0  }
0x82: {  	s21 =	sadd.s32 s9, s21;
	s28 =	simm.s32 $0x80;
	[sflag:s11] =	ssyncadd.s32 $0xFFFFFFD8  }
0x83: {  	[tilespmem:s28], [sflag:$0x1] =	stream.linear.gather [hbm4b:s21+s25], $0x28, $0x38;
	[tilespmem:$0x1E180] =	vst v63  }
0x84: {  	_ =	swait.ge [sflag:s11], $0x28  }
0x85: {  	[sflag:s11] =	ssyncset.done $0x0  }
0x86: {  	[sflag:s11] =	ssyncadd.s32 $0xFFFFFFD8  }
0x87: {  	v4 =	vld [tilespmem:$0x0];
	_ =	sdelay $0x4  }
0x88: {  	v5 =	vshll.u32 v4, $0x1  }
0x89: {  	v4 =	vand.u32 $0x7, v4;
	v5 =	vand.u32 $0xFFFFFFF0, v5  }
0x8a: {  	v4 =	vor.u32 v4, v5  }
0x8b: {  	v5 =	vperm.xlane v4, v1;
	_ =	sdelay $0x1  }
0x8c: {  	v4 =	vperm.xlane v4, v3;
	v5 =	vadd.s32 v2, v5;
	_ =	sdelay $0x1  }
0x8d: {  	v4 =	vadd.s32 v2, v4;
	_ =	sdelay $0x2  }
0x8e: {  	[tilespmem:s12], [sflag:$0x1] =	stream.indirect_vreg.gather [hbm4b:s7+s25], $0x80, v5, vm0, $0xb8;
	[tilespmem:$0x1E180] =	vst v63  }
0x8f: {  	_ = 	snop  }
0x90: {  	[tilespmem:s13], [sflag:$0x1] =	stream.indirect_vreg.gather [hbm4b:s7+s25], $0x80, v4, vm0, $0xb8;
	[tilespmem:$0x1E180] =	vst v63  }
0x91: {  	v4 =	vld [tilespmem:$0x10];
	_ =	sdelay $0x4  }
0x92: {  	v5 =	vshll.u32 v4, $0x1  }
0x93: {  	v4 =	vand.u32 $0x7, v4;
	v5 =	vand.u32 $0xFFFFFFF0, v5  }
0x94: {  	v4 =	vor.u32 v4, v5  }
0x95: {  	v5 =	vperm.xlane v4, v1;
	_ =	sdelay $0x1  }
0x96: {  	v4 =	vperm.xlane v4, v3;
	v5 =	vadd.s32 v2, v5;
	_ =	sdelay $0x1  }
0x97: {  	v4 =	vadd.s32 v2, v4;
	_ =	sdelay $0x2  }
0x98: {  	[tilespmem:s14], [sflag:$0x1] =	stream.indirect_vreg.gather [hbm4b:s7+s25], $0x80, v5, vm0, $0xb8;
	[tilespmem:$0x1E180] =	vst v63  }
0x99: {  	_ = 	snop  }
0x9a: {  	[tilespmem:s15], [sflag:$0x1] =	stream.indirect_vreg.gather [hbm4b:s7+s25], $0x80, v4, vm0, $0xb8;
	[tilespmem:$0x1E180] =	vst v63  }
0x9b: {  	v4 =	vld.msk [tilespmem:$0x20], $0xff;
	_ =	sdelay $0x4  }
0x9c: {  	v5 =	vshll.u32 v4, $0x1  }
0x9d: {  	v4 =	vand.u32 $0x7, v4;
	v5 =	vand.u32 $0xFFFFFFF0, v5  }
0x9e: {  	v4 =	vor.u32 v4, v5  }
0x9f: {  	v4 =	vperm.xlane v4, v1;
	_ =	sdelay $0x1  }
0xa0: {  	v4 =	vadd.s32 v2, v4;
	_ =	sdelay $0x4  }
0xa1: {  	[tilespmem:s16], [sflag:$0x1] =	stream.indirect_vreg.gather [hbm4b:s7+s25], $0x80, v4, vm0, $0xb8;
	[tilespmem:$0x1E180] =	vst v63  }
0xa2: {  	_ =	swait.ge [sflag:s11], $0x2800  }
0xa3: {  	[sflag:s11] =	ssyncset.done $0x0  }
0xa4: {  	[sflag:s11] =	ssyncadd.s32 $0xFFFFD800  }
0xa5: {  	[tilespmem:s18], [sflag:$0x1] =	stream.indirect.gather [hbm4b:s0+s17], $0x80, s28, s17, $0xb8;
	[tilespmem:$0x1E180] =	vst v63  }
0xa6: {  	_ =	swait.ge [sflag:s11], $0x1400  }
0xa7: {  	s3 =	sshll.u32 s3, $0x4;
	[sflag:s11] =	ssyncset.done $0x0  }
0xa8: {  	s3 =	sadd.s32 s2, s3;
	[sflag:s11] =	ssyncadd.s32 $0xFFFFEC00  }
0xa9: {  	[tilespmem:s19], [sflag:$0x1] =	stream.linear.gather [hbm4b:s3+s25], $0x1400, $0x38;
	[tilespmem:$0x1E180] =	vst v63  }
0xaa: {  	_ =	swait.ge [sflag:s11], $0x1400  }
0xab: {  	[sflag:s11] =	ssyncset.done $0x0  }
0xac: {  	[sflag:s11] =	ssyncadd.s32 $0xFFFFEC00  }
0xad: {  	v4 =	vld [tilespmem:$0x80]  }
0xae: {  	v5 =	vld [tilespmem:$0x90]  }
0xaf: {  	v6 =	vld [tilespmem:$0x98];
	_ =	sdelay $0x2  }
0xb0: {  	v4 =	vshrl.u32 v4, $0x3  }
0xb1: {  	[tilespmem:$0x100] =	vst v4;
	v4 =	vshrl.u32 v5, $0x3  }
0xb2: {  	[tilespmem:$0x110] =	vst v4;
	v4 =	vshrl.u32 v6, $0x3  }
0xb3: {  	s6 =	simm.s32 $0x0;
	s10 =	sand.u32 $0x3800, s25;
	s29 =	sand.u32 $0x380, s25;
	[tilespmem:$0x118] =	vst v4  }
0xb4: {  	s21 =	sor.u32 s29, s10;
	v4 =	vld [tilespmem:s6+$0x3D90]  }
0xb5: {  	v5 =	vld [tilespmem:s21+$0x190]  }
0xb6: {  	v6 =	vld [tilespmem:s21+$0x180]  }
0xb7: {  	v7 =	vld [tilespmem:s6+$0x3D80]  }
0xb8: {  	v8 =	vld [tilespmem:s6+$0x2990]  }
0xb9: {  	v9 =	vld [tilespmem:s6+$0x2980];
	_ =	sdelay $0x2  }
0xba: {  	v6 =	vadd.f32 v7, v6;
	v4 =	vadd.f32 v4, v5;
	_ =	sdelay $0x1  }
0xbb: {  	v5 =	vmul.f32 v6, v9;
	v4 =	vmul.f32 v4, v8;
	_ =	sdelay $0x1  }
0xbc: {  	v4 =	vadd.f32 v4, v5;
	_ =	sdelay $0x1  }
0xbd: {  	(xrf2) =	vadd.scan.msk.f32 $0xffff, v4;
	_ =	sdelay $0x5  }
0xbe: {  	v44 =	vld [tilespmem:s21+$0x1A0]  }
0xbf: {  	v6 =	vld [tilespmem:s21+$0x1B0]  }
0xc0: {  	v5 =	vld [tilespmem:s6+$0x3DA0]  }
0xc1: {  	v4 =	vld [tilespmem:s6+$0x3DB0]  }
0xc2: {  	v45 =	vld [tilespmem:s6+$0x29B0];
	v10, _, _ =	vpop (xrf2)  }
0xc3: {  	v11 =	vld [tilespmem:s6+$0x29A0];
	v10 =	vmul.f32 $1.442695020e+00, v10;
	_ =	sdelay $0x1  }
0xc4: {  	v10 =	vbroadcast v10, $0xF  }
0xc5: {  	v5 =	vadd.f32 v5, v44;
	v4 =	vadd.f32 v4, v6  }
0xc6: {  	(erf) = vpow2.f32 v10  }
0xc7: {  	v5 =	vmul.f32 v5, v11;
	v4 =	vmul.f32 v4, v45;
	_ =	sdelay $0x1  }
0xc8: {  	v4 =	vadd.f32 v4, v5;
	v5 =	vld [tilespmem:s21+$0x580];
	_ =	sdelay $0x1  }
0xc9: {  	(xrf2) =	vadd.scan.msk.f32 $0xffff, v4;
	_ =	sdelay $0x1  }
0xca: {  	v46 =	vld [tilespmem:s21+$0x1E0]  }
0xcb: {  	v47 =	vld [tilespmem:s21+$0x1D0];
	v5 =	vadd.f32 v5, v7  }
0xcc: {  	v48 =	vld [tilespmem:s21+$0x1C0];
	v7 =	vpop (erf)  }
0xcd: {  	v49 =	vld [tilespmem:s6+$0x3D90];
	v5 =	vmul.f32 v5, v7  }
0xce: {  	v12 =	vld [tilespmem:s6+$0x3DC0]  }
0xcf: {  	v6 =	vld [tilespmem:s21+$0x1F0];
	[tilespmem:s6+$0x5180] =	vst v5  }
0xd0: {  	v5 =	vld [tilespmem:s21+$0x590]  }
0xd1: {  	v4 =	vld [tilespmem:s6+$0x3DD0]  }
0xd2: {  	v13 =	vld [tilespmem:s6+$0x29D0];
	v14, _, _ =	vpop (xrf2)  }
0xd3: {  	v15 =	vld [tilespmem:s6+$0x29C0];
	v14 =	vmul.f32 $1.442695020e+00, v14;
	_ =	sdelay $0x1  }
0xd4: {  	v14 =	vbroadcast v14, $0xF;
	v5 =	vadd.f32 v49, v5  }
0xd5: {  	v10 =	vadd.f32 v12, v48;
	v4 =	vadd.f32 v4, v47  }
0xd6: {  	(erf) = vpow2.f32 v14;
	v5 =	vmul.f32 v5, v7  }
0xd7: {  	v50 =	vmul.f32 v10, v15;
	v4 =	vmul.f32 v4, v13  }
0xd8: {  	[tilespmem:s6+$0x5190] =	vst v5;
	v5 =	vld [tilespmem:s6+$0x3DA0]  }
0xd9: {  	v4 =	vadd.f32 v4, v50;
	v51 =	vld [tilespmem:s21+$0x5A0];
	_ =	sdelay $0x1  }
0xda: {  	(xrf2) =	vadd.scan.msk.f32 $0xffff, v4;
	_ =	sdelay $0x2  }
0xdb: {  	v4 =	vadd.f32 v5, v51  }
0xdc: {  	v5 =	vpop (erf)  }
0xdd: {  	v4 =	vmul.f32 v4, v5  }
0xde: {  	v52 =	vld [tilespmem:s6+$0x3DF0]  }
0xdf: {  	[tilespmem:s6+$0x51A0] =	vst v4;
	v4 =	vld [tilespmem:s6+$0x3DB0]  }
0xe0: {  	v53 =	vld [tilespmem:s21+$0x5B0]  }
0xe1: {  	v54 =	vld [tilespmem:s6+$0x3DE0]  }
0xe2: {  	v55 =	vld [tilespmem:s6+$0x29F0];
	v56, _, _ =	vpop (xrf2)  }
0xe3: {  	v57 =	vld [tilespmem:s6+$0x29E0];
	v13 =	vmul.f32 $1.442695020e+00, v56;
	_ =	sdelay $0x1  }
0xe4: {  	v13 =	vbroadcast v13, $0xF;
	v4 =	vadd.f32 v4, v53  }
0xe5: {  	v8 =	vadd.f32 v54, v46;
	v6 =	vadd.f32 v52, v6  }
0xe6: {  	(erf) = vpow2.f32 v13;
	v4 =	vmul.f32 v4, v5  }
0xe7: {  	v8 =	vmul.f32 v8, v57;
	v6 =	vmul.f32 v6, v55  }
0xe8: {  	[tilespmem:s6+$0x51B0] =	vst v4;
	v4 =	vld [tilespmem:s6+$0x3DC0]  }
0xe9: {  	v6 =	vadd.f32 v6, v8;
	v58 =	vld [tilespmem:s21+$0x5C0];
	_ =	sdelay $0x1  }
0xea: {  	(xrf2) =	vadd.scan.msk.f32 $0xffff, v6;
	_ =	sdelay $0x2  }
0xeb: {  	v4 =	vadd.f32 v4, v58  }
0xec: {  	v6 =	vpop (erf)  }
0xed: {  	v4 =	vmul.f32 v4, v6;
	_ =	sdelay $0x1  }
0xee: {  	[tilespmem:s6+$0x51C0] =	vst v4;
	v4 =	vld [tilespmem:s6+$0x3DD0]  }
0xef: {  	v59 =	vld [tilespmem:s21+$0x5D0];
	_ =	sdelay $0x1  }
0xf0: {  	v60, _, _ =	vpop (xrf2)  }
0xf1: {  	v9 =	vmul.f32 $1.442695020e+00, v60;
	_ =	sdelay $0x1  }
0xf2: {  	v9 =	vbroadcast v9, $0xF;
	v4 =	vadd.f32 v4, v59;
	_ =	sdelay $0x1  }
0xf3: {  	(erf) = vpow2.f32 v9;
	v4 =	vmul.f32 v4, v6;
	_ =	sdelay $0x1  }
0xf4: {  	[tilespmem:s6+$0x51D0] =	vst v4;
	v4 =	vld [tilespmem:s6+$0x3DE0]  }
0xf5: {  	v61 =	vld [tilespmem:s21+$0x5E0];
	_ =	sdelay $0x4  }
0xf6: {  	v4 =	vadd.f32 v4, v61  }
0xf7: {  	v62 =	vpop (erf)  }
0xf8: {  	v4 =	vmul.f32 v4, v62;
	_ =	sdelay $0x1  }
0xf9: {  	[tilespmem:s6+$0x51E0] =	vst v4;
	v4 =	vld [tilespmem:s6+$0x3DF0]  }
0xfa: {  	v63 =	vld [tilespmem:s21+$0x5F0]  }
0xfb: {  	[tilespmem:s6+$0x65F0] =	vst v0  }
0xfc: {  	[tilespmem:s6+$0x65E0] =	vst v0  }
0xfd: {  	[tilespmem:s6+$0x65D0] =	vst v0  }
0xfe: {  	[tilespmem:s6+$0x65C0] =	vst v0  }
0xff: {  	[tilespmem:s6+$0x65B0] =	vst v0;
	v4 =	vadd.f32 v4, v63  }
0x100: {  	[tilespmem:s6+$0x65A0] =	vst v0  }
0x101: {  	[tilespmem:s6+$0x6590] =	vst v0;
	v4 =	vmul.f32 v4, v62  }
0x102: {  	[tilespmem:s6+$0x6580] =	vst v0  }
0x103: {  	[tilespmem:s6+$0x51F0] =	vst v4  }
0x104: {  	v4 =	vld [tilespmem:s28+$0x0];
	_ =	sdelay $0x4  }
0x105: {  	(v2sf) =	vpush v4, $0x0;
	_ =	sdelay $0xb  }
0x106: {  	v5 =	vsel vm2, $0x0, v5;
	v4 =	vnsel vm1, $0x0, v7  }
0x107: {  	v4 =	vadd.f32 v5, v4  }
0x108: {  	v5 =	vsel vm3, $0x0, v6  }
0x109: {  	v4 =	vadd.f32 v5, v4;
	s21 =	spop (v2sf)  }
0x10a: {  	v5 =	vsel vm4, $0x0, v62;
	s3 =	sand.u32 $0x7, s21  }
0x10b: {  	v4 =	vadd.f32 v5, v4;
	s3 =	sshll.u32 s3, $0x4  }
0x10c: {  	s31 =	simm.s32 $0x100;
	s6 =	sadd.s32 $0x0, s3;
	s3 =	simm.s32 $0x80  }
0x10d: {  	s30 =	sand.u32 $0x3800, s31;
	s29 =	simm.s32 $0x80;
	s10 =	sand.u32 $0x380, s3;
	[tilespmem:s6+$0x6580] =	vst v4  }
0x10e: {  	s30 =	sor.u32 s10, s30;
	v4 =	vld [tilespmem:s29+$0x3D90]  }
0x10f: {  	s21 =	simm.s32 $0x400;
	v5 =	vld [tilespmem:s30+$0x190]  }
.LBB2_5:
0x110: {  	p0 =	sne.s32 s21, $0x4E00;
	v6 =	vld [tilespmem:s30+$0x180]  }
0x111: {  	v7 =	vld [tilespmem:s29+$0x3D80]  }
0x112: {  	v8 =	vld [tilespmem:s29+$0x2990]  }
0x113: {  	v9 =	vld [tilespmem:s29+$0x2980];
	_ =	sdelay $0x2  }
0x114: {  	v4 =	vadd.f32 v4, v5;
	v6 =	vadd.f32 v7, v6;
	_ =	sdelay $0x1  }
0x115: {  	v4 =	vmul.f32 v4, v8;
	v5 =	vmul.f32 v6, v9;
	_ =	sdelay $0x1  }
0x116: {  	v4 =	vadd.f32 v4, v5;
	_ =	sdelay $0x1  }
0x117: {  	(xrf2) =	vadd.scan.msk.f32 $0xffff, v4;
	_ =	sdelay $0x5  }
0x118: {  	v4 =	vld [tilespmem:s29+$0x3DB0]  }
0x119: {  	v5 =	vld [tilespmem:s29+$0x3DA0]  }
0x11a: {  	v6 =	vld [tilespmem:s30+$0x1B0]  }
0x11b: {  	v8 =	vld [tilespmem:s30+$0x1A0]  }
0x11c: {  	v9 =	vld [tilespmem:s29+$0x29B0];
	v10, _, _ =	vpop (xrf2)  }
0x11d: {  	v11 =	vld [tilespmem:s29+$0x29A0];
	v10 =	vmul.f32 $1.442695020e+00, v10;
	_ =	sdelay $0x1  }
0x11e: {  	v10 =	vbroadcast v10, $0xF  }
0x11f: {  	v4 =	vadd.f32 v4, v6;
	v5 =	vadd.f32 v5, v8  }
0x120: {  	(erf) = vpow2.f32 v10  }
0x121: {  	v4 =	vmul.f32 v4, v9;
	v5 =	vmul.f32 v5, v11;
	_ =	sdelay $0x1  }
0x122: {  	v4 =	vadd.f32 v4, v5;
	v5 =	vld [tilespmem:s30+$0x580];
	_ =	sdelay $0x1  }
0x123: {  	(xrf2) =	vadd.scan.msk.f32 $0xffff, v4;
	_ =	sdelay $0x1  }
0x124: {  	v6 =	vld [tilespmem:s29+$0x3DD0]  }
0x125: {  	v4 =	vadd.f32 v5, v7;
	v5 =	vld [tilespmem:s29+$0x3D90]  }
0x126: {  	v7 =	vld [tilespmem:s30+$0x1F0];
	v8 =	vpop (erf)  }
0x127: {  	v9 =	vld [tilespmem:s30+$0x1E0];
	v10 =	vmul.f32 v4, v8;
	v4 =	vnsel vm1, $0x0, v8  }
0x128: {  	v11 =	vld [tilespmem:s30+$0x1D0]  }
0x129: {  	v12 =	vld [tilespmem:s30+$0x1C0];
	[tilespmem:s29+$0x5180] =	vst v10  }
0x12a: {  	v10 =	vld [tilespmem:s30+$0x590]  }
0x12b: {  	v13 =	vld [tilespmem:s29+$0x3DC0]  }
0x12c: {  	v14 =	vld [tilespmem:s29+$0x29D0];
	v15, _, _ =	vpop (xrf2)  }
0x12d: {  	v16 =	vld [tilespmem:s29+$0x29C0];
	v15 =	vmul.f32 $1.442695020e+00, v15;
	_ =	sdelay $0x1  }
0x12e: {  	v15 =	vbroadcast v15, $0xF;
	v5 =	vadd.f32 v5, v10  }
0x12f: {  	v6 =	vadd.f32 v6, v11;
	v10 =	vadd.f32 v13, v12  }
0x130: {  	v5 =	vmul.f32 v5, v8;
	(erf) = vpow2.f32 v15  }
0x131: {  	v6 =	vmul.f32 v6, v14;
	v8 =	vmul.f32 v10, v16  }
0x132: {  	[tilespmem:s29+$0x5190] =	vst v5;
	v5 =	vld [tilespmem:s29+$0x3DA0]  }
0x133: {  	v6 =	vadd.f32 v6, v8;
	v8 =	vld [tilespmem:s30+$0x5A0];
	_ =	sdelay $0x1  }
0x134: {  	(xrf2) =	vadd.scan.msk.f32 $0xffff, v6;
	_ =	sdelay $0x2  }
0x135: {  	v6 =	vadd.f32 v5, v8  }
0x136: {  	v5 =	vpop (erf)  }
0x137: {  	v6 =	vmul.f32 v6, v5  }
0x138: {  	v8 =	vld [tilespmem:s29+$0x3DF0]  }
0x139: {  	[tilespmem:s29+$0x51A0] =	vst v6;
	v6 =	vld [tilespmem:s29+$0x3DB0]  }
0x13a: {  	v10 =	vld [tilespmem:s30+$0x5B0]  }
0x13b: {  	v11 =	vld [tilespmem:s29+$0x3DE0]  }
0x13c: {  	v12 =	vld [tilespmem:s29+$0x29F0];
	v13, _, _ =	vpop (xrf2)  }
0x13d: {  	v14 =	vld [tilespmem:s29+$0x29E0];
	v13 =	vmul.f32 $1.442695020e+00, v13;
	_ =	sdelay $0x1  }
0x13e: {  	v13 =	vbroadcast v13, $0xF;
	v6 =	vadd.f32 v6, v10  }
0x13f: {  	v7 =	vadd.f32 v8, v7;
	v9 =	vadd.f32 v11, v9  }
0x140: {  	v6 =	vmul.f32 v6, v5;
	(erf) = vpow2.f32 v13  }
0x141: {  	v7 =	vmul.f32 v7, v12;
	v8 =	vmul.f32 v9, v14  }
0x142: {  	[tilespmem:s29+$0x51B0] =	vst v6;
	v6 =	vld [tilespmem:s29+$0x3DC0]  }
0x143: {  	v7 =	vadd.f32 v7, v8;
	v8 =	vld [tilespmem:s30+$0x5C0];
	_ =	sdelay $0x1  }
0x144: {  	(xrf2) =	vadd.scan.msk.f32 $0xffff, v7;
	_ =	sdelay $0x2  }
0x145: {  	v6 =	vadd.f32 v6, v8  }
0x146: {  	v7 =	vpop (erf)  }
0x147: {  	v6 =	vmul.f32 v6, v7;
	_ =	sdelay $0x1  }
0x148: {  	[tilespmem:s29+$0x51C0] =	vst v6;
	v6 =	vld [tilespmem:s29+$0x3DD0]  }
0x149: {  	v8 =	vld [tilespmem:s30+$0x5D0];
	_ =	sdelay $0x1  }
0x14a: {  	v9, _, _ =	vpop (xrf2)  }
0x14b: {  	v9 =	vmul.f32 $1.442695020e+00, v9;
	_ =	sdelay $0x1  }
0x14c: {  	v9 =	vbroadcast v9, $0xF;
	v6 =	vadd.f32 v6, v8;
	_ =	sdelay $0x1  }
0x14d: {  	v6 =	vmul.f32 v6, v7;
	(erf) = vpow2.f32 v9;
	_ =	sdelay $0x1  }
0x14e: {  	[tilespmem:s29+$0x51D0] =	vst v6;
	v6 =	vld [tilespmem:s29+$0x3DE0]  }
0x14f: {  	v8 =	vld [tilespmem:s30+$0x5E0];
	_ =	sdelay $0x4  }
0x150: {  	v6 =	vadd.f32 v6, v8  }
0x151: {  	v8 =	vpop (erf)  }
0x152: {  	v6 =	vmul.f32 v6, v8;
	_ =	sdelay $0x1  }
0x153: {  	[tilespmem:s29+$0x51E0] =	vst v6;
	v6 =	vld [tilespmem:s29+$0x3DF0]  }
0x154: {  	v9 =	vld [tilespmem:s30+$0x5F0];
	[tilespmem:s29+$0x65F0] =	vst v0  }
0x155: {  	[tilespmem:s29+$0x65E0] =	vst v0  }
0x156: {  	[tilespmem:s29+$0x65D0] =	vst v0  }
0x157: {  	[tilespmem:s29+$0x65C0] =	vst v0  }
0x158: {  	[tilespmem:s29+$0x65B0] =	vst v0  }
0x159: {  	v6 =	vadd.f32 v6, v9;
	[tilespmem:s29+$0x65A0] =	vst v0  }
0x15a: {  	[tilespmem:s29+$0x6590] =	vst v0  }
0x15b: {  	v6 =	vmul.f32 v6, v8;
	[tilespmem:s29+$0x6580] =	vst v0;
	_ =	sdelay $0x1  }
0x15c: {  	s28 =	sadd.s32 $0x1, s28;
	[tilespmem:s29+$0x51F0] =	vst v6  }
0x15d: {  	v6 =	vld [tilespmem:s28+$0x0];
	_ =	sdelay $0x4  }
0x15e: {  	(v2sf) =	vpush v6, $0x0;
	_ =	sdelay $0xb  }
0x15f: {  	v5 =	vsel vm2, $0x0, v5  }
0x160: {  	v4 =	vadd.f32 v5, v4  }
0x161: {  	v5 =	vsel vm3, $0x0, v7  }
0x162: {  	v4 =	vadd.f32 v5, v4;
	s10 =	spop (v2sf)  }
0x163: {  	v5 =	vsel vm4, $0x0, v8;
	s10 =	sand.u32 $0x7, s10  }
.Ltmp1:
0x164: {  	v4 =	vadd.f32 v5, v4;
	s10 =	sshll.u32 s10, $0x4;
	(pc) =	sbr.rel @p0 .LBB2_5-.Ltmp1, $4  }
0x165: {  	s31 =	sadd.s32 $0x100, s31;
	s3 =	sadd.s32 $0x80, s3;
	s10 =	sadd.s32 s29, s10  }
0x166: {  	s6 =	sand.u32 $0x380, s3;
	s30 =	sand.u32 $0x3800, s31;
	s29 =	sshra.s32 s21, $0x2;
	[tilespmem:s10+$0x6580] =	vst v4  }
0x167: {  	s30 =	sor.u32 s6, s30;
	v4 =	vld [tilespmem:s29+$0x3D90]  }
0x168: {  	s21 =	sadd.s32 $0x200, s21;
	v5 =	vld [tilespmem:s30+$0x190]  }
0x169: {  	v6 =	vld [tilespmem:s30+$0x180]  }
0x16a: {  	v7 =	vld [tilespmem:s29+$0x3D80]  }
0x16b: {  	v8 =	vld [tilespmem:s29+$0x2990]  }
0x16c: {  	v9 =	vld [tilespmem:s29+$0x2980];
	_ =	sdelay $0x2  }
0x16d: {  	v4 =	vadd.f32 v4, v5;
	v6 =	vadd.f32 v7, v6;
	_ =	sdelay $0x1  }
0x16e: {  	v4 =	vmul.f32 v4, v8;
	v5 =	vmul.f32 v6, v9;
	_ =	sdelay $0x1  }
0x16f: {  	v4 =	vadd.f32 v4, v5;
	_ =	sdelay $0x1  }
0x170: {  	(xrf2) =	vadd.scan.msk.f32 $0xffff, v4;
	_ =	sdelay $0x5  }
0x171: {  	v38 =	vld [tilespmem:s30+$0x1B0]  }
0x172: {  	v39 =	vld [tilespmem:s30+$0x1A0]  }
0x173: {  	v5 =	vld [tilespmem:s29+$0x3DA0]  }
0x174: {  	v4 =	vld [tilespmem:s29+$0x3DB0]  }
0x175: {  	v10 =	vld [tilespmem:s29+$0x29B0];
	v40, _, _ =	vpop (xrf2)  }
0x176: {  	v11 =	vld [tilespmem:s29+$0x29A0];
	v9 =	vmul.f32 $1.442695020e+00, v40;
	_ =	sdelay $0x1  }
0x177: {  	v9 =	vbroadcast v9, $0xF  }
0x178: {  	v5 =	vadd.f32 v5, v39;
	v4 =	vadd.f32 v4, v38  }
0x179: {  	(erf) = vpow2.f32 v9  }
0x17a: {  	v5 =	vmul.f32 v5, v11;
	v4 =	vmul.f32 v4, v10;
	_ =	sdelay $0x1  }
0x17b: {  	v41 =	vld [tilespmem:s30+$0x580];
	v4 =	vadd.f32 v4, v5;
	_ =	sdelay $0x1  }
0x17c: {  	(xrf2) =	vadd.scan.msk.f32 $0xffff, v4;
	_ =	sdelay $0x1  }
0x17d: {  	v42 =	vld [tilespmem:s30+$0x1F0]  }
0x17e: {  	v44 =	vld [tilespmem:s30+$0x1E0];
	v6 =	vadd.f32 v41, v7  }
0x17f: {  	v45 =	vld [tilespmem:s30+$0x1D0];
	v43 =	vpop (erf)  }
0x180: {  	v46 =	vld [tilespmem:s30+$0x1C0];
	v6 =	vmul.f32 v6, v43  }
0x181: {  	v13 =	vld [tilespmem:s29+$0x3DC0]  }
0x182: {  	v5 =	vld [tilespmem:s29+$0x3D90];
	[tilespmem:s29+$0x5180] =	vst v6  }
0x183: {  	v6 =	vld [tilespmem:s30+$0x590]  }
0x184: {  	v4 =	vld [tilespmem:s29+$0x3DD0]  }
0x185: {  	v14 =	vld [tilespmem:s29+$0x29D0];
	v12, _, _ =	vpop (xrf2)  }
0x186: {  	v47 =	vld [tilespmem:s29+$0x29C0];
	v12 =	vmul.f32 $1.442695020e+00, v12;
	_ =	sdelay $0x1  }
0x187: {  	v12 =	vbroadcast v12, $0xF;
	v5 =	vadd.f32 v5, v6  }
0x188: {  	v11 =	vadd.f32 v13, v46;
	v4 =	vadd.f32 v4, v45  }
0x189: {  	(erf) = vpow2.f32 v12;
	v5 =	vmul.f32 v5, v43  }
0x18a: {  	v4 =	vmul.f32 v4, v14;
	v6 =	vmul.f32 v11, v47  }
0x18b: {  	[tilespmem:s29+$0x5190] =	vst v5;
	v5 =	vld [tilespmem:s29+$0x3DA0]  }
0x18c: {  	v4 =	vadd.f32 v4, v6;
	v48 =	vld [tilespmem:s30+$0x5A0];
	_ =	sdelay $0x1  }
0x18d: {  	(xrf2) =	vadd.scan.msk.f32 $0xffff, v4;
	_ =	sdelay $0x2  }
0x18e: {  	v4 =	vadd.f32 v5, v48  }
0x18f: {  	v5 =	vpop (erf)  }
0x190: {  	v4 =	vmul.f32 v4, v5  }
0x191: {  	v49 =	vld [tilespmem:s29+$0x3DF0]  }
0x192: {  	[tilespmem:s29+$0x51A0] =	vst v4;
	v4 =	vld [tilespmem:s29+$0x3DB0]  }
0x193: {  	v50 =	vld [tilespmem:s30+$0x5B0]  }
0x194: {  	v52 =	vld [tilespmem:s29+$0x3DE0]  }
0x195: {  	v53 =	vld [tilespmem:s29+$0x29F0];
	v51, _, _ =	vpop (xrf2)  }
0x196: {  	v54 =	vld [tilespmem:s29+$0x29E0];
	v11 =	vmul.f32 $1.442695020e+00, v51;
	_ =	sdelay $0x1  }
0x197: {  	v11 =	vbroadcast v11, $0xF;
	v4 =	vadd.f32 v4, v50  }
0x198: {  	v9 =	vadd.f32 v52, v44;
	v6 =	vadd.f32 v49, v42  }
0x199: {  	(erf) = vpow2.f32 v11;
	v4 =	vmul.f32 v4, v5  }
0x19a: {  	v55 =	vmul.f32 v9, v54;
	v6 =	vmul.f32 v6, v53  }
0x19b: {  	[tilespmem:s29+$0x51B0] =	vst v4;
	v4 =	vld [tilespmem:s29+$0x3DC0]  }
0x19c: {  	v6 =	vadd.f32 v6, v55;
	v56 =	vld [tilespmem:s30+$0x5C0];
	_ =	sdelay $0x1  }
0x19d: {  	(xrf2) =	vadd.scan.msk.f32 $0xffff, v6;
	_ =	sdelay $0x2  }
0x19e: {  	v4 =	vadd.f32 v4, v56  }
0x19f: {  	v57 =	vpop (erf)  }
0x1a0: {  	v4 =	vmul.f32 v4, v57;
	_ =	sdelay $0x1  }
0x1a1: {  	[tilespmem:s29+$0x51C0] =	vst v4;
	v4 =	vld [tilespmem:s29+$0x3DD0]  }
0x1a2: {  	v58 =	vld [tilespmem:s30+$0x5D0];
	_ =	sdelay $0x1  }
0x1a3: {  	v59, _, _ =	vpop (xrf2)  }
0x1a4: {  	v9 =	vmul.f32 $1.442695020e+00, v59;
	_ =	sdelay $0x1  }
0x1a5: {  	v60 =	vbroadcast v9, $0xF;
	v4 =	vadd.f32 v4, v58;
	_ =	sdelay $0x1  }
0x1a6: {  	(erf) = vpow2.f32 v60;
	v4 =	vmul.f32 v4, v57;
	_ =	sdelay $0x1  }
0x1a7: {  	[tilespmem:s29+$0x51D0] =	vst v4;
	v4 =	vld [tilespmem:s29+$0x3DE0]  }
0x1a8: {  	v61 =	vld [tilespmem:s30+$0x5E0];
	_ =	sdelay $0x4  }
0x1a9: {  	v4 =	vadd.f32 v4, v61  }
0x1aa: {  	v62 =	vpop (erf)  }
0x1ab: {  	v4 =	vmul.f32 v4, v62;
	_ =	sdelay $0x1  }
0x1ac: {  	[tilespmem:s29+$0x51E0] =	vst v4;
	v4 =	vld [tilespmem:s29+$0x3DF0]  }
0x1ad: {  	v63 =	vld [tilespmem:s30+$0x5F0]  }
0x1ae: {  	[tilespmem:s29+$0x65F0] =	vst v0  }
0x1af: {  	[tilespmem:s29+$0x65E0] =	vst v0  }
0x1b0: {  	[tilespmem:s29+$0x65D0] =	vst v0  }
0x1b1: {  	[tilespmem:s29+$0x65C0] =	vst v0  }
0x1b2: {  	[tilespmem:s29+$0x65B0] =	vst v0;
	v4 =	vadd.f32 v4, v63  }
0x1b3: {  	[tilespmem:s29+$0x65A0] =	vst v0  }
0x1b4: {  	[tilespmem:s29+$0x6590] =	vst v0;
	v4 =	vmul.f32 v4, v62  }
0x1b5: {  	[tilespmem:s29+$0x6580] =	vst v0  }
0x1b6: {  	s3 =	sadd.s32 $0x1, s28;
	[tilespmem:s29+$0x51F0] =	vst v4  }
0x1b7: {  	v4 =	vld [tilespmem:s3+$0x0];
	_ =	sdelay $0x4  }
0x1b8: {  	(v2sf) =	vpush v4, $0x0;
	_ =	sdelay $0xb  }
0x1b9: {  	v5 =	vsel vm2, $0x0, v5;
	v4 =	vnsel vm1, $0x0, v43  }
0x1ba: {  	v4 =	vadd.f32 v5, v4  }
0x1bb: {  	v5 =	vsel vm3, $0x0, v57  }
0x1bc: {  	v4 =	vadd.f32 v5, v4;
	s31 =	spop (v2sf)  }
0x1bd: {  	v5 =	vsel vm4, $0x0, v62;
	s3 =	sand.u32 $0x7, s31  }
0x1be: {  	v4 =	vadd.f32 v5, v4;
	s3 =	sshll.u32 s3, $0x4  }
0x1bf: {  	s3 =	sadd.s32 s29, s3  }
0x1c0: {  	[tilespmem:s3+$0x6580] =	vst v4  }
0x1c1: {  	[spmem:s4] =	stream.indirect.scatter.add.f32 [tilespmem:s1], [sflag:$0x1], $0x80, s20, s17, $0xb8;
	[tilespmem:$0x1E180] =	vst v63  }
0x1c2: {  	s26 =	sadd.s32 $0x1, s26;
	_ =	swait.ge [sflag:s11], $0x1400  }
0x1c3: {  	p0 =	sne.s32 s26, $0xFA;
	[sflag:s11] =	ssyncset.done $0x0  }
.Ltmp2:
0x1c4: {  	[sflag:s11] =	ssyncadd.s32 $0xFFFFEC00;
	(pc) =	sbr.rel @p0 .LBB2_4-.Ltmp2, $4  }
0x1c5: {  	[spmem:s5] =	stream.indirect.scatter.add.f32 [tilespmem:s24], [sflag:$0x1], $0x80, s23, s17, $0xb8;
	[tilespmem:$0x1E180] =	vst v63  }
0x1c6: {  	_ =	swait.ge [sflag:s11], $0x1400  }
0x1c7: {  	[sflag:s11] =	ssyncset.done $0x0  }
0x1c8: {  	[sflag:s11] =	ssyncadd.s32 $0xFFFFEC00  }
0x1c9: {  	s3 =	stileid.u32;
	[bflag:$0x0] =	sbarrier.arrive $0xFFFF  }
0x1ca: {  	s3 =	sshll.u32 s3, $0x6;
	s10 =	rddreg [dreg:$0x7]  }
0x1cb: {  	s21 =	rddreg [dreg:$0x13];
	s3 =	sor.u32 $0x1C01, s3;
	s6 =	sshrl.u32 s10, $0x3  }
0x1cc: {  	[hbm:s21], [sflag:s3] =	dma.local [spmem:s6], $0x2800  }
0x1cd: {  	_ =	swait.ge [sflag:s11], $0x2800  }
0x1ce: {  	[sflag:s11] =	ssyncset.done $0x0;
	s25 =	rddreg [dreg:$0x12]  }
0x1cf: {  	s29 =	rddreg [dreg:$0x14];
	[sflag:s11] =	ssyncadd.s32 $0xFFFFD800;
	s28 =	sshrl.u32 s25, $0x3  }
0x1d0: {  	[hbm:s29], [sflag:s3] =	dma.local [spmem:s28], $0x500  }
0x1d1: {  	_ =	swait.ge [sflag:s11], $0x500  }
0x1d2: {  	s30 =	rddreg [dreg:$0x6]  }
0x1d3: {  	s31 =	rddreg [dreg:$0x15];
	s21 =	sadd.s32 $0x1, s30  }
0x1d4: {  	p0 =	sne.s32 s21, s31  }
.Ltmp3:
0x1d5: {  	_ = 	snop;
	(pc) =	sbr.rel @p0 .LBB2_1-.Ltmp3, $3  }
0x1d6: {  	_ =	sdelay $0x1  }
0x1d7: {  	[sflag:s11] =	ssyncset.done $0x0  }
0x1d8: {  	[sflag:s11] =	ssyncadd.s32 $0xFFFFFB00  }
0x1d9: {  	_ =	sfence.sel $0x180000  }
0x1da: {  	[bflag:$0x0] =	sbarrier.arrive $0xFFFF  }
0x1db: {  	_ =	strace $0x9000004D  }
0x1dc: {  	s0 =	stileid.u32;
	[bflag:$0x2] =	sbarrier.arrive $0xFFFF  }
0x1dd: {  	p0 =	sne.s32 s0, $0x0;
	s0 =	rddreg [dreg:$0x5]  }
0x1de: {  	s0 =	sadd.s32 @!p0 $0x100000, s0  }
0x1df: {  	[sflag:s0] =	ssyncadd.tile.s32 @!p0 $0x1;
	_ =	shalt  }
.Lfunc_end2:
_tile_overlayer_lowered:
.L_overlay_start_2:
0x1e0: {  	(tag) =	ssettag $0x2  }
0x1e1: {  	s0 =	rddreg [dreg:$0x0];
	s2 =	stileid.u32  }
0x1e2: {  	s1 =	rddreg [dreg:$0x1];
	p0 =	sne.s32 s2, $0x0  }
0x1e3: {  	s3 =	rddreg [dreg:$0x2];
	[bflag:$0x3] =	sbarrier.arrive $0xFFFF;
	s2 =	simm.s32 @!p0 $0x1C01  }
0x1e4: {  	[timem:s3], [sflag:s2] =	dma.local @!p0 [hbm:s0], s1  }
0x1e5: {  	s0 =	simm.s32 @!p0 $0x1  }
0x1e6: {  	_ =	swait.ge @!p0 [sflag:s0], s1  }
0x1e7: {  	s1 =	ssub.s32 @!p0 $0x0, s1;
	[sflag:s0] =	ssyncset.done @!p0 $0x0  }
0x1e8: {  	[sflag:s0] =	ssyncadd.s32 @!p0 s1  }
0x1e9: {  	[bflag:$0x3] =	sbarrier.arrive $0xFFFF  }
0x1ea: {  	_ =	shalt  }

</sc_bundles>
